<compile_context>
chip_gen: v7x
topology: tpu7x:2x2x1
jax: 0.10.2.dev20260603
libtpu: 0.0.44.dev20260713+nightly
codegen_flags: <defaults>
</compile_context>

<pallas_src>
import jax
import jax.numpy as jnp
from jax.experimental import pallas as pl
from jax.experimental.pallas import tpu as pltpu

NUM_TOKENS = 22
TT = 32
SMALL = 8
HIDDEN = 64
RPB = 200


def _emb_body(src_ref, table_ref, wt_ref, b_ref, out_ref, tokT_ref):
    f = (
        jnp.dot(table_ref[...], wt_ref[...], preferred_element_type=jnp.float32)
        + b_ref[...]
    )
    tokT_ref[...] = jnp.swapaxes(
        src_ref[...].astype(jnp.float32), 0, 1)
    t_iota = jax.lax.broadcasted_iota(
        jnp.int32, (1, TT), 1).astype(jnp.float32)
    ones_tt = jnp.ones((1, TT), jnp.float32)
    for r in range(RPB):
        colf = tokT_ref[:, r:r + 1]
        bc = jnp.dot(colf, ones_tt, preferred_element_type=jnp.float32)
        oh = (bc == t_iota).astype(jnp.float32)
        out_ref[r] = jnp.dot(oh, f, preferred_element_type=jnp.float32)


def kernel(src, table, W, b):
    B, S = src.shape
    n_tok = B * S
    n_rows = n_tok // 128
    grid = n_rows // RPB
    table_pad = jnp.zeros((TT, SMALL), jnp.float32).at[:NUM_TOKENS].set(table)
    wt = W.T
    b2 = b.reshape(1, HIDDEN)

    src_c = src.reshape(n_rows, 128)
    out3 = pl.pallas_call(
        _emb_body,
        grid=(grid,),
        in_specs=[
            pl.BlockSpec((RPB, 128), lambda i: (i, 0)),
            pl.BlockSpec((TT, SMALL), lambda i: (0, 0)),
            pl.BlockSpec((SMALL, HIDDEN), lambda i: (0, 0)),
            pl.BlockSpec((1, HIDDEN), lambda i: (0, 0)),
        ],
        out_specs=pl.BlockSpec((RPB, 128, HIDDEN), lambda i: (i, 0, 0)),
        out_shape=jax.ShapeDtypeStruct((n_rows, 128, HIDDEN), jnp.float32),
        scratch_shapes=[pltpu.VMEM((128, RPB), jnp.float32)],
    )(src_c, table_pad, wt, b2)
    return out3.reshape(B, S, HIDDEN)

# --- scband reference (transcript-rebuilt; emitter-appended) ---
"""Pipeline reference for scband-ab-embeddings-32736240730164 (READ-ONLY COPY).

The authoritative reference and input builder live on the scoring server;
editing this copy changes nothing except your own understanding.
"""

import jax, jax.numpy as jnp
import numpy as np

NUM_TOKENS = 22
SMALL_EMB = 8
HIDDEN = 64
PAD_ID = 21
BATCH = 4096
SEQ = 200


def setup_inputs(seed: int = 0) -> dict:
    key = jax.random.key(seed)
    k1, k2, k3, k4 = jax.random.split(key, 4)
    src = jax.random.randint(k1, (BATCH, SEQ), 0, NUM_TOKENS, dtype=jnp.int32)
    # nn.Embedding weight (padding_idx row zero-initialized in torch)
    table = jax.random.normal(k2, (NUM_TOKENS, SMALL_EMB), dtype=jnp.float32)
    table = table.at[PAD_ID].set(0.0)
    # nn.Linear(small_embedding -> hidden_size): weight [out, in], bias [out]
    bound = 1.0 / np.sqrt(SMALL_EMB)
    W = jax.random.uniform(k3, (HIDDEN, SMALL_EMB), dtype=jnp.float32, minval=-bound, maxval=bound)
    b = jax.random.uniform(k4, (HIDDEN,), dtype=jnp.float32, minval=-bound, maxval=bound)
    return {"src": src, "table": table, "W": W, "b": b}


def reference(src, table, W, b):
    # AAEmbeddings: embedding gather
    inputs_embeds = jnp.take(table, src, axis=0)  # [B, S, small_emb]
    # UpEmbedding: linear 8 -> 64 ; Dropout is identity in eval mode
    out = jnp.einsum('bsd,hd->bsh', inputs_embeds, W) + b
    return out

if __name__ == "__main__":
    import jax
    _d = setup_inputs()
    print(jax.jit(kernel)(*tuple(_d.values())))

</pallas_src>

<mosaic_0001>
module attributes {stable_mosaic.version = 14 : i64} {
  func.func @_emb_body(%arg0: i32, %arg1: memref<200x128xi32, #tpu.memory_space<vmem>>, %arg2: memref<32x8xf32, #tpu.memory_space<vmem>>, %arg3: memref<8x64xf32, #tpu.memory_space<vmem>>, %arg4: memref<1x64xf32, #tpu.memory_space<vmem>>, %arg5: memref<200x128x64xf32, #tpu.memory_space<vmem>>, %arg6: memref<128x200xf32, #tpu.memory_space<vmem>>) attributes {dimension_semantics = [#tpu.dimension_semantics<arbitrary>], iteration_bounds = array<i64: 32>, scalar_prefetch = 0 : i64, scratch_operands = 1 : i64, tpu.core_type = #tpu.core_type<tc>, window_params = [{transform_indices = @transform_0, window_bounds = array<i64: 200, 128>}, {pipeline_mode = #tpu.pipeline_mode<synchronous>, transform_indices = @transform_1, window_bounds = array<i64: 32, 8>}, {pipeline_mode = #tpu.pipeline_mode<synchronous>, transform_indices = @transform_2, window_bounds = array<i64: 8, 64>}, {pipeline_mode = #tpu.pipeline_mode<synchronous>, transform_indices = @transform_3, window_bounds = array<i64: 1, 64>}, {transform_indices = @transform_4, window_bounds = array<i64: 200, 128, 64>}]} {
    %get3A = arith.constant 0 : index
    %get3A_0 = arith.constant 0 : index
    %get3A_1 = vector.load %arg2[%get3A, %get3A_0] : memref<32x8xf32, #tpu.memory_space<vmem>>, vector<32x8xf32>
    %get3A_2 = arith.constant 0 : index
    %get3A_3 = arith.constant 0 : index
    %get3A_4 = vector.load %arg3[%get3A_2, %get3A_3] : memref<8x64xf32, #tpu.memory_space<vmem>>, vector<8x64xf32>
    %dot_general3A = arith.constant dense<0.000000e+00> : vector<32x64xf32>
    %dot_general3A_5 = tpu.matmul %get3A_1, %get3A_4, %dot_general3A {dimension_numbers = #tpu.dot_dimension_numbers<[1], [0], [0], [1], [0, 0, 1, 1], [], []>, transpose_lhs_hint = false} : vector<32x8xf32>, vector<8x64xf32>, vector<32x64xf32> -> vector<32x64xf32>
    %get3A_6 = arith.constant 0 : index
    %get3A_7 = arith.constant 0 : index
    %get3A_8 = vector.load %arg4[%get3A_6, %get3A_7] : memref<1x64xf32, #tpu.memory_space<vmem>>, vector<1x64xf32>
    %add3A = vector.broadcast %get3A_8 : vector<1x64xf32> to vector<32x64xf32>
    %add3A_9 = arith.addf %dot_general3A_5, %add3A : vector<32x64xf32>
    %get3A_10 = arith.constant 0 : index
    %get3A_11 = arith.constant 0 : index
    %get3A_12 = vector.load %arg1[%get3A_10, %get3A_11] : memref<200x128xi32, #tpu.memory_space<vmem>>, vector<200x128xi32>
    %convert_element_type3A = arith.sitofp %get3A_12 : vector<200x128xi32> to vector<200x128xf32>
    %transpose3A = tpu.transpose %convert_element_type3A, [1, 0] : vector<200x128xf32> -> vector<128x200xf32>
    %swap3A = arith.constant 0 : index
    %swap3A_13 = arith.constant 0 : index
    %swap3A_14 = vector.load %arg6[%swap3A, %swap3A_13] : memref<128x200xf32, #tpu.memory_space<vmem>>, vector<128x200xf32>
    tpu.vector_store %arg6[%swap3A, %swap3A_13], %transpose3A {strides = array<i32>} : memref<128x200xf32, #tpu.memory_space<vmem>>, vector<128x200xf32>,
    %iota3A = tpu.iota {dimensions = array<i32: 1>} : vector<1x32xi32>
    %convert_element_type3A_15 = arith.sitofp %iota3A : vector<1x32xi32> to vector<1x32xf32>
    %broadcast_in_dim3A = arith.constant 1.000000e+00 : f32
    %broadcast_in_dim3A_16 = vector.broadcast %broadcast_in_dim3A : f32 to vector<1x32xf32>
    %get3A_17 = arith.constant 0 : index
    %get3A_18 = arith.constant 0 : index
    %get3A_19 = vector.load %arg6[%get3A_17, %get3A_18] : memref<128x200xf32, #tpu.memory_space<vmem>>, vector<128x1xf32>
    %dot_general3A_20 = arith.constant dense<0.000000e+00> : vector<128x32xf32>
    %dot_general3A_21 = tpu.matmul %get3A_19, %broadcast_in_dim3A_16, %dot_general3A_20 {dimension_numbers = #tpu.dot_dimension_numbers<[1], [0], [0], [1], [0, 0, 1, 1], [], []>, transpose_lhs_hint = false} : vector<128x1xf32>, vector<1x32xf32>, vector<128x32xf32> -> vector<128x32xf32>
    %eq3A = vector.broadcast %convert_element_type3A_15 : vector<1x32xf32> to vector<128x32xf32>
    %eq3A_22 = arith.cmpf oeq, %dot_general3A_21, %eq3A : vector<128x32xf32>
    %convert_element_type3A_23 = arith.extui %eq3A_22 : vector<128x32xi1> to vector<128x32xi32>
    %convert_element_type3A_24 = arith.sitofp %convert_element_type3A_23 : vector<128x32xi32> to vector<128x32xf32>
    %dot_general3A_25 = arith.constant dense<0.000000e+00> : vector<128x64xf32>
    %dot_general3A_26 = tpu.matmul %convert_element_type3A_24, %add3A_9, %dot_general3A_25 {dimension_numbers = #tpu.dot_dimension_numbers<[1], [0], [0], [1], [0, 0, 1, 1], [], []>, transpose_lhs_hint = false} : vector<128x32xf32>, vector<32x64xf32>, vector<128x64xf32> -> vector<128x64xf32>
    %swap3A_27 = arith.constant 0 : index
    %swap3A_28 = arith.constant 0 : index
    %swap3A_29 = arith.constant 0 : index
    %swap3A_30 = vector.load %arg5[%swap3A_27, %swap3A_28, %swap3A_29] : memref<200x128x64xf32, #tpu.memory_space<vmem>>, vector<1x128x64xf32>
    %swap3A_31 = vector.shape_cast %swap3A_30 : vector<1x128x64xf32> to vector<128x64xf32>
    %swap3A_32 = vector.shape_cast %dot_general3A_26 : vector<128x64xf32> to vector<1x128x64xf32>
    tpu.vector_store %arg5[%swap3A_27, %swap3A_28, %swap3A_29], %swap3A_32 {strides = array<i32>} : memref<200x128x64xf32, #tpu.memory_space<vmem>>, vector<1x128x64xf32>,
    %get3A_33 = arith.constant 0 : index
    %get3A_34 = arith.constant 1 : index
    %get3A_35 = vector.load %arg6[%get3A_33, %get3A_34] : memref<128x200xf32, #tpu.memory_space<vmem>>, vector<128x1xf32>
    %dot_general3A_36 = arith.constant dense<0.000000e+00> : vector<128x32xf32>
    %dot_general3A_37 = tpu.matmul %get3A_35, %broadcast_in_dim3A_16, %dot_general3A_36 {dimension_numbers = #tpu.dot_dimension_numbers<[1], [0], [0], [1], [0, 0, 1, 1], [], []>, transpose_lhs_hint = false} : vector<128x1xf32>, vector<1x32xf32>, vector<128x32xf32> -> vector<128x32xf32>
    %eq3A_38 = vector.broadcast %convert_element_type3A_15 : vector<1x32xf32> to vector<128x32xf32>
    %eq3A_39 = arith.cmpf oeq, %dot_general3A_37, %eq3A_38 : vector<128x32xf32>
    %convert_element_type3A_40 = arith.extui %eq3A_39 : vector<128x32xi1> to vector<128x32xi32>
    %convert_element_type3A_41 = arith.sitofp %convert_element_type3A_40 : vector<128x32xi32> to vector<128x32xf32>
    %dot_general3A_42 = arith.constant dense<0.000000e+00> : vector<128x64xf32>
    %dot_general3A_43 = tpu.matmul %convert_element_type3A_41, %add3A_9, %dot_general3A_42 {dimension_numbers = #tpu.dot_dimension_numbers<[1], [0], [0], [1], [0, 0, 1, 1], [], []>, transpose_lhs_hint = false} : vector<128x32xf32>, vector<32x64xf32>, vector<128x64xf32> -> vector<128x64xf32>
    %swap3A_44 = arith.constant 1 : index
    %swap3A_45 = arith.constant 0 : index
    %swap3A_46 = arith.constant 0 : index
    %swap3A_47 = vector.load %arg5[%swap3A_44, %swap3A_45, %swap3A_46] : memref<200x128x64xf32, #tpu.memory_space<vmem>>, vector<1x128x64xf32>
    %swap3A_48 = vector.shape_cast %swap3A_47 : vector<1x128x64xf32> to vector<128x64xf32>
    %swap3A_49 = vector.shape_cast %dot_general3A_43 : vector<128x64xf32> to vector<1x128x64xf32>
    tpu.vector_store %arg5[%swap3A_44, %swap3A_45, %swap3A_46], %swap3A_49 {strides = array<i32>} : memref<200x128x64xf32, #tpu.memory_space<vmem>>, vector<1x128x64xf32>,
    %get3A_50 = arith.constant 0 : index
    %get3A_51 = arith.constant 2 : index
    %get3A_52 = vector.load %arg6[%get3A_50, %get3A_51] : memref<128x200xf32, #tpu.memory_space<vmem>>, vector<128x1xf32>
    %dot_general3A_53 = arith.constant dense<0.000000e+00> : vector<128x32xf32>
    %dot_general3A_54 = tpu.matmul %get3A_52, %broadcast_in_dim3A_16, %dot_general3A_53 {dimension_numbers = #tpu.dot_dimension_numbers<[1], [0], [0], [1], [0, 0, 1, 1], [], []>, transpose_lhs_hint = false} : vector<128x1xf32>, vector<1x32xf32>, vector<128x32xf32> -> vector<128x32xf32>
    %eq3A_55 = vector.broadcast %convert_element_type3A_15 : vector<1x32xf32> to vector<128x32xf32>
    %eq3A_56 = arith.cmpf oeq, %dot_general3A_54, %eq3A_55 : vector<128x32xf32>
    %convert_element_type3A_57 = arith.extui %eq3A_56 : vector<128x32xi1> to vector<128x32xi32>
    %convert_element_type3A_58 = arith.sitofp %convert_element_type3A_57 : vector<128x32xi32> to vector<128x32xf32>
    %dot_general3A_59 = arith.constant dense<0.000000e+00> : vector<128x64xf32>
    %dot_general3A_60 = tpu.matmul %convert_element_type3A_58, %add3A_9, %dot_general3A_59 {dimension_numbers = #tpu.dot_dimension_numbers<[1], [0], [0], [1], [0, 0, 1, 1], [], []>, transpose_lhs_hint = false} : vector<128x32xf32>, vector<32x64xf32>, vector<128x64xf32> -> vector<128x64xf32>
    %swap3A_61 = arith.constant 2 : index
    %swap3A_62 = arith.constant 0 : index
    %swap3A_63 = arith.constant 0 : index
    %swap3A_64 = vector.load %arg5[%swap3A_61, %swap3A_62, %swap3A_63] : memref<200x128x64xf32, #tpu.memory_space<vmem>>, vector<1x128x64xf32>
    %swap3A_65 = vector.shape_cast %swap3A_64 : vector<1x128x64xf32> to vector<128x64xf32>
    %swap3A_66 = vector.shape_cast %dot_general3A_60 : vector<128x64xf32> to vector<1x128x64xf32>
    tpu.vector_store %arg5[%swap3A_61, %swap3A_62, %swap3A_63], %swap3A_66 {strides = array<i32>} : memref<200x128x64xf32, #tpu.memory_space<vmem>>, vector<1x128x64xf32>,
    %get3A_67 = arith.constant 0 : index
    %get3A_68 = arith.constant 3 : index
    %get3A_69 = vector.load %arg6[%get3A_67, %get3A_68] : memref<128x200xf32, #tpu.memory_space<vmem>>, vector<128x1xf32>
    %dot_general3A_70 = arith.constant dense<0.000000e+00> : vector<128x32xf32>
    %dot_general3A_71 = tpu.matmul %get3A_69, %broadcast_in_dim3A_16, %dot_general3A_70 {dimension_numbers = #tpu.dot_dimension_numbers<[1], [0], [0], [1], [0, 0, 1, 1], [], []>, transpose_lhs_hint = false} : vector<128x1xf32>, vector<1x32xf32>, vector<128x32xf32> -> vector<128x32xf32>
    %eq3A_72 = vector.broadcast %convert_element_type3A_15 : vector<1x32xf32> to vector<128x32xf32>
    %eq3A_73 = arith.cmpf oeq, %dot_general3A_71, %eq3A_72 : vector<128x32xf32>
    %convert_element_type3A_74 = arith.extui %eq3A_73 : vector<128x32xi1> to vector<128x32xi32>
    %convert_element_type3A_75 = arith.sitofp %convert_element_type3A_74 : vector<128x32xi32> to vector<128x32xf32>
    %dot_general3A_76 = arith.constant dense<0.000000e+00> : vector<128x64xf32>
    %dot_general3A_77 = tpu.matmul %convert_element_type3A_75, %add3A_9, %dot_general3A_76 {dimension_numbers = #tpu.dot_dimension_numbers<[1], [0], [0], [1], [0, 0, 1, 1], [], []>, transpose_lhs_hint = false} : vector<128x32xf32>, vector<32x64xf32>, vector<128x64xf32> -> vector<128x64xf32>
    %swap3A_78 = arith.constant 3 : index
    %swap3A_79 = arith.constant 0 : index
    %swap3A_80 = arith.constant 0 : index
    %swap3A_81 = vector.load %arg5[%swap3A_78, %swap3A_79, %swap3A_80] : memref<200x128x64xf32, #tpu.memory_space<vmem>>, vector<1x128x64xf32>
    %swap3A_82 = vector.shape_cast %swap3A_81 : vector<1x128x64xf32> to vector<128x64xf32>
    %swap3A_83 = vector.shape_cast %dot_general3A_77 : vector<128x64xf32> to vector<1x128x64xf32>
    tpu.vector_store %arg5[%swap3A_78, %swap3A_79, %swap3A_80], %swap3A_83 {strides = array<i32>} : memref<200x128x64xf32, #tpu.memory_space<vmem>>, vector<1x128x64xf32>,
    %get3A_84 = arith.constant 0 : index
    %get3A_85 = arith.constant 4 : index
    %get3A_86 = vector.load %arg6[%get3A_84, %get3A_85] : memref<128x200xf32, #tpu.memory_space<vmem>>, vector<128x1xf32>
    %dot_general3A_87 = arith.constant dense<0.000000e+00> : vector<128x32xf32>
    %dot_general3A_88 = tpu.matmul %get3A_86, %broadcast_in_dim3A_16, %dot_general3A_87 {dimension_numbers = #tpu.dot_dimension_numbers<[1], [0], [0], [1], [0, 0, 1, 1], [], []>, transpose_lhs_hint = false} : vector<128x1xf32>, vector<1x32xf32>, vector<128x32xf32> -> vector<128x32xf32>
    %eq3A_89 = vector.broadcast %convert_element_type3A_15 : vector<1x32xf32> to vector<128x32xf32>
    %eq3A_90 = arith.cmpf oeq, %dot_general3A_88, %eq3A_89 : vector<128x32xf32>
    %convert_element_type3A_91 = arith.extui %eq3A_90 : vector<128x32xi1> to vector<128x32xi32>
    %convert_element_type3A_92 = arith.sitofp %convert_element_type3A_91 : vector<128x32xi32> to vector<128x32xf32>
    %dot_general3A_93 = arith.constant dense<0.000000e+00> : vector<128x64xf32>
    %dot_general3A_94 = tpu.matmul %convert_element_type3A_92, %add3A_9, %dot_general3A_93 {dimension_numbers = #tpu.dot_dimension_numbers<[1], [0], [0], [1], [0, 0, 1, 1], [], []>, transpose_lhs_hint = false} : vector<128x32xf32>, vector<32x64xf32>, vector<128x64xf32> -> vector<128x64xf32>
    %swap3A_95 = arith.constant 4 : index
    %swap3A_96 = arith.constant 0 : index
    %swap3A_97 = arith.constant 0 : index
    %swap3A_98 = vector.load %arg5[%swap3A_95, %swap3A_96, %swap3A_97] : memref<200x128x64xf32, #tpu.memory_space<vmem>>, vector<1x128x64xf32>
    %swap3A_99 = vector.shape_cast %swap3A_98 : vector<1x128x64xf32> to vector<128x64xf32>
    %swap3A_100 = vector.shape_cast %dot_general3A_94 : vector<128x64xf32> to vector<1x128x64xf32>
    tpu.vector_store %arg5[%swap3A_95, %swap3A_96, %swap3A_97], %swap3A_100 {strides = array<i32>} : memref<200x128x64xf32, #tpu.memory_space<vmem>>, vector<1x128x64xf32>,
    %get3A_101 = arith.constant 0 : index
    %get3A_102 = arith.constant 5 : index
    %get3A_103 = vector.load %arg6[%get3A_101, %get3A_102] : memref<128x200xf32, #tpu.memory_space<vmem>>, vector<128x1xf32>
    %dot_general3A_104 = arith.constant dense<0.000000e+00> : vector<128x32xf32>
    %dot_general3A_105 = tpu.matmul %get3A_103, %broadcast_in_dim3A_16, %dot_general3A_104 {dimension_numbers = #tpu.dot_dimension_numbers<[1], [0], [0], [1], [0, 0, 1, 1], [], []>, transpose_lhs_hint = false} : vector<128x1xf32>, vector<1x32xf32>, vector<128x32xf32> -> vector<128x32xf32>
    %eq3A_106 = vector.broadcast %convert_element_type3A_15 : vector<1x32xf32> to vector<128x32xf32>
    %eq3A_107 = arith.cmpf oeq, %dot_general3A_105, %eq3A_106 : vector<128x32xf32>
    %convert_element_type3A_108 = arith.extui %eq3A_107 : vector<128x32xi1> to vector<128x32xi32>
    %convert_element_type3A_109 = arith.sitofp %convert_element_type3A_108 : vector<128x32xi32> to vector<128x32xf32>
    %dot_general3A_110 = arith.constant dense<0.000000e+00> : vector<128x64xf32>
    %dot_general3A_111 = tpu.matmul %convert_element_type3A_109, %add3A_9, %dot_general3A_110 {dimension_numbers = #tpu.dot_dimension_numbers<[1], [0], [0], [1], [0, 0, 1, 1], [], []>, transpose_lhs_hint = false} : vector<128x32xf32>, vector<32x64xf32>, vector<128x64xf32> -> vector<128x64xf32>
    %swap3A_112 = arith.constant 5 : index
    %swap3A_113 = arith.constant 0 : index
    %swap3A_114 = arith.constant 0 : index
    %swap3A_115 = vector.load %arg5[%swap3A_112, %swap3A_113, %swap3A_114] : memref<200x128x64xf32, #tpu.memory_space<vmem>>, vector<1x128x64xf32>
    %swap3A_116 = vector.shape_cast %swap3A_115 : vector<1x128x64xf32> to vector<128x64xf32>
    %swap3A_117 = vector.shape_cast %dot_general3A_111 : vector<128x64xf32> to vector<1x128x64xf32>
    tpu.vector_store %arg5[%swap3A_112, %swap3A_113, %swap3A_114], %swap3A_117 {strides = array<i32>} : memref<200x128x64xf32, #tpu.memory_space<vmem>>, vector<1x128x64xf32>,
    %get3A_118 = arith.constant 0 : index
    %get3A_119 = arith.constant 6 : index
    %get3A_120 = vector.load %arg6[%get3A_118, %get3A_119] : memref<128x200xf32, #tpu.memory_space<vmem>>, vector<128x1xf32>
    %dot_general3A_121 = arith.constant dense<0.000000e+00> : vector<128x32xf32>
    %dot_general3A_122 = tpu.matmul %get3A_120, %broadcast_in_dim3A_16, %dot_general3A_121 {dimension_numbers = #tpu.dot_dimension_numbers<[1], [0], [0], [1], [0, 0, 1, 1], [], []>, transpose_lhs_hint = false} : vector<128x1xf32>, vector<1x32xf32>, vector<128x32xf32> -> vector<128x32xf32>
    %eq3A_123 = vector.broadcast %convert_element_type3A_15 : vector<1x32xf32> to vector<128x32xf32>
    %eq3A_124 = arith.cmpf oeq, %dot_general3A_122, %eq3A_123 : vector<128x32xf32>
    %convert_element_type3A_125 = arith.extui %eq3A_124 : vector<128x32xi1> to vector<128x32xi32>
    %convert_element_type3A_126 = arith.sitofp %convert_element_type3A_125 : vector<128x32xi32> to vector<128x32xf32>
    %dot_general3A_127 = arith.constant dense<0.000000e+00> : vector<128x64xf32>
    %dot_general3A_128 = tpu.matmul %convert_element_type3A_126, %add3A_9, %dot_general3A_127 {dimension_numbers = #tpu.dot_dimension_numbers<[1], [0], [0], [1], [0, 0, 1, 1], [], []>, transpose_lhs_hint = false} : vector<128x32xf32>, vector<32x64xf32>, vector<128x64xf32> -> vector<128x64xf32>
    %swap3A_129 = arith.constant 6 : index
    %swap3A_130 = arith.constant 0 : index
    %swap3A_131 = arith.constant 0 : index
    %swap3A_132 = vector.load %arg5[%swap3A_129, %swap3A_130, %swap3A_131] : memref<200x128x64xf32, #tpu.memory_space<vmem>>, vector<1x128x64xf32>
    %swap3A_133 = vector.shape_cast %swap3A_132 : vector<1x128x64xf32> to vector<128x64xf32>
    %swap3A_134 = vector.shape_cast %dot_general3A_128 : vector<128x64xf32> to vector<1x128x64xf32>
    tpu.vector_store %arg5[%swap3A_129, %swap3A_130, %swap3A_131], %swap3A_134 {strides = array<i32>} : memref<200x128x64xf32, #tpu.memory_space<vmem>>, vector<1x128x64xf32>,
    %get3A_135 = arith.constant 0 : index
    %get3A_136 = arith.constant 7 : index
    %get3A_137 = vector.load %arg6[%get3A_135, %get3A_136] : memref<128x200xf32, #tpu.memory_space<vmem>>, vector<128x1xf32>
    %dot_general3A_138 = arith.constant dense<0.000000e+00> : vector<128x32xf32>
    %dot_general3A_139 = tpu.matmul %get3A_137, %broadcast_in_dim3A_16, %dot_general3A_138 {dimension_numbers = #tpu.dot_dimension_numbers<[1], [0], [0], [1], [0, 0, 1, 1], [], []>, transpose_lhs_hint = false} : vector<128x1xf32>, vector<1x32xf32>, vector<128x32xf32> -> vector<128x32xf32>
    %eq3A_140 = vector.broadcast %convert_element_type3A_15 : vector<1x32xf32> to vector<128x32xf32>
    %eq3A_141 = arith.cmpf oeq, %dot_general3A_139, %eq3A_140 : vector<128x32xf32>
    %convert_element_type3A_142 = arith.extui %eq3A_141 : vector<128x32xi1> to vector<128x32xi32>
    %convert_element_type3A_143 = arith.sitofp %convert_element_type3A_142 : vector<128x32xi32> to vector<128x32xf32>
    %dot_general3A_144 = arith.constant dense<0.000000e+00> : vector<128x64xf32>
    %dot_general3A_145 = tpu.matmul %convert_element_type3A_143, %add3A_9, %dot_general3A_144 {dimension_numbers = #tpu.dot_dimension_numbers<[1], [0], [0], [1], [0, 0, 1, 1], [], []>, transpose_lhs_hint = false} : vector<128x32xf32>, vector<32x64xf32>, vector<128x64xf32> -> vector<128x64xf32>
    %swap3A_146 = arith.constant 7 : index
    %swap3A_147 = arith.constant 0 : index
    %swap3A_148 = arith.constant 0 : index
    %swap3A_149 = vector.load %arg5[%swap3A_146, %swap3A_147, %swap3A_148] : memref<200x128x64xf32, #tpu.memory_space<vmem>>, vector<1x128x64xf32>
    %swap3A_150 = vector.shape_cast %swap3A_149 : vector<1x128x64xf32> to vector<128x64xf32>
    %swap3A_151 = vector.shape_cast %dot_general3A_145 : vector<128x64xf32> to vector<1x128x64xf32>
    tpu.vector_store %arg5[%swap3A_146, %swap3A_147, %swap3A_148], %swap3A_151 {strides = array<i32>} : memref<200x128x64xf32, #tpu.memory_space<vmem>>, vector<1x128x64xf32>,
    %get3A_152 = arith.constant 0 : index
    %get3A_153 = arith.constant 8 : index
    %get3A_154 = vector.load %arg6[%get3A_152, %get3A_153] : memref<128x200xf32, #tpu.memory_space<vmem>>, vector<128x1xf32>
    %dot_general3A_155 = arith.constant dense<0.000000e+00> : vector<128x32xf32>
    %dot_general3A_156 = tpu.matmul %get3A_154, %broadcast_in_dim3A_16, %dot_general3A_155 {dimension_numbers = #tpu.dot_dimension_numbers<[1], [0], [0], [1], [0, 0, 1, 1], [], []>, transpose_lhs_hint = false} : vector<128x1xf32>, vector<1x32xf32>, vector<128x32xf32> -> vector<128x32xf32>
    %eq3A_157 = vector.broadcast %convert_element_type3A_15 : vector<1x32xf32> to vector<128x32xf32>
    %eq3A_158 = arith.cmpf oeq, %dot_general3A_156, %eq3A_157 : vector<128x32xf32>
    %convert_element_type3A_159 = arith.extui %eq3A_158 : vector<128x32xi1> to vector<128x32xi32>
    %convert_element_type3A_160 = arith.sitofp %convert_element_type3A_159 : vector<128x32xi32> to vector<128x32xf32>
    %dot_general3A_161 = arith.constant dense<0.000000e+00> : vector<128x64xf32>
    %dot_general3A_162 = tpu.matmul %convert_element_type3A_160, %add3A_9, %dot_general3A_161 {dimension_numbers = #tpu.dot_dimension_numbers<[1], [0], [0], [1], [0, 0, 1, 1], [], []>, transpose_lhs_hint = false} : vector<128x32xf32>, vector<32x64xf32>, vector<128x64xf32> -> vector<128x64xf32>
    %swap3A_163 = arith.constant 8 : index
    %swap3A_164 = arith.constant 0 : index
    %swap3A_165 = arith.constant 0 : index
    %swap3A_166 = vector.load %arg5[%swap3A_163, %swap3A_164, %swap3A_165] : memref<200x128x64xf32, #tpu.memory_space<vmem>>, vector<1x128x64xf32>
    %swap3A_167 = vector.shape_cast %swap3A_166 : vector<1x128x64xf32> to vector<128x64xf32>
    %swap3A_168 = vector.shape_cast %dot_general3A_162 : vector<128x64xf32> to vector<1x128x64xf32>
    tpu.vector_store %arg5[%swap3A_163, %swap3A_164, %swap3A_165], %swap3A_168 {strides = array<i32>} : memref<200x128x64xf32, #tpu.memory_space<vmem>>, vector<1x128x64xf32>,
    %get3A_169 = arith.constant 0 : index
    %get3A_170 = arith.constant 9 : index
    %get3A_171 = vector.load %arg6[%get3A_169, %get3A_170] : memref<128x200xf32, #tpu.memory_space<vmem>>, vector<128x1xf32>
    %dot_general3A_172 = arith.constant dense<0.000000e+00> : vector<128x32xf32>
    %dot_general3A_173 = tpu.matmul %get3A_171, %broadcast_in_dim3A_16, %dot_general3A_172 {dimension_numbers = #tpu.dot_dimension_numbers<[1], [0], [0], [1], [0, 0, 1, 1], [], []>, transpose_lhs_hint = false} : vector<128x1xf32>, vector<1x32xf32>, vector<128x32xf32> -> vector<128x32xf32>
    %eq3A_174 = vector.broadcast %convert_element_type3A_15 : vector<1x32xf32> to vector<128x32xf32>
    %eq3A_175 = arith.cmpf oeq, %dot_general3A_173, %eq3A_174 : vector<128x32xf32>
    %convert_element_type3A_176 = arith.extui %eq3A_175 : vector<128x32xi1> to vector<128x32xi32>
    %convert_element_type3A_177 = arith.sitofp %convert_element_type3A_176 : vector<128x32xi32> to vector<128x32xf32>
    %dot_general3A_178 = arith.constant dense<0.000000e+00> : vector<128x64xf32>
    %dot_general3A_179 = tpu.matmul %convert_element_type3A_177, %add3A_9, %dot_general3A_178 {dimension_numbers = #tpu.dot_dimension_numbers<[1], [0], [0], [1], [0, 0, 1, 1], [], []>, transpose_lhs_hint = false} : vector<128x32xf32>, vector<32x64xf32>, vector<128x64xf32> -> vector<128x64xf32>
    %swap3A_180 = arith.constant 9 : index
    %swap3A_181 = arith.constant 0 : index
    %swap3A_182 = arith.constant 0 : index
    %swap3A_183 = vector.load %arg5[%swap3A_180, %swap3A_181, %swap3A_182] : memref<200x128x64xf32, #tpu.memory_space<vmem>>, vector<1x128x64xf32>
    %swap3A_184 = vector.shape_cast %swap3A_183 : vector<1x128x64xf32> to vector<128x64xf32>
    %swap3A_185 = vector.shape_cast %dot_general3A_179 : vector<128x64xf32> to vector<1x128x64xf32>
    tpu.vector_store %arg5[%swap3A_180, %swap3A_181, %swap3A_182], %swap3A_185 {strides = array<i32>} : memref<200x128x64xf32, #tpu.memory_space<vmem>>, vector<1x128x64xf32>,
    %get3A_186 = arith.constant 0 : index
    %get3A_187 = arith.constant 10 : index
    %get3A_188 = vector.load %arg6[%get3A_186, %get3A_187] : memref<128x200xf32, #tpu.memory_space<vmem>>, vector<128x1xf32>
    %dot_general3A_189 = arith.constant dense<0.000000e+00> : vector<128x32xf32>
    %dot_general3A_190 = tpu.matmul %get3A_188, %broadcast_in_dim3A_16, %dot_general3A_189 {dimension_numbers = #tpu.dot_dimension_numbers<[1], [0], [0], [1], [0, 0, 1, 1], [], []>, transpose_lhs_hint = false} : vector<128x1xf32>, vector<1x32xf32>, vector<128x32xf32> -> vector<128x32xf32>
    %eq3A_191 = vector.broadcast %convert_element_type3A_15 : vector<1x32xf32> to vector<128x32xf32>
    %eq3A_192 = arith.cmpf oeq, %dot_general3A_190, %eq3A_191 : vector<128x32xf32>
    %convert_element_type3A_193 = arith.extui %eq3A_192 : vector<128x32xi1> to vector<128x32xi32>
    %convert_element_type3A_194 = arith.sitofp %convert_element_type3A_193 : vector<128x32xi32> to vector<128x32xf32>
    %dot_general3A_195 = arith.constant dense<0.000000e+00> : vector<128x64xf32>
    %dot_general3A_196 = tpu.matmul %convert_element_type3A_194, %add3A_9, %dot_general3A_195 {dimension_numbers = #tpu.dot_dimension_numbers<[1], [0], [0], [1], [0, 0, 1, 1], [], []>, transpose_lhs_hint = false} : vector<128x32xf32>, vector<32x64xf32>, vector<128x64xf32> -> vector<128x64xf32>
    %swap3A_197 = arith.constant 10 : index
    %swap3A_198 = arith.constant 0 : index
    %swap3A_199 = arith.constant 0 : index
    %swap3A_200 = vector.load %arg5[%swap3A_197, %swap3A_198, %swap3A_199] : memref<200x128x64xf32, #tpu.memory_space<vmem>>, vector<1x128x64xf32>
    %swap3A_201 = vector.shape_cast %swap3A_200 : vector<1x128x64xf32> to vector<128x64xf32>
    %swap3A_202 = vector.shape_cast %dot_general3A_196 : vector<128x64xf32> to vector<1x128x64xf32>
    tpu.vector_store %arg5[%swap3A_197, %swap3A_198, %swap3A_199], %swap3A_202 {strides = array<i32>} : memref<200x128x64xf32, #tpu.memory_space<vmem>>, vector<1x128x64xf32>,
    %get3A_203 = arith.constant 0 : index
    %get3A_204 = arith.constant 11 : index
    %get3A_205 = vector.load %arg6[%get3A_203, %get3A_204] : memref<128x200xf32, #tpu.memory_space<vmem>>, vector<128x1xf32>
    %dot_general3A_206 = arith.constant dense<0.000000e+00> : vector<128x32xf32>
    %dot_general3A_207 = tpu.matmul %get3A_205, %broadcast_in_dim3A_16, %dot_general3A_206 {dimension_numbers = #tpu.dot_dimension_numbers<[1], [0], [0], [1], [0, 0, 1, 1], [], []>, transpose_lhs_hint = false} : vector<128x1xf32>, vector<1x32xf32>, vector<128x32xf32> -> vector<128x32xf32>
    %eq3A_208 = vector.broadcast %convert_element_type3A_15 : vector<1x32xf32> to vector<128x32xf32>
    %eq3A_209 = arith.cmpf oeq, %dot_general3A_207, %eq3A_208 : vector<128x32xf32>
    %convert_element_type3A_210 = arith.extui %eq3A_209 : vector<128x32xi1> to vector<128x32xi32>
    %convert_element_type3A_211 = arith.sitofp %convert_element_type3A_210 : vector<128x32xi32> to vector<128x32xf32>
    %dot_general3A_212 = arith.constant dense<0.000000e+00> : vector<128x64xf32>
    %dot_general3A_213 = tpu.matmul %convert_element_type3A_211, %add3A_9, %dot_general3A_212 {dimension_numbers = #tpu.dot_dimension_numbers<[1], [0], [0], [1], [0, 0, 1, 1], [], []>, transpose_lhs_hint = false} : vector<128x32xf32>, vector<32x64xf32>, vector<128x64xf32> -> vector<128x64xf32>
    %swap3A_214 = arith.constant 11 : index
    %swap3A_215 = arith.constant 0 : index
    %swap3A_216 = arith.constant 0 : index
    %swap3A_217 = vector.load %arg5[%swap3A_214, %swap3A_215, %swap3A_216] : memref<200x128x64xf32, #tpu.memory_space<vmem>>, vector<1x128x64xf32>
    %swap3A_218 = vector.shape_cast %swap3A_217 : vector<1x128x64xf32> to vector<128x64xf32>
    %swap3A_219 = vector.shape_cast %dot_general3A_213 : vector<128x64xf32> to vector<1x128x64xf32>
    tpu.vector_store %arg5[%swap3A_214, %swap3A_215, %swap3A_216], %swap3A_219 {strides = array<i32>} : memref<200x128x64xf32, #tpu.memory_space<vmem>>, vector<1x128x64xf32>,
    %get3A_220 = arith.constant 0 : index
    %get3A_221 = arith.constant 12 : index
    %get3A_222 = vector.load %arg6[%get3A_220, %get3A_221] : memref<128x200xf32, #tpu.memory_space<vmem>>, vector<128x1xf32>
    %dot_general3A_223 = arith.constant dense<0.000000e+00> : vector<128x32xf32>
    %dot_general3A_224 = tpu.matmul %get3A_222, %broadcast_in_dim3A_16, %dot_general3A_223 {dimension_numbers = #tpu.dot_dimension_numbers<[1], [0], [0], [1], [0, 0, 1, 1], [], []>, transpose_lhs_hint = false} : vector<128x1xf32>, vector<1x32xf32>, vector<128x32xf32> -> vector<128x32xf32>
    %eq3A_225 = vector.broadcast %convert_element_type3A_15 : vector<1x32xf32> to vector<128x32xf32>
    %eq3A_226 = arith.cmpf oeq, %dot_general3A_224, %eq3A_225 : vector<128x32xf32>
    %convert_element_type3A_227 = arith.extui %eq3A_226 : vector<128x32xi1> to vector<128x32xi32>
    %convert_element_type3A_228 = arith.sitofp %convert_element_type3A_227 : vector<128x32xi32> to vector<128x32xf32>
    %dot_general3A_229 = arith.constant dense<0.000000e+00> : vector<128x64xf32>
    %dot_general3A_230 = tpu.matmul %convert_element_type3A_228, %add3A_9, %dot_general3A_229 {dimension_numbers = #tpu.dot_dimension_numbers<[1], [0], [0], [1], [0, 0, 1, 1], [], []>, transpose_lhs_hint = false} : vector<128x32xf32>, vector<32x64xf32>, vector<128x64xf32> -> vector<128x64xf32>
    %swap3A_231 = arith.constant 12 : index
    %swap3A_232 = arith.constant 0 : index
    %swap3A_233 = arith.constant 0 : index
    %swap3A_234 = vector.load %arg5[%swap3A_231, %swap3A_232, %swap3A_233] : memref<200x128x64xf32, #tpu.memory_space<vmem>>, vector<1x128x64xf32>
    %swap3A_235 = vector.shape_cast %swap3A_234 : vector<1x128x64xf32> to vector<128x64xf32>
    %swap3A_236 = vector.shape_cast %dot_general3A_230 : vector<128x64xf32> to vector<1x128x64xf32>
    tpu.vector_store %arg5[%swap3A_231, %swap3A_232, %swap3A_233], %swap3A_236 {strides = array<i32>} : memref<200x128x64xf32, #tpu.memory_space<vmem>>, vector<1x128x64xf32>,
    %get3A_237 = arith.constant 0 : index
    %get3A_238 = arith.constant 13 : index
    %get3A_239 = vector.load %arg6[%get3A_237, %get3A_238] : memref<128x200xf32, #tpu.memory_space<vmem>>, vector<128x1xf32>
    %dot_general3A_240 = arith.constant dense<0.000000e+00> : vector<128x32xf32>
    %dot_general3A_241 = tpu.matmul %get3A_239, %broadcast_in_dim3A_16, %dot_general3A_240 {dimension_numbers = #tpu.dot_dimension_numbers<[1], [0], [0], [1], [0, 0, 1, 1], [], []>, transpose_lhs_hint = false} : vector<128x1xf32>, vector<1x32xf32>, vector<128x32xf32> -> vector<128x32xf32>
    %eq3A_242 = vector.broadcast %convert_element_type3A_15 : vector<1x32xf32> to vector<128x32xf32>
    %eq3A_243 = arith.cmpf oeq, %dot_general3A_241, %eq3A_242 : vector<128x32xf32>
    %convert_element_type3A_244 = arith.extui %eq3A_243 : vector<128x32xi1> to vector<128x32xi32>
    %convert_element_type3A_245 = arith.sitofp %convert_element_type3A_244 : vector<128x32xi32> to vector<128x32xf32>
    %dot_general3A_246 = arith.constant dense<0.000000e+00> : vector<128x64xf32>
    %dot_general3A_247 = tpu.matmul %convert_element_type3A_245, %add3A_9, %dot_general3A_246 {dimension_numbers = #tpu.dot_dimension_numbers<[1], [0], [0], [1], [0, 0, 1, 1], [], []>, transpose_lhs_hint = false} : vector<128x32xf32>, vector<32x64xf32>, vector<128x64xf32> -> vector<128x64xf32>
    %swap3A_248 = arith.constant 13 : index
    %swap3A_249 = arith.constant 0 : index
    %swap3A_250 = arith.constant 0 : index
    %swap3A_251 = vector.load %arg5[%swap3A_248, %swap3A_249, %swap3A_250] : memref<200x128x64xf32, #tpu.memory_space<vmem>>, vector<1x128x64xf32>
    %swap3A_252 = vector.shape_cast %swap3A_251 : vector<1x128x64xf32> to vector<128x64xf32>
    %swap3A_253 = vector.shape_cast %dot_general3A_247 : vector<128x64xf32> to vector<1x128x64xf32>
    tpu.vector_store %arg5[%swap3A_248, %swap3A_249, %swap3A_250], %swap3A_253 {strides = array<i32>} : memref<200x128x64xf32, #tpu.memory_space<vmem>>, vector<1x128x64xf32>,
    %get3A_254 = arith.constant 0 : index
    %get3A_255 = arith.constant 14 : index
    %get3A_256 = vector.load %arg6[%get3A_254, %get3A_255] : memref<128x200xf32, #tpu.memory_space<vmem>>, vector<128x1xf32>
    %dot_general3A_257 = arith.constant dense<0.000000e+00> : vector<128x32xf32>
    %dot_general3A_258 = tpu.matmul %get3A_256, %broadcast_in_dim3A_16, %dot_general3A_257 {dimension_numbers = #tpu.dot_dimension_numbers<[1], [0], [0], [1], [0, 0, 1, 1], [], []>, transpose_lhs_hint = false} : vector<128x1xf32>, vector<1x32xf32>, vector<128x32xf32> -> vector<128x32xf32>
    %eq3A_259 = vector.broadcast %convert_element_type3A_15 : vector<1x32xf32> to vector<128x32xf32>
    %eq3A_260 = arith.cmpf oeq, %dot_general3A_258, %eq3A_259 : vector<128x32xf32>
    %convert_element_type3A_261 = arith.extui %eq3A_260 : vector<128x32xi1> to vector<128x32xi32>
    %convert_element_type3A_262 = arith.sitofp %convert_element_type3A_261 : vector<128x32xi32> to vector<128x32xf32>
    %dot_general3A_263 = arith.constant dense<0.000000e+00> : vector<128x64xf32>
    %dot_general3A_264 = tpu.matmul %convert_element_type3A_262, %add3A_9, %dot_general3A_263 {dimension_numbers = #tpu.dot_dimension_numbers<[1], [0], [0], [1], [0, 0, 1, 1], [], []>, transpose_lhs_hint = false} : vector<128x32xf32>, vector<32x64xf32>, vector<128x64xf32> -> vector<128x64xf32>
    %swap3A_265 = arith.constant 14 : index
    %swap3A_266 = arith.constant 0 : index
    %swap3A_267 = arith.constant 0 : index
    %swap3A_268 = vector.load %arg5[%swap3A_265, %swap3A_266, %swap3A_267] : memref<200x128x64xf32, #tpu.memory_space<vmem>>, vector<1x128x64xf32>
    %swap3A_269 = vector.shape_cast %swap3A_268 : vector<1x128x64xf32> to vector<128x64xf32>
    %swap3A_270 = vector.shape_cast %dot_general3A_264 : vector<128x64xf32> to vector<1x128x64xf32>
    tpu.vector_store %arg5[%swap3A_265, %swap3A_266, %swap3A_267], %swap3A_270 {strides = array<i32>} : memref<200x128x64xf32, #tpu.memory_space<vmem>>, vector<1x128x64xf32>,
    %get3A_271 = arith.constant 0 : index
    %get3A_272 = arith.constant 15 : index
    %get3A_273 = vector.load %arg6[%get3A_271, %get3A_272] : memref<128x200xf32, #tpu.memory_space<vmem>>, vector<128x1xf32>
    %dot_general3A_274 = arith.constant dense<0.000000e+00> : vector<128x32xf32>
    %dot_general3A_275 = tpu.matmul %get3A_273, %broadcast_in_dim3A_16, %dot_general3A_274 {dimension_numbers = #tpu.dot_dimension_numbers<[1], [0], [0], [1], [0, 0, 1, 1], [], []>, transpose_lhs_hint = false} : vector<128x1xf32>, vector<1x32xf32>, vector<128x32xf32> -> vector<128x32xf32>
    %eq3A_276 = vector.broadcast %convert_element_type3A_15 : vector<1x32xf32> to vector<128x32xf32>
    %eq3A_277 = arith.cmpf oeq, %dot_general3A_275, %eq3A_276 : vector<128x32xf32>
    %convert_element_type3A_278 = arith.extui %eq3A_277 : vector<128x32xi1> to vector<128x32xi32>
    %convert_element_type3A_279 = arith.sitofp %convert_element_type3A_278 : vector<128x32xi32> to vector<128x32xf32>
    %dot_general3A_280 = arith.constant dense<0.000000e+00> : vector<128x64xf32>
    %dot_general3A_281 = tpu.matmul %convert_element_type3A_279, %add3A_9, %dot_general3A_280 {dimension_numbers = #tpu.dot_dimension_numbers<[1], [0], [0], [1], [0, 0, 1, 1], [], []>, transpose_lhs_hint = false} : vector<128x32xf32>, vector<32x64xf32>, vector<128x64xf32> -> vector<128x64xf32>
    %swap3A_282 = arith.constant 15 : index
    %swap3A_283 = arith.constant 0 : index
    %swap3A_284 = arith.constant 0 : index
    %swap3A_285 = vector.load %arg5[%swap3A_282, %swap3A_283, %swap3A_284] : memref<200x128x64xf32, #tpu.memory_space<vmem>>, vector<1x128x64xf32>
    %swap3A_286 = vector.shape_cast %swap3A_285 : vector<1x128x64xf32> to vector<128x64xf32>
    %swap3A_287 = vector.shape_cast %dot_general3A_281 : vector<128x64xf32> to vector<1x128x64xf32>
    tpu.vector_store %arg5[%swap3A_282, %swap3A_283, %swap3A_284], %swap3A_287 {strides = array<i32>} : memref<200x128x64xf32, #tpu.memory_space<vmem>>, vector<1x128x64xf32>,
    %get3A_288 = arith.constant 0 : index
    %get3A_289 = arith.constant 16 : index
    %get3A_290 = vector.load %arg6[%get3A_288, %get3A_289] : memref<128x200xf32, #tpu.memory_space<vmem>>, vector<128x1xf32>
    %dot_general3A_291 = arith.constant dense<0.000000e+00> : vector<128x32xf32>
    %dot_general3A_292 = tpu.matmul %get3A_290, %broadcast_in_dim3A_16, %dot_general3A_291 {dimension_numbers = #tpu.dot_dimension_numbers<[1], [0], [0], [1], [0, 0, 1, 1], [], []>, transpose_lhs_hint = false} : vector<128x1xf32>, vector<1x32xf32>, vector<128x32xf32> -> vector<128x32xf32>
    %eq3A_293 = vector.broadcast %convert_element_type3A_15 : vector<1x32xf32> to vector<128x32xf32>
    %eq3A_294 = arith.cmpf oeq, %dot_general3A_292, %eq3A_293 : vector<128x32xf32>
    %convert_element_type3A_295 = arith.extui %eq3A_294 : vector<128x32xi1> to vector<128x32xi32>
    %convert_element_type3A_296 = arith.sitofp %convert_element_type3A_295 : vector<128x32xi32> to vector<128x32xf32>
    %dot_general3A_297 = arith.constant dense<0.000000e+00> : vector<128x64xf32>
    %dot_general3A_298 = tpu.matmul %convert_element_type3A_296, %add3A_9, %dot_general3A_297 {dimension_numbers = #tpu.dot_dimension_numbers<[1], [0], [0], [1], [0, 0, 1, 1], [], []>, transpose_lhs_hint = false} : vector<128x32xf32>, vector<32x64xf32>, vector<128x64xf32> -> vector<128x64xf32>
    %swap3A_299 = arith.constant 16 : index
    %swap3A_300 = arith.constant 0 : index
    %swap3A_301 = arith.constant 0 : index
    %swap3A_302 = vector.load %arg5[%swap3A_299, %swap3A_300, %swap3A_301] : memref<200x128x64xf32, #tpu.memory_space<vmem>>, vector<1x128x64xf32>
    %swap3A_303 = vector.shape_cast %swap3A_302 : vector<1x128x64xf32> to vector<128x64xf32>
    %swap3A_304 = vector.shape_cast %dot_general3A_298 : vector<128x64xf32> to vector<1x128x64xf32>
    tpu.vector_store %arg5[%swap3A_299, %swap3A_300, %swap3A_301], %swap3A_304 {strides = array<i32>} : memref<200x128x64xf32, #tpu.memory_space<vmem>>, vector<1x128x64xf32>,
    %get3A_305 = arith.constant 0 : index
    %get3A_306 = arith.constant 17 : index
    %get3A_307 = vector.load %arg6[%get3A_305, %get3A_306] : memref<128x200xf32, #tpu.memory_space<vmem>>, vector<128x1xf32>
    %dot_general3A_308 = arith.constant dense<0.000000e+00> : vector<128x32xf32>
    %dot_general3A_309 = tpu.matmul %get3A_307, %broadcast_in_dim3A_16, %dot_general3A_308 {dimension_numbers = #tpu.dot_dimension_numbers<[1], [0], [0], [1], [0, 0, 1, 1], [], []>, transpose_lhs_hint = false} : vector<128x1xf32>, vector<1x32xf32>, vector<128x32xf32> -> vector<128x32xf32>
    %eq3A_310 = vector.broadcast %convert_element_type3A_15 : vector<1x32xf32> to vector<128x32xf32>
    %eq3A_311 = arith.cmpf oeq, %dot_general3A_309, %eq3A_310 : vector<128x32xf32>
    %convert_element_type3A_312 = arith.extui %eq3A_311 : vector<128x32xi1> to vector<128x32xi32>
    %convert_element_type3A_313 = arith.sitofp %convert_element_type3A_312 : vector<128x32xi32> to vector<128x32xf32>
    %dot_general3A_314 = arith.constant dense<0.000000e+00> : vector<128x64xf32>
    %dot_general3A_315 = tpu.matmul %convert_element_type3A_313, %add3A_9, %dot_general3A_314 {dimension_numbers = #tpu.dot_dimension_numbers<[1], [0], [0], [1], [0, 0, 1, 1], [], []>, transpose_lhs_hint = false} : vector<128x32xf32>, vector<32x64xf32>, vector<128x64xf32> -> vector<128x64xf32>
    %swap3A_316 = arith.constant 17 : index
    %swap3A_317 = arith.constant 0 : index
    %swap3A_318 = arith.constant 0 : index
    %swap3A_319 = vector.load %arg5[%swap3A_316, %swap3A_317, %swap3A_318] : memref<200x128x64xf32, #tpu.memory_space<vmem>>, vector<1x128x64xf32>
    %swap3A_320 = vector.shape_cast %swap3A_319 : vector<1x128x64xf32> to vector<128x64xf32>
    %swap3A_321 = vector.shape_cast %dot_general3A_315 : vector<128x64xf32> to vector<1x128x64xf32>
    tpu.vector_store %arg5[%swap3A_316, %swap3A_317, %swap3A_318], %swap3A_321 {strides = array<i32>} : memref<200x128x64xf32, #tpu.memory_space<vmem>>, vector<1x128x64xf32>,
    %get3A_322 = arith.constant 0 : index
    %get3A_323 = arith.constant 18 : index
    %get3A_324 = vector.load %arg6[%get3A_322, %get3A_323] : memref<128x200xf32, #tpu.memory_space<vmem>>, vector<128x1xf32>
    %dot_general3A_325 = arith.constant dense<0.000000e+00> : vector<128x32xf32>
    %dot_general3A_326 = tpu.matmul %get3A_324, %broadcast_in_dim3A_16, %dot_general3A_325 {dimension_numbers = #tpu.dot_dimension_numbers<[1], [0], [0], [1], [0, 0, 1, 1], [], []>, transpose_lhs_hint = false} : vector<128x1xf32>, vector<1x32xf32>, vector<128x32xf32> -> vector<128x32xf32>
    %eq3A_327 = vector.broadcast %convert_element_type3A_15 : vector<1x32xf32> to vector<128x32xf32>
    %eq3A_328 = arith.cmpf oeq, %dot_general3A_326, %eq3A_327 : vector<128x32xf32>
    %convert_element_type3A_329 = arith.extui %eq3A_328 : vector<128x32xi1> to vector<128x32xi32>
    %convert_element_type3A_330 = arith.sitofp %convert_element_type3A_329 : vector<128x32xi32> to vector<128x32xf32>
    %dot_general3A_331 = arith.constant dense<0.000000e+00> : vector<128x64xf32>
    %dot_general3A_332 = tpu.matmul %convert_element_type3A_330, %add3A_9, %dot_general3A_331 {dimension_numbers = #tpu.dot_dimension_numbers<[1], [0], [0], [1], [0, 0, 1, 1], [], []>, transpose_lhs_hint = false} : vector<128x32xf32>, vector<32x64xf32>, vector<128x64xf32> -> vector<128x64xf32>
    %swap3A_333 = arith.constant 18 : index
    %swap3A_334 = arith.constant 0 : index
    %swap3A_335 = arith.constant 0 : index
    %swap3A_336 = vector.load %arg5[%swap3A_333, %swap3A_334, %swap3A_335] : memref<200x128x64xf32, #tpu.memory_space<vmem>>, vector<1x128x64xf32>
    %swap3A_337 = vector.shape_cast %swap3A_336 : vector<1x128x64xf32> to vector<128x64xf32>
    %swap3A_338 = vector.shape_cast %dot_general3A_332 : vector<128x64xf32> to vector<1x128x64xf32>
    tpu.vector_store %arg5[%swap3A_333, %swap3A_334, %swap3A_335], %swap3A_338 {strides = array<i32>} : memref<200x128x64xf32, #tpu.memory_space<vmem>>, vector<1x128x64xf32>,
    %get3A_339 = arith.constant 0 : index
    %get3A_340 = arith.constant 19 : index
    %get3A_341 = vector.load %arg6[%get3A_339, %get3A_340] : memref<128x200xf32, #tpu.memory_space<vmem>>, vector<128x1xf32>
    %dot_general3A_342 = arith.constant dense<0.000000e+00> : vector<128x32xf32>
    %dot_general3A_343 = tpu.matmul %get3A_341, %broadcast_in_dim3A_16, %dot_general3A_342 {dimension_numbers = #tpu.dot_dimension_numbers<[1], [0], [0], [1], [0, 0, 1, 1], [], []>, transpose_lhs_hint = false} : vector<128x1xf32>, vector<1x32xf32>, vector<128x32xf32> -> vector<128x32xf32>
    %eq3A_344 = vector.broadcast %convert_element_type3A_15 : vector<1x32xf32> to vector<128x32xf32>
    %eq3A_345 = arith.cmpf oeq, %dot_general3A_343, %eq3A_344 : vector<128x32xf32>
    %convert_element_type3A_346 = arith.extui %eq3A_345 : vector<128x32xi1> to vector<128x32xi32>
    %convert_element_type3A_347 = arith.sitofp %convert_element_type3A_346 : vector<128x32xi32> to vector<128x32xf32>
    %dot_general3A_348 = arith.constant dense<0.000000e+00> : vector<128x64xf32>
    %dot_general3A_349 = tpu.matmul %convert_element_type3A_347, %add3A_9, %dot_general3A_348 {dimension_numbers = #tpu.dot_dimension_numbers<[1], [0], [0], [1], [0, 0, 1, 1], [], []>, transpose_lhs_hint = false} : vector<128x32xf32>, vector<32x64xf32>, vector<128x64xf32> -> vector<128x64xf32>
    %swap3A_350 = arith.constant 19 : index
    %swap3A_351 = arith.constant 0 : index
    %swap3A_352 = arith.constant 0 : index
    %swap3A_353 = vector.load %arg5[%swap3A_350, %swap3A_351, %swap3A_352] : memref<200x128x64xf32, #tpu.memory_space<vmem>>, vector<1x128x64xf32>
    %swap3A_354 = vector.shape_cast %swap3A_353 : vector<1x128x64xf32> to vector<128x64xf32>
    %swap3A_355 = vector.shape_cast %dot_general3A_349 : vector<128x64xf32> to vector<1x128x64xf32>
    tpu.vector_store %arg5[%swap3A_350, %swap3A_351, %swap3A_352], %swap3A_355 {strides = array<i32>} : memref<200x128x64xf32, #tpu.memory_space<vmem>>, vector<1x128x64xf32>,
    %get3A_356 = arith.constant 0 : index
    %get3A_357 = arith.constant 20 : index
    %get3A_358 = vector.load %arg6[%get3A_356, %get3A_357] : memref<128x200xf32, #tpu.memory_space<vmem>>, vector<128x1xf32>
    %dot_general3A_359 = arith.constant dense<0.000000e+00> : vector<128x32xf32>
    %dot_general3A_360 = tpu.matmul %get3A_358, %broadcast_in_dim3A_16, %dot_general3A_359 {dimension_numbers = #tpu.dot_dimension_numbers<[1], [0], [0], [1], [0, 0, 1, 1], [], []>, transpose_lhs_hint = false} : vector<128x1xf32>, vector<1x32xf32>, vector<128x32xf32> -> vector<128x32xf32>
    %eq3A_361 = vector.broadcast %convert_element_type3A_15 : vector<1x32xf32> to vector<128x32xf32>
    %eq3A_362 = arith.cmpf oeq, %dot_general3A_360, %eq3A_361 : vector<128x32xf32>
    %convert_element_type3A_363 = arith.extui %eq3A_362 : vector<128x32xi1> to vector<128x32xi32>
    %convert_element_type3A_364 = arith.sitofp %convert_element_type3A_363 : vector<128x32xi32> to vector<128x32xf32>
    %dot_general3A_365 = arith.constant dense<0.000000e+00> : vector<128x64xf32>
    %dot_general3A_366 = tpu.matmul %convert_element_type3A_364, %add3A_9, %dot_general3A_365 {dimension_numbers = #tpu.dot_dimension_numbers<[1], [0], [0], [1], [0, 0, 1, 1], [], []>, transpose_lhs_hint = false} : vector<128x32xf32>, vector<32x64xf32>, vector<128x64xf32> -> vector<128x64xf32>
    %swap3A_367 = arith.constant 20 : index
    %swap3A_368 = arith.constant 0 : index
    %swap3A_369 = arith.constant 0 : index
    %swap3A_370 = vector.load %arg5[%swap3A_367, %swap3A_368, %swap3A_369] : memref<200x128x64xf32, #tpu.memory_space<vmem>>, vector<1x128x64xf32>
    %swap3A_371 = vector.shape_cast %swap3A_370 : vector<1x128x64xf32> to vector<128x64xf32>
    %swap3A_372 = vector.shape_cast %dot_general3A_366 : vector<128x64xf32> to vector<1x128x64xf32>
    tpu.vector_store %arg5[%swap3A_367, %swap3A_368, %swap3A_369], %swap3A_372 {strides = array<i32>} : memref<200x128x64xf32, #tpu.memory_space<vmem>>, vector<1x128x64xf32>,
    %get3A_373 = arith.constant 0 : index
    %get3A_374 = arith.constant 21 : index
    %get3A_375 = vector.load %arg6[%get3A_373, %get3A_374] : memref<128x200xf32, #tpu.memory_space<vmem>>, vector<128x1xf32>
    %dot_general3A_376 = arith.constant dense<0.000000e+00> : vector<128x32xf32>
    %dot_general3A_377 = tpu.matmul %get3A_375, %broadcast_in_dim3A_16, %dot_general3A_376 {dimension_numbers = #tpu.dot_dimension_numbers<[1], [0], [0], [1], [0, 0, 1, 1], [], []>, transpose_lhs_hint = false} : vector<128x1xf32>, vector<1x32xf32>, vector<128x32xf32> -> vector<128x32xf32>
    %eq3A_378 = vector.broadcast %convert_element_type3A_15 : vector<1x32xf32> to vector<128x32xf32>
    %eq3A_379 = arith.cmpf oeq, %dot_general3A_377, %eq3A_378 : vector<128x32xf32>
    %convert_element_type3A_380 = arith.extui %eq3A_379 : vector<128x32xi1> to vector<128x32xi32>
    %convert_element_type3A_381 = arith.sitofp %convert_element_type3A_380 : vector<128x32xi32> to vector<128x32xf32>
    %dot_general3A_382 = arith.constant dense<0.000000e+00> : vector<128x64xf32>
    %dot_general3A_383 = tpu.matmul %convert_element_type3A_381, %add3A_9, %dot_general3A_382 {dimension_numbers = #tpu.dot_dimension_numbers<[1], [0], [0], [1], [0, 0, 1, 1], [], []>, transpose_lhs_hint = false} : vector<128x32xf32>, vector<32x64xf32>, vector<128x64xf32> -> vector<128x64xf32>
    %swap3A_384 = arith.constant 21 : index
    %swap3A_385 = arith.constant 0 : index
    %swap3A_386 = arith.constant 0 : index
    %swap3A_387 = vector.load %arg5[%swap3A_384, %swap3A_385, %swap3A_386] : memref<200x128x64xf32, #tpu.memory_space<vmem>>, vector<1x128x64xf32>
    %swap3A_388 = vector.shape_cast %swap3A_387 : vector<1x128x64xf32> to vector<128x64xf32>
    %swap3A_389 = vector.shape_cast %dot_general3A_383 : vector<128x64xf32> to vector<1x128x64xf32>
    tpu.vector_store %arg5[%swap3A_384, %swap3A_385, %swap3A_386], %swap3A_389 {strides = array<i32>} : memref<200x128x64xf32, #tpu.memory_space<vmem>>, vector<1x128x64xf32>,
    %get3A_390 = arith.constant 0 : index
    %get3A_391 = arith.constant 22 : index
    %get3A_392 = vector.load %arg6[%get3A_390, %get3A_391] : memref<128x200xf32, #tpu.memory_space<vmem>>, vector<128x1xf32>
    %dot_general3A_393 = arith.constant dense<0.000000e+00> : vector<128x32xf32>
    %dot_general3A_394 = tpu.matmul %get3A_392, %broadcast_in_dim3A_16, %dot_general3A_393 {dimension_numbers = #tpu.dot_dimension_numbers<[1], [0], [0], [1], [0, 0, 1, 1], [], []>, transpose_lhs_hint = false} : vector<128x1xf32>, vector<1x32xf32>, vector<128x32xf32> -> vector<128x32xf32>
    %eq3A_395 = vector.broadcast %convert_element_type3A_15 : vector<1x32xf32> to vector<128x32xf32>
    %eq3A_396 = arith.cmpf oeq, %dot_general3A_394, %eq3A_395 : vector<128x32xf32>
    %convert_element_type3A_397 = arith.extui %eq3A_396 : vector<128x32xi1> to vector<128x32xi32>
    %convert_element_type3A_398 = arith.sitofp %convert_element_type3A_397 : vector<128x32xi32> to vector<128x32xf32>
    %dot_general3A_399 = arith.constant dense<0.000000e+00> : vector<128x64xf32>
    %dot_general3A_400 = tpu.matmul %convert_element_type3A_398, %add3A_9, %dot_general3A_399 {dimension_numbers = #tpu.dot_dimension_numbers<[1], [0], [0], [1], [0, 0, 1, 1], [], []>, transpose_lhs_hint = false} : vector<128x32xf32>, vector<32x64xf32>, vector<128x64xf32> -> vector<128x64xf32>
    %swap3A_401 = arith.constant 22 : index
    %swap3A_402 = arith.constant 0 : index
    %swap3A_403 = arith.constant 0 : index
    %swap3A_404 = vector.load %arg5[%swap3A_401, %swap3A_402, %swap3A_403] : memref<200x128x64xf32, #tpu.memory_space<vmem>>, vector<1x128x64xf32>
    %swap3A_405 = vector.shape_cast %swap3A_404 : vector<1x128x64xf32> to vector<128x64xf32>
    %swap3A_406 = vector.shape_cast %dot_general3A_400 : vector<128x64xf32> to vector<1x128x64xf32>
    tpu.vector_store %arg5[%swap3A_401, %swap3A_402, %swap3A_403], %swap3A_406 {strides = array<i32>} : memref<200x128x64xf32, #tpu.memory_space<vmem>>, vector<1x128x64xf32>,
    %get3A_407 = arith.constant 0 : index
    %get3A_408 = arith.constant 23 : index
    %get3A_409 = vector.load %arg6[%get3A_407, %get3A_408] : memref<128x200xf32, #tpu.memory_space<vmem>>, vector<128x1xf32>
    %dot_general3A_410 = arith.constant dense<0.000000e+00> : vector<128x32xf32>
    %dot_general3A_411 = tpu.matmul %get3A_409, %broadcast_in_dim3A_16, %dot_general3A_410 {dimension_numbers = #tpu.dot_dimension_numbers<[1], [0], [0], [1], [0, 0, 1, 1], [], []>, transpose_lhs_hint = false} : vector<128x1xf32>, vector<1x32xf32>, vector<128x32xf32> -> vector<128x32xf32>
    %eq3A_412 = vector.broadcast %convert_element_type3A_15 : vector<1x32xf32> to vector<128x32xf32>
    %eq3A_413 = arith.cmpf oeq, %dot_general3A_411, %eq3A_412 : vector<128x32xf32>
    %convert_element_type3A_414 = arith.extui %eq3A_413 : vector<128x32xi1> to vector<128x32xi32>
    %convert_element_type3A_415 = arith.sitofp %convert_element_type3A_414 : vector<128x32xi32> to vector<128x32xf32>
    %dot_general3A_416 = arith.constant dense<0.000000e+00> : vector<128x64xf32>
    %dot_general3A_417 = tpu.matmul %convert_element_type3A_415, %add3A_9, %dot_general3A_416 {dimension_numbers = #tpu.dot_dimension_numbers<[1], [0], [0], [1], [0, 0, 1, 1], [], []>, transpose_lhs_hint = false} : vector<128x32xf32>, vector<32x64xf32>, vector<128x64xf32> -> vector<128x64xf32>
    %swap3A_418 = arith.constant 23 : index
    %swap3A_419 = arith.constant 0 : index
    %swap3A_420 = arith.constant 0 : index
    %swap3A_421 = vector.load %arg5[%swap3A_418, %swap3A_419, %swap3A_420] : memref<200x128x64xf32, #tpu.memory_space<vmem>>, vector<1x128x64xf32>
    %swap3A_422 = vector.shape_cast %swap3A_421 : vector<1x128x64xf32> to vector<128x64xf32>
    %swap3A_423 = vector.shape_cast %dot_general3A_417 : vector<128x64xf32> to vector<1x128x64xf32>
    tpu.vector_store %arg5[%swap3A_418, %swap3A_419, %swap3A_420], %swap3A_423 {strides = array<i32>} : memref<200x128x64xf32, #tpu.memory_space<vmem>>, vector<1x128x64xf32>,
    %get3A_424 = arith.constant 0 : index
    %get3A_425 = arith.constant 24 : index
    %get3A_426 = vector.load %arg6[%get3A_424, %get3A_425] : memref<128x200xf32, #tpu.memory_space<vmem>>, vector<128x1xf32>
    %dot_general3A_427 = arith.constant dense<0.000000e+00> : vector<128x32xf32>
    %dot_general3A_428 = tpu.matmul %get3A_426, %broadcast_in_dim3A_16, %dot_general3A_427 {dimension_numbers = #tpu.dot_dimension_numbers<[1], [0], [0], [1], [0, 0, 1, 1], [], []>, transpose_lhs_hint = false} : vector<128x1xf32>, vector<1x32xf32>, vector<128x32xf32> -> vector<128x32xf32>
    %eq3A_429 = vector.broadcast %convert_element_type3A_15 : vector<1x32xf32> to vector<128x32xf32>
    %eq3A_430 = arith.cmpf oeq, %dot_general3A_428, %eq3A_429 : vector<128x32xf32>
    %convert_element_type3A_431 = arith.extui %eq3A_430 : vector<128x32xi1> to vector<128x32xi32>
    %convert_element_type3A_432 = arith.sitofp %convert_element_type3A_431 : vector<128x32xi32> to vector<128x32xf32>
    %dot_general3A_433 = arith.constant dense<0.000000e+00> : vector<128x64xf32>
    %dot_general3A_434 = tpu.matmul %convert_element_type3A_432, %add3A_9, %dot_general3A_433 {dimension_numbers = #tpu.dot_dimension_numbers<[1], [0], [0], [1], [0, 0, 1, 1], [], []>, transpose_lhs_hint = false} : vector<128x32xf32>, vector<32x64xf32>, vector<128x64xf32> -> vector<128x64xf32>
    %swap3A_435 = arith.constant 24 : index
    %swap3A_436 = arith.constant 0 : index
    %swap3A_437 = arith.constant 0 : index
    %swap3A_438 = vector.load %arg5[%swap3A_435, %swap3A_436, %swap3A_437] : memref<200x128x64xf32, #tpu.memory_space<vmem>>, vector<1x128x64xf32>
    %swap3A_439 = vector.shape_cast %swap3A_438 : vector<1x128x64xf32> to vector<128x64xf32>
    %swap3A_440 = vector.shape_cast %dot_general3A_434 : vector<128x64xf32> to vector<1x128x64xf32>
    tpu.vector_store %arg5[%swap3A_435, %swap3A_436, %swap3A_437], %swap3A_440 {strides = array<i32>} : memref<200x128x64xf32, #tpu.memory_space<vmem>>, vector<1x128x64xf32>,
    %get3A_441 = arith.constant 0 : index
    %get3A_442 = arith.constant 25 : index
    %get3A_443 = vector.load %arg6[%get3A_441, %get3A_442] : memref<128x200xf32, #tpu.memory_space<vmem>>, vector<128x1xf32>
    %dot_general3A_444 = arith.constant dense<0.000000e+00> : vector<128x32xf32>
    %dot_general3A_445 = tpu.matmul %get3A_443, %broadcast_in_dim3A_16, %dot_general3A_444 {dimension_numbers = #tpu.dot_dimension_numbers<[1], [0], [0], [1], [0, 0, 1, 1], [], []>, transpose_lhs_hint = false} : vector<128x1xf32>, vector<1x32xf32>, vector<128x32xf32> -> vector<128x32xf32>
    %eq3A_446 = vector.broadcast %convert_element_type3A_15 : vector<1x32xf32> to vector<128x32xf32>
    %eq3A_447 = arith.cmpf oeq, %dot_general3A_445, %eq3A_446 : vector<128x32xf32>
    %convert_element_type3A_448 = arith.extui %eq3A_447 : vector<128x32xi1> to vector<128x32xi32>
    %convert_element_type3A_449 = arith.sitofp %convert_element_type3A_448 : vector<128x32xi32> to vector<128x32xf32>
    %dot_general3A_450 = arith.constant dense<0.000000e+00> : vector<128x64xf32>
    %dot_general3A_451 = tpu.matmul %convert_element_type3A_449, %add3A_9, %dot_general3A_450 {dimension_numbers = #tpu.dot_dimension_numbers<[1], [0], [0], [1], [0, 0, 1, 1], [], []>, transpose_lhs_hint = false} : vector<128x32xf32>, vector<32x64xf32>, vector<128x64xf32> -> vector<128x64xf32>
    %swap3A_452 = arith.constant 25 : index
    %swap3A_453 = arith.constant 0 : index
    %swap3A_454 = arith.constant 0 : index
    %swap3A_455 = vector.load %arg5[%swap3A_452, %swap3A_453, %swap3A_454] : memref<200x128x64xf32, #tpu.memory_space<vmem>>, vector<1x128x64xf32>
    %swap3A_456 = vector.shape_cast %swap3A_455 : vector<1x128x64xf32> to vector<128x64xf32>
    %swap3A_457 = vector.shape_cast %dot_general3A_451 : vector<128x64xf32> to vector<1x128x64xf32>
    tpu.vector_store %arg5[%swap3A_452, %swap3A_453, %swap3A_454], %swap3A_457 {strides = array<i32>} : memref<200x128x64xf32, #tpu.memory_space<vmem>>, vector<1x128x64xf32>,
    %get3A_458 = arith.constant 0 : index
    %get3A_459 = arith.constant 26 : index
    %get3A_460 = vector.load %arg6[%get3A_458, %get3A_459] : memref<128x200xf32, #tpu.memory_space<vmem>>, vector<128x1xf32>
    %dot_general3A_461 = arith.constant dense<0.000000e+00> : vector<128x32xf32>
    %dot_general3A_462 = tpu.matmul %get3A_460, %broadcast_in_dim3A_16, %dot_general3A_461 {dimension_numbers = #tpu.dot_dimension_numbers<[1], [0], [0], [1], [0, 0, 1, 1], [], []>, transpose_lhs_hint = false} : vector<128x1xf32>, vector<1x32xf32>, vector<128x32xf32> -> vector<128x32xf32>
    %eq3A_463 = vector.broadcast %convert_element_type3A_15 : vector<1x32xf32> to vector<128x32xf32>
    %eq3A_464 = arith.cmpf oeq, %dot_general3A_462, %eq3A_463 : vector<128x32xf32>
    %convert_element_type3A_465 = arith.extui %eq3A_464 : vector<128x32xi1> to vector<128x32xi32>
    %convert_element_type3A_466 = arith.sitofp %convert_element_type3A_465 : vector<128x32xi32> to vector<128x32xf32>
    %dot_general3A_467 = arith.constant dense<0.000000e+00> : vector<128x64xf32>
    %dot_general3A_468 = tpu.matmul %convert_element_type3A_466, %add3A_9, %dot_general3A_467 {dimension_numbers = #tpu.dot_dimension_numbers<[1], [0], [0], [1], [0, 0, 1, 1], [], []>, transpose_lhs_hint = false} : vector<128x32xf32>, vector<32x64xf32>, vector<128x64xf32> -> vector<128x64xf32>
    %swap3A_469 = arith.constant 26 : index
    %swap3A_470 = arith.constant 0 : index
    %swap3A_471 = arith.constant 0 : index
    %swap3A_472 = vector.load %arg5[%swap3A_469, %swap3A_470, %swap3A_471] : memref<200x128x64xf32, #tpu.memory_space<vmem>>, vector<1x128x64xf32>
    %swap3A_473 = vector.shape_cast %swap3A_472 : vector<1x128x64xf32> to vector<128x64xf32>
    %swap3A_474 = vector.shape_cast %dot_general3A_468 : vector<128x64xf32> to vector<1x128x64xf32>
    tpu.vector_store %arg5[%swap3A_469, %swap3A_470, %swap3A_471], %swap3A_474 {strides = array<i32>} : memref<200x128x64xf32, #tpu.memory_space<vmem>>, vector<1x128x64xf32>,
    %get3A_475 = arith.constant 0 : index
    %get3A_476 = arith.constant 27 : index
    %get3A_477 = vector.load %arg6[%get3A_475, %get3A_476] : memref<128x200xf32, #tpu.memory_space<vmem>>, vector<128x1xf32>
    %dot_general3A_478 = arith.constant dense<0.000000e+00> : vector<128x32xf32>
    %dot_general3A_479 = tpu.matmul %get3A_477, %broadcast_in_dim3A_16, %dot_general3A_478 {dimension_numbers = #tpu.dot_dimension_numbers<[1], [0], [0], [1], [0, 0, 1, 1], [], []>, transpose_lhs_hint = false} : vector<128x1xf32>, vector<1x32xf32>, vector<128x32xf32> -> vector<128x32xf32>
    %eq3A_480 = vector.broadcast %convert_element_type3A_15 : vector<1x32xf32> to vector<128x32xf32>
    %eq3A_481 = arith.cmpf oeq, %dot_general3A_479, %eq3A_480 : vector<128x32xf32>
    %convert_element_type3A_482 = arith.extui %eq3A_481 : vector<128x32xi1> to vector<128x32xi32>
    %convert_element_type3A_483 = arith.sitofp %convert_element_type3A_482 : vector<128x32xi32> to vector<128x32xf32>
    %dot_general3A_484 = arith.constant dense<0.000000e+00> : vector<128x64xf32>
    %dot_general3A_485 = tpu.matmul %convert_element_type3A_483, %add3A_9, %dot_general3A_484 {dimension_numbers = #tpu.dot_dimension_numbers<[1], [0], [0], [1], [0, 0, 1, 1], [], []>, transpose_lhs_hint = false} : vector<128x32xf32>, vector<32x64xf32>, vector<128x64xf32> -> vector<128x64xf32>
    %swap3A_486 = arith.constant 27 : index
    %swap3A_487 = arith.constant 0 : index
    %swap3A_488 = arith.constant 0 : index
    %swap3A_489 = vector.load %arg5[%swap3A_486, %swap3A_487, %swap3A_488] : memref<200x128x64xf32, #tpu.memory_space<vmem>>, vector<1x128x64xf32>
    %swap3A_490 = vector.shape_cast %swap3A_489 : vector<1x128x64xf32> to vector<128x64xf32>
    %swap3A_491 = vector.shape_cast %dot_general3A_485 : vector<128x64xf32> to vector<1x128x64xf32>
    tpu.vector_store %arg5[%swap3A_486, %swap3A_487, %swap3A_488], %swap3A_491 {strides = array<i32>} : memref<200x128x64xf32, #tpu.memory_space<vmem>>, vector<1x128x64xf32>,
    %get3A_492 = arith.constant 0 : index
    %get3A_493 = arith.constant 28 : index
    %get3A_494 = vector.load %arg6[%get3A_492, %get3A_493] : memref<128x200xf32, #tpu.memory_space<vmem>>, vector<128x1xf32>
    %dot_general3A_495 = arith.constant dense<0.000000e+00> : vector<128x32xf32>
    %dot_general3A_496 = tpu.matmul %get3A_494, %broadcast_in_dim3A_16, %dot_general3A_495 {dimension_numbers = #tpu.dot_dimension_numbers<[1], [0], [0], [1], [0, 0, 1, 1], [], []>, transpose_lhs_hint = false} : vector<128x1xf32>, vector<1x32xf32>, vector<128x32xf32> -> vector<128x32xf32>
    %eq3A_497 = vector.broadcast %convert_element_type3A_15 : vector<1x32xf32> to vector<128x32xf32>
    %eq3A_498 = arith.cmpf oeq, %dot_general3A_496, %eq3A_497 : vector<128x32xf32>
    %convert_element_type3A_499 = arith.extui %eq3A_498 : vector<128x32xi1> to vector<128x32xi32>
    %convert_element_type3A_500 = arith.sitofp %convert_element_type3A_499 : vector<128x32xi32> to vector<128x32xf32>
    %dot_general3A_501 = arith.constant dense<0.000000e+00> : vector<128x64xf32>
    %dot_general3A_502 = tpu.matmul %convert_element_type3A_500, %add3A_9, %dot_general3A_501 {dimension_numbers = #tpu.dot_dimension_numbers<[1], [0], [0], [1], [0, 0, 1, 1], [], []>, transpose_lhs_hint = false} : vector<128x32xf32>, vector<32x64xf32>, vector<128x64xf32> -> vector<128x64xf32>
    %swap3A_503 = arith.constant 28 : index
    %swap3A_504 = arith.constant 0 : index
    %swap3A_505 = arith.constant 0 : index
    %swap3A_506 = vector.load %arg5[%swap3A_503, %swap3A_504, %swap3A_505] : memref<200x128x64xf32, #tpu.memory_space<vmem>>, vector<1x128x64xf32>
    %swap3A_507 = vector.shape_cast %swap3A_506 : vector<1x128x64xf32> to vector<128x64xf32>
    %swap3A_508 = vector.shape_cast %dot_general3A_502 : vector<128x64xf32> to vector<1x128x64xf32>
    tpu.vector_store %arg5[%swap3A_503, %swap3A_504, %swap3A_505], %swap3A_508 {strides = array<i32>} : memref<200x128x64xf32, #tpu.memory_space<vmem>>, vector<1x128x64xf32>,
    %get3A_509 = arith.constant 0 : index
    %get3A_510 = arith.constant 29 : index
    %get3A_511 = vector.load %arg6[%get3A_509, %get3A_510] : memref<128x200xf32, #tpu.memory_space<vmem>>, vector<128x1xf32>
    %dot_general3A_512 = arith.constant dense<0.000000e+00> : vector<128x32xf32>
    %dot_general3A_513 = tpu.matmul %get3A_511, %broadcast_in_dim3A_16, %dot_general3A_512 {dimension_numbers = #tpu.dot_dimension_numbers<[1], [0], [0], [1], [0, 0, 1, 1], [], []>, transpose_lhs_hint = false} : vector<128x1xf32>, vector<1x32xf32>, vector<128x32xf32> -> vector<128x32xf32>
    %eq3A_514 = vector.broadcast %convert_element_type3A_15 : vector<1x32xf32> to vector<128x32xf32>
    %eq3A_515 = arith.cmpf oeq, %dot_general3A_513, %eq3A_514 : vector<128x32xf32>
    %convert_element_type3A_516 = arith.extui %eq3A_515 : vector<128x32xi1> to vector<128x32xi32>
    %convert_element_type3A_517 = arith.sitofp %convert_element_type3A_516 : vector<128x32xi32> to vector<128x32xf32>
    %dot_general3A_518 = arith.constant dense<0.000000e+00> : vector<128x64xf32>
    %dot_general3A_519 = tpu.matmul %convert_element_type3A_517, %add3A_9, %dot_general3A_518 {dimension_numbers = #tpu.dot_dimension_numbers<[1], [0], [0], [1], [0, 0, 1, 1], [], []>, transpose_lhs_hint = false} : vector<128x32xf32>, vector<32x64xf32>, vector<128x64xf32> -> vector<128x64xf32>
    %swap3A_520 = arith.constant 29 : index
    %swap3A_521 = arith.constant 0 : index
    %swap3A_522 = arith.constant 0 : index
    %swap3A_523 = vector.load %arg5[%swap3A_520, %swap3A_521, %swap3A_522] : memref<200x128x64xf32, #tpu.memory_space<vmem>>, vector<1x128x64xf32>
    %swap3A_524 = vector.shape_cast %swap3A_523 : vector<1x128x64xf32> to vector<128x64xf32>
    %swap3A_525 = vector.shape_cast %dot_general3A_519 : vector<128x64xf32> to vector<1x128x64xf32>
    tpu.vector_store %arg5[%swap3A_520, %swap3A_521, %swap3A_522], %swap3A_525 {strides = array<i32>} : memref<200x128x64xf32, #tpu.memory_space<vmem>>, vector<1x128x64xf32>,
    %get3A_526 = arith.constant 0 : index
    %get3A_527 = arith.constant 30 : index
    %get3A_528 = vector.load %arg6[%get3A_526, %get3A_527] : memref<128x200xf32, #tpu.memory_space<vmem>>, vector<128x1xf32>
    %dot_general3A_529 = arith.constant dense<0.000000e+00> : vector<128x32xf32>
    %dot_general3A_530 = tpu.matmul %get3A_528, %broadcast_in_dim3A_16, %dot_general3A_529 {dimension_numbers = #tpu.dot_dimension_numbers<[1], [0], [0], [1], [0, 0, 1, 1], [], []>, transpose_lhs_hint = false} : vector<128x1xf32>, vector<1x32xf32>, vector<128x32xf32> -> vector<128x32xf32>
    %eq3A_531 = vector.broadcast %convert_element_type3A_15 : vector<1x32xf32> to vector<128x32xf32>
    %eq3A_532 = arith.cmpf oeq, %dot_general3A_530, %eq3A_531 : vector<128x32xf32>
    %convert_element_type3A_533 = arith.extui %eq3A_532 : vector<128x32xi1> to vector<128x32xi32>
    %convert_element_type3A_534 = arith.sitofp %convert_element_type3A_533 : vector<128x32xi32> to vector<128x32xf32>
    %dot_general3A_535 = arith.constant dense<0.000000e+00> : vector<128x64xf32>
    %dot_general3A_536 = tpu.matmul %convert_element_type3A_534, %add3A_9, %dot_general3A_535 {dimension_numbers = #tpu.dot_dimension_numbers<[1], [0], [0], [1], [0, 0, 1, 1], [], []>, transpose_lhs_hint = false} : vector<128x32xf32>, vector<32x64xf32>, vector<128x64xf32> -> vector<128x64xf32>
    %swap3A_537 = arith.constant 30 : index
    %swap3A_538 = arith.constant 0 : index
    %swap3A_539 = arith.constant 0 : index
    %swap3A_540 = vector.load %arg5[%swap3A_537, %swap3A_538, %swap3A_539] : memref<200x128x64xf32, #tpu.memory_space<vmem>>, vector<1x128x64xf32>
    %swap3A_541 = vector.shape_cast %swap3A_540 : vector<1x128x64xf32> to vector<128x64xf32>
    %swap3A_542 = vector.shape_cast %dot_general3A_536 : vector<128x64xf32> to vector<1x128x64xf32>
    tpu.vector_store %arg5[%swap3A_537, %swap3A_538, %swap3A_539], %swap3A_542 {strides = array<i32>} : memref<200x128x64xf32, #tpu.memory_space<vmem>>, vector<1x128x64xf32>,
    %get3A_543 = arith.constant 0 : index
    %get3A_544 = arith.constant 31 : index
    %get3A_545 = vector.load %arg6[%get3A_543, %get3A_544] : memref<128x200xf32, #tpu.memory_space<vmem>>, vector<128x1xf32>
    %dot_general3A_546 = arith.constant dense<0.000000e+00> : vector<128x32xf32>
    %dot_general3A_547 = tpu.matmul %get3A_545, %broadcast_in_dim3A_16, %dot_general3A_546 {dimension_numbers = #tpu.dot_dimension_numbers<[1], [0], [0], [1], [0, 0, 1, 1], [], []>, transpose_lhs_hint = false} : vector<128x1xf32>, vector<1x32xf32>, vector<128x32xf32> -> vector<128x32xf32>
    %eq3A_548 = vector.broadcast %convert_element_type3A_15 : vector<1x32xf32> to vector<128x32xf32>
    %eq3A_549 = arith.cmpf oeq, %dot_general3A_547, %eq3A_548 : vector<128x32xf32>
    %convert_element_type3A_550 = arith.extui %eq3A_549 : vector<128x32xi1> to vector<128x32xi32>
    %convert_element_type3A_551 = arith.sitofp %convert_element_type3A_550 : vector<128x32xi32> to vector<128x32xf32>
    %dot_general3A_552 = arith.constant dense<0.000000e+00> : vector<128x64xf32>
    %dot_general3A_553 = tpu.matmul %convert_element_type3A_551, %add3A_9, %dot_general3A_552 {dimension_numbers = #tpu.dot_dimension_numbers<[1], [0], [0], [1], [0, 0, 1, 1], [], []>, transpose_lhs_hint = false} : vector<128x32xf32>, vector<32x64xf32>, vector<128x64xf32> -> vector<128x64xf32>
    %swap3A_554 = arith.constant 31 : index
    %swap3A_555 = arith.constant 0 : index
    %swap3A_556 = arith.constant 0 : index
    %swap3A_557 = vector.load %arg5[%swap3A_554, %swap3A_555, %swap3A_556] : memref<200x128x64xf32, #tpu.memory_space<vmem>>, vector<1x128x64xf32>
    %swap3A_558 = vector.shape_cast %swap3A_557 : vector<1x128x64xf32> to vector<128x64xf32>
    %swap3A_559 = vector.shape_cast %dot_general3A_553 : vector<128x64xf32> to vector<1x128x64xf32>
    tpu.vector_store %arg5[%swap3A_554, %swap3A_555, %swap3A_556], %swap3A_559 {strides = array<i32>} : memref<200x128x64xf32, #tpu.memory_space<vmem>>, vector<1x128x64xf32>,
    %get3A_560 = arith.constant 0 : index
    %get3A_561 = arith.constant 32 : index
    %get3A_562 = vector.load %arg6[%get3A_560, %get3A_561] : memref<128x200xf32, #tpu.memory_space<vmem>>, vector<128x1xf32>
    %dot_general3A_563 = arith.constant dense<0.000000e+00> : vector<128x32xf32>
    %dot_general3A_564 = tpu.matmul %get3A_562, %broadcast_in_dim3A_16, %dot_general3A_563 {dimension_numbers = #tpu.dot_dimension_numbers<[1], [0], [0], [1], [0, 0, 1, 1], [], []>, transpose_lhs_hint = false} : vector<128x1xf32>, vector<1x32xf32>, vector<128x32xf32> -> vector<128x32xf32>
    %eq3A_565 = vector.broadcast %convert_element_type3A_15 : vector<1x32xf32> to vector<128x32xf32>
    %eq3A_566 = arith.cmpf oeq, %dot_general3A_564, %eq3A_565 : vector<128x32xf32>
    %convert_element_type3A_567 = arith.extui %eq3A_566 : vector<128x32xi1> to vector<128x32xi32>
    %convert_element_type3A_568 = arith.sitofp %convert_element_type3A_567 : vector<128x32xi32> to vector<128x32xf32>
    %dot_general3A_569 = arith.constant dense<0.000000e+00> : vector<128x64xf32>
    %dot_general3A_570 = tpu.matmul %convert_element_type3A_568, %add3A_9, %dot_general3A_569 {dimension_numbers = #tpu.dot_dimension_numbers<[1], [0], [0], [1], [0, 0, 1, 1], [], []>, transpose_lhs_hint = false} : vector<128x32xf32>, vector<32x64xf32>, vector<128x64xf32> -> vector<128x64xf32>
    %swap3A_571 = arith.constant 32 : index
    %swap3A_572 = arith.constant 0 : index
    %swap3A_573 = arith.constant 0 : index
    %swap3A_574 = vector.load %arg5[%swap3A_571, %swap3A_572, %swap3A_573] : memref<200x128x64xf32, #tpu.memory_space<vmem>>, vector<1x128x64xf32>
    %swap3A_575 = vector.shape_cast %swap3A_574 : vector<1x128x64xf32> to vector<128x64xf32>
    %swap3A_576 = vector.shape_cast %dot_general3A_570 : vector<128x64xf32> to vector<1x128x64xf32>
    tpu.vector_store %arg5[%swap3A_571, %swap3A_572, %swap3A_573], %swap3A_576 {strides = array<i32>} : memref<200x128x64xf32, #tpu.memory_space<vmem>>, vector<1x128x64xf32>,
    %get3A_577 = arith.constant 0 : index
    %get3A_578 = arith.constant 33 : index
    %get3A_579 = vector.load %arg6[%get3A_577, %get3A_578] : memref<128x200xf32, #tpu.memory_space<vmem>>, vector<128x1xf32>
    %dot_general3A_580 = arith.constant dense<0.000000e+00> : vector<128x32xf32>
    %dot_general3A_581 = tpu.matmul %get3A_579, %broadcast_in_dim3A_16, %dot_general3A_580 {dimension_numbers = #tpu.dot_dimension_numbers<[1], [0], [0], [1], [0, 0, 1, 1], [], []>, transpose_lhs_hint = false} : vector<128x1xf32>, vector<1x32xf32>, vector<128x32xf32> -> vector<128x32xf32>
    %eq3A_582 = vector.broadcast %convert_element_type3A_15 : vector<1x32xf32> to vector<128x32xf32>
    %eq3A_583 = arith.cmpf oeq, %dot_general3A_581, %eq3A_582 : vector<128x32xf32>
    %convert_element_type3A_584 = arith.extui %eq3A_583 : vector<128x32xi1> to vector<128x32xi32>
    %convert_element_type3A_585 = arith.sitofp %convert_element_type3A_584 : vector<128x32xi32> to vector<128x32xf32>
    %dot_general3A_586 = arith.constant dense<0.000000e+00> : vector<128x64xf32>
    %dot_general3A_587 = tpu.matmul %convert_element_type3A_585, %add3A_9, %dot_general3A_586 {dimension_numbers = #tpu.dot_dimension_numbers<[1], [0], [0], [1], [0, 0, 1, 1], [], []>, transpose_lhs_hint = false} : vector<128x32xf32>, vector<32x64xf32>, vector<128x64xf32> -> vector<128x64xf32>
    %swap3A_588 = arith.constant 33 : index
    %swap3A_589 = arith.constant 0 : index
    %swap3A_590 = arith.constant 0 : index
    %swap3A_591 = vector.load %arg5[%swap3A_588, %swap3A_589, %swap3A_590] : memref<200x128x64xf32, #tpu.memory_space<vmem>>, vector<1x128x64xf32>
    %swap3A_592 = vector.shape_cast %swap3A_591 : vector<1x128x64xf32> to vector<128x64xf32>
    %swap3A_593 = vector.shape_cast %dot_general3A_587 : vector<128x64xf32> to vector<1x128x64xf32>
    tpu.vector_store %arg5[%swap3A_588, %swap3A_589, %swap3A_590], %swap3A_593 {strides = array<i32>} : memref<200x128x64xf32, #tpu.memory_space<vmem>>, vector<1x128x64xf32>,
    %get3A_594 = arith.constant 0 : index
    %get3A_595 = arith.constant 34 : index
    %get3A_596 = vector.load %arg6[%get3A_594, %get3A_595] : memref<128x200xf32, #tpu.memory_space<vmem>>, vector<128x1xf32>
    %dot_general3A_597 = arith.constant dense<0.000000e+00> : vector<128x32xf32>
    %dot_general3A_598 = tpu.matmul %get3A_596, %broadcast_in_dim3A_16, %dot_general3A_597 {dimension_numbers = #tpu.dot_dimension_numbers<[1], [0], [0], [1], [0, 0, 1, 1], [], []>, transpose_lhs_hint = false} : vector<128x1xf32>, vector<1x32xf32>, vector<128x32xf32> -> vector<128x32xf32>
    %eq3A_599 = vector.broadcast %convert_element_type3A_15 : vector<1x32xf32> to vector<128x32xf32>
    %eq3A_600 = arith.cmpf oeq, %dot_general3A_598, %eq3A_599 : vector<128x32xf32>
    %convert_element_type3A_601 = arith.extui %eq3A_600 : vector<128x32xi1> to vector<128x32xi32>
    %convert_element_type3A_602 = arith.sitofp %convert_element_type3A_601 : vector<128x32xi32> to vector<128x32xf32>
    %dot_general3A_603 = arith.constant dense<0.000000e+00> : vector<128x64xf32>
    %dot_general3A_604 = tpu.matmul %convert_element_type3A_602, %add3A_9, %dot_general3A_603 {dimension_numbers = #tpu.dot_dimension_numbers<[1], [0], [0], [1], [0, 0, 1, 1], [], []>, transpose_lhs_hint = false} : vector<128x32xf32>, vector<32x64xf32>, vector<128x64xf32> -> vector<128x64xf32>
    %swap3A_605 = arith.constant 34 : index
    %swap3A_606 = arith.constant 0 : index
    %swap3A_607 = arith.constant 0 : index
    %swap3A_608 = vector.load %arg5[%swap3A_605, %swap3A_606, %swap3A_607] : memref<200x128x64xf32, #tpu.memory_space<vmem>>, vector<1x128x64xf32>
    %swap3A_609 = vector.shape_cast %swap3A_608 : vector<1x128x64xf32> to vector<128x64xf32>
    %swap3A_610 = vector.shape_cast %dot_general3A_604 : vector<128x64xf32> to vector<1x128x64xf32>
    tpu.vector_store %arg5[%swap3A_605, %swap3A_606, %swap3A_607], %swap3A_610 {strides = array<i32>} : memref<200x128x64xf32, #tpu.memory_space<vmem>>, vector<1x128x64xf32>,
    %get3A_611 = arith.constant 0 : index
    %get3A_612 = arith.constant 35 : index
    %get3A_613 = vector.load %arg6[%get3A_611, %get3A_612] : memref<128x200xf32, #tpu.memory_space<vmem>>, vector<128x1xf32>
    %dot_general3A_614 = arith.constant dense<0.000000e+00> : vector<128x32xf32>
    %dot_general3A_615 = tpu.matmul %get3A_613, %broadcast_in_dim3A_16, %dot_general3A_614 {dimension_numbers = #tpu.dot_dimension_numbers<[1], [0], [0], [1], [0, 0, 1, 1], [], []>, transpose_lhs_hint = false} : vector<128x1xf32>, vector<1x32xf32>, vector<128x32xf32> -> vector<128x32xf32>
    %eq3A_616 = vector.broadcast %convert_element_type3A_15 : vector<1x32xf32> to vector<128x32xf32>
    %eq3A_617 = arith.cmpf oeq, %dot_general3A_615, %eq3A_616 : vector<128x32xf32>
    %convert_element_type3A_618 = arith.extui %eq3A_617 : vector<128x32xi1> to vector<128x32xi32>
    %convert_element_type3A_619 = arith.sitofp %convert_element_type3A_618 : vector<128x32xi32> to vector<128x32xf32>
    %dot_general3A_620 = arith.constant dense<0.000000e+00> : vector<128x64xf32>
    %dot_general3A_621 = tpu.matmul %convert_element_type3A_619, %add3A_9, %dot_general3A_620 {dimension_numbers = #tpu.dot_dimension_numbers<[1], [0], [0], [1], [0, 0, 1, 1], [], []>, transpose_lhs_hint = false} : vector<128x32xf32>, vector<32x64xf32>, vector<128x64xf32> -> vector<128x64xf32>
    %swap3A_622 = arith.constant 35 : index
    %swap3A_623 = arith.constant 0 : index
    %swap3A_624 = arith.constant 0 : index
    %swap3A_625 = vector.load %arg5[%swap3A_622, %swap3A_623, %swap3A_624] : memref<200x128x64xf32, #tpu.memory_space<vmem>>, vector<1x128x64xf32>
    %swap3A_626 = vector.shape_cast %swap3A_625 : vector<1x128x64xf32> to vector<128x64xf32>
    %swap3A_627 = vector.shape_cast %dot_general3A_621 : vector<128x64xf32> to vector<1x128x64xf32>
    tpu.vector_store %arg5[%swap3A_622, %swap3A_623, %swap3A_624], %swap3A_627 {strides = array<i32>} : memref<200x128x64xf32, #tpu.memory_space<vmem>>, vector<1x128x64xf32>,
    %get3A_628 = arith.constant 0 : index
    %get3A_629 = arith.constant 36 : index
    %get3A_630 = vector.load %arg6[%get3A_628, %get3A_629] : memref<128x200xf32, #tpu.memory_space<vmem>>, vector<128x1xf32>
    %dot_general3A_631 = arith.constant dense<0.000000e+00> : vector<128x32xf32>
    %dot_general3A_632 = tpu.matmul %get3A_630, %broadcast_in_dim3A_16, %dot_general3A_631 {dimension_numbers = #tpu.dot_dimension_numbers<[1], [0], [0], [1], [0, 0, 1, 1], [], []>, transpose_lhs_hint = false} : vector<128x1xf32>, vector<1x32xf32>, vector<128x32xf32> -> vector<128x32xf32>
    %eq3A_633 = vector.broadcast %convert_element_type3A_15 : vector<1x32xf32> to vector<128x32xf32>
    %eq3A_634 = arith.cmpf oeq, %dot_general3A_632, %eq3A_633 : vector<128x32xf32>
    %convert_element_type3A_635 = arith.extui %eq3A_634 : vector<128x32xi1> to vector<128x32xi32>
    %convert_element_type3A_636 = arith.sitofp %convert_element_type3A_635 : vector<128x32xi32> to vector<128x32xf32>
    %dot_general3A_637 = arith.constant dense<0.000000e+00> : vector<128x64xf32>
    %dot_general3A_638 = tpu.matmul %convert_element_type3A_636, %add3A_9, %dot_general3A_637 {dimension_numbers = #tpu.dot_dimension_numbers<[1], [0], [0], [1], [0, 0, 1, 1], [], []>, transpose_lhs_hint = false} : vector<128x32xf32>, vector<32x64xf32>, vector<128x64xf32> -> vector<128x64xf32>
    %swap3A_639 = arith.constant 36 : index
    %swap3A_640 = arith.constant 0 : index
    %swap3A_641 = arith.constant 0 : index
    %swap3A_642 = vector.load %arg5[%swap3A_639, %swap3A_640, %swap3A_641] : memref<200x128x64xf32, #tpu.memory_space<vmem>>, vector<1x128x64xf32>
    %swap3A_643 = vector.shape_cast %swap3A_642 : vector<1x128x64xf32> to vector<128x64xf32>
    %swap3A_644 = vector.shape_cast %dot_general3A_638 : vector<128x64xf32> to vector<1x128x64xf32>
    tpu.vector_store %arg5[%swap3A_639, %swap3A_640, %swap3A_641], %swap3A_644 {strides = array<i32>} : memref<200x128x64xf32, #tpu.memory_space<vmem>>, vector<1x128x64xf32>,
    %get3A_645 = arith.constant 0 : index
    %get3A_646 = arith.constant 37 : index
    %get3A_647 = vector.load %arg6[%get3A_645, %get3A_646] : memref<128x200xf32, #tpu.memory_space<vmem>>, vector<128x1xf32>
    %dot_general3A_648 = arith.constant dense<0.000000e+00> : vector<128x32xf32>
    %dot_general3A_649 = tpu.matmul %get3A_647, %broadcast_in_dim3A_16, %dot_general3A_648 {dimension_numbers = #tpu.dot_dimension_numbers<[1], [0], [0], [1], [0, 0, 1, 1], [], []>, transpose_lhs_hint = false} : vector<128x1xf32>, vector<1x32xf32>, vector<128x32xf32> -> vector<128x32xf32>
    %eq3A_650 = vector.broadcast %convert_element_type3A_15 : vector<1x32xf32> to vector<128x32xf32>
    %eq3A_651 = arith.cmpf oeq, %dot_general3A_649, %eq3A_650 : vector<128x32xf32>
    %convert_element_type3A_652 = arith.extui %eq3A_651 : vector<128x32xi1> to vector<128x32xi32>
    %convert_element_type3A_653 = arith.sitofp %convert_element_type3A_652 : vector<128x32xi32> to vector<128x32xf32>
    %dot_general3A_654 = arith.constant dense<0.000000e+00> : vector<128x64xf32>
    %dot_general3A_655 = tpu.matmul %convert_element_type3A_653, %add3A_9, %dot_general3A_654 {dimension_numbers = #tpu.dot_dimension_numbers<[1], [0], [0], [1], [0, 0, 1, 1], [], []>, transpose_lhs_hint = false} : vector<128x32xf32>, vector<32x64xf32>, vector<128x64xf32> -> vector<128x64xf32>
    %swap3A_656 = arith.constant 37 : index
    %swap3A_657 = arith.constant 0 : index
    %swap3A_658 = arith.constant 0 : index
    %swap3A_659 = vector.load %arg5[%swap3A_656, %swap3A_657, %swap3A_658] : memref<200x128x64xf32, #tpu.memory_space<vmem>>, vector<1x128x64xf32>
    %swap3A_660 = vector.shape_cast %swap3A_659 : vector<1x128x64xf32> to vector<128x64xf32>
    %swap3A_661 = vector.shape_cast %dot_general3A_655 : vector<128x64xf32> to vector<1x128x64xf32>
    tpu.vector_store %arg5[%swap3A_656, %swap3A_657, %swap3A_658], %swap3A_661 {strides = array<i32>} : memref<200x128x64xf32, #tpu.memory_space<vmem>>, vector<1x128x64xf32>,
    %get3A_662 = arith.constant 0 : index
    %get3A_663 = arith.constant 38 : index
    %get3A_664 = vector.load %arg6[%get3A_662, %get3A_663] : memref<128x200xf32, #tpu.memory_space<vmem>>, vector<128x1xf32>
    %dot_general3A_665 = arith.constant dense<0.000000e+00> : vector<128x32xf32>
    %dot_general3A_666 = tpu.matmul %get3A_664, %broadcast_in_dim3A_16, %dot_general3A_665 {dimension_numbers = #tpu.dot_dimension_numbers<[1], [0], [0], [1], [0, 0, 1, 1], [], []>, transpose_lhs_hint = false} : vector<128x1xf32>, vector<1x32xf32>, vector<128x32xf32> -> vector<128x32xf32>
    %eq3A_667 = vector.broadcast %convert_element_type3A_15 : vector<1x32xf32> to vector<128x32xf32>
    %eq3A_668 = arith.cmpf oeq, %dot_general3A_666, %eq3A_667 : vector<128x32xf32>
    %convert_element_type3A_669 = arith.extui %eq3A_668 : vector<128x32xi1> to vector<128x32xi32>
    %convert_element_type3A_670 = arith.sitofp %convert_element_type3A_669 : vector<128x32xi32> to vector<128x32xf32>
    %dot_general3A_671 = arith.constant dense<0.000000e+00> : vector<128x64xf32>
    %dot_general3A_672 = tpu.matmul %convert_element_type3A_670, %add3A_9, %dot_general3A_671 {dimension_numbers = #tpu.dot_dimension_numbers<[1], [0], [0], [1], [0, 0, 1, 1], [], []>, transpose_lhs_hint = false} : vector<128x32xf32>, vector<32x64xf32>, vector<128x64xf32> -> vector<128x64xf32>
    %swap3A_673 = arith.constant 38 : index
    %swap3A_674 = arith.constant 0 : index
    %swap3A_675 = arith.constant 0 : index
    %swap3A_676 = vector.load %arg5[%swap3A_673, %swap3A_674, %swap3A_675] : memref<200x128x64xf32, #tpu.memory_space<vmem>>, vector<1x128x64xf32>
    %swap3A_677 = vector.shape_cast %swap3A_676 : vector<1x128x64xf32> to vector<128x64xf32>
    %swap3A_678 = vector.shape_cast %dot_general3A_672 : vector<128x64xf32> to vector<1x128x64xf32>
    tpu.vector_store %arg5[%swap3A_673, %swap3A_674, %swap3A_675], %swap3A_678 {strides = array<i32>} : memref<200x128x64xf32, #tpu.memory_space<vmem>>, vector<1x128x64xf32>,
    %get3A_679 = arith.constant 0 : index
    %get3A_680 = arith.constant 39 : index
    %get3A_681 = vector.load %arg6[%get3A_679, %get3A_680] : memref<128x200xf32, #tpu.memory_space<vmem>>, vector<128x1xf32>
    %dot_general3A_682 = arith.constant dense<0.000000e+00> : vector<128x32xf32>
    %dot_general3A_683 = tpu.matmul %get3A_681, %broadcast_in_dim3A_16, %dot_general3A_682 {dimension_numbers = #tpu.dot_dimension_numbers<[1], [0], [0], [1], [0, 0, 1, 1], [], []>, transpose_lhs_hint = false} : vector<128x1xf32>, vector<1x32xf32>, vector<128x32xf32> -> vector<128x32xf32>
    %eq3A_684 = vector.broadcast %convert_element_type3A_15 : vector<1x32xf32> to vector<128x32xf32>
    %eq3A_685 = arith.cmpf oeq, %dot_general3A_683, %eq3A_684 : vector<128x32xf32>
    %convert_element_type3A_686 = arith.extui %eq3A_685 : vector<128x32xi1> to vector<128x32xi32>
    %convert_element_type3A_687 = arith.sitofp %convert_element_type3A_686 : vector<128x32xi32> to vector<128x32xf32>
    %dot_general3A_688 = arith.constant dense<0.000000e+00> : vector<128x64xf32>
    %dot_general3A_689 = tpu.matmul %convert_element_type3A_687, %add3A_9, %dot_general3A_688 {dimension_numbers = #tpu.dot_dimension_numbers<[1], [0], [0], [1], [0, 0, 1, 1], [], []>, transpose_lhs_hint = false} : vector<128x32xf32>, vector<32x64xf32>, vector<128x64xf32> -> vector<128x64xf32>
    %swap3A_690 = arith.constant 39 : index
    %swap3A_691 = arith.constant 0 : index
    %swap3A_692 = arith.constant 0 : index
    %swap3A_693 = vector.load %arg5[%swap3A_690, %swap3A_691, %swap3A_692] : memref<200x128x64xf32, #tpu.memory_space<vmem>>, vector<1x128x64xf32>
    %swap3A_694 = vector.shape_cast %swap3A_693 : vector<1x128x64xf32> to vector<128x64xf32>
    %swap3A_695 = vector.shape_cast %dot_general3A_689 : vector<128x64xf32> to vector<1x128x64xf32>
    tpu.vector_store %arg5[%swap3A_690, %swap3A_691, %swap3A_692], %swap3A_695 {strides = array<i32>} : memref<200x128x64xf32, #tpu.memory_space<vmem>>, vector<1x128x64xf32>,
    %get3A_696 = arith.constant 0 : index
    %get3A_697 = arith.constant 40 : index
    %get3A_698 = vector.load %arg6[%get3A_696, %get3A_697] : memref<128x200xf32, #tpu.memory_space<vmem>>, vector<128x1xf32>
    %dot_general3A_699 = arith.constant dense<0.000000e+00> : vector<128x32xf32>
    %dot_general3A_700 = tpu.matmul %get3A_698, %broadcast_in_dim3A_16, %dot_general3A_699 {dimension_numbers = #tpu.dot_dimension_numbers<[1], [0], [0], [1], [0, 0, 1, 1], [], []>, transpose_lhs_hint = false} : vector<128x1xf32>, vector<1x32xf32>, vector<128x32xf32> -> vector<128x32xf32>
    %eq3A_701 = vector.broadcast %convert_element_type3A_15 : vector<1x32xf32> to vector<128x32xf32>
    %eq3A_702 = arith.cmpf oeq, %dot_general3A_700, %eq3A_701 : vector<128x32xf32>
    %convert_element_type3A_703 = arith.extui %eq3A_702 : vector<128x32xi1> to vector<128x32xi32>
    %convert_element_type3A_704 = arith.sitofp %convert_element_type3A_703 : vector<128x32xi32> to vector<128x32xf32>
    %dot_general3A_705 = arith.constant dense<0.000000e+00> : vector<128x64xf32>
    %dot_general3A_706 = tpu.matmul %convert_element_type3A_704, %add3A_9, %dot_general3A_705 {dimension_numbers = #tpu.dot_dimension_numbers<[1], [0], [0], [1], [0, 0, 1, 1], [], []>, transpose_lhs_hint = false} : vector<128x32xf32>, vector<32x64xf32>, vector<128x64xf32> -> vector<128x64xf32>
    %swap3A_707 = arith.constant 40 : index
    %swap3A_708 = arith.constant 0 : index
    %swap3A_709 = arith.constant 0 : index
    %swap3A_710 = vector.load %arg5[%swap3A_707, %swap3A_708, %swap3A_709] : memref<200x128x64xf32, #tpu.memory_space<vmem>>, vector<1x128x64xf32>
    %swap3A_711 = vector.shape_cast %swap3A_710 : vector<1x128x64xf32> to vector<128x64xf32>
    %swap3A_712 = vector.shape_cast %dot_general3A_706 : vector<128x64xf32> to vector<1x128x64xf32>
    tpu.vector_store %arg5[%swap3A_707, %swap3A_708, %swap3A_709], %swap3A_712 {strides = array<i32>} : memref<200x128x64xf32, #tpu.memory_space<vmem>>, vector<1x128x64xf32>,
    %get3A_713 = arith.constant 0 : index
    %get3A_714 = arith.constant 41 : index
    %get3A_715 = vector.load %arg6[%get3A_713, %get3A_714] : memref<128x200xf32, #tpu.memory_space<vmem>>, vector<128x1xf32>
    %dot_general3A_716 = arith.constant dense<0.000000e+00> : vector<128x32xf32>
    %dot_general3A_717 = tpu.matmul %get3A_715, %broadcast_in_dim3A_16, %dot_general3A_716 {dimension_numbers = #tpu.dot_dimension_numbers<[1], [0], [0], [1], [0, 0, 1, 1], [], []>, transpose_lhs_hint = false} : vector<128x1xf32>, vector<1x32xf32>, vector<128x32xf32> -> vector<128x32xf32>
    %eq3A_718 = vector.broadcast %convert_element_type3A_15 : vector<1x32xf32> to vector<128x32xf32>
    %eq3A_719 = arith.cmpf oeq, %dot_general3A_717, %eq3A_718 : vector<128x32xf32>
    %convert_element_type3A_720 = arith.extui %eq3A_719 : vector<128x32xi1> to vector<128x32xi32>
    %convert_element_type3A_721 = arith.sitofp %convert_element_type3A_720 : vector<128x32xi32> to vector<128x32xf32>
    %dot_general3A_722 = arith.constant dense<0.000000e+00> : vector<128x64xf32>
    %dot_general3A_723 = tpu.matmul %convert_element_type3A_721, %add3A_9, %dot_general3A_722 {dimension_numbers = #tpu.dot_dimension_numbers<[1], [0], [0], [1], [0, 0, 1, 1], [], []>, transpose_lhs_hint = false} : vector<128x32xf32>, vector<32x64xf32>, vector<128x64xf32> -> vector<128x64xf32>
    %swap3A_724 = arith.constant 41 : index
    %swap3A_725 = arith.constant 0 : index
    %swap3A_726 = arith.constant 0 : index
    %swap3A_727 = vector.load %arg5[%swap3A_724, %swap3A_725, %swap3A_726] : memref<200x128x64xf32, #tpu.memory_space<vmem>>, vector<1x128x64xf32>
    %swap3A_728 = vector.shape_cast %swap3A_727 : vector<1x128x64xf32> to vector<128x64xf32>
    %swap3A_729 = vector.shape_cast %dot_general3A_723 : vector<128x64xf32> to vector<1x128x64xf32>
    tpu.vector_store %arg5[%swap3A_724, %swap3A_725, %swap3A_726], %swap3A_729 {strides = array<i32>} : memref<200x128x64xf32, #tpu.memory_space<vmem>>, vector<1x128x64xf32>,
    %get3A_730 = arith.constant 0 : index
    %get3A_731 = arith.constant 42 : index
    %get3A_732 = vector.load %arg6[%get3A_730, %get3A_731] : memref<128x200xf32, #tpu.memory_space<vmem>>, vector<128x1xf32>
    %dot_general3A_733 = arith.constant dense<0.000000e+00> : vector<128x32xf32>
    %dot_general3A_734 = tpu.matmul %get3A_732, %broadcast_in_dim3A_16, %dot_general3A_733 {dimension_numbers = #tpu.dot_dimension_numbers<[1], [0], [0], [1], [0, 0, 1, 1], [], []>, transpose_lhs_hint = false} : vector<128x1xf32>, vector<1x32xf32>, vector<128x32xf32> -> vector<128x32xf32>
    %eq3A_735 = vector.broadcast %convert_element_type3A_15 : vector<1x32xf32> to vector<128x32xf32>
    %eq3A_736 = arith.cmpf oeq, %dot_general3A_734, %eq3A_735 : vector<128x32xf32>
    %convert_element_type3A_737 = arith.extui %eq3A_736 : vector<128x32xi1> to vector<128x32xi32>
    %convert_element_type3A_738 = arith.sitofp %convert_element_type3A_737 : vector<128x32xi32> to vector<128x32xf32>
    %dot_general3A_739 = arith.constant dense<0.000000e+00> : vector<128x64xf32>
    %dot_general3A_740 = tpu.matmul %convert_element_type3A_738, %add3A_9, %dot_general3A_739 {dimension_numbers = #tpu.dot_dimension_numbers<[1], [0], [0], [1], [0, 0, 1, 1], [], []>, transpose_lhs_hint = false} : vector<128x32xf32>, vector<32x64xf32>, vector<128x64xf32> -> vector<128x64xf32>
    %swap3A_741 = arith.constant 42 : index
    %swap3A_742 = arith.constant 0 : index
    %swap3A_743 = arith.constant 0 : index
    %swap3A_744 = vector.load %arg5[%swap3A_741, %swap3A_742, %swap3A_743] : memref<200x128x64xf32, #tpu.memory_space<vmem>>, vector<1x128x64xf32>
    %swap3A_745 = vector.shape_cast %swap3A_744 : vector<1x128x64xf32> to vector<128x64xf32>
    %swap3A_746 = vector.shape_cast %dot_general3A_740 : vector<128x64xf32> to vector<1x128x64xf32>
    tpu.vector_store %arg5[%swap3A_741, %swap3A_742, %swap3A_743], %swap3A_746 {strides = array<i32>} : memref<200x128x64xf32, #tpu.memory_space<vmem>>, vector<1x128x64xf32>,
    %get3A_747 = arith.constant 0 : index
    %get3A_748 = arith.constant 43 : index
    %get3A_749 = vector.load %arg6[%get3A_747, %get3A_748] : memref<128x200xf32, #tpu.memory_space<vmem>>, vector<128x1xf32>
    %dot_general3A_750 = arith.constant dense<0.000000e+00> : vector<128x32xf32>
    %dot_general3A_751 = tpu.matmul %get3A_749, %broadcast_in_dim3A_16, %dot_general3A_750 {dimension_numbers = #tpu.dot_dimension_numbers<[1], [0], [0], [1], [0, 0, 1, 1], [], []>, transpose_lhs_hint = false} : vector<128x1xf32>, vector<1x32xf32>, vector<128x32xf32> -> vector<128x32xf32>
    %eq3A_752 = vector.broadcast %convert_element_type3A_15 : vector<1x32xf32> to vector<128x32xf32>
    %eq3A_753 = arith.cmpf oeq, %dot_general3A_751, %eq3A_752 : vector<128x32xf32>
    %convert_element_type3A_754 = arith.extui %eq3A_753 : vector<128x32xi1> to vector<128x32xi32>
    %convert_element_type3A_755 = arith.sitofp %convert_element_type3A_754 : vector<128x32xi32> to vector<128x32xf32>
    %dot_general3A_756 = arith.constant dense<0.000000e+00> : vector<128x64xf32>
    %dot_general3A_757 = tpu.matmul %convert_element_type3A_755, %add3A_9, %dot_general3A_756 {dimension_numbers = #tpu.dot_dimension_numbers<[1], [0], [0], [1], [0, 0, 1, 1], [], []>, transpose_lhs_hint = false} : vector<128x32xf32>, vector<32x64xf32>, vector<128x64xf32> -> vector<128x64xf32>
    %swap3A_758 = arith.constant 43 : index
    %swap3A_759 = arith.constant 0 : index
    %swap3A_760 = arith.constant 0 : index
    %swap3A_761 = vector.load %arg5[%swap3A_758, %swap3A_759, %swap3A_760] : memref<200x128x64xf32, #tpu.memory_space<vmem>>, vector<1x128x64xf32>
    %swap3A_762 = vector.shape_cast %swap3A_761 : vector<1x128x64xf32> to vector<128x64xf32>
    %swap3A_763 = vector.shape_cast %dot_general3A_757 : vector<128x64xf32> to vector<1x128x64xf32>
    tpu.vector_store %arg5[%swap3A_758, %swap3A_759, %swap3A_760], %swap3A_763 {strides = array<i32>} : memref<200x128x64xf32, #tpu.memory_space<vmem>>, vector<1x128x64xf32>,
    %get3A_764 = arith.constant 0 : index
    %get3A_765 = arith.constant 44 : index
    %get3A_766 = vector.load %arg6[%get3A_764, %get3A_765] : memref<128x200xf32, #tpu.memory_space<vmem>>, vector<128x1xf32>
    %dot_general3A_767 = arith.constant dense<0.000000e+00> : vector<128x32xf32>
    %dot_general3A_768 = tpu.matmul %get3A_766, %broadcast_in_dim3A_16, %dot_general3A_767 {dimension_numbers = #tpu.dot_dimension_numbers<[1], [0], [0], [1], [0, 0, 1, 1], [], []>, transpose_lhs_hint = false} : vector<128x1xf32>, vector<1x32xf32>, vector<128x32xf32> -> vector<128x32xf32>
    %eq3A_769 = vector.broadcast %convert_element_type3A_15 : vector<1x32xf32> to vector<128x32xf32>
    %eq3A_770 = arith.cmpf oeq, %dot_general3A_768, %eq3A_769 : vector<128x32xf32>
    %convert_element_type3A_771 = arith.extui %eq3A_770 : vector<128x32xi1> to vector<128x32xi32>
    %convert_element_type3A_772 = arith.sitofp %convert_element_type3A_771 : vector<128x32xi32> to vector<128x32xf32>
    %dot_general3A_773 = arith.constant dense<0.000000e+00> : vector<128x64xf32>
    %dot_general3A_774 = tpu.matmul %convert_element_type3A_772, %add3A_9, %dot_general3A_773 {dimension_numbers = #tpu.dot_dimension_numbers<[1], [0], [0], [1], [0, 0, 1, 1], [], []>, transpose_lhs_hint = false} : vector<128x32xf32>, vector<32x64xf32>, vector<128x64xf32> -> vector<128x64xf32>
    %swap3A_775 = arith.constant 44 : index
    %swap3A_776 = arith.constant 0 : index
    %swap3A_777 = arith.constant 0 : index
    %swap3A_778 = vector.load %arg5[%swap3A_775, %swap3A_776, %swap3A_777] : memref<200x128x64xf32, #tpu.memory_space<vmem>>, vector<1x128x64xf32>
    %swap3A_779 = vector.shape_cast %swap3A_778 : vector<1x128x64xf32> to vector<128x64xf32>
    %swap3A_780 = vector.shape_cast %dot_general3A_774 : vector<128x64xf32> to vector<1x128x64xf32>
    tpu.vector_store %arg5[%swap3A_775, %swap3A_776, %swap3A_777], %swap3A_780 {strides = array<i32>} : memref<200x128x64xf32, #tpu.memory_space<vmem>>, vector<1x128x64xf32>,
    %get3A_781 = arith.constant 0 : index
    %get3A_782 = arith.constant 45 : index
    %get3A_783 = vector.load %arg6[%get3A_781, %get3A_782] : memref<128x200xf32, #tpu.memory_space<vmem>>, vector<128x1xf32>
    %dot_general3A_784 = arith.constant dense<0.000000e+00> : vector<128x32xf32>
    %dot_general3A_785 = tpu.matmul %get3A_783, %broadcast_in_dim3A_16, %dot_general3A_784 {dimension_numbers = #tpu.dot_dimension_numbers<[1], [0], [0], [1], [0, 0, 1, 1], [], []>, transpose_lhs_hint = false} : vector<128x1xf32>, vector<1x32xf32>, vector<128x32xf32> -> vector<128x32xf32>
    %eq3A_786 = vector.broadcast %convert_element_type3A_15 : vector<1x32xf32> to vector<128x32xf32>
    %eq3A_787 = arith.cmpf oeq, %dot_general3A_785, %eq3A_786 : vector<128x32xf32>
    %convert_element_type3A_788 = arith.extui %eq3A_787 : vector<128x32xi1> to vector<128x32xi32>
    %convert_element_type3A_789 = arith.sitofp %convert_element_type3A_788 : vector<128x32xi32> to vector<128x32xf32>
    %dot_general3A_790 = arith.constant dense<0.000000e+00> : vector<128x64xf32>
    %dot_general3A_791 = tpu.matmul %convert_element_type3A_789, %add3A_9, %dot_general3A_790 {dimension_numbers = #tpu.dot_dimension_numbers<[1], [0], [0], [1], [0, 0, 1, 1], [], []>, transpose_lhs_hint = false} : vector<128x32xf32>, vector<32x64xf32>, vector<128x64xf32> -> vector<128x64xf32>
    %swap3A_792 = arith.constant 45 : index
    %swap3A_793 = arith.constant 0 : index
    %swap3A_794 = arith.constant 0 : index
    %swap3A_795 = vector.load %arg5[%swap3A_792, %swap3A_793, %swap3A_794] : memref<200x128x64xf32, #tpu.memory_space<vmem>>, vector<1x128x64xf32>
    %swap3A_796 = vector.shape_cast %swap3A_795 : vector<1x128x64xf32> to vector<128x64xf32>
    %swap3A_797 = vector.shape_cast %dot_general3A_791 : vector<128x64xf32> to vector<1x128x64xf32>
    tpu.vector_store %arg5[%swap3A_792, %swap3A_793, %swap3A_794], %swap3A_797 {strides = array<i32>} : memref<200x128x64xf32, #tpu.memory_space<vmem>>, vector<1x128x64xf32>,
    %get3A_798 = arith.constant 0 : index
    %get3A_799 = arith.constant 46 : index
    %get3A_800 = vector.load %arg6[%get3A_798, %get3A_799] : memref<128x200xf32, #tpu.memory_space<vmem>>, vector<128x1xf32>
    %dot_general3A_801 = arith.constant dense<0.000000e+00> : vector<128x32xf32>
    %dot_general3A_802 = tpu.matmul %get3A_800, %broadcast_in_dim3A_16, %dot_general3A_801 {dimension_numbers = #tpu.dot_dimension_numbers<[1], [0], [0], [1], [0, 0, 1, 1], [], []>, transpose_lhs_hint = false} : vector<128x1xf32>, vector<1x32xf32>, vector<128x32xf32> -> vector<128x32xf32>
    %eq3A_803 = vector.broadcast %convert_element_type3A_15 : vector<1x32xf32> to vector<128x32xf32>
    %eq3A_804 = arith.cmpf oeq, %dot_general3A_802, %eq3A_803 : vector<128x32xf32>
    %convert_element_type3A_805 = arith.extui %eq3A_804 : vector<128x32xi1> to vector<128x32xi32>
    %convert_element_type3A_806 = arith.sitofp %convert_element_type3A_805 : vector<128x32xi32> to vector<128x32xf32>
    %dot_general3A_807 = arith.constant dense<0.000000e+00> : vector<128x64xf32>
    %dot_general3A_808 = tpu.matmul %convert_element_type3A_806, %add3A_9, %dot_general3A_807 {dimension_numbers = #tpu.dot_dimension_numbers<[1], [0], [0], [1], [0, 0, 1, 1], [], []>, transpose_lhs_hint = false} : vector<128x32xf32>, vector<32x64xf32>, vector<128x64xf32> -> vector<128x64xf32>
    %swap3A_809 = arith.constant 46 : index
    %swap3A_810 = arith.constant 0 : index
    %swap3A_811 = arith.constant 0 : index
    %swap3A_812 = vector.load %arg5[%swap3A_809, %swap3A_810, %swap3A_811] : memref<200x128x64xf32, #tpu.memory_space<vmem>>, vector<1x128x64xf32>
    %swap3A_813 = vector.shape_cast %swap3A_812 : vector<1x128x64xf32> to vector<128x64xf32>
    %swap3A_814 = vector.shape_cast %dot_general3A_808 : vector<128x64xf32> to vector<1x128x64xf32>
    tpu.vector_store %arg5[%swap3A_809, %swap3A_810, %swap3A_811], %swap3A_814 {strides = array<i32>} : memref<200x128x64xf32, #tpu.memory_space<vmem>>, vector<1x128x64xf32>,
    %get3A_815 = arith.constant 0 : index
    %get3A_816 = arith.constant 47 : index
    %get3A_817 = vector.load %arg6[%get3A_815, %get3A_816] : memref<128x200xf32, #tpu.memory_space<vmem>>, vector<128x1xf32>
    %dot_general3A_818 = arith.constant dense<0.000000e+00> : vector<128x32xf32>
    %dot_general3A_819 = tpu.matmul %get3A_817, %broadcast_in_dim3A_16, %dot_general3A_818 {dimension_numbers = #tpu.dot_dimension_numbers<[1], [0], [0], [1], [0, 0, 1, 1], [], []>, transpose_lhs_hint = false} : vector<128x1xf32>, vector<1x32xf32>, vector<128x32xf32> -> vector<128x32xf32>
    %eq3A_820 = vector.broadcast %convert_element_type3A_15 : vector<1x32xf32> to vector<128x32xf32>
    %eq3A_821 = arith.cmpf oeq, %dot_general3A_819, %eq3A_820 : vector<128x32xf32>
    %convert_element_type3A_822 = arith.extui %eq3A_821 : vector<128x32xi1> to vector<128x32xi32>
    %convert_element_type3A_823 = arith.sitofp %convert_element_type3A_822 : vector<128x32xi32> to vector<128x32xf32>
    %dot_general3A_824 = arith.constant dense<0.000000e+00> : vector<128x64xf32>
    %dot_general3A_825 = tpu.matmul %convert_element_type3A_823, %add3A_9, %dot_general3A_824 {dimension_numbers = #tpu.dot_dimension_numbers<[1], [0], [0], [1], [0, 0, 1, 1], [], []>, transpose_lhs_hint = false} : vector<128x32xf32>, vector<32x64xf32>, vector<128x64xf32> -> vector<128x64xf32>
    %swap3A_826 = arith.constant 47 : index
    %swap3A_827 = arith.constant 0 : index
    %swap3A_828 = arith.constant 0 : index
    %swap3A_829 = vector.load %arg5[%swap3A_826, %swap3A_827, %swap3A_828] : memref<200x128x64xf32, #tpu.memory_space<vmem>>, vector<1x128x64xf32>
    %swap3A_830 = vector.shape_cast %swap3A_829 : vector<1x128x64xf32> to vector<128x64xf32>
    %swap3A_831 = vector.shape_cast %dot_general3A_825 : vector<128x64xf32> to vector<1x128x64xf32>
    tpu.vector_store %arg5[%swap3A_826, %swap3A_827, %swap3A_828], %swap3A_831 {strides = array<i32>} : memref<200x128x64xf32, #tpu.memory_space<vmem>>, vector<1x128x64xf32>,
    %get3A_832 = arith.constant 0 : index
    %get3A_833 = arith.constant 48 : index
    %get3A_834 = vector.load %arg6[%get3A_832, %get3A_833] : memref<128x200xf32, #tpu.memory_space<vmem>>, vector<128x1xf32>
    %dot_general3A_835 = arith.constant dense<0.000000e+00> : vector<128x32xf32>
    %dot_general3A_836 = tpu.matmul %get3A_834, %broadcast_in_dim3A_16, %dot_general3A_835 {dimension_numbers = #tpu.dot_dimension_numbers<[1], [0], [0], [1], [0, 0, 1, 1], [], []>, transpose_lhs_hint = false} : vector<128x1xf32>, vector<1x32xf32>, vector<128x32xf32> -> vector<128x32xf32>
    %eq3A_837 = vector.broadcast %convert_element_type3A_15 : vector<1x32xf32> to vector<128x32xf32>
    %eq3A_838 = arith.cmpf oeq, %dot_general3A_836, %eq3A_837 : vector<128x32xf32>
    %convert_element_type3A_839 = arith.extui %eq3A_838 : vector<128x32xi1> to vector<128x32xi32>
    %convert_element_type3A_840 = arith.sitofp %convert_element_type3A_839 : vector<128x32xi32> to vector<128x32xf32>
    %dot_general3A_841 = arith.constant dense<0.000000e+00> : vector<128x64xf32>
    %dot_general3A_842 = tpu.matmul %convert_element_type3A_840, %add3A_9, %dot_general3A_841 {dimension_numbers = #tpu.dot_dimension_numbers<[1], [0], [0], [1], [0, 0, 1, 1], [], []>, transpose_lhs_hint = false} : vector<128x32xf32>, vector<32x64xf32>, vector<128x64xf32> -> vector<128x64xf32>
    %swap3A_843 = arith.constant 48 : index
    %swap3A_844 = arith.constant 0 : index
    %swap3A_845 = arith.constant 0 : index
    %swap3A_846 = vector.load %arg5[%swap3A_843, %swap3A_844, %swap3A_845] : memref<200x128x64xf32, #tpu.memory_space<vmem>>, vector<1x128x64xf32>
    %swap3A_847 = vector.shape_cast %swap3A_846 : vector<1x128x64xf32> to vector<128x64xf32>
    %swap3A_848 = vector.shape_cast %dot_general3A_842 : vector<128x64xf32> to vector<1x128x64xf32>
    tpu.vector_store %arg5[%swap3A_843, %swap3A_844, %swap3A_845], %swap3A_848 {strides = array<i32>} : memref<200x128x64xf32, #tpu.memory_space<vmem>>, vector<1x128x64xf32>,
    %get3A_849 = arith.constant 0 : index
    %get3A_850 = arith.constant 49 : index
    %get3A_851 = vector.load %arg6[%get3A_849, %get3A_850] : memref<128x200xf32, #tpu.memory_space<vmem>>, vector<128x1xf32>
    %dot_general3A_852 = arith.constant dense<0.000000e+00> : vector<128x32xf32>
    %dot_general3A_853 = tpu.matmul %get3A_851, %broadcast_in_dim3A_16, %dot_general3A_852 {dimension_numbers = #tpu.dot_dimension_numbers<[1], [0], [0], [1], [0, 0, 1, 1], [], []>, transpose_lhs_hint = false} : vector<128x1xf32>, vector<1x32xf32>, vector<128x32xf32> -> vector<128x32xf32>
    %eq3A_854 = vector.broadcast %convert_element_type3A_15 : vector<1x32xf32> to vector<128x32xf32>
    %eq3A_855 = arith.cmpf oeq, %dot_general3A_853, %eq3A_854 : vector<128x32xf32>
    %convert_element_type3A_856 = arith.extui %eq3A_855 : vector<128x32xi1> to vector<128x32xi32>
    %convert_element_type3A_857 = arith.sitofp %convert_element_type3A_856 : vector<128x32xi32> to vector<128x32xf32>
    %dot_general3A_858 = arith.constant dense<0.000000e+00> : vector<128x64xf32>
    %dot_general3A_859 = tpu.matmul %convert_element_type3A_857, %add3A_9, %dot_general3A_858 {dimension_numbers = #tpu.dot_dimension_numbers<[1], [0], [0], [1], [0, 0, 1, 1], [], []>, transpose_lhs_hint = false} : vector<128x32xf32>, vector<32x64xf32>, vector<128x64xf32> -> vector<128x64xf32>
    %swap3A_860 = arith.constant 49 : index
    %swap3A_861 = arith.constant 0 : index
    %swap3A_862 = arith.constant 0 : index
    %swap3A_863 = vector.load %arg5[%swap3A_860, %swap3A_861, %swap3A_862] : memref<200x128x64xf32, #tpu.memory_space<vmem>>, vector<1x128x64xf32>
    %swap3A_864 = vector.shape_cast %swap3A_863 : vector<1x128x64xf32> to vector<128x64xf32>
    %swap3A_865 = vector.shape_cast %dot_general3A_859 : vector<128x64xf32> to vector<1x128x64xf32>
    tpu.vector_store %arg5[%swap3A_860, %swap3A_861, %swap3A_862], %swap3A_865 {strides = array<i32>} : memref<200x128x64xf32, #tpu.memory_space<vmem>>, vector<1x128x64xf32>,
    %get3A_866 = arith.constant 0 : index
    %get3A_867 = arith.constant 50 : index
    %get3A_868 = vector.load %arg6[%get3A_866, %get3A_867] : memref<128x200xf32, #tpu.memory_space<vmem>>, vector<128x1xf32>
    %dot_general3A_869 = arith.constant dense<0.000000e+00> : vector<128x32xf32>
    %dot_general3A_870 = tpu.matmul %get3A_868, %broadcast_in_dim3A_16, %dot_general3A_869 {dimension_numbers = #tpu.dot_dimension_numbers<[1], [0], [0], [1], [0, 0, 1, 1], [], []>, transpose_lhs_hint = false} : vector<128x1xf32>, vector<1x32xf32>, vector<128x32xf32> -> vector<128x32xf32>
    %eq3A_871 = vector.broadcast %convert_element_type3A_15 : vector<1x32xf32> to vector<128x32xf32>
    %eq3A_872 = arith.cmpf oeq, %dot_general3A_870, %eq3A_871 : vector<128x32xf32>
    %convert_element_type3A_873 = arith.extui %eq3A_872 : vector<128x32xi1> to vector<128x32xi32>
    %convert_element_type3A_874 = arith.sitofp %convert_element_type3A_873 : vector<128x32xi32> to vector<128x32xf32>
    %dot_general3A_875 = arith.constant dense<0.000000e+00> : vector<128x64xf32>
    %dot_general3A_876 = tpu.matmul %convert_element_type3A_874, %add3A_9, %dot_general3A_875 {dimension_numbers = #tpu.dot_dimension_numbers<[1], [0], [0], [1], [0, 0, 1, 1], [], []>, transpose_lhs_hint = false} : vector<128x32xf32>, vector<32x64xf32>, vector<128x64xf32> -> vector<128x64xf32>
    %swap3A_877 = arith.constant 50 : index
    %swap3A_878 = arith.constant 0 : index
    %swap3A_879 = arith.constant 0 : index
    %swap3A_880 = vector.load %arg5[%swap3A_877, %swap3A_878, %swap3A_879] : memref<200x128x64xf32, #tpu.memory_space<vmem>>, vector<1x128x64xf32>
    %swap3A_881 = vector.shape_cast %swap3A_880 : vector<1x128x64xf32> to vector<128x64xf32>
    %swap3A_882 = vector.shape_cast %dot_general3A_876 : vector<128x64xf32> to vector<1x128x64xf32>
    tpu.vector_store %arg5[%swap3A_877, %swap3A_878, %swap3A_879], %swap3A_882 {strides = array<i32>} : memref<200x128x64xf32, #tpu.memory_space<vmem>>, vector<1x128x64xf32>,
    %get3A_883 = arith.constant 0 : index
    %get3A_884 = arith.constant 51 : index
    %get3A_885 = vector.load %arg6[%get3A_883, %get3A_884] : memref<128x200xf32, #tpu.memory_space<vmem>>, vector<128x1xf32>
    %dot_general3A_886 = arith.constant dense<0.000000e+00> : vector<128x32xf32>
    %dot_general3A_887 = tpu.matmul %get3A_885, %broadcast_in_dim3A_16, %dot_general3A_886 {dimension_numbers = #tpu.dot_dimension_numbers<[1], [0], [0], [1], [0, 0, 1, 1], [], []>, transpose_lhs_hint = false} : vector<128x1xf32>, vector<1x32xf32>, vector<128x32xf32> -> vector<128x32xf32>
    %eq3A_888 = vector.broadcast %convert_element_type3A_15 : vector<1x32xf32> to vector<128x32xf32>
    %eq3A_889 = arith.cmpf oeq, %dot_general3A_887, %eq3A_888 : vector<128x32xf32>
    %convert_element_type3A_890 = arith.extui %eq3A_889 : vector<128x32xi1> to vector<128x32xi32>
    %convert_element_type3A_891 = arith.sitofp %convert_element_type3A_890 : vector<128x32xi32> to vector<128x32xf32>
    %dot_general3A_892 = arith.constant dense<0.000000e+00> : vector<128x64xf32>
    %dot_general3A_893 = tpu.matmul %convert_element_type3A_891, %add3A_9, %dot_general3A_892 {dimension_numbers = #tpu.dot_dimension_numbers<[1], [0], [0], [1], [0, 0, 1, 1], [], []>, transpose_lhs_hint = false} : vector<128x32xf32>, vector<32x64xf32>, vector<128x64xf32> -> vector<128x64xf32>
    %swap3A_894 = arith.constant 51 : index
    %swap3A_895 = arith.constant 0 : index
    %swap3A_896 = arith.constant 0 : index
    %swap3A_897 = vector.load %arg5[%swap3A_894, %swap3A_895, %swap3A_896] : memref<200x128x64xf32, #tpu.memory_space<vmem>>, vector<1x128x64xf32>
    %swap3A_898 = vector.shape_cast %swap3A_897 : vector<1x128x64xf32> to vector<128x64xf32>
    %swap3A_899 = vector.shape_cast %dot_general3A_893 : vector<128x64xf32> to vector<1x128x64xf32>
    tpu.vector_store %arg5[%swap3A_894, %swap3A_895, %swap3A_896], %swap3A_899 {strides = array<i32>} : memref<200x128x64xf32, #tpu.memory_space<vmem>>, vector<1x128x64xf32>,
    %get3A_900 = arith.constant 0 : index
    %get3A_901 = arith.constant 52 : index
    %get3A_902 = vector.load %arg6[%get3A_900, %get3A_901] : memref<128x200xf32, #tpu.memory_space<vmem>>, vector<128x1xf32>
    %dot_general3A_903 = arith.constant dense<0.000000e+00> : vector<128x32xf32>
    %dot_general3A_904 = tpu.matmul %get3A_902, %broadcast_in_dim3A_16, %dot_general3A_903 {dimension_numbers = #tpu.dot_dimension_numbers<[1], [0], [0], [1], [0, 0, 1, 1], [], []>, transpose_lhs_hint = false} : vector<128x1xf32>, vector<1x32xf32>, vector<128x32xf32> -> vector<128x32xf32>
    %eq3A_905 = vector.broadcast %convert_element_type3A_15 : vector<1x32xf32> to vector<128x32xf32>
    %eq3A_906 = arith.cmpf oeq, %dot_general3A_904, %eq3A_905 : vector<128x32xf32>
    %convert_element_type3A_907 = arith.extui %eq3A_906 : vector<128x32xi1> to vector<128x32xi32>
    %convert_element_type3A_908 = arith.sitofp %convert_element_type3A_907 : vector<128x32xi32> to vector<128x32xf32>
    %dot_general3A_909 = arith.constant dense<0.000000e+00> : vector<128x64xf32>
    %dot_general3A_910 = tpu.matmul %convert_element_type3A_908, %add3A_9, %dot_general3A_909 {dimension_numbers = #tpu.dot_dimension_numbers<[1], [0], [0], [1], [0, 0, 1, 1], [], []>, transpose_lhs_hint = false} : vector<128x32xf32>, vector<32x64xf32>, vector<128x64xf32> -> vector<128x64xf32>
    %swap3A_911 = arith.constant 52 : index
    %swap3A_912 = arith.constant 0 : index
    %swap3A_913 = arith.constant 0 : index
    %swap3A_914 = vector.load %arg5[%swap3A_911, %swap3A_912, %swap3A_913] : memref<200x128x64xf32, #tpu.memory_space<vmem>>, vector<1x128x64xf32>
    %swap3A_915 = vector.shape_cast %swap3A_914 : vector<1x128x64xf32> to vector<128x64xf32>
    %swap3A_916 = vector.shape_cast %dot_general3A_910 : vector<128x64xf32> to vector<1x128x64xf32>
    tpu.vector_store %arg5[%swap3A_911, %swap3A_912, %swap3A_913], %swap3A_916 {strides = array<i32>} : memref<200x128x64xf32, #tpu.memory_space<vmem>>, vector<1x128x64xf32>,
    %get3A_917 = arith.constant 0 : index
    %get3A_918 = arith.constant 53 : index
    %get3A_919 = vector.load %arg6[%get3A_917, %get3A_918] : memref<128x200xf32, #tpu.memory_space<vmem>>, vector<128x1xf32>
    %dot_general3A_920 = arith.constant dense<0.000000e+00> : vector<128x32xf32>
    %dot_general3A_921 = tpu.matmul %get3A_919, %broadcast_in_dim3A_16, %dot_general3A_920 {dimension_numbers = #tpu.dot_dimension_numbers<[1], [0], [0], [1], [0, 0, 1, 1], [], []>, transpose_lhs_hint = false} : vector<128x1xf32>, vector<1x32xf32>, vector<128x32xf32> -> vector<128x32xf32>
    %eq3A_922 = vector.broadcast %convert_element_type3A_15 : vector<1x32xf32> to vector<128x32xf32>
    %eq3A_923 = arith.cmpf oeq, %dot_general3A_921, %eq3A_922 : vector<128x32xf32>
    %convert_element_type3A_924 = arith.extui %eq3A_923 : vector<128x32xi1> to vector<128x32xi32>
    %convert_element_type3A_925 = arith.sitofp %convert_element_type3A_924 : vector<128x32xi32> to vector<128x32xf32>
    %dot_general3A_926 = arith.constant dense<0.000000e+00> : vector<128x64xf32>
    %dot_general3A_927 = tpu.matmul %convert_element_type3A_925, %add3A_9, %dot_general3A_926 {dimension_numbers = #tpu.dot_dimension_numbers<[1], [0], [0], [1], [0, 0, 1, 1], [], []>, transpose_lhs_hint = false} : vector<128x32xf32>, vector<32x64xf32>, vector<128x64xf32> -> vector<128x64xf32>
    %swap3A_928 = arith.constant 53 : index
    %swap3A_929 = arith.constant 0 : index
    %swap3A_930 = arith.constant 0 : index
    %swap3A_931 = vector.load %arg5[%swap3A_928, %swap3A_929, %swap3A_930] : memref<200x128x64xf32, #tpu.memory_space<vmem>>, vector<1x128x64xf32>
    %swap3A_932 = vector.shape_cast %swap3A_931 : vector<1x128x64xf32> to vector<128x64xf32>
    %swap3A_933 = vector.shape_cast %dot_general3A_927 : vector<128x64xf32> to vector<1x128x64xf32>
    tpu.vector_store %arg5[%swap3A_928, %swap3A_929, %swap3A_930], %swap3A_933 {strides = array<i32>} : memref<200x128x64xf32, #tpu.memory_space<vmem>>, vector<1x128x64xf32>,
    %get3A_934 = arith.constant 0 : index
    %get3A_935 = arith.constant 54 : index
    %get3A_936 = vector.load %arg6[%get3A_934, %get3A_935] : memref<128x200xf32, #tpu.memory_space<vmem>>, vector<128x1xf32>
    %dot_general3A_937 = arith.constant dense<0.000000e+00> : vector<128x32xf32>
    %dot_general3A_938 = tpu.matmul %get3A_936, %broadcast_in_dim3A_16, %dot_general3A_937 {dimension_numbers = #tpu.dot_dimension_numbers<[1], [0], [0], [1], [0, 0, 1, 1], [], []>, transpose_lhs_hint = false} : vector<128x1xf32>, vector<1x32xf32>, vector<128x32xf32> -> vector<128x32xf32>
    %eq3A_939 = vector.broadcast %convert_element_type3A_15 : vector<1x32xf32> to vector<128x32xf32>
    %eq3A_940 = arith.cmpf oeq, %dot_general3A_938, %eq3A_939 : vector<128x32xf32>
    %convert_element_type3A_941 = arith.extui %eq3A_940 : vector<128x32xi1> to vector<128x32xi32>
    %convert_element_type3A_942 = arith.sitofp %convert_element_type3A_941 : vector<128x32xi32> to vector<128x32xf32>
    %dot_general3A_943 = arith.constant dense<0.000000e+00> : vector<128x64xf32>
    %dot_general3A_944 = tpu.matmul %convert_element_type3A_942, %add3A_9, %dot_general3A_943 {dimension_numbers = #tpu.dot_dimension_numbers<[1], [0], [0], [1], [0, 0, 1, 1], [], []>, transpose_lhs_hint = false} : vector<128x32xf32>, vector<32x64xf32>, vector<128x64xf32> -> vector<128x64xf32>
    %swap3A_945 = arith.constant 54 : index
    %swap3A_946 = arith.constant 0 : index
    %swap3A_947 = arith.constant 0 : index
    %swap3A_948 = vector.load %arg5[%swap3A_945, %swap3A_946, %swap3A_947] : memref<200x128x64xf32, #tpu.memory_space<vmem>>, vector<1x128x64xf32>
    %swap3A_949 = vector.shape_cast %swap3A_948 : vector<1x128x64xf32> to vector<128x64xf32>
    %swap3A_950 = vector.shape_cast %dot_general3A_944 : vector<128x64xf32> to vector<1x128x64xf32>
    tpu.vector_store %arg5[%swap3A_945, %swap3A_946, %swap3A_947], %swap3A_950 {strides = array<i32>} : memref<200x128x64xf32, #tpu.memory_space<vmem>>, vector<1x128x64xf32>,
    %get3A_951 = arith.constant 0 : index
    %get3A_952 = arith.constant 55 : index
    %get3A_953 = vector.load %arg6[%get3A_951, %get3A_952] : memref<128x200xf32, #tpu.memory_space<vmem>>, vector<128x1xf32>
    %dot_general3A_954 = arith.constant dense<0.000000e+00> : vector<128x32xf32>
    %dot_general3A_955 = tpu.matmul %get3A_953, %broadcast_in_dim3A_16, %dot_general3A_954 {dimension_numbers = #tpu.dot_dimension_numbers<[1], [0], [0], [1], [0, 0, 1, 1], [], []>, transpose_lhs_hint = false} : vector<128x1xf32>, vector<1x32xf32>, vector<128x32xf32> -> vector<128x32xf32>
    %eq3A_956 = vector.broadcast %convert_element_type3A_15 : vector<1x32xf32> to vector<128x32xf32>
    %eq3A_957 = arith.cmpf oeq, %dot_general3A_955, %eq3A_956 : vector<128x32xf32>
    %convert_element_type3A_958 = arith.extui %eq3A_957 : vector<128x32xi1> to vector<128x32xi32>
    %convert_element_type3A_959 = arith.sitofp %convert_element_type3A_958 : vector<128x32xi32> to vector<128x32xf32>
    %dot_general3A_960 = arith.constant dense<0.000000e+00> : vector<128x64xf32>
    %dot_general3A_961 = tpu.matmul %convert_element_type3A_959, %add3A_9, %dot_general3A_960 {dimension_numbers = #tpu.dot_dimension_numbers<[1], [0], [0], [1], [0, 0, 1, 1], [], []>, transpose_lhs_hint = false} : vector<128x32xf32>, vector<32x64xf32>, vector<128x64xf32> -> vector<128x64xf32>
    %swap3A_962 = arith.constant 55 : index
    %swap3A_963 = arith.constant 0 : index
    %swap3A_964 = arith.constant 0 : index
    %swap3A_965 = vector.load %arg5[%swap3A_962, %swap3A_963, %swap3A_964] : memref<200x128x64xf32, #tpu.memory_space<vmem>>, vector<1x128x64xf32>
    %swap3A_966 = vector.shape_cast %swap3A_965 : vector<1x128x64xf32> to vector<128x64xf32>
    %swap3A_967 = vector.shape_cast %dot_general3A_961 : vector<128x64xf32> to vector<1x128x64xf32>
    tpu.vector_store %arg5[%swap3A_962, %swap3A_963, %swap3A_964], %swap3A_967 {strides = array<i32>} : memref<200x128x64xf32, #tpu.memory_space<vmem>>, vector<1x128x64xf32>,
    %get3A_968 = arith.constant 0 : index
    %get3A_969 = arith.constant 56 : index
    %get3A_970 = vector.load %arg6[%get3A_968, %get3A_969] : memref<128x200xf32, #tpu.memory_space<vmem>>, vector<128x1xf32>
    %dot_general3A_971 = arith.constant dense<0.000000e+00> : vector<128x32xf32>
    %dot_general3A_972 = tpu.matmul %get3A_970, %broadcast_in_dim3A_16, %dot_general3A_971 {dimension_numbers = #tpu.dot_dimension_numbers<[1], [0], [0], [1], [0, 0, 1, 1], [], []>, transpose_lhs_hint = false} : vector<128x1xf32>, vector<1x32xf32>, vector<128x32xf32> -> vector<128x32xf32>
    %eq3A_973 = vector.broadcast %convert_element_type3A_15 : vector<1x32xf32> to vector<128x32xf32>
    %eq3A_974 = arith.cmpf oeq, %dot_general3A_972, %eq3A_973 : vector<128x32xf32>
    %convert_element_type3A_975 = arith.extui %eq3A_974 : vector<128x32xi1> to vector<128x32xi32>
    %convert_element_type3A_976 = arith.sitofp %convert_element_type3A_975 : vector<128x32xi32> to vector<128x32xf32>
    %dot_general3A_977 = arith.constant dense<0.000000e+00> : vector<128x64xf32>
    %dot_general3A_978 = tpu.matmul %convert_element_type3A_976, %add3A_9, %dot_general3A_977 {dimension_numbers = #tpu.dot_dimension_numbers<[1], [0], [0], [1], [0, 0, 1, 1], [], []>, transpose_lhs_hint = false} : vector<128x32xf32>, vector<32x64xf32>, vector<128x64xf32> -> vector<128x64xf32>
    %swap3A_979 = arith.constant 56 : index
    %swap3A_980 = arith.constant 0 : index
    %swap3A_981 = arith.constant 0 : index
    %swap3A_982 = vector.load %arg5[%swap3A_979, %swap3A_980, %swap3A_981] : memref<200x128x64xf32, #tpu.memory_space<vmem>>, vector<1x128x64xf32>
    %swap3A_983 = vector.shape_cast %swap3A_982 : vector<1x128x64xf32> to vector<128x64xf32>
    %swap3A_984 = vector.shape_cast %dot_general3A_978 : vector<128x64xf32> to vector<1x128x64xf32>
    tpu.vector_store %arg5[%swap3A_979, %swap3A_980, %swap3A_981], %swap3A_984 {strides = array<i32>} : memref<200x128x64xf32, #tpu.memory_space<vmem>>, vector<1x128x64xf32>,
    %get3A_985 = arith.constant 0 : index
    %get3A_986 = arith.constant 57 : index
    %get3A_987 = vector.load %arg6[%get3A_985, %get3A_986] : memref<128x200xf32, #tpu.memory_space<vmem>>, vector<128x1xf32>
    %dot_general3A_988 = arith.constant dense<0.000000e+00> : vector<128x32xf32>
    %dot_general3A_989 = tpu.matmul %get3A_987, %broadcast_in_dim3A_16, %dot_general3A_988 {dimension_numbers = #tpu.dot_dimension_numbers<[1], [0], [0], [1], [0, 0, 1, 1], [], []>, transpose_lhs_hint = false} : vector<128x1xf32>, vector<1x32xf32>, vector<128x32xf32> -> vector<128x32xf32>
    %eq3A_990 = vector.broadcast %convert_element_type3A_15 : vector<1x32xf32> to vector<128x32xf32>
    %eq3A_991 = arith.cmpf oeq, %dot_general3A_989, %eq3A_990 : vector<128x32xf32>
    %convert_element_type3A_992 = arith.extui %eq3A_991 : vector<128x32xi1> to vector<128x32xi32>
    %convert_element_type3A_993 = arith.sitofp %convert_element_type3A_992 : vector<128x32xi32> to vector<128x32xf32>
    %dot_general3A_994 = arith.constant dense<0.000000e+00> : vector<128x64xf32>
    %dot_general3A_995 = tpu.matmul %convert_element_type3A_993, %add3A_9, %dot_general3A_994 {dimension_numbers = #tpu.dot_dimension_numbers<[1], [0], [0], [1], [0, 0, 1, 1], [], []>, transpose_lhs_hint = false} : vector<128x32xf32>, vector<32x64xf32>, vector<128x64xf32> -> vector<128x64xf32>
    %swap3A_996 = arith.constant 57 : index
    %swap3A_997 = arith.constant 0 : index
    %swap3A_998 = arith.constant 0 : index
    %swap3A_999 = vector.load %arg5[%swap3A_996, %swap3A_997, %swap3A_998] : memref<200x128x64xf32, #tpu.memory_space<vmem>>, vector<1x128x64xf32>
    %swap3A_1000 = vector.shape_cast %swap3A_999 : vector<1x128x64xf32> to vector<128x64xf32>
    %swap3A_1001 = vector.shape_cast %dot_general3A_995 : vector<128x64xf32> to vector<1x128x64xf32>
    tpu.vector_store %arg5[%swap3A_996, %swap3A_997, %swap3A_998], %swap3A_1001 {strides = array<i32>} : memref<200x128x64xf32, #tpu.memory_space<vmem>>, vector<1x128x64xf32>,
    %get3A_1002 = arith.constant 0 : index
    %get3A_1003 = arith.constant 58 : index
    %get3A_1004 = vector.load %arg6[%get3A_1002, %get3A_1003] : memref<128x200xf32, #tpu.memory_space<vmem>>, vector<128x1xf32>
    %dot_general3A_1005 = arith.constant dense<0.000000e+00> : vector<128x32xf32>
    %dot_general3A_1006 = tpu.matmul %get3A_1004, %broadcast_in_dim3A_16, %dot_general3A_1005 {dimension_numbers = #tpu.dot_dimension_numbers<[1], [0], [0], [1], [0, 0, 1, 1], [], []>, transpose_lhs_hint = false} : vector<128x1xf32>, vector<1x32xf32>, vector<128x32xf32> -> vector<128x32xf32>
    %eq3A_1007 = vector.broadcast %convert_element_type3A_15 : vector<1x32xf32> to vector<128x32xf32>
    %eq3A_1008 = arith.cmpf oeq, %dot_general3A_1006, %eq3A_1007 : vector<128x32xf32>
    %convert_element_type3A_1009 = arith.extui %eq3A_1008 : vector<128x32xi1> to vector<128x32xi32>
    %convert_element_type3A_1010 = arith.sitofp %convert_element_type3A_1009 : vector<128x32xi32> to vector<128x32xf32>
    %dot_general3A_1011 = arith.constant dense<0.000000e+00> : vector<128x64xf32>
    %dot_general3A_1012 = tpu.matmul %convert_element_type3A_1010, %add3A_9, %dot_general3A_1011 {dimension_numbers = #tpu.dot_dimension_numbers<[1], [0], [0], [1], [0, 0, 1, 1], [], []>, transpose_lhs_hint = false} : vector<128x32xf32>, vector<32x64xf32>, vector<128x64xf32> -> vector<128x64xf32>
    %swap3A_1013 = arith.constant 58 : index
    %swap3A_1014 = arith.constant 0 : index
    %swap3A_1015 = arith.constant 0 : index
    %swap3A_1016 = vector.load %arg5[%swap3A_1013, %swap3A_1014, %swap3A_1015] : memref<200x128x64xf32, #tpu.memory_space<vmem>>, vector<1x128x64xf32>
    %swap3A_1017 = vector.shape_cast %swap3A_1016 : vector<1x128x64xf32> to vector<128x64xf32>
    %swap3A_1018 = vector.shape_cast %dot_general3A_1012 : vector<128x64xf32> to vector<1x128x64xf32>
    tpu.vector_store %arg5[%swap3A_1013, %swap3A_1014, %swap3A_1015], %swap3A_1018 {strides = array<i32>} : memref<200x128x64xf32, #tpu.memory_space<vmem>>, vector<1x128x64xf32>,
    %get3A_1019 = arith.constant 0 : index
    %get3A_1020 = arith.constant 59 : index
    %get3A_1021 = vector.load %arg6[%get3A_1019, %get3A_1020] : memref<128x200xf32, #tpu.memory_space<vmem>>, vector<128x1xf32>
    %dot_general3A_1022 = arith.constant dense<0.000000e+00> : vector<128x32xf32>
    %dot_general3A_1023 = tpu.matmul %get3A_1021, %broadcast_in_dim3A_16, %dot_general3A_1022 {dimension_numbers = #tpu.dot_dimension_numbers<[1], [0], [0], [1], [0, 0, 1, 1], [], []>, transpose_lhs_hint = false} : vector<128x1xf32>, vector<1x32xf32>, vector<128x32xf32> -> vector<128x32xf32>
    %eq3A_1024 = vector.broadcast %convert_element_type3A_15 : vector<1x32xf32> to vector<128x32xf32>
    %eq3A_1025 = arith.cmpf oeq, %dot_general3A_1023, %eq3A_1024 : vector<128x32xf32>
    %convert_element_type3A_1026 = arith.extui %eq3A_1025 : vector<128x32xi1> to vector<128x32xi32>
    %convert_element_type3A_1027 = arith.sitofp %convert_element_type3A_1026 : vector<128x32xi32> to vector<128x32xf32>
    %dot_general3A_1028 = arith.constant dense<0.000000e+00> : vector<128x64xf32>
    %dot_general3A_1029 = tpu.matmul %convert_element_type3A_1027, %add3A_9, %dot_general3A_1028 {dimension_numbers = #tpu.dot_dimension_numbers<[1], [0], [0], [1], [0, 0, 1, 1], [], []>, transpose_lhs_hint = false} : vector<128x32xf32>, vector<32x64xf32>, vector<128x64xf32> -> vector<128x64xf32>
    %swap3A_1030 = arith.constant 59 : index
    %swap3A_1031 = arith.constant 0 : index
    %swap3A_1032 = arith.constant 0 : index
    %swap3A_1033 = vector.load %arg5[%swap3A_1030, %swap3A_1031, %swap3A_1032] : memref<200x128x64xf32, #tpu.memory_space<vmem>>, vector<1x128x64xf32>
    %swap3A_1034 = vector.shape_cast %swap3A_1033 : vector<1x128x64xf32> to vector<128x64xf32>
    %swap3A_1035 = vector.shape_cast %dot_general3A_1029 : vector<128x64xf32> to vector<1x128x64xf32>
    tpu.vector_store %arg5[%swap3A_1030, %swap3A_1031, %swap3A_1032], %swap3A_1035 {strides = array<i32>} : memref<200x128x64xf32, #tpu.memory_space<vmem>>, vector<1x128x64xf32>,
    %get3A_1036 = arith.constant 0 : index
    %get3A_1037 = arith.constant 60 : index
    %get3A_1038 = vector.load %arg6[%get3A_1036, %get3A_1037] : memref<128x200xf32, #tpu.memory_space<vmem>>, vector<128x1xf32>
    %dot_general3A_1039 = arith.constant dense<0.000000e+00> : vector<128x32xf32>
    %dot_general3A_1040 = tpu.matmul %get3A_1038, %broadcast_in_dim3A_16, %dot_general3A_1039 {dimension_numbers = #tpu.dot_dimension_numbers<[1], [0], [0], [1], [0, 0, 1, 1], [], []>, transpose_lhs_hint = false} : vector<128x1xf32>, vector<1x32xf32>, vector<128x32xf32> -> vector<128x32xf32>
    %eq3A_1041 = vector.broadcast %convert_element_type3A_15 : vector<1x32xf32> to vector<128x32xf32>
    %eq3A_1042 = arith.cmpf oeq, %dot_general3A_1040, %eq3A_1041 : vector<128x32xf32>
    %convert_element_type3A_1043 = arith.extui %eq3A_1042 : vector<128x32xi1> to vector<128x32xi32>
    %convert_element_type3A_1044 = arith.sitofp %convert_element_type3A_1043 : vector<128x32xi32> to vector<128x32xf32>
    %dot_general3A_1045 = arith.constant dense<0.000000e+00> : vector<128x64xf32>
    %dot_general3A_1046 = tpu.matmul %convert_element_type3A_1044, %add3A_9, %dot_general3A_1045 {dimension_numbers = #tpu.dot_dimension_numbers<[1], [0], [0], [1], [0, 0, 1, 1], [], []>, transpose_lhs_hint = false} : vector<128x32xf32>, vector<32x64xf32>, vector<128x64xf32> -> vector<128x64xf32>
    %swap3A_1047 = arith.constant 60 : index
    %swap3A_1048 = arith.constant 0 : index
    %swap3A_1049 = arith.constant 0 : index
    %swap3A_1050 = vector.load %arg5[%swap3A_1047, %swap3A_1048, %swap3A_1049] : memref<200x128x64xf32, #tpu.memory_space<vmem>>, vector<1x128x64xf32>
    %swap3A_1051 = vector.shape_cast %swap3A_1050 : vector<1x128x64xf32> to vector<128x64xf32>
    %swap3A_1052 = vector.shape_cast %dot_general3A_1046 : vector<128x64xf32> to vector<1x128x64xf32>
    tpu.vector_store %arg5[%swap3A_1047, %swap3A_1048, %swap3A_1049], %swap3A_1052 {strides = array<i32>} : memref<200x128x64xf32, #tpu.memory_space<vmem>>, vector<1x128x64xf32>,
    %get3A_1053 = arith.constant 0 : index
    %get3A_1054 = arith.constant 61 : index
    %get3A_1055 = vector.load %arg6[%get3A_1053, %get3A_1054] : memref<128x200xf32, #tpu.memory_space<vmem>>, vector<128x1xf32>
    %dot_general3A_1056 = arith.constant dense<0.000000e+00> : vector<128x32xf32>
    %dot_general3A_1057 = tpu.matmul %get3A_1055, %broadcast_in_dim3A_16, %dot_general3A_1056 {dimension_numbers = #tpu.dot_dimension_numbers<[1], [0], [0], [1], [0, 0, 1, 1], [], []>, transpose_lhs_hint = false} : vector<128x1xf32>, vector<1x32xf32>, vector<128x32xf32> -> vector<128x32xf32>
    %eq3A_1058 = vector.broadcast %convert_element_type3A_15 : vector<1x32xf32> to vector<128x32xf32>
    %eq3A_1059 = arith.cmpf oeq, %dot_general3A_1057, %eq3A_1058 : vector<128x32xf32>
    %convert_element_type3A_1060 = arith.extui %eq3A_1059 : vector<128x32xi1> to vector<128x32xi32>
    %convert_element_type3A_1061 = arith.sitofp %convert_element_type3A_1060 : vector<128x32xi32> to vector<128x32xf32>
    %dot_general3A_1062 = arith.constant dense<0.000000e+00> : vector<128x64xf32>
    %dot_general3A_1063 = tpu.matmul %convert_element_type3A_1061, %add3A_9, %dot_general3A_1062 {dimension_numbers = #tpu.dot_dimension_numbers<[1], [0], [0], [1], [0, 0, 1, 1], [], []>, transpose_lhs_hint = false} : vector<128x32xf32>, vector<32x64xf32>, vector<128x64xf32> -> vector<128x64xf32>
    %swap3A_1064 = arith.constant 61 : index
    %swap3A_1065 = arith.constant 0 : index
    %swap3A_1066 = arith.constant 0 : index
    %swap3A_1067 = vector.load %arg5[%swap3A_1064, %swap3A_1065, %swap3A_1066] : memref<200x128x64xf32, #tpu.memory_space<vmem>>, vector<1x128x64xf32>
    %swap3A_1068 = vector.shape_cast %swap3A_1067 : vector<1x128x64xf32> to vector<128x64xf32>
    %swap3A_1069 = vector.shape_cast %dot_general3A_1063 : vector<128x64xf32> to vector<1x128x64xf32>
    tpu.vector_store %arg5[%swap3A_1064, %swap3A_1065, %swap3A_1066], %swap3A_1069 {strides = array<i32>} : memref<200x128x64xf32, #tpu.memory_space<vmem>>, vector<1x128x64xf32>,
    %get3A_1070 = arith.constant 0 : index
    %get3A_1071 = arith.constant 62 : index
    %get3A_1072 = vector.load %arg6[%get3A_1070, %get3A_1071] : memref<128x200xf32, #tpu.memory_space<vmem>>, vector<128x1xf32>
    %dot_general3A_1073 = arith.constant dense<0.000000e+00> : vector<128x32xf32>
    %dot_general3A_1074 = tpu.matmul %get3A_1072, %broadcast_in_dim3A_16, %dot_general3A_1073 {dimension_numbers = #tpu.dot_dimension_numbers<[1], [0], [0], [1], [0, 0, 1, 1], [], []>, transpose_lhs_hint = false} : vector<128x1xf32>, vector<1x32xf32>, vector<128x32xf32> -> vector<128x32xf32>
    %eq3A_1075 = vector.broadcast %convert_element_type3A_15 : vector<1x32xf32> to vector<128x32xf32>
    %eq3A_1076 = arith.cmpf oeq, %dot_general3A_1074, %eq3A_1075 : vector<128x32xf32>
    %convert_element_type3A_1077 = arith.extui %eq3A_1076 : vector<128x32xi1> to vector<128x32xi32>
    %convert_element_type3A_1078 = arith.sitofp %convert_element_type3A_1077 : vector<128x32xi32> to vector<128x32xf32>
    %dot_general3A_1079 = arith.constant dense<0.000000e+00> : vector<128x64xf32>
    %dot_general3A_1080 = tpu.matmul %convert_element_type3A_1078, %add3A_9, %dot_general3A_1079 {dimension_numbers = #tpu.dot_dimension_numbers<[1], [0], [0], [1], [0, 0, 1, 1], [], []>, transpose_lhs_hint = false} : vector<128x32xf32>, vector<32x64xf32>, vector<128x64xf32> -> vector<128x64xf32>
    %swap3A_1081 = arith.constant 62 : index
    %swap3A_1082 = arith.constant 0 : index
    %swap3A_1083 = arith.constant 0 : index
    %swap3A_1084 = vector.load %arg5[%swap3A_1081, %swap3A_1082, %swap3A_1083] : memref<200x128x64xf32, #tpu.memory_space<vmem>>, vector<1x128x64xf32>
    %swap3A_1085 = vector.shape_cast %swap3A_1084 : vector<1x128x64xf32> to vector<128x64xf32>
    %swap3A_1086 = vector.shape_cast %dot_general3A_1080 : vector<128x64xf32> to vector<1x128x64xf32>
    tpu.vector_store %arg5[%swap3A_1081, %swap3A_1082, %swap3A_1083], %swap3A_1086 {strides = array<i32>} : memref<200x128x64xf32, #tpu.memory_space<vmem>>, vector<1x128x64xf32>,
    %get3A_1087 = arith.constant 0 : index
    %get3A_1088 = arith.constant 63 : index
    %get3A_1089 = vector.load %arg6[%get3A_1087, %get3A_1088] : memref<128x200xf32, #tpu.memory_space<vmem>>, vector<128x1xf32>
    %dot_general3A_1090 = arith.constant dense<0.000000e+00> : vector<128x32xf32>
    %dot_general3A_1091 = tpu.matmul %get3A_1089, %broadcast_in_dim3A_16, %dot_general3A_1090 {dimension_numbers = #tpu.dot_dimension_numbers<[1], [0], [0], [1], [0, 0, 1, 1], [], []>, transpose_lhs_hint = false} : vector<128x1xf32>, vector<1x32xf32>, vector<128x32xf32> -> vector<128x32xf32>
    %eq3A_1092 = vector.broadcast %convert_element_type3A_15 : vector<1x32xf32> to vector<128x32xf32>
    %eq3A_1093 = arith.cmpf oeq, %dot_general3A_1091, %eq3A_1092 : vector<128x32xf32>
    %convert_element_type3A_1094 = arith.extui %eq3A_1093 : vector<128x32xi1> to vector<128x32xi32>
    %convert_element_type3A_1095 = arith.sitofp %convert_element_type3A_1094 : vector<128x32xi32> to vector<128x32xf32>
    %dot_general3A_1096 = arith.constant dense<0.000000e+00> : vector<128x64xf32>
    %dot_general3A_1097 = tpu.matmul %convert_element_type3A_1095, %add3A_9, %dot_general3A_1096 {dimension_numbers = #tpu.dot_dimension_numbers<[1], [0], [0], [1], [0, 0, 1, 1], [], []>, transpose_lhs_hint = false} : vector<128x32xf32>, vector<32x64xf32>, vector<128x64xf32> -> vector<128x64xf32>
    %swap3A_1098 = arith.constant 63 : index
    %swap3A_1099 = arith.constant 0 : index
    %swap3A_1100 = arith.constant 0 : index
    %swap3A_1101 = vector.load %arg5[%swap3A_1098, %swap3A_1099, %swap3A_1100] : memref<200x128x64xf32, #tpu.memory_space<vmem>>, vector<1x128x64xf32>
    %swap3A_1102 = vector.shape_cast %swap3A_1101 : vector<1x128x64xf32> to vector<128x64xf32>
    %swap3A_1103 = vector.shape_cast %dot_general3A_1097 : vector<128x64xf32> to vector<1x128x64xf32>
    tpu.vector_store %arg5[%swap3A_1098, %swap3A_1099, %swap3A_1100], %swap3A_1103 {strides = array<i32>} : memref<200x128x64xf32, #tpu.memory_space<vmem>>, vector<1x128x64xf32>,
    %get3A_1104 = arith.constant 0 : index
    %get3A_1105 = arith.constant 64 : index
    %get3A_1106 = vector.load %arg6[%get3A_1104, %get3A_1105] : memref<128x200xf32, #tpu.memory_space<vmem>>, vector<128x1xf32>
    %dot_general3A_1107 = arith.constant dense<0.000000e+00> : vector<128x32xf32>
    %dot_general3A_1108 = tpu.matmul %get3A_1106, %broadcast_in_dim3A_16, %dot_general3A_1107 {dimension_numbers = #tpu.dot_dimension_numbers<[1], [0], [0], [1], [0, 0, 1, 1], [], []>, transpose_lhs_hint = false} : vector<128x1xf32>, vector<1x32xf32>, vector<128x32xf32> -> vector<128x32xf32>
    %eq3A_1109 = vector.broadcast %convert_element_type3A_15 : vector<1x32xf32> to vector<128x32xf32>
    %eq3A_1110 = arith.cmpf oeq, %dot_general3A_1108, %eq3A_1109 : vector<128x32xf32>
    %convert_element_type3A_1111 = arith.extui %eq3A_1110 : vector<128x32xi1> to vector<128x32xi32>
    %convert_element_type3A_1112 = arith.sitofp %convert_element_type3A_1111 : vector<128x32xi32> to vector<128x32xf32>
    %dot_general3A_1113 = arith.constant dense<0.000000e+00> : vector<128x64xf32>
    %dot_general3A_1114 = tpu.matmul %convert_element_type3A_1112, %add3A_9, %dot_general3A_1113 {dimension_numbers = #tpu.dot_dimension_numbers<[1], [0], [0], [1], [0, 0, 1, 1], [], []>, transpose_lhs_hint = false} : vector<128x32xf32>, vector<32x64xf32>, vector<128x64xf32> -> vector<128x64xf32>
    %swap3A_1115 = arith.constant 64 : index
    %swap3A_1116 = arith.constant 0 : index
    %swap3A_1117 = arith.constant 0 : index
    %swap3A_1118 = vector.load %arg5[%swap3A_1115, %swap3A_1116, %swap3A_1117] : memref<200x128x64xf32, #tpu.memory_space<vmem>>, vector<1x128x64xf32>
    %swap3A_1119 = vector.shape_cast %swap3A_1118 : vector<1x128x64xf32> to vector<128x64xf32>
    %swap3A_1120 = vector.shape_cast %dot_general3A_1114 : vector<128x64xf32> to vector<1x128x64xf32>
    tpu.vector_store %arg5[%swap3A_1115, %swap3A_1116, %swap3A_1117], %swap3A_1120 {strides = array<i32>} : memref<200x128x64xf32, #tpu.memory_space<vmem>>, vector<1x128x64xf32>,
    %get3A_1121 = arith.constant 0 : index
    %get3A_1122 = arith.constant 65 : index
    %get3A_1123 = vector.load %arg6[%get3A_1121, %get3A_1122] : memref<128x200xf32, #tpu.memory_space<vmem>>, vector<128x1xf32>
    %dot_general3A_1124 = arith.constant dense<0.000000e+00> : vector<128x32xf32>
    %dot_general3A_1125 = tpu.matmul %get3A_1123, %broadcast_in_dim3A_16, %dot_general3A_1124 {dimension_numbers = #tpu.dot_dimension_numbers<[1], [0], [0], [1], [0, 0, 1, 1], [], []>, transpose_lhs_hint = false} : vector<128x1xf32>, vector<1x32xf32>, vector<128x32xf32> -> vector<128x32xf32>
    %eq3A_1126 = vector.broadcast %convert_element_type3A_15 : vector<1x32xf32> to vector<128x32xf32>
    %eq3A_1127 = arith.cmpf oeq, %dot_general3A_1125, %eq3A_1126 : vector<128x32xf32>
    %convert_element_type3A_1128 = arith.extui %eq3A_1127 : vector<128x32xi1> to vector<128x32xi32>
    %convert_element_type3A_1129 = arith.sitofp %convert_element_type3A_1128 : vector<128x32xi32> to vector<128x32xf32>
    %dot_general3A_1130 = arith.constant dense<0.000000e+00> : vector<128x64xf32>
    %dot_general3A_1131 = tpu.matmul %convert_element_type3A_1129, %add3A_9, %dot_general3A_1130 {dimension_numbers = #tpu.dot_dimension_numbers<[1], [0], [0], [1], [0, 0, 1, 1], [], []>, transpose_lhs_hint = false} : vector<128x32xf32>, vector<32x64xf32>, vector<128x64xf32> -> vector<128x64xf32>
    %swap3A_1132 = arith.constant 65 : index
    %swap3A_1133 = arith.constant 0 : index
    %swap3A_1134 = arith.constant 0 : index
    %swap3A_1135 = vector.load %arg5[%swap3A_1132, %swap3A_1133, %swap3A_1134] : memref<200x128x64xf32, #tpu.memory_space<vmem>>, vector<1x128x64xf32>
    %swap3A_1136 = vector.shape_cast %swap3A_1135 : vector<1x128x64xf32> to vector<128x64xf32>
    %swap3A_1137 = vector.shape_cast %dot_general3A_1131 : vector<128x64xf32> to vector<1x128x64xf32>
    tpu.vector_store %arg5[%swap3A_1132, %swap3A_1133, %swap3A_1134], %swap3A_1137 {strides = array<i32>} : memref<200x128x64xf32, #tpu.memory_space<vmem>>, vector<1x128x64xf32>,
    %get3A_1138 = arith.constant 0 : index
    %get3A_1139 = arith.constant 66 : index
    %get3A_1140 = vector.load %arg6[%get3A_1138, %get3A_1139] : memref<128x200xf32, #tpu.memory_space<vmem>>, vector<128x1xf32>
    %dot_general3A_1141 = arith.constant dense<0.000000e+00> : vector<128x32xf32>
    %dot_general3A_1142 = tpu.matmul %get3A_1140, %broadcast_in_dim3A_16, %dot_general3A_1141 {dimension_numbers = #tpu.dot_dimension_numbers<[1], [0], [0], [1], [0, 0, 1, 1], [], []>, transpose_lhs_hint = false} : vector<128x1xf32>, vector<1x32xf32>, vector<128x32xf32> -> vector<128x32xf32>
    %eq3A_1143 = vector.broadcast %convert_element_type3A_15 : vector<1x32xf32> to vector<128x32xf32>
    %eq3A_1144 = arith.cmpf oeq, %dot_general3A_1142, %eq3A_1143 : vector<128x32xf32>
    %convert_element_type3A_1145 = arith.extui %eq3A_1144 : vector<128x32xi1> to vector<128x32xi32>
    %convert_element_type3A_1146 = arith.sitofp %convert_element_type3A_1145 : vector<128x32xi32> to vector<128x32xf32>
    %dot_general3A_1147 = arith.constant dense<0.000000e+00> : vector<128x64xf32>
    %dot_general3A_1148 = tpu.matmul %convert_element_type3A_1146, %add3A_9, %dot_general3A_1147 {dimension_numbers = #tpu.dot_dimension_numbers<[1], [0], [0], [1], [0, 0, 1, 1], [], []>, transpose_lhs_hint = false} : vector<128x32xf32>, vector<32x64xf32>, vector<128x64xf32> -> vector<128x64xf32>
    %swap3A_1149 = arith.constant 66 : index
    %swap3A_1150 = arith.constant 0 : index
    %swap3A_1151 = arith.constant 0 : index
    %swap3A_1152 = vector.load %arg5[%swap3A_1149, %swap3A_1150, %swap3A_1151] : memref<200x128x64xf32, #tpu.memory_space<vmem>>, vector<1x128x64xf32>
    %swap3A_1153 = vector.shape_cast %swap3A_1152 : vector<1x128x64xf32> to vector<128x64xf32>
    %swap3A_1154 = vector.shape_cast %dot_general3A_1148 : vector<128x64xf32> to vector<1x128x64xf32>
    tpu.vector_store %arg5[%swap3A_1149, %swap3A_1150, %swap3A_1151], %swap3A_1154 {strides = array<i32>} : memref<200x128x64xf32, #tpu.memory_space<vmem>>, vector<1x128x64xf32>,
    %get3A_1155 = arith.constant 0 : index
    %get3A_1156 = arith.constant 67 : index
    %get3A_1157 = vector.load %arg6[%get3A_1155, %get3A_1156] : memref<128x200xf32, #tpu.memory_space<vmem>>, vector<128x1xf32>
    %dot_general3A_1158 = arith.constant dense<0.000000e+00> : vector<128x32xf32>
    %dot_general3A_1159 = tpu.matmul %get3A_1157, %broadcast_in_dim3A_16, %dot_general3A_1158 {dimension_numbers = #tpu.dot_dimension_numbers<[1], [0], [0], [1], [0, 0, 1, 1], [], []>, transpose_lhs_hint = false} : vector<128x1xf32>, vector<1x32xf32>, vector<128x32xf32> -> vector<128x32xf32>
    %eq3A_1160 = vector.broadcast %convert_element_type3A_15 : vector<1x32xf32> to vector<128x32xf32>
    %eq3A_1161 = arith.cmpf oeq, %dot_general3A_1159, %eq3A_1160 : vector<128x32xf32>
    %convert_element_type3A_1162 = arith.extui %eq3A_1161 : vector<128x32xi1> to vector<128x32xi32>
    %convert_element_type3A_1163 = arith.sitofp %convert_element_type3A_1162 : vector<128x32xi32> to vector<128x32xf32>
    %dot_general3A_1164 = arith.constant dense<0.000000e+00> : vector<128x64xf32>
    %dot_general3A_1165 = tpu.matmul %convert_element_type3A_1163, %add3A_9, %dot_general3A_1164 {dimension_numbers = #tpu.dot_dimension_numbers<[1], [0], [0], [1], [0, 0, 1, 1], [], []>, transpose_lhs_hint = false} : vector<128x32xf32>, vector<32x64xf32>, vector<128x64xf32> -> vector<128x64xf32>
    %swap3A_1166 = arith.constant 67 : index
    %swap3A_1167 = arith.constant 0 : index
    %swap3A_1168 = arith.constant 0 : index
    %swap3A_1169 = vector.load %arg5[%swap3A_1166, %swap3A_1167, %swap3A_1168] : memref<200x128x64xf32, #tpu.memory_space<vmem>>, vector<1x128x64xf32>
    %swap3A_1170 = vector.shape_cast %swap3A_1169 : vector<1x128x64xf32> to vector<128x64xf32>
    %swap3A_1171 = vector.shape_cast %dot_general3A_1165 : vector<128x64xf32> to vector<1x128x64xf32>
    tpu.vector_store %arg5[%swap3A_1166, %swap3A_1167, %swap3A_1168], %swap3A_1171 {strides = array<i32>} : memref<200x128x64xf32, #tpu.memory_space<vmem>>, vector<1x128x64xf32>,
    %get3A_1172 = arith.constant 0 : index
    %get3A_1173 = arith.constant 68 : index
    %get3A_1174 = vector.load %arg6[%get3A_1172, %get3A_1173] : memref<128x200xf32, #tpu.memory_space<vmem>>, vector<128x1xf32>
    %dot_general3A_1175 = arith.constant dense<0.000000e+00> : vector<128x32xf32>
    %dot_general3A_1176 = tpu.matmul %get3A_1174, %broadcast_in_dim3A_16, %dot_general3A_1175 {dimension_numbers = #tpu.dot_dimension_numbers<[1], [0], [0], [1], [0, 0, 1, 1], [], []>, transpose_lhs_hint = false} : vector<128x1xf32>, vector<1x32xf32>, vector<128x32xf32> -> vector<128x32xf32>
    %eq3A_1177 = vector.broadcast %convert_element_type3A_15 : vector<1x32xf32> to vector<128x32xf32>
    %eq3A_1178 = arith.cmpf oeq, %dot_general3A_1176, %eq3A_1177 : vector<128x32xf32>
    %convert_element_type3A_1179 = arith.extui %eq3A_1178 : vector<128x32xi1> to vector<128x32xi32>
    %convert_element_type3A_1180 = arith.sitofp %convert_element_type3A_1179 : vector<128x32xi32> to vector<128x32xf32>
    %dot_general3A_1181 = arith.constant dense<0.000000e+00> : vector<128x64xf32>
    %dot_general3A_1182 = tpu.matmul %convert_element_type3A_1180, %add3A_9, %dot_general3A_1181 {dimension_numbers = #tpu.dot_dimension_numbers<[1], [0], [0], [1], [0, 0, 1, 1], [], []>, transpose_lhs_hint = false} : vector<128x32xf32>, vector<32x64xf32>, vector<128x64xf32> -> vector<128x64xf32>
    %swap3A_1183 = arith.constant 68 : index
    %swap3A_1184 = arith.constant 0 : index
    %swap3A_1185 = arith.constant 0 : index
    %swap3A_1186 = vector.load %arg5[%swap3A_1183, %swap3A_1184, %swap3A_1185] : memref<200x128x64xf32, #tpu.memory_space<vmem>>, vector<1x128x64xf32>
    %swap3A_1187 = vector.shape_cast %swap3A_1186 : vector<1x128x64xf32> to vector<128x64xf32>
    %swap3A_1188 = vector.shape_cast %dot_general3A_1182 : vector<128x64xf32> to vector<1x128x64xf32>
    tpu.vector_store %arg5[%swap3A_1183, %swap3A_1184, %swap3A_1185], %swap3A_1188 {strides = array<i32>} : memref<200x128x64xf32, #tpu.memory_space<vmem>>, vector<1x128x64xf32>,
    %get3A_1189 = arith.constant 0 : index
    %get3A_1190 = arith.constant 69 : index
    %get3A_1191 = vector.load %arg6[%get3A_1189, %get3A_1190] : memref<128x200xf32, #tpu.memory_space<vmem>>, vector<128x1xf32>
    %dot_general3A_1192 = arith.constant dense<0.000000e+00> : vector<128x32xf32>
    %dot_general3A_1193 = tpu.matmul %get3A_1191, %broadcast_in_dim3A_16, %dot_general3A_1192 {dimension_numbers = #tpu.dot_dimension_numbers<[1], [0], [0], [1], [0, 0, 1, 1], [], []>, transpose_lhs_hint = false} : vector<128x1xf32>, vector<1x32xf32>, vector<128x32xf32> -> vector<128x32xf32>
    %eq3A_1194 = vector.broadcast %convert_element_type3A_15 : vector<1x32xf32> to vector<128x32xf32>
    %eq3A_1195 = arith.cmpf oeq, %dot_general3A_1193, %eq3A_1194 : vector<128x32xf32>
    %convert_element_type3A_1196 = arith.extui %eq3A_1195 : vector<128x32xi1> to vector<128x32xi32>
    %convert_element_type3A_1197 = arith.sitofp %convert_element_type3A_1196 : vector<128x32xi32> to vector<128x32xf32>
    %dot_general3A_1198 = arith.constant dense<0.000000e+00> : vector<128x64xf32>
    %dot_general3A_1199 = tpu.matmul %convert_element_type3A_1197, %add3A_9, %dot_general3A_1198 {dimension_numbers = #tpu.dot_dimension_numbers<[1], [0], [0], [1], [0, 0, 1, 1], [], []>, transpose_lhs_hint = false} : vector<128x32xf32>, vector<32x64xf32>, vector<128x64xf32> -> vector<128x64xf32>
    %swap3A_1200 = arith.constant 69 : index
    %swap3A_1201 = arith.constant 0 : index
    %swap3A_1202 = arith.constant 0 : index
    %swap3A_1203 = vector.load %arg5[%swap3A_1200, %swap3A_1201, %swap3A_1202] : memref<200x128x64xf32, #tpu.memory_space<vmem>>, vector<1x128x64xf32>
    %swap3A_1204 = vector.shape_cast %swap3A_1203 : vector<1x128x64xf32> to vector<128x64xf32>
    %swap3A_1205 = vector.shape_cast %dot_general3A_1199 : vector<128x64xf32> to vector<1x128x64xf32>
    tpu.vector_store %arg5[%swap3A_1200, %swap3A_1201, %swap3A_1202], %swap3A_1205 {strides = array<i32>} : memref<200x128x64xf32, #tpu.memory_space<vmem>>, vector<1x128x64xf32>,
    %get3A_1206 = arith.constant 0 : index
    %get3A_1207 = arith.constant 70 : index
    %get3A_1208 = vector.load %arg6[%get3A_1206, %get3A_1207] : memref<128x200xf32, #tpu.memory_space<vmem>>, vector<128x1xf32>
    %dot_general3A_1209 = arith.constant dense<0.000000e+00> : vector<128x32xf32>
    %dot_general3A_1210 = tpu.matmul %get3A_1208, %broadcast_in_dim3A_16, %dot_general3A_1209 {dimension_numbers = #tpu.dot_dimension_numbers<[1], [0], [0], [1], [0, 0, 1, 1], [], []>, transpose_lhs_hint = false} : vector<128x1xf32>, vector<1x32xf32>, vector<128x32xf32> -> vector<128x32xf32>
    %eq3A_1211 = vector.broadcast %convert_element_type3A_15 : vector<1x32xf32> to vector<128x32xf32>
    %eq3A_1212 = arith.cmpf oeq, %dot_general3A_1210, %eq3A_1211 : vector<128x32xf32>
    %convert_element_type3A_1213 = arith.extui %eq3A_1212 : vector<128x32xi1> to vector<128x32xi32>
    %convert_element_type3A_1214 = arith.sitofp %convert_element_type3A_1213 : vector<128x32xi32> to vector<128x32xf32>
    %dot_general3A_1215 = arith.constant dense<0.000000e+00> : vector<128x64xf32>
    %dot_general3A_1216 = tpu.matmul %convert_element_type3A_1214, %add3A_9, %dot_general3A_1215 {dimension_numbers = #tpu.dot_dimension_numbers<[1], [0], [0], [1], [0, 0, 1, 1], [], []>, transpose_lhs_hint = false} : vector<128x32xf32>, vector<32x64xf32>, vector<128x64xf32> -> vector<128x64xf32>
    %swap3A_1217 = arith.constant 70 : index
    %swap3A_1218 = arith.constant 0 : index
    %swap3A_1219 = arith.constant 0 : index
    %swap3A_1220 = vector.load %arg5[%swap3A_1217, %swap3A_1218, %swap3A_1219] : memref<200x128x64xf32, #tpu.memory_space<vmem>>, vector<1x128x64xf32>
    %swap3A_1221 = vector.shape_cast %swap3A_1220 : vector<1x128x64xf32> to vector<128x64xf32>
    %swap3A_1222 = vector.shape_cast %dot_general3A_1216 : vector<128x64xf32> to vector<1x128x64xf32>
    tpu.vector_store %arg5[%swap3A_1217, %swap3A_1218, %swap3A_1219], %swap3A_1222 {strides = array<i32>} : memref<200x128x64xf32, #tpu.memory_space<vmem>>, vector<1x128x64xf32>,
    %get3A_1223 = arith.constant 0 : index
    %get3A_1224 = arith.constant 71 : index
    %get3A_1225 = vector.load %arg6[%get3A_1223, %get3A_1224] : memref<128x200xf32, #tpu.memory_space<vmem>>, vector<128x1xf32>
    %dot_general3A_1226 = arith.constant dense<0.000000e+00> : vector<128x32xf32>
    %dot_general3A_1227 = tpu.matmul %get3A_1225, %broadcast_in_dim3A_16, %dot_general3A_1226 {dimension_numbers = #tpu.dot_dimension_numbers<[1], [0], [0], [1], [0, 0, 1, 1], [], []>, transpose_lhs_hint = false} : vector<128x1xf32>, vector<1x32xf32>, vector<128x32xf32> -> vector<128x32xf32>
    %eq3A_1228 = vector.broadcast %convert_element_type3A_15 : vector<1x32xf32> to vector<128x32xf32>
    %eq3A_1229 = arith.cmpf oeq, %dot_general3A_1227, %eq3A_1228 : vector<128x32xf32>
    %convert_element_type3A_1230 = arith.extui %eq3A_1229 : vector<128x32xi1> to vector<128x32xi32>
    %convert_element_type3A_1231 = arith.sitofp %convert_element_type3A_1230 : vector<128x32xi32> to vector<128x32xf32>
    %dot_general3A_1232 = arith.constant dense<0.000000e+00> : vector<128x64xf32>
    %dot_general3A_1233 = tpu.matmul %convert_element_type3A_1231, %add3A_9, %dot_general3A_1232 {dimension_numbers = #tpu.dot_dimension_numbers<[1], [0], [0], [1], [0, 0, 1, 1], [], []>, transpose_lhs_hint = false} : vector<128x32xf32>, vector<32x64xf32>, vector<128x64xf32> -> vector<128x64xf32>
    %swap3A_1234 = arith.constant 71 : index
    %swap3A_1235 = arith.constant 0 : index
    %swap3A_1236 = arith.constant 0 : index
    %swap3A_1237 = vector.load %arg5[%swap3A_1234, %swap3A_1235, %swap3A_1236] : memref<200x128x64xf32, #tpu.memory_space<vmem>>, vector<1x128x64xf32>
    %swap3A_1238 = vector.shape_cast %swap3A_1237 : vector<1x128x64xf32> to vector<128x64xf32>
    %swap3A_1239 = vector.shape_cast %dot_general3A_1233 : vector<128x64xf32> to vector<1x128x64xf32>
    tpu.vector_store %arg5[%swap3A_1234, %swap3A_1235, %swap3A_1236], %swap3A_1239 {strides = array<i32>} : memref<200x128x64xf32, #tpu.memory_space<vmem>>, vector<1x128x64xf32>,
    %get3A_1240 = arith.constant 0 : index
    %get3A_1241 = arith.constant 72 : index
    %get3A_1242 = vector.load %arg6[%get3A_1240, %get3A_1241] : memref<128x200xf32, #tpu.memory_space<vmem>>, vector<128x1xf32>
    %dot_general3A_1243 = arith.constant dense<0.000000e+00> : vector<128x32xf32>
    %dot_general3A_1244 = tpu.matmul %get3A_1242, %broadcast_in_dim3A_16, %dot_general3A_1243 {dimension_numbers = #tpu.dot_dimension_numbers<[1], [0], [0], [1], [0, 0, 1, 1], [], []>, transpose_lhs_hint = false} : vector<128x1xf32>, vector<1x32xf32>, vector<128x32xf32> -> vector<128x32xf32>
    %eq3A_1245 = vector.broadcast %convert_element_type3A_15 : vector<1x32xf32> to vector<128x32xf32>
    %eq3A_1246 = arith.cmpf oeq, %dot_general3A_1244, %eq3A_1245 : vector<128x32xf32>
    %convert_element_type3A_1247 = arith.extui %eq3A_1246 : vector<128x32xi1> to vector<128x32xi32>
    %convert_element_type3A_1248 = arith.sitofp %convert_element_type3A_1247 : vector<128x32xi32> to vector<128x32xf32>
    %dot_general3A_1249 = arith.constant dense<0.000000e+00> : vector<128x64xf32>
    %dot_general3A_1250 = tpu.matmul %convert_element_type3A_1248, %add3A_9, %dot_general3A_1249 {dimension_numbers = #tpu.dot_dimension_numbers<[1], [0], [0], [1], [0, 0, 1, 1], [], []>, transpose_lhs_hint = false} : vector<128x32xf32>, vector<32x64xf32>, vector<128x64xf32> -> vector<128x64xf32>
    %swap3A_1251 = arith.constant 72 : index
    %swap3A_1252 = arith.constant 0 : index
    %swap3A_1253 = arith.constant 0 : index
    %swap3A_1254 = vector.load %arg5[%swap3A_1251, %swap3A_1252, %swap3A_1253] : memref<200x128x64xf32, #tpu.memory_space<vmem>>, vector<1x128x64xf32>
    %swap3A_1255 = vector.shape_cast %swap3A_1254 : vector<1x128x64xf32> to vector<128x64xf32>
    %swap3A_1256 = vector.shape_cast %dot_general3A_1250 : vector<128x64xf32> to vector<1x128x64xf32>
    tpu.vector_store %arg5[%swap3A_1251, %swap3A_1252, %swap3A_1253], %swap3A_1256 {strides = array<i32>} : memref<200x128x64xf32, #tpu.memory_space<vmem>>, vector<1x128x64xf32>,
    %get3A_1257 = arith.constant 0 : index
    %get3A_1258 = arith.constant 73 : index
    %get3A_1259 = vector.load %arg6[%get3A_1257, %get3A_1258] : memref<128x200xf32, #tpu.memory_space<vmem>>, vector<128x1xf32>
    %dot_general3A_1260 = arith.constant dense<0.000000e+00> : vector<128x32xf32>
    %dot_general3A_1261 = tpu.matmul %get3A_1259, %broadcast_in_dim3A_16, %dot_general3A_1260 {dimension_numbers = #tpu.dot_dimension_numbers<[1], [0], [0], [1], [0, 0, 1, 1], [], []>, transpose_lhs_hint = false} : vector<128x1xf32>, vector<1x32xf32>, vector<128x32xf32> -> vector<128x32xf32>
    %eq3A_1262 = vector.broadcast %convert_element_type3A_15 : vector<1x32xf32> to vector<128x32xf32>
    %eq3A_1263 = arith.cmpf oeq, %dot_general3A_1261, %eq3A_1262 : vector<128x32xf32>
    %convert_element_type3A_1264 = arith.extui %eq3A_1263 : vector<128x32xi1> to vector<128x32xi32>
    %convert_element_type3A_1265 = arith.sitofp %convert_element_type3A_1264 : vector<128x32xi32> to vector<128x32xf32>
    %dot_general3A_1266 = arith.constant dense<0.000000e+00> : vector<128x64xf32>
    %dot_general3A_1267 = tpu.matmul %convert_element_type3A_1265, %add3A_9, %dot_general3A_1266 {dimension_numbers = #tpu.dot_dimension_numbers<[1], [0], [0], [1], [0, 0, 1, 1], [], []>, transpose_lhs_hint = false} : vector<128x32xf32>, vector<32x64xf32>, vector<128x64xf32> -> vector<128x64xf32>
    %swap3A_1268 = arith.constant 73 : index
    %swap3A_1269 = arith.constant 0 : index
    %swap3A_1270 = arith.constant 0 : index
    %swap3A_1271 = vector.load %arg5[%swap3A_1268, %swap3A_1269, %swap3A_1270] : memref<200x128x64xf32, #tpu.memory_space<vmem>>, vector<1x128x64xf32>
    %swap3A_1272 = vector.shape_cast %swap3A_1271 : vector<1x128x64xf32> to vector<128x64xf32>
    %swap3A_1273 = vector.shape_cast %dot_general3A_1267 : vector<128x64xf32> to vector<1x128x64xf32>
    tpu.vector_store %arg5[%swap3A_1268, %swap3A_1269, %swap3A_1270], %swap3A_1273 {strides = array<i32>} : memref<200x128x64xf32, #tpu.memory_space<vmem>>, vector<1x128x64xf32>,
    %get3A_1274 = arith.constant 0 : index
    %get3A_1275 = arith.constant 74 : index
    %get3A_1276 = vector.load %arg6[%get3A_1274, %get3A_1275] : memref<128x200xf32, #tpu.memory_space<vmem>>, vector<128x1xf32>
    %dot_general3A_1277 = arith.constant dense<0.000000e+00> : vector<128x32xf32>
    %dot_general3A_1278 = tpu.matmul %get3A_1276, %broadcast_in_dim3A_16, %dot_general3A_1277 {dimension_numbers = #tpu.dot_dimension_numbers<[1], [0], [0], [1], [0, 0, 1, 1], [], []>, transpose_lhs_hint = false} : vector<128x1xf32>, vector<1x32xf32>, vector<128x32xf32> -> vector<128x32xf32>
    %eq3A_1279 = vector.broadcast %convert_element_type3A_15 : vector<1x32xf32> to vector<128x32xf32>
    %eq3A_1280 = arith.cmpf oeq, %dot_general3A_1278, %eq3A_1279 : vector<128x32xf32>
    %convert_element_type3A_1281 = arith.extui %eq3A_1280 : vector<128x32xi1> to vector<128x32xi32>
    %convert_element_type3A_1282 = arith.sitofp %convert_element_type3A_1281 : vector<128x32xi32> to vector<128x32xf32>
    %dot_general3A_1283 = arith.constant dense<0.000000e+00> : vector<128x64xf32>
    %dot_general3A_1284 = tpu.matmul %convert_element_type3A_1282, %add3A_9, %dot_general3A_1283 {dimension_numbers = #tpu.dot_dimension_numbers<[1], [0], [0], [1], [0, 0, 1, 1], [], []>, transpose_lhs_hint = false} : vector<128x32xf32>, vector<32x64xf32>, vector<128x64xf32> -> vector<128x64xf32>
    %swap3A_1285 = arith.constant 74 : index
    %swap3A_1286 = arith.constant 0 : index
    %swap3A_1287 = arith.constant 0 : index
    %swap3A_1288 = vector.load %arg5[%swap3A_1285, %swap3A_1286, %swap3A_1287] : memref<200x128x64xf32, #tpu.memory_space<vmem>>, vector<1x128x64xf32>
    %swap3A_1289 = vector.shape_cast %swap3A_1288 : vector<1x128x64xf32> to vector<128x64xf32>
    %swap3A_1290 = vector.shape_cast %dot_general3A_1284 : vector<128x64xf32> to vector<1x128x64xf32>
    tpu.vector_store %arg5[%swap3A_1285, %swap3A_1286, %swap3A_1287], %swap3A_1290 {strides = array<i32>} : memref<200x128x64xf32, #tpu.memory_space<vmem>>, vector<1x128x64xf32>,
    %get3A_1291 = arith.constant 0 : index
    %get3A_1292 = arith.constant 75 : index
    %get3A_1293 = vector.load %arg6[%get3A_1291, %get3A_1292] : memref<128x200xf32, #tpu.memory_space<vmem>>, vector<128x1xf32>
    %dot_general3A_1294 = arith.constant dense<0.000000e+00> : vector<128x32xf32>
    %dot_general3A_1295 = tpu.matmul %get3A_1293, %broadcast_in_dim3A_16, %dot_general3A_1294 {dimension_numbers = #tpu.dot_dimension_numbers<[1], [0], [0], [1], [0, 0, 1, 1], [], []>, transpose_lhs_hint = false} : vector<128x1xf32>, vector<1x32xf32>, vector<128x32xf32> -> vector<128x32xf32>
    %eq3A_1296 = vector.broadcast %convert_element_type3A_15 : vector<1x32xf32> to vector<128x32xf32>
    %eq3A_1297 = arith.cmpf oeq, %dot_general3A_1295, %eq3A_1296 : vector<128x32xf32>
    %convert_element_type3A_1298 = arith.extui %eq3A_1297 : vector<128x32xi1> to vector<128x32xi32>
    %convert_element_type3A_1299 = arith.sitofp %convert_element_type3A_1298 : vector<128x32xi32> to vector<128x32xf32>
    %dot_general3A_1300 = arith.constant dense<0.000000e+00> : vector<128x64xf32>
    %dot_general3A_1301 = tpu.matmul %convert_element_type3A_1299, %add3A_9, %dot_general3A_1300 {dimension_numbers = #tpu.dot_dimension_numbers<[1], [0], [0], [1], [0, 0, 1, 1], [], []>, transpose_lhs_hint = false} : vector<128x32xf32>, vector<32x64xf32>, vector<128x64xf32> -> vector<128x64xf32>
    %swap3A_1302 = arith.constant 75 : index
    %swap3A_1303 = arith.constant 0 : index
    %swap3A_1304 = arith.constant 0 : index
    %swap3A_1305 = vector.load %arg5[%swap3A_1302, %swap3A_1303, %swap3A_1304] : memref<200x128x64xf32, #tpu.memory_space<vmem>>, vector<1x128x64xf32>
    %swap3A_1306 = vector.shape_cast %swap3A_1305 : vector<1x128x64xf32> to vector<128x64xf32>
    %swap3A_1307 = vector.shape_cast %dot_general3A_1301 : vector<128x64xf32> to vector<1x128x64xf32>
    tpu.vector_store %arg5[%swap3A_1302, %swap3A_1303, %swap3A_1304], %swap3A_1307 {strides = array<i32>} : memref<200x128x64xf32, #tpu.memory_space<vmem>>, vector<1x128x64xf32>,
    %get3A_1308 = arith.constant 0 : index
    %get3A_1309 = arith.constant 76 : index
    %get3A_1310 = vector.load %arg6[%get3A_1308, %get3A_1309] : memref<128x200xf32, #tpu.memory_space<vmem>>, vector<128x1xf32>
    %dot_general3A_1311 = arith.constant dense<0.000000e+00> : vector<128x32xf32>
    %dot_general3A_1312 = tpu.matmul %get3A_1310, %broadcast_in_dim3A_16, %dot_general3A_1311 {dimension_numbers = #tpu.dot_dimension_numbers<[1], [0], [0], [1], [0, 0, 1, 1], [], []>, transpose_lhs_hint = false} : vector<128x1xf32>, vector<1x32xf32>, vector<128x32xf32> -> vector<128x32xf32>
    %eq3A_1313 = vector.broadcast %convert_element_type3A_15 : vector<1x32xf32> to vector<128x32xf32>
    %eq3A_1314 = arith.cmpf oeq, %dot_general3A_1312, %eq3A_1313 : vector<128x32xf32>
    %convert_element_type3A_1315 = arith.extui %eq3A_1314 : vector<128x32xi1> to vector<128x32xi32>
    %convert_element_type3A_1316 = arith.sitofp %convert_element_type3A_1315 : vector<128x32xi32> to vector<128x32xf32>
    %dot_general3A_1317 = arith.constant dense<0.000000e+00> : vector<128x64xf32>
    %dot_general3A_1318 = tpu.matmul %convert_element_type3A_1316, %add3A_9, %dot_general3A_1317 {dimension_numbers = #tpu.dot_dimension_numbers<[1], [0], [0], [1], [0, 0, 1, 1], [], []>, transpose_lhs_hint = false} : vector<128x32xf32>, vector<32x64xf32>, vector<128x64xf32> -> vector<128x64xf32>
    %swap3A_1319 = arith.constant 76 : index
    %swap3A_1320 = arith.constant 0 : index
    %swap3A_1321 = arith.constant 0 : index
    %swap3A_1322 = vector.load %arg5[%swap3A_1319, %swap3A_1320, %swap3A_1321] : memref<200x128x64xf32, #tpu.memory_space<vmem>>, vector<1x128x64xf32>
    %swap3A_1323 = vector.shape_cast %swap3A_1322 : vector<1x128x64xf32> to vector<128x64xf32>
    %swap3A_1324 = vector.shape_cast %dot_general3A_1318 : vector<128x64xf32> to vector<1x128x64xf32>
    tpu.vector_store %arg5[%swap3A_1319, %swap3A_1320, %swap3A_1321], %swap3A_1324 {strides = array<i32>} : memref<200x128x64xf32, #tpu.memory_space<vmem>>, vector<1x128x64xf32>,
    %get3A_1325 = arith.constant 0 : index
    %get3A_1326 = arith.constant 77 : index
    %get3A_1327 = vector.load %arg6[%get3A_1325, %get3A_1326] : memref<128x200xf32, #tpu.memory_space<vmem>>, vector<128x1xf32>
    %dot_general3A_1328 = arith.constant dense<0.000000e+00> : vector<128x32xf32>
    %dot_general3A_1329 = tpu.matmul %get3A_1327, %broadcast_in_dim3A_16, %dot_general3A_1328 {dimension_numbers = #tpu.dot_dimension_numbers<[1], [0], [0], [1], [0, 0, 1, 1], [], []>, transpose_lhs_hint = false} : vector<128x1xf32>, vector<1x32xf32>, vector<128x32xf32> -> vector<128x32xf32>
    %eq3A_1330 = vector.broadcast %convert_element_type3A_15 : vector<1x32xf32> to vector<128x32xf32>
    %eq3A_1331 = arith.cmpf oeq, %dot_general3A_1329, %eq3A_1330 : vector<128x32xf32>
    %convert_element_type3A_1332 = arith.extui %eq3A_1331 : vector<128x32xi1> to vector<128x32xi32>
    %convert_element_type3A_1333 = arith.sitofp %convert_element_type3A_1332 : vector<128x32xi32> to vector<128x32xf32>
    %dot_general3A_1334 = arith.constant dense<0.000000e+00> : vector<128x64xf32>
    %dot_general3A_1335 = tpu.matmul %convert_element_type3A_1333, %add3A_9, %dot_general3A_1334 {dimension_numbers = #tpu.dot_dimension_numbers<[1], [0], [0], [1], [0, 0, 1, 1], [], []>, transpose_lhs_hint = false} : vector<128x32xf32>, vector<32x64xf32>, vector<128x64xf32> -> vector<128x64xf32>
    %swap3A_1336 = arith.constant 77 : index
    %swap3A_1337 = arith.constant 0 : index
    %swap3A_1338 = arith.constant 0 : index
    %swap3A_1339 = vector.load %arg5[%swap3A_1336, %swap3A_1337, %swap3A_1338] : memref<200x128x64xf32, #tpu.memory_space<vmem>>, vector<1x128x64xf32>
    %swap3A_1340 = vector.shape_cast %swap3A_1339 : vector<1x128x64xf32> to vector<128x64xf32>
    %swap3A_1341 = vector.shape_cast %dot_general3A_1335 : vector<128x64xf32> to vector<1x128x64xf32>
    tpu.vector_store %arg5[%swap3A_1336, %swap3A_1337, %swap3A_1338], %swap3A_1341 {strides = array<i32>} : memref<200x128x64xf32, #tpu.memory_space<vmem>>, vector<1x128x64xf32>,
    %get3A_1342 = arith.constant 0 : index
    %get3A_1343 = arith.constant 78 : index
    %get3A_1344 = vector.load %arg6[%get3A_1342, %get3A_1343] : memref<128x200xf32, #tpu.memory_space<vmem>>, vector<128x1xf32>
    %dot_general3A_1345 = arith.constant dense<0.000000e+00> : vector<128x32xf32>
    %dot_general3A_1346 = tpu.matmul %get3A_1344, %broadcast_in_dim3A_16, %dot_general3A_1345 {dimension_numbers = #tpu.dot_dimension_numbers<[1], [0], [0], [1], [0, 0, 1, 1], [], []>, transpose_lhs_hint = false} : vector<128x1xf32>, vector<1x32xf32>, vector<128x32xf32> -> vector<128x32xf32>
    %eq3A_1347 = vector.broadcast %convert_element_type3A_15 : vector<1x32xf32> to vector<128x32xf32>
    %eq3A_1348 = arith.cmpf oeq, %dot_general3A_1346, %eq3A_1347 : vector<128x32xf32>
    %convert_element_type3A_1349 = arith.extui %eq3A_1348 : vector<128x32xi1> to vector<128x32xi32>
    %convert_element_type3A_1350 = arith.sitofp %convert_element_type3A_1349 : vector<128x32xi32> to vector<128x32xf32>
    %dot_general3A_1351 = arith.constant dense<0.000000e+00> : vector<128x64xf32>
    %dot_general3A_1352 = tpu.matmul %convert_element_type3A_1350, %add3A_9, %dot_general3A_1351 {dimension_numbers = #tpu.dot_dimension_numbers<[1], [0], [0], [1], [0, 0, 1, 1], [], []>, transpose_lhs_hint = false} : vector<128x32xf32>, vector<32x64xf32>, vector<128x64xf32> -> vector<128x64xf32>
    %swap3A_1353 = arith.constant 78 : index
    %swap3A_1354 = arith.constant 0 : index
    %swap3A_1355 = arith.constant 0 : index
    %swap3A_1356 = vector.load %arg5[%swap3A_1353, %swap3A_1354, %swap3A_1355] : memref<200x128x64xf32, #tpu.memory_space<vmem>>, vector<1x128x64xf32>
    %swap3A_1357 = vector.shape_cast %swap3A_1356 : vector<1x128x64xf32> to vector<128x64xf32>
    %swap3A_1358 = vector.shape_cast %dot_general3A_1352 : vector<128x64xf32> to vector<1x128x64xf32>
    tpu.vector_store %arg5[%swap3A_1353, %swap3A_1354, %swap3A_1355], %swap3A_1358 {strides = array<i32>} : memref<200x128x64xf32, #tpu.memory_space<vmem>>, vector<1x128x64xf32>,
    %get3A_1359 = arith.constant 0 : index
    %get3A_1360 = arith.constant 79 : index
    %get3A_1361 = vector.load %arg6[%get3A_1359, %get3A_1360] : memref<128x200xf32, #tpu.memory_space<vmem>>, vector<128x1xf32>
    %dot_general3A_1362 = arith.constant dense<0.000000e+00> : vector<128x32xf32>
    %dot_general3A_1363 = tpu.matmul %get3A_1361, %broadcast_in_dim3A_16, %dot_general3A_1362 {dimension_numbers = #tpu.dot_dimension_numbers<[1], [0], [0], [1], [0, 0, 1, 1], [], []>, transpose_lhs_hint = false} : vector<128x1xf32>, vector<1x32xf32>, vector<128x32xf32> -> vector<128x32xf32>
    %eq3A_1364 = vector.broadcast %convert_element_type3A_15 : vector<1x32xf32> to vector<128x32xf32>
    %eq3A_1365 = arith.cmpf oeq, %dot_general3A_1363, %eq3A_1364 : vector<128x32xf32>
    %convert_element_type3A_1366 = arith.extui %eq3A_1365 : vector<128x32xi1> to vector<128x32xi32>
    %convert_element_type3A_1367 = arith.sitofp %convert_element_type3A_1366 : vector<128x32xi32> to vector<128x32xf32>
    %dot_general3A_1368 = arith.constant dense<0.000000e+00> : vector<128x64xf32>
    %dot_general3A_1369 = tpu.matmul %convert_element_type3A_1367, %add3A_9, %dot_general3A_1368 {dimension_numbers = #tpu.dot_dimension_numbers<[1], [0], [0], [1], [0, 0, 1, 1], [], []>, transpose_lhs_hint = false} : vector<128x32xf32>, vector<32x64xf32>, vector<128x64xf32> -> vector<128x64xf32>
    %swap3A_1370 = arith.constant 79 : index
    %swap3A_1371 = arith.constant 0 : index
    %swap3A_1372 = arith.constant 0 : index
    %swap3A_1373 = vector.load %arg5[%swap3A_1370, %swap3A_1371, %swap3A_1372] : memref<200x128x64xf32, #tpu.memory_space<vmem>>, vector<1x128x64xf32>
    %swap3A_1374 = vector.shape_cast %swap3A_1373 : vector<1x128x64xf32> to vector<128x64xf32>
    %swap3A_1375 = vector.shape_cast %dot_general3A_1369 : vector<128x64xf32> to vector<1x128x64xf32>
    tpu.vector_store %arg5[%swap3A_1370, %swap3A_1371, %swap3A_1372], %swap3A_1375 {strides = array<i32>} : memref<200x128x64xf32, #tpu.memory_space<vmem>>, vector<1x128x64xf32>,
    %get3A_1376 = arith.constant 0 : index
    %get3A_1377 = arith.constant 80 : index
    %get3A_1378 = vector.load %arg6[%get3A_1376, %get3A_1377] : memref<128x200xf32, #tpu.memory_space<vmem>>, vector<128x1xf32>
    %dot_general3A_1379 = arith.constant dense<0.000000e+00> : vector<128x32xf32>
    %dot_general3A_1380 = tpu.matmul %get3A_1378, %broadcast_in_dim3A_16, %dot_general3A_1379 {dimension_numbers = #tpu.dot_dimension_numbers<[1], [0], [0], [1], [0, 0, 1, 1], [], []>, transpose_lhs_hint = false} : vector<128x1xf32>, vector<1x32xf32>, vector<128x32xf32> -> vector<128x32xf32>
    %eq3A_1381 = vector.broadcast %convert_element_type3A_15 : vector<1x32xf32> to vector<128x32xf32>
    %eq3A_1382 = arith.cmpf oeq, %dot_general3A_1380, %eq3A_1381 : vector<128x32xf32>
    %convert_element_type3A_1383 = arith.extui %eq3A_1382 : vector<128x32xi1> to vector<128x32xi32>
    %convert_element_type3A_1384 = arith.sitofp %convert_element_type3A_1383 : vector<128x32xi32> to vector<128x32xf32>
    %dot_general3A_1385 = arith.constant dense<0.000000e+00> : vector<128x64xf32>
    %dot_general3A_1386 = tpu.matmul %convert_element_type3A_1384, %add3A_9, %dot_general3A_1385 {dimension_numbers = #tpu.dot_dimension_numbers<[1], [0], [0], [1], [0, 0, 1, 1], [], []>, transpose_lhs_hint = false} : vector<128x32xf32>, vector<32x64xf32>, vector<128x64xf32> -> vector<128x64xf32>
    %swap3A_1387 = arith.constant 80 : index
    %swap3A_1388 = arith.constant 0 : index
    %swap3A_1389 = arith.constant 0 : index
    %swap3A_1390 = vector.load %arg5[%swap3A_1387, %swap3A_1388, %swap3A_1389] : memref<200x128x64xf32, #tpu.memory_space<vmem>>, vector<1x128x64xf32>
    %swap3A_1391 = vector.shape_cast %swap3A_1390 : vector<1x128x64xf32> to vector<128x64xf32>
    %swap3A_1392 = vector.shape_cast %dot_general3A_1386 : vector<128x64xf32> to vector<1x128x64xf32>
    tpu.vector_store %arg5[%swap3A_1387, %swap3A_1388, %swap3A_1389], %swap3A_1392 {strides = array<i32>} : memref<200x128x64xf32, #tpu.memory_space<vmem>>, vector<1x128x64xf32>,
    %get3A_1393 = arith.constant 0 : index
    %get3A_1394 = arith.constant 81 : index
    %get3A_1395 = vector.load %arg6[%get3A_1393, %get3A_1394] : memref<128x200xf32, #tpu.memory_space<vmem>>, vector<128x1xf32>
    %dot_general3A_1396 = arith.constant dense<0.000000e+00> : vector<128x32xf32>
    %dot_general3A_1397 = tpu.matmul %get3A_1395, %broadcast_in_dim3A_16, %dot_general3A_1396 {dimension_numbers = #tpu.dot_dimension_numbers<[1], [0], [0], [1], [0, 0, 1, 1], [], []>, transpose_lhs_hint = false} : vector<128x1xf32>, vector<1x32xf32>, vector<128x32xf32> -> vector<128x32xf32>
    %eq3A_1398 = vector.broadcast %convert_element_type3A_15 : vector<1x32xf32> to vector<128x32xf32>
    %eq3A_1399 = arith.cmpf oeq, %dot_general3A_1397, %eq3A_1398 : vector<128x32xf32>
    %convert_element_type3A_1400 = arith.extui %eq3A_1399 : vector<128x32xi1> to vector<128x32xi32>
    %convert_element_type3A_1401 = arith.sitofp %convert_element_type3A_1400 : vector<128x32xi32> to vector<128x32xf32>
    %dot_general3A_1402 = arith.constant dense<0.000000e+00> : vector<128x64xf32>
    %dot_general3A_1403 = tpu.matmul %convert_element_type3A_1401, %add3A_9, %dot_general3A_1402 {dimension_numbers = #tpu.dot_dimension_numbers<[1], [0], [0], [1], [0, 0, 1, 1], [], []>, transpose_lhs_hint = false} : vector<128x32xf32>, vector<32x64xf32>, vector<128x64xf32> -> vector<128x64xf32>
    %swap3A_1404 = arith.constant 81 : index
    %swap3A_1405 = arith.constant 0 : index
    %swap3A_1406 = arith.constant 0 : index
    %swap3A_1407 = vector.load %arg5[%swap3A_1404, %swap3A_1405, %swap3A_1406] : memref<200x128x64xf32, #tpu.memory_space<vmem>>, vector<1x128x64xf32>
    %swap3A_1408 = vector.shape_cast %swap3A_1407 : vector<1x128x64xf32> to vector<128x64xf32>
    %swap3A_1409 = vector.shape_cast %dot_general3A_1403 : vector<128x64xf32> to vector<1x128x64xf32>
    tpu.vector_store %arg5[%swap3A_1404, %swap3A_1405, %swap3A_1406], %swap3A_1409 {strides = array<i32>} : memref<200x128x64xf32, #tpu.memory_space<vmem>>, vector<1x128x64xf32>,
    %get3A_1410 = arith.constant 0 : index
    %get3A_1411 = arith.constant 82 : index
    %get3A_1412 = vector.load %arg6[%get3A_1410, %get3A_1411] : memref<128x200xf32, #tpu.memory_space<vmem>>, vector<128x1xf32>
    %dot_general3A_1413 = arith.constant dense<0.000000e+00> : vector<128x32xf32>
    %dot_general3A_1414 = tpu.matmul %get3A_1412, %broadcast_in_dim3A_16, %dot_general3A_1413 {dimension_numbers = #tpu.dot_dimension_numbers<[1], [0], [0], [1], [0, 0, 1, 1], [], []>, transpose_lhs_hint = false} : vector<128x1xf32>, vector<1x32xf32>, vector<128x32xf32> -> vector<128x32xf32>
    %eq3A_1415 = vector.broadcast %convert_element_type3A_15 : vector<1x32xf32> to vector<128x32xf32>
    %eq3A_1416 = arith.cmpf oeq, %dot_general3A_1414, %eq3A_1415 : vector<128x32xf32>
    %convert_element_type3A_1417 = arith.extui %eq3A_1416 : vector<128x32xi1> to vector<128x32xi32>
    %convert_element_type3A_1418 = arith.sitofp %convert_element_type3A_1417 : vector<128x32xi32> to vector<128x32xf32>
    %dot_general3A_1419 = arith.constant dense<0.000000e+00> : vector<128x64xf32>
    %dot_general3A_1420 = tpu.matmul %convert_element_type3A_1418, %add3A_9, %dot_general3A_1419 {dimension_numbers = #tpu.dot_dimension_numbers<[1], [0], [0], [1], [0, 0, 1, 1], [], []>, transpose_lhs_hint = false} : vector<128x32xf32>, vector<32x64xf32>, vector<128x64xf32> -> vector<128x64xf32>
    %swap3A_1421 = arith.constant 82 : index
    %swap3A_1422 = arith.constant 0 : index
    %swap3A_1423 = arith.constant 0 : index
    %swap3A_1424 = vector.load %arg5[%swap3A_1421, %swap3A_1422, %swap3A_1423] : memref<200x128x64xf32, #tpu.memory_space<vmem>>, vector<1x128x64xf32>
    %swap3A_1425 = vector.shape_cast %swap3A_1424 : vector<1x128x64xf32> to vector<128x64xf32>
    %swap3A_1426 = vector.shape_cast %dot_general3A_1420 : vector<128x64xf32> to vector<1x128x64xf32>
    tpu.vector_store %arg5[%swap3A_1421, %swap3A_1422, %swap3A_1423], %swap3A_1426 {strides = array<i32>} : memref<200x128x64xf32, #tpu.memory_space<vmem>>, vector<1x128x64xf32>,
    %get3A_1427 = arith.constant 0 : index
    %get3A_1428 = arith.constant 83 : index
    %get3A_1429 = vector.load %arg6[%get3A_1427, %get3A_1428] : memref<128x200xf32, #tpu.memory_space<vmem>>, vector<128x1xf32>
    %dot_general3A_1430 = arith.constant dense<0.000000e+00> : vector<128x32xf32>
    %dot_general3A_1431 = tpu.matmul %get3A_1429, %broadcast_in_dim3A_16, %dot_general3A_1430 {dimension_numbers = #tpu.dot_dimension_numbers<[1], [0], [0], [1], [0, 0, 1, 1], [], []>, transpose_lhs_hint = false} : vector<128x1xf32>, vector<1x32xf32>, vector<128x32xf32> -> vector<128x32xf32>
    %eq3A_1432 = vector.broadcast %convert_element_type3A_15 : vector<1x32xf32> to vector<128x32xf32>
    %eq3A_1433 = arith.cmpf oeq, %dot_general3A_1431, %eq3A_1432 : vector<128x32xf32>
    %convert_element_type3A_1434 = arith.extui %eq3A_1433 : vector<128x32xi1> to vector<128x32xi32>
    %convert_element_type3A_1435 = arith.sitofp %convert_element_type3A_1434 : vector<128x32xi32> to vector<128x32xf32>
    %dot_general3A_1436 = arith.constant dense<0.000000e+00> : vector<128x64xf32>
    %dot_general3A_1437 = tpu.matmul %convert_element_type3A_1435, %add3A_9, %dot_general3A_1436 {dimension_numbers = #tpu.dot_dimension_numbers<[1], [0], [0], [1], [0, 0, 1, 1], [], []>, transpose_lhs_hint = false} : vector<128x32xf32>, vector<32x64xf32>, vector<128x64xf32> -> vector<128x64xf32>
    %swap3A_1438 = arith.constant 83 : index
    %swap3A_1439 = arith.constant 0 : index
    %swap3A_1440 = arith.constant 0 : index
    %swap3A_1441 = vector.load %arg5[%swap3A_1438, %swap3A_1439, %swap3A_1440] : memref<200x128x64xf32, #tpu.memory_space<vmem>>, vector<1x128x64xf32>
    %swap3A_1442 = vector.shape_cast %swap3A_1441 : vector<1x128x64xf32> to vector<128x64xf32>
    %swap3A_1443 = vector.shape_cast %dot_general3A_1437 : vector<128x64xf32> to vector<1x128x64xf32>
    tpu.vector_store %arg5[%swap3A_1438, %swap3A_1439, %swap3A_1440], %swap3A_1443 {strides = array<i32>} : memref<200x128x64xf32, #tpu.memory_space<vmem>>, vector<1x128x64xf32>,
    %get3A_1444 = arith.constant 0 : index
    %get3A_1445 = arith.constant 84 : index
    %get3A_1446 = vector.load %arg6[%get3A_1444, %get3A_1445] : memref<128x200xf32, #tpu.memory_space<vmem>>, vector<128x1xf32>
    %dot_general3A_1447 = arith.constant dense<0.000000e+00> : vector<128x32xf32>
    %dot_general3A_1448 = tpu.matmul %get3A_1446, %broadcast_in_dim3A_16, %dot_general3A_1447 {dimension_numbers = #tpu.dot_dimension_numbers<[1], [0], [0], [1], [0, 0, 1, 1], [], []>, transpose_lhs_hint = false} : vector<128x1xf32>, vector<1x32xf32>, vector<128x32xf32> -> vector<128x32xf32>
    %eq3A_1449 = vector.broadcast %convert_element_type3A_15 : vector<1x32xf32> to vector<128x32xf32>
    %eq3A_1450 = arith.cmpf oeq, %dot_general3A_1448, %eq3A_1449 : vector<128x32xf32>
    %convert_element_type3A_1451 = arith.extui %eq3A_1450 : vector<128x32xi1> to vector<128x32xi32>
    %convert_element_type3A_1452 = arith.sitofp %convert_element_type3A_1451 : vector<128x32xi32> to vector<128x32xf32>
    %dot_general3A_1453 = arith.constant dense<0.000000e+00> : vector<128x64xf32>
    %dot_general3A_1454 = tpu.matmul %convert_element_type3A_1452, %add3A_9, %dot_general3A_1453 {dimension_numbers = #tpu.dot_dimension_numbers<[1], [0], [0], [1], [0, 0, 1, 1], [], []>, transpose_lhs_hint = false} : vector<128x32xf32>, vector<32x64xf32>, vector<128x64xf32> -> vector<128x64xf32>
    %swap3A_1455 = arith.constant 84 : index
    %swap3A_1456 = arith.constant 0 : index
    %swap3A_1457 = arith.constant 0 : index
    %swap3A_1458 = vector.load %arg5[%swap3A_1455, %swap3A_1456, %swap3A_1457] : memref<200x128x64xf32, #tpu.memory_space<vmem>>, vector<1x128x64xf32>
    %swap3A_1459 = vector.shape_cast %swap3A_1458 : vector<1x128x64xf32> to vector<128x64xf32>
    %swap3A_1460 = vector.shape_cast %dot_general3A_1454 : vector<128x64xf32> to vector<1x128x64xf32>
    tpu.vector_store %arg5[%swap3A_1455, %swap3A_1456, %swap3A_1457], %swap3A_1460 {strides = array<i32>} : memref<200x128x64xf32, #tpu.memory_space<vmem>>, vector<1x128x64xf32>,
    %get3A_1461 = arith.constant 0 : index
    %get3A_1462 = arith.constant 85 : index
    %get3A_1463 = vector.load %arg6[%get3A_1461, %get3A_1462] : memref<128x200xf32, #tpu.memory_space<vmem>>, vector<128x1xf32>
    %dot_general3A_1464 = arith.constant dense<0.000000e+00> : vector<128x32xf32>
    %dot_general3A_1465 = tpu.matmul %get3A_1463, %broadcast_in_dim3A_16, %dot_general3A_1464 {dimension_numbers = #tpu.dot_dimension_numbers<[1], [0], [0], [1], [0, 0, 1, 1], [], []>, transpose_lhs_hint = false} : vector<128x1xf32>, vector<1x32xf32>, vector<128x32xf32> -> vector<128x32xf32>
    %eq3A_1466 = vector.broadcast %convert_element_type3A_15 : vector<1x32xf32> to vector<128x32xf32>
    %eq3A_1467 = arith.cmpf oeq, %dot_general3A_1465, %eq3A_1466 : vector<128x32xf32>
    %convert_element_type3A_1468 = arith.extui %eq3A_1467 : vector<128x32xi1> to vector<128x32xi32>
    %convert_element_type3A_1469 = arith.sitofp %convert_element_type3A_1468 : vector<128x32xi32> to vector<128x32xf32>
    %dot_general3A_1470 = arith.constant dense<0.000000e+00> : vector<128x64xf32>
    %dot_general3A_1471 = tpu.matmul %convert_element_type3A_1469, %add3A_9, %dot_general3A_1470 {dimension_numbers = #tpu.dot_dimension_numbers<[1], [0], [0], [1], [0, 0, 1, 1], [], []>, transpose_lhs_hint = false} : vector<128x32xf32>, vector<32x64xf32>, vector<128x64xf32> -> vector<128x64xf32>
    %swap3A_1472 = arith.constant 85 : index
    %swap3A_1473 = arith.constant 0 : index
    %swap3A_1474 = arith.constant 0 : index
    %swap3A_1475 = vector.load %arg5[%swap3A_1472, %swap3A_1473, %swap3A_1474] : memref<200x128x64xf32, #tpu.memory_space<vmem>>, vector<1x128x64xf32>
    %swap3A_1476 = vector.shape_cast %swap3A_1475 : vector<1x128x64xf32> to vector<128x64xf32>
    %swap3A_1477 = vector.shape_cast %dot_general3A_1471 : vector<128x64xf32> to vector<1x128x64xf32>
    tpu.vector_store %arg5[%swap3A_1472, %swap3A_1473, %swap3A_1474], %swap3A_1477 {strides = array<i32>} : memref<200x128x64xf32, #tpu.memory_space<vmem>>, vector<1x128x64xf32>,
    %get3A_1478 = arith.constant 0 : index
    %get3A_1479 = arith.constant 86 : index
    %get3A_1480 = vector.load %arg6[%get3A_1478, %get3A_1479] : memref<128x200xf32, #tpu.memory_space<vmem>>, vector<128x1xf32>
    %dot_general3A_1481 = arith.constant dense<0.000000e+00> : vector<128x32xf32>
    %dot_general3A_1482 = tpu.matmul %get3A_1480, %broadcast_in_dim3A_16, %dot_general3A_1481 {dimension_numbers = #tpu.dot_dimension_numbers<[1], [0], [0], [1], [0, 0, 1, 1], [], []>, transpose_lhs_hint = false} : vector<128x1xf32>, vector<1x32xf32>, vector<128x32xf32> -> vector<128x32xf32>
    %eq3A_1483 = vector.broadcast %convert_element_type3A_15 : vector<1x32xf32> to vector<128x32xf32>
    %eq3A_1484 = arith.cmpf oeq, %dot_general3A_1482, %eq3A_1483 : vector<128x32xf32>
    %convert_element_type3A_1485 = arith.extui %eq3A_1484 : vector<128x32xi1> to vector<128x32xi32>
    %convert_element_type3A_1486 = arith.sitofp %convert_element_type3A_1485 : vector<128x32xi32> to vector<128x32xf32>
    %dot_general3A_1487 = arith.constant dense<0.000000e+00> : vector<128x64xf32>
    %dot_general3A_1488 = tpu.matmul %convert_element_type3A_1486, %add3A_9, %dot_general3A_1487 {dimension_numbers = #tpu.dot_dimension_numbers<[1], [0], [0], [1], [0, 0, 1, 1], [], []>, transpose_lhs_hint = false} : vector<128x32xf32>, vector<32x64xf32>, vector<128x64xf32> -> vector<128x64xf32>
    %swap3A_1489 = arith.constant 86 : index
    %swap3A_1490 = arith.constant 0 : index
    %swap3A_1491 = arith.constant 0 : index
    %swap3A_1492 = vector.load %arg5[%swap3A_1489, %swap3A_1490, %swap3A_1491] : memref<200x128x64xf32, #tpu.memory_space<vmem>>, vector<1x128x64xf32>
    %swap3A_1493 = vector.shape_cast %swap3A_1492 : vector<1x128x64xf32> to vector<128x64xf32>
    %swap3A_1494 = vector.shape_cast %dot_general3A_1488 : vector<128x64xf32> to vector<1x128x64xf32>
    tpu.vector_store %arg5[%swap3A_1489, %swap3A_1490, %swap3A_1491], %swap3A_1494 {strides = array<i32>} : memref<200x128x64xf32, #tpu.memory_space<vmem>>, vector<1x128x64xf32>,
    %get3A_1495 = arith.constant 0 : index
    %get3A_1496 = arith.constant 87 : index
    %get3A_1497 = vector.load %arg6[%get3A_1495, %get3A_1496] : memref<128x200xf32, #tpu.memory_space<vmem>>, vector<128x1xf32>
    %dot_general3A_1498 = arith.constant dense<0.000000e+00> : vector<128x32xf32>
    %dot_general3A_1499 = tpu.matmul %get3A_1497, %broadcast_in_dim3A_16, %dot_general3A_1498 {dimension_numbers = #tpu.dot_dimension_numbers<[1], [0], [0], [1], [0, 0, 1, 1], [], []>, transpose_lhs_hint = false} : vector<128x1xf32>, vector<1x32xf32>, vector<128x32xf32> -> vector<128x32xf32>
    %eq3A_1500 = vector.broadcast %convert_element_type3A_15 : vector<1x32xf32> to vector<128x32xf32>
    %eq3A_1501 = arith.cmpf oeq, %dot_general3A_1499, %eq3A_1500 : vector<128x32xf32>
    %convert_element_type3A_1502 = arith.extui %eq3A_1501 : vector<128x32xi1> to vector<128x32xi32>
    %convert_element_type3A_1503 = arith.sitofp %convert_element_type3A_1502 : vector<128x32xi32> to vector<128x32xf32>
    %dot_general3A_1504 = arith.constant dense<0.000000e+00> : vector<128x64xf32>
    %dot_general3A_1505 = tpu.matmul %convert_element_type3A_1503, %add3A_9, %dot_general3A_1504 {dimension_numbers = #tpu.dot_dimension_numbers<[1], [0], [0], [1], [0, 0, 1, 1], [], []>, transpose_lhs_hint = false} : vector<128x32xf32>, vector<32x64xf32>, vector<128x64xf32> -> vector<128x64xf32>
    %swap3A_1506 = arith.constant 87 : index
    %swap3A_1507 = arith.constant 0 : index
    %swap3A_1508 = arith.constant 0 : index
    %swap3A_1509 = vector.load %arg5[%swap3A_1506, %swap3A_1507, %swap3A_1508] : memref<200x128x64xf32, #tpu.memory_space<vmem>>, vector<1x128x64xf32>
    %swap3A_1510 = vector.shape_cast %swap3A_1509 : vector<1x128x64xf32> to vector<128x64xf32>
    %swap3A_1511 = vector.shape_cast %dot_general3A_1505 : vector<128x64xf32> to vector<1x128x64xf32>
    tpu.vector_store %arg5[%swap3A_1506, %swap3A_1507, %swap3A_1508], %swap3A_1511 {strides = array<i32>} : memref<200x128x64xf32, #tpu.memory_space<vmem>>, vector<1x128x64xf32>,
    %get3A_1512 = arith.constant 0 : index
    %get3A_1513 = arith.constant 88 : index
    %get3A_1514 = vector.load %arg6[%get3A_1512, %get3A_1513] : memref<128x200xf32, #tpu.memory_space<vmem>>, vector<128x1xf32>
    %dot_general3A_1515 = arith.constant dense<0.000000e+00> : vector<128x32xf32>
    %dot_general3A_1516 = tpu.matmul %get3A_1514, %broadcast_in_dim3A_16, %dot_general3A_1515 {dimension_numbers = #tpu.dot_dimension_numbers<[1], [0], [0], [1], [0, 0, 1, 1], [], []>, transpose_lhs_hint = false} : vector<128x1xf32>, vector<1x32xf32>, vector<128x32xf32> -> vector<128x32xf32>
    %eq3A_1517 = vector.broadcast %convert_element_type3A_15 : vector<1x32xf32> to vector<128x32xf32>
    %eq3A_1518 = arith.cmpf oeq, %dot_general3A_1516, %eq3A_1517 : vector<128x32xf32>
    %convert_element_type3A_1519 = arith.extui %eq3A_1518 : vector<128x32xi1> to vector<128x32xi32>
    %convert_element_type3A_1520 = arith.sitofp %convert_element_type3A_1519 : vector<128x32xi32> to vector<128x32xf32>
    %dot_general3A_1521 = arith.constant dense<0.000000e+00> : vector<128x64xf32>
    %dot_general3A_1522 = tpu.matmul %convert_element_type3A_1520, %add3A_9, %dot_general3A_1521 {dimension_numbers = #tpu.dot_dimension_numbers<[1], [0], [0], [1], [0, 0, 1, 1], [], []>, transpose_lhs_hint = false} : vector<128x32xf32>, vector<32x64xf32>, vector<128x64xf32> -> vector<128x64xf32>
    %swap3A_1523 = arith.constant 88 : index
    %swap3A_1524 = arith.constant 0 : index
    %swap3A_1525 = arith.constant 0 : index
    %swap3A_1526 = vector.load %arg5[%swap3A_1523, %swap3A_1524, %swap3A_1525] : memref<200x128x64xf32, #tpu.memory_space<vmem>>, vector<1x128x64xf32>
    %swap3A_1527 = vector.shape_cast %swap3A_1526 : vector<1x128x64xf32> to vector<128x64xf32>
    %swap3A_1528 = vector.shape_cast %dot_general3A_1522 : vector<128x64xf32> to vector<1x128x64xf32>
    tpu.vector_store %arg5[%swap3A_1523, %swap3A_1524, %swap3A_1525], %swap3A_1528 {strides = array<i32>} : memref<200x128x64xf32, #tpu.memory_space<vmem>>, vector<1x128x64xf32>,
    %get3A_1529 = arith.constant 0 : index
    %get3A_1530 = arith.constant 89 : index
    %get3A_1531 = vector.load %arg6[%get3A_1529, %get3A_1530] : memref<128x200xf32, #tpu.memory_space<vmem>>, vector<128x1xf32>
    %dot_general3A_1532 = arith.constant dense<0.000000e+00> : vector<128x32xf32>
    %dot_general3A_1533 = tpu.matmul %get3A_1531, %broadcast_in_dim3A_16, %dot_general3A_1532 {dimension_numbers = #tpu.dot_dimension_numbers<[1], [0], [0], [1], [0, 0, 1, 1], [], []>, transpose_lhs_hint = false} : vector<128x1xf32>, vector<1x32xf32>, vector<128x32xf32> -> vector<128x32xf32>
    %eq3A_1534 = vector.broadcast %convert_element_type3A_15 : vector<1x32xf32> to vector<128x32xf32>
    %eq3A_1535 = arith.cmpf oeq, %dot_general3A_1533, %eq3A_1534 : vector<128x32xf32>
    %convert_element_type3A_1536 = arith.extui %eq3A_1535 : vector<128x32xi1> to vector<128x32xi32>
    %convert_element_type3A_1537 = arith.sitofp %convert_element_type3A_1536 : vector<128x32xi32> to vector<128x32xf32>
    %dot_general3A_1538 = arith.constant dense<0.000000e+00> : vector<128x64xf32>
    %dot_general3A_1539 = tpu.matmul %convert_element_type3A_1537, %add3A_9, %dot_general3A_1538 {dimension_numbers = #tpu.dot_dimension_numbers<[1], [0], [0], [1], [0, 0, 1, 1], [], []>, transpose_lhs_hint = false} : vector<128x32xf32>, vector<32x64xf32>, vector<128x64xf32> -> vector<128x64xf32>
    %swap3A_1540 = arith.constant 89 : index
    %swap3A_1541 = arith.constant 0 : index
    %swap3A_1542 = arith.constant 0 : index
    %swap3A_1543 = vector.load %arg5[%swap3A_1540, %swap3A_1541, %swap3A_1542] : memref<200x128x64xf32, #tpu.memory_space<vmem>>, vector<1x128x64xf32>
    %swap3A_1544 = vector.shape_cast %swap3A_1543 : vector<1x128x64xf32> to vector<128x64xf32>
    %swap3A_1545 = vector.shape_cast %dot_general3A_1539 : vector<128x64xf32> to vector<1x128x64xf32>
    tpu.vector_store %arg5[%swap3A_1540, %swap3A_1541, %swap3A_1542], %swap3A_1545 {strides = array<i32>} : memref<200x128x64xf32, #tpu.memory_space<vmem>>, vector<1x128x64xf32>,
    %get3A_1546 = arith.constant 0 : index
    %get3A_1547 = arith.constant 90 : index
    %get3A_1548 = vector.load %arg6[%get3A_1546, %get3A_1547] : memref<128x200xf32, #tpu.memory_space<vmem>>, vector<128x1xf32>
    %dot_general3A_1549 = arith.constant dense<0.000000e+00> : vector<128x32xf32>
    %dot_general3A_1550 = tpu.matmul %get3A_1548, %broadcast_in_dim3A_16, %dot_general3A_1549 {dimension_numbers = #tpu.dot_dimension_numbers<[1], [0], [0], [1], [0, 0, 1, 1], [], []>, transpose_lhs_hint = false} : vector<128x1xf32>, vector<1x32xf32>, vector<128x32xf32> -> vector<128x32xf32>
    %eq3A_1551 = vector.broadcast %convert_element_type3A_15 : vector<1x32xf32> to vector<128x32xf32>
    %eq3A_1552 = arith.cmpf oeq, %dot_general3A_1550, %eq3A_1551 : vector<128x32xf32>
    %convert_element_type3A_1553 = arith.extui %eq3A_1552 : vector<128x32xi1> to vector<128x32xi32>
    %convert_element_type3A_1554 = arith.sitofp %convert_element_type3A_1553 : vector<128x32xi32> to vector<128x32xf32>
    %dot_general3A_1555 = arith.constant dense<0.000000e+00> : vector<128x64xf32>
    %dot_general3A_1556 = tpu.matmul %convert_element_type3A_1554, %add3A_9, %dot_general3A_1555 {dimension_numbers = #tpu.dot_dimension_numbers<[1], [0], [0], [1], [0, 0, 1, 1], [], []>, transpose_lhs_hint = false} : vector<128x32xf32>, vector<32x64xf32>, vector<128x64xf32> -> vector<128x64xf32>
    %swap3A_1557 = arith.constant 90 : index
    %swap3A_1558 = arith.constant 0 : index
    %swap3A_1559 = arith.constant 0 : index
    %swap3A_1560 = vector.load %arg5[%swap3A_1557, %swap3A_1558, %swap3A_1559] : memref<200x128x64xf32, #tpu.memory_space<vmem>>, vector<1x128x64xf32>
    %swap3A_1561 = vector.shape_cast %swap3A_1560 : vector<1x128x64xf32> to vector<128x64xf32>
    %swap3A_1562 = vector.shape_cast %dot_general3A_1556 : vector<128x64xf32> to vector<1x128x64xf32>
    tpu.vector_store %arg5[%swap3A_1557, %swap3A_1558, %swap3A_1559], %swap3A_1562 {strides = array<i32>} : memref<200x128x64xf32, #tpu.memory_space<vmem>>, vector<1x128x64xf32>,
    %get3A_1563 = arith.constant 0 : index
    %get3A_1564 = arith.constant 91 : index
    %get3A_1565 = vector.load %arg6[%get3A_1563, %get3A_1564] : memref<128x200xf32, #tpu.memory_space<vmem>>, vector<128x1xf32>
    %dot_general3A_1566 = arith.constant dense<0.000000e+00> : vector<128x32xf32>
    %dot_general3A_1567 = tpu.matmul %get3A_1565, %broadcast_in_dim3A_16, %dot_general3A_1566 {dimension_numbers = #tpu.dot_dimension_numbers<[1], [0], [0], [1], [0, 0, 1, 1], [], []>, transpose_lhs_hint = false} : vector<128x1xf32>, vector<1x32xf32>, vector<128x32xf32> -> vector<128x32xf32>
    %eq3A_1568 = vector.broadcast %convert_element_type3A_15 : vector<1x32xf32> to vector<128x32xf32>
    %eq3A_1569 = arith.cmpf oeq, %dot_general3A_1567, %eq3A_1568 : vector<128x32xf32>
    %convert_element_type3A_1570 = arith.extui %eq3A_1569 : vector<128x32xi1> to vector<128x32xi32>
    %convert_element_type3A_1571 = arith.sitofp %convert_element_type3A_1570 : vector<128x32xi32> to vector<128x32xf32>
    %dot_general3A_1572 = arith.constant dense<0.000000e+00> : vector<128x64xf32>
    %dot_general3A_1573 = tpu.matmul %convert_element_type3A_1571, %add3A_9, %dot_general3A_1572 {dimension_numbers = #tpu.dot_dimension_numbers<[1], [0], [0], [1], [0, 0, 1, 1], [], []>, transpose_lhs_hint = false} : vector<128x32xf32>, vector<32x64xf32>, vector<128x64xf32> -> vector<128x64xf32>
    %swap3A_1574 = arith.constant 91 : index
    %swap3A_1575 = arith.constant 0 : index
    %swap3A_1576 = arith.constant 0 : index
    %swap3A_1577 = vector.load %arg5[%swap3A_1574, %swap3A_1575, %swap3A_1576] : memref<200x128x64xf32, #tpu.memory_space<vmem>>, vector<1x128x64xf32>
    %swap3A_1578 = vector.shape_cast %swap3A_1577 : vector<1x128x64xf32> to vector<128x64xf32>
    %swap3A_1579 = vector.shape_cast %dot_general3A_1573 : vector<128x64xf32> to vector<1x128x64xf32>
    tpu.vector_store %arg5[%swap3A_1574, %swap3A_1575, %swap3A_1576], %swap3A_1579 {strides = array<i32>} : memref<200x128x64xf32, #tpu.memory_space<vmem>>, vector<1x128x64xf32>,
    %get3A_1580 = arith.constant 0 : index
    %get3A_1581 = arith.constant 92 : index
    %get3A_1582 = vector.load %arg6[%get3A_1580, %get3A_1581] : memref<128x200xf32, #tpu.memory_space<vmem>>, vector<128x1xf32>
    %dot_general3A_1583 = arith.constant dense<0.000000e+00> : vector<128x32xf32>
    %dot_general3A_1584 = tpu.matmul %get3A_1582, %broadcast_in_dim3A_16, %dot_general3A_1583 {dimension_numbers = #tpu.dot_dimension_numbers<[1], [0], [0], [1], [0, 0, 1, 1], [], []>, transpose_lhs_hint = false} : vector<128x1xf32>, vector<1x32xf32>, vector<128x32xf32> -> vector<128x32xf32>
    %eq3A_1585 = vector.broadcast %convert_element_type3A_15 : vector<1x32xf32> to vector<128x32xf32>
    %eq3A_1586 = arith.cmpf oeq, %dot_general3A_1584, %eq3A_1585 : vector<128x32xf32>
    %convert_element_type3A_1587 = arith.extui %eq3A_1586 : vector<128x32xi1> to vector<128x32xi32>
    %convert_element_type3A_1588 = arith.sitofp %convert_element_type3A_1587 : vector<128x32xi32> to vector<128x32xf32>
    %dot_general3A_1589 = arith.constant dense<0.000000e+00> : vector<128x64xf32>
    %dot_general3A_1590 = tpu.matmul %convert_element_type3A_1588, %add3A_9, %dot_general3A_1589 {dimension_numbers = #tpu.dot_dimension_numbers<[1], [0], [0], [1], [0, 0, 1, 1], [], []>, transpose_lhs_hint = false} : vector<128x32xf32>, vector<32x64xf32>, vector<128x64xf32> -> vector<128x64xf32>
    %swap3A_1591 = arith.constant 92 : index
    %swap3A_1592 = arith.constant 0 : index
    %swap3A_1593 = arith.constant 0 : index
    %swap3A_1594 = vector.load %arg5[%swap3A_1591, %swap3A_1592, %swap3A_1593] : memref<200x128x64xf32, #tpu.memory_space<vmem>>, vector<1x128x64xf32>
    %swap3A_1595 = vector.shape_cast %swap3A_1594 : vector<1x128x64xf32> to vector<128x64xf32>
    %swap3A_1596 = vector.shape_cast %dot_general3A_1590 : vector<128x64xf32> to vector<1x128x64xf32>
    tpu.vector_store %arg5[%swap3A_1591, %swap3A_1592, %swap3A_1593], %swap3A_1596 {strides = array<i32>} : memref<200x128x64xf32, #tpu.memory_space<vmem>>, vector<1x128x64xf32>,
    %get3A_1597 = arith.constant 0 : index
    %get3A_1598 = arith.constant 93 : index
    %get3A_1599 = vector.load %arg6[%get3A_1597, %get3A_1598] : memref<128x200xf32, #tpu.memory_space<vmem>>, vector<128x1xf32>
    %dot_general3A_1600 = arith.constant dense<0.000000e+00> : vector<128x32xf32>
    %dot_general3A_1601 = tpu.matmul %get3A_1599, %broadcast_in_dim3A_16, %dot_general3A_1600 {dimension_numbers = #tpu.dot_dimension_numbers<[1], [0], [0], [1], [0, 0, 1, 1], [], []>, transpose_lhs_hint = false} : vector<128x1xf32>, vector<1x32xf32>, vector<128x32xf32> -> vector<128x32xf32>
    %eq3A_1602 = vector.broadcast %convert_element_type3A_15 : vector<1x32xf32> to vector<128x32xf32>
    %eq3A_1603 = arith.cmpf oeq, %dot_general3A_1601, %eq3A_1602 : vector<128x32xf32>
    %convert_element_type3A_1604 = arith.extui %eq3A_1603 : vector<128x32xi1> to vector<128x32xi32>
    %convert_element_type3A_1605 = arith.sitofp %convert_element_type3A_1604 : vector<128x32xi32> to vector<128x32xf32>
    %dot_general3A_1606 = arith.constant dense<0.000000e+00> : vector<128x64xf32>
    %dot_general3A_1607 = tpu.matmul %convert_element_type3A_1605, %add3A_9, %dot_general3A_1606 {dimension_numbers = #tpu.dot_dimension_numbers<[1], [0], [0], [1], [0, 0, 1, 1], [], []>, transpose_lhs_hint = false} : vector<128x32xf32>, vector<32x64xf32>, vector<128x64xf32> -> vector<128x64xf32>
    %swap3A_1608 = arith.constant 93 : index
    %swap3A_1609 = arith.constant 0 : index
    %swap3A_1610 = arith.constant 0 : index
    %swap3A_1611 = vector.load %arg5[%swap3A_1608, %swap3A_1609, %swap3A_1610] : memref<200x128x64xf32, #tpu.memory_space<vmem>>, vector<1x128x64xf32>
    %swap3A_1612 = vector.shape_cast %swap3A_1611 : vector<1x128x64xf32> to vector<128x64xf32>
    %swap3A_1613 = vector.shape_cast %dot_general3A_1607 : vector<128x64xf32> to vector<1x128x64xf32>
    tpu.vector_store %arg5[%swap3A_1608, %swap3A_1609, %swap3A_1610], %swap3A_1613 {strides = array<i32>} : memref<200x128x64xf32, #tpu.memory_space<vmem>>, vector<1x128x64xf32>,
    %get3A_1614 = arith.constant 0 : index
    %get3A_1615 = arith.constant 94 : index
    %get3A_1616 = vector.load %arg6[%get3A_1614, %get3A_1615] : memref<128x200xf32, #tpu.memory_space<vmem>>, vector<128x1xf32>
    %dot_general3A_1617 = arith.constant dense<0.000000e+00> : vector<128x32xf32>
    %dot_general3A_1618 = tpu.matmul %get3A_1616, %broadcast_in_dim3A_16, %dot_general3A_1617 {dimension_numbers = #tpu.dot_dimension_numbers<[1], [0], [0], [1], [0, 0, 1, 1], [], []>, transpose_lhs_hint = false} : vector<128x1xf32>, vector<1x32xf32>, vector<128x32xf32> -> vector<128x32xf32>
    %eq3A_1619 = vector.broadcast %convert_element_type3A_15 : vector<1x32xf32> to vector<128x32xf32>
    %eq3A_1620 = arith.cmpf oeq, %dot_general3A_1618, %eq3A_1619 : vector<128x32xf32>
    %convert_element_type3A_1621 = arith.extui %eq3A_1620 : vector<128x32xi1> to vector<128x32xi32>
    %convert_element_type3A_1622 = arith.sitofp %convert_element_type3A_1621 : vector<128x32xi32> to vector<128x32xf32>
    %dot_general3A_1623 = arith.constant dense<0.000000e+00> : vector<128x64xf32>
    %dot_general3A_1624 = tpu.matmul %convert_element_type3A_1622, %add3A_9, %dot_general3A_1623 {dimension_numbers = #tpu.dot_dimension_numbers<[1], [0], [0], [1], [0, 0, 1, 1], [], []>, transpose_lhs_hint = false} : vector<128x32xf32>, vector<32x64xf32>, vector<128x64xf32> -> vector<128x64xf32>
    %swap3A_1625 = arith.constant 94 : index
    %swap3A_1626 = arith.constant 0 : index
    %swap3A_1627 = arith.constant 0 : index
    %swap3A_1628 = vector.load %arg5[%swap3A_1625, %swap3A_1626, %swap3A_1627] : memref<200x128x64xf32, #tpu.memory_space<vmem>>, vector<1x128x64xf32>
    %swap3A_1629 = vector.shape_cast %swap3A_1628 : vector<1x128x64xf32> to vector<128x64xf32>
    %swap3A_1630 = vector.shape_cast %dot_general3A_1624 : vector<128x64xf32> to vector<1x128x64xf32>
    tpu.vector_store %arg5[%swap3A_1625, %swap3A_1626, %swap3A_1627], %swap3A_1630 {strides = array<i32>} : memref<200x128x64xf32, #tpu.memory_space<vmem>>, vector<1x128x64xf32>,
    %get3A_1631 = arith.constant 0 : index
    %get3A_1632 = arith.constant 95 : index
    %get3A_1633 = vector.load %arg6[%get3A_1631, %get3A_1632] : memref<128x200xf32, #tpu.memory_space<vmem>>, vector<128x1xf32>
    %dot_general3A_1634 = arith.constant dense<0.000000e+00> : vector<128x32xf32>
    %dot_general3A_1635 = tpu.matmul %get3A_1633, %broadcast_in_dim3A_16, %dot_general3A_1634 {dimension_numbers = #tpu.dot_dimension_numbers<[1], [0], [0], [1], [0, 0, 1, 1], [], []>, transpose_lhs_hint = false} : vector<128x1xf32>, vector<1x32xf32>, vector<128x32xf32> -> vector<128x32xf32>
    %eq3A_1636 = vector.broadcast %convert_element_type3A_15 : vector<1x32xf32> to vector<128x32xf32>
    %eq3A_1637 = arith.cmpf oeq, %dot_general3A_1635, %eq3A_1636 : vector<128x32xf32>
    %convert_element_type3A_1638 = arith.extui %eq3A_1637 : vector<128x32xi1> to vector<128x32xi32>
    %convert_element_type3A_1639 = arith.sitofp %convert_element_type3A_1638 : vector<128x32xi32> to vector<128x32xf32>
    %dot_general3A_1640 = arith.constant dense<0.000000e+00> : vector<128x64xf32>
    %dot_general3A_1641 = tpu.matmul %convert_element_type3A_1639, %add3A_9, %dot_general3A_1640 {dimension_numbers = #tpu.dot_dimension_numbers<[1], [0], [0], [1], [0, 0, 1, 1], [], []>, transpose_lhs_hint = false} : vector<128x32xf32>, vector<32x64xf32>, vector<128x64xf32> -> vector<128x64xf32>
    %swap3A_1642 = arith.constant 95 : index
    %swap3A_1643 = arith.constant 0 : index
    %swap3A_1644 = arith.constant 0 : index
    %swap3A_1645 = vector.load %arg5[%swap3A_1642, %swap3A_1643, %swap3A_1644] : memref<200x128x64xf32, #tpu.memory_space<vmem>>, vector<1x128x64xf32>
    %swap3A_1646 = vector.shape_cast %swap3A_1645 : vector<1x128x64xf32> to vector<128x64xf32>
    %swap3A_1647 = vector.shape_cast %dot_general3A_1641 : vector<128x64xf32> to vector<1x128x64xf32>
    tpu.vector_store %arg5[%swap3A_1642, %swap3A_1643, %swap3A_1644], %swap3A_1647 {strides = array<i32>} : memref<200x128x64xf32, #tpu.memory_space<vmem>>, vector<1x128x64xf32>,
    %get3A_1648 = arith.constant 0 : index
    %get3A_1649 = arith.constant 96 : index
    %get3A_1650 = vector.load %arg6[%get3A_1648, %get3A_1649] : memref<128x200xf32, #tpu.memory_space<vmem>>, vector<128x1xf32>
    %dot_general3A_1651 = arith.constant dense<0.000000e+00> : vector<128x32xf32>
    %dot_general3A_1652 = tpu.matmul %get3A_1650, %broadcast_in_dim3A_16, %dot_general3A_1651 {dimension_numbers = #tpu.dot_dimension_numbers<[1], [0], [0], [1], [0, 0, 1, 1], [], []>, transpose_lhs_hint = false} : vector<128x1xf32>, vector<1x32xf32>, vector<128x32xf32> -> vector<128x32xf32>
    %eq3A_1653 = vector.broadcast %convert_element_type3A_15 : vector<1x32xf32> to vector<128x32xf32>
    %eq3A_1654 = arith.cmpf oeq, %dot_general3A_1652, %eq3A_1653 : vector<128x32xf32>
    %convert_element_type3A_1655 = arith.extui %eq3A_1654 : vector<128x32xi1> to vector<128x32xi32>
    %convert_element_type3A_1656 = arith.sitofp %convert_element_type3A_1655 : vector<128x32xi32> to vector<128x32xf32>
    %dot_general3A_1657 = arith.constant dense<0.000000e+00> : vector<128x64xf32>
    %dot_general3A_1658 = tpu.matmul %convert_element_type3A_1656, %add3A_9, %dot_general3A_1657 {dimension_numbers = #tpu.dot_dimension_numbers<[1], [0], [0], [1], [0, 0, 1, 1], [], []>, transpose_lhs_hint = false} : vector<128x32xf32>, vector<32x64xf32>, vector<128x64xf32> -> vector<128x64xf32>
    %swap3A_1659 = arith.constant 96 : index
    %swap3A_1660 = arith.constant 0 : index
    %swap3A_1661 = arith.constant 0 : index
    %swap3A_1662 = vector.load %arg5[%swap3A_1659, %swap3A_1660, %swap3A_1661] : memref<200x128x64xf32, #tpu.memory_space<vmem>>, vector<1x128x64xf32>
    %swap3A_1663 = vector.shape_cast %swap3A_1662 : vector<1x128x64xf32> to vector<128x64xf32>
    %swap3A_1664 = vector.shape_cast %dot_general3A_1658 : vector<128x64xf32> to vector<1x128x64xf32>
    tpu.vector_store %arg5[%swap3A_1659, %swap3A_1660, %swap3A_1661], %swap3A_1664 {strides = array<i32>} : memref<200x128x64xf32, #tpu.memory_space<vmem>>, vector<1x128x64xf32>,
    %get3A_1665 = arith.constant 0 : index
    %get3A_1666 = arith.constant 97 : index
    %get3A_1667 = vector.load %arg6[%get3A_1665, %get3A_1666] : memref<128x200xf32, #tpu.memory_space<vmem>>, vector<128x1xf32>
    %dot_general3A_1668 = arith.constant dense<0.000000e+00> : vector<128x32xf32>
    %dot_general3A_1669 = tpu.matmul %get3A_1667, %broadcast_in_dim3A_16, %dot_general3A_1668 {dimension_numbers = #tpu.dot_dimension_numbers<[1], [0], [0], [1], [0, 0, 1, 1], [], []>, transpose_lhs_hint = false} : vector<128x1xf32>, vector<1x32xf32>, vector<128x32xf32> -> vector<128x32xf32>
    %eq3A_1670 = vector.broadcast %convert_element_type3A_15 : vector<1x32xf32> to vector<128x32xf32>
    %eq3A_1671 = arith.cmpf oeq, %dot_general3A_1669, %eq3A_1670 : vector<128x32xf32>
    %convert_element_type3A_1672 = arith.extui %eq3A_1671 : vector<128x32xi1> to vector<128x32xi32>
    %convert_element_type3A_1673 = arith.sitofp %convert_element_type3A_1672 : vector<128x32xi32> to vector<128x32xf32>
    %dot_general3A_1674 = arith.constant dense<0.000000e+00> : vector<128x64xf32>
    %dot_general3A_1675 = tpu.matmul %convert_element_type3A_1673, %add3A_9, %dot_general3A_1674 {dimension_numbers = #tpu.dot_dimension_numbers<[1], [0], [0], [1], [0, 0, 1, 1], [], []>, transpose_lhs_hint = false} : vector<128x32xf32>, vector<32x64xf32>, vector<128x64xf32> -> vector<128x64xf32>
    %swap3A_1676 = arith.constant 97 : index
    %swap3A_1677 = arith.constant 0 : index
    %swap3A_1678 = arith.constant 0 : index
    %swap3A_1679 = vector.load %arg5[%swap3A_1676, %swap3A_1677, %swap3A_1678] : memref<200x128x64xf32, #tpu.memory_space<vmem>>, vector<1x128x64xf32>
    %swap3A_1680 = vector.shape_cast %swap3A_1679 : vector<1x128x64xf32> to vector<128x64xf32>
    %swap3A_1681 = vector.shape_cast %dot_general3A_1675 : vector<128x64xf32> to vector<1x128x64xf32>
    tpu.vector_store %arg5[%swap3A_1676, %swap3A_1677, %swap3A_1678], %swap3A_1681 {strides = array<i32>} : memref<200x128x64xf32, #tpu.memory_space<vmem>>, vector<1x128x64xf32>,
    %get3A_1682 = arith.constant 0 : index
    %get3A_1683 = arith.constant 98 : index
    %get3A_1684 = vector.load %arg6[%get3A_1682, %get3A_1683] : memref<128x200xf32, #tpu.memory_space<vmem>>, vector<128x1xf32>
    %dot_general3A_1685 = arith.constant dense<0.000000e+00> : vector<128x32xf32>
    %dot_general3A_1686 = tpu.matmul %get3A_1684, %broadcast_in_dim3A_16, %dot_general3A_1685 {dimension_numbers = #tpu.dot_dimension_numbers<[1], [0], [0], [1], [0, 0, 1, 1], [], []>, transpose_lhs_hint = false} : vector<128x1xf32>, vector<1x32xf32>, vector<128x32xf32> -> vector<128x32xf32>
    %eq3A_1687 = vector.broadcast %convert_element_type3A_15 : vector<1x32xf32> to vector<128x32xf32>
    %eq3A_1688 = arith.cmpf oeq, %dot_general3A_1686, %eq3A_1687 : vector<128x32xf32>
    %convert_element_type3A_1689 = arith.extui %eq3A_1688 : vector<128x32xi1> to vector<128x32xi32>
    %convert_element_type3A_1690 = arith.sitofp %convert_element_type3A_1689 : vector<128x32xi32> to vector<128x32xf32>
    %dot_general3A_1691 = arith.constant dense<0.000000e+00> : vector<128x64xf32>
    %dot_general3A_1692 = tpu.matmul %convert_element_type3A_1690, %add3A_9, %dot_general3A_1691 {dimension_numbers = #tpu.dot_dimension_numbers<[1], [0], [0], [1], [0, 0, 1, 1], [], []>, transpose_lhs_hint = false} : vector<128x32xf32>, vector<32x64xf32>, vector<128x64xf32> -> vector<128x64xf32>
    %swap3A_1693 = arith.constant 98 : index
    %swap3A_1694 = arith.constant 0 : index
    %swap3A_1695 = arith.constant 0 : index
    %swap3A_1696 = vector.load %arg5[%swap3A_1693, %swap3A_1694, %swap3A_1695] : memref<200x128x64xf32, #tpu.memory_space<vmem>>, vector<1x128x64xf32>
    %swap3A_1697 = vector.shape_cast %swap3A_1696 : vector<1x128x64xf32> to vector<128x64xf32>
    %swap3A_1698 = vector.shape_cast %dot_general3A_1692 : vector<128x64xf32> to vector<1x128x64xf32>
    tpu.vector_store %arg5[%swap3A_1693, %swap3A_1694, %swap3A_1695], %swap3A_1698 {strides = array<i32>} : memref<200x128x64xf32, #tpu.memory_space<vmem>>, vector<1x128x64xf32>,
    %get3A_1699 = arith.constant 0 : index
    %get3A_1700 = arith.constant 99 : index
    %get3A_1701 = vector.load %arg6[%get3A_1699, %get3A_1700] : memref<128x200xf32, #tpu.memory_space<vmem>>, vector<128x1xf32>
    %dot_general3A_1702 = arith.constant dense<0.000000e+00> : vector<128x32xf32>
    %dot_general3A_1703 = tpu.matmul %get3A_1701, %broadcast_in_dim3A_16, %dot_general3A_1702 {dimension_numbers = #tpu.dot_dimension_numbers<[1], [0], [0], [1], [0, 0, 1, 1], [], []>, transpose_lhs_hint = false} : vector<128x1xf32>, vector<1x32xf32>, vector<128x32xf32> -> vector<128x32xf32>
    %eq3A_1704 = vector.broadcast %convert_element_type3A_15 : vector<1x32xf32> to vector<128x32xf32>
    %eq3A_1705 = arith.cmpf oeq, %dot_general3A_1703, %eq3A_1704 : vector<128x32xf32>
    %convert_element_type3A_1706 = arith.extui %eq3A_1705 : vector<128x32xi1> to vector<128x32xi32>
    %convert_element_type3A_1707 = arith.sitofp %convert_element_type3A_1706 : vector<128x32xi32> to vector<128x32xf32>
    %dot_general3A_1708 = arith.constant dense<0.000000e+00> : vector<128x64xf32>
    %dot_general3A_1709 = tpu.matmul %convert_element_type3A_1707, %add3A_9, %dot_general3A_1708 {dimension_numbers = #tpu.dot_dimension_numbers<[1], [0], [0], [1], [0, 0, 1, 1], [], []>, transpose_lhs_hint = false} : vector<128x32xf32>, vector<32x64xf32>, vector<128x64xf32> -> vector<128x64xf32>
    %swap3A_1710 = arith.constant 99 : index
    %swap3A_1711 = arith.constant 0 : index
    %swap3A_1712 = arith.constant 0 : index
    %swap3A_1713 = vector.load %arg5[%swap3A_1710, %swap3A_1711, %swap3A_1712] : memref<200x128x64xf32, #tpu.memory_space<vmem>>, vector<1x128x64xf32>
    %swap3A_1714 = vector.shape_cast %swap3A_1713 : vector<1x128x64xf32> to vector<128x64xf32>
    %swap3A_1715 = vector.shape_cast %dot_general3A_1709 : vector<128x64xf32> to vector<1x128x64xf32>
    tpu.vector_store %arg5[%swap3A_1710, %swap3A_1711, %swap3A_1712], %swap3A_1715 {strides = array<i32>} : memref<200x128x64xf32, #tpu.memory_space<vmem>>, vector<1x128x64xf32>,
    %get3A_1716 = arith.constant 0 : index
    %get3A_1717 = arith.constant 100 : index
    %get3A_1718 = vector.load %arg6[%get3A_1716, %get3A_1717] : memref<128x200xf32, #tpu.memory_space<vmem>>, vector<128x1xf32>
    %dot_general3A_1719 = arith.constant dense<0.000000e+00> : vector<128x32xf32>
    %dot_general3A_1720 = tpu.matmul %get3A_1718, %broadcast_in_dim3A_16, %dot_general3A_1719 {dimension_numbers = #tpu.dot_dimension_numbers<[1], [0], [0], [1], [0, 0, 1, 1], [], []>, transpose_lhs_hint = false} : vector<128x1xf32>, vector<1x32xf32>, vector<128x32xf32> -> vector<128x32xf32>
    %eq3A_1721 = vector.broadcast %convert_element_type3A_15 : vector<1x32xf32> to vector<128x32xf32>
    %eq3A_1722 = arith.cmpf oeq, %dot_general3A_1720, %eq3A_1721 : vector<128x32xf32>
    %convert_element_type3A_1723 = arith.extui %eq3A_1722 : vector<128x32xi1> to vector<128x32xi32>
    %convert_element_type3A_1724 = arith.sitofp %convert_element_type3A_1723 : vector<128x32xi32> to vector<128x32xf32>
    %dot_general3A_1725 = arith.constant dense<0.000000e+00> : vector<128x64xf32>
    %dot_general3A_1726 = tpu.matmul %convert_element_type3A_1724, %add3A_9, %dot_general3A_1725 {dimension_numbers = #tpu.dot_dimension_numbers<[1], [0], [0], [1], [0, 0, 1, 1], [], []>, transpose_lhs_hint = false} : vector<128x32xf32>, vector<32x64xf32>, vector<128x64xf32> -> vector<128x64xf32>
    %swap3A_1727 = arith.constant 100 : index
    %swap3A_1728 = arith.constant 0 : index
    %swap3A_1729 = arith.constant 0 : index
    %swap3A_1730 = vector.load %arg5[%swap3A_1727, %swap3A_1728, %swap3A_1729] : memref<200x128x64xf32, #tpu.memory_space<vmem>>, vector<1x128x64xf32>
    %swap3A_1731 = vector.shape_cast %swap3A_1730 : vector<1x128x64xf32> to vector<128x64xf32>
    %swap3A_1732 = vector.shape_cast %dot_general3A_1726 : vector<128x64xf32> to vector<1x128x64xf32>
    tpu.vector_store %arg5[%swap3A_1727, %swap3A_1728, %swap3A_1729], %swap3A_1732 {strides = array<i32>} : memref<200x128x64xf32, #tpu.memory_space<vmem>>, vector<1x128x64xf32>,
    %get3A_1733 = arith.constant 0 : index
    %get3A_1734 = arith.constant 101 : index
    %get3A_1735 = vector.load %arg6[%get3A_1733, %get3A_1734] : memref<128x200xf32, #tpu.memory_space<vmem>>, vector<128x1xf32>
    %dot_general3A_1736 = arith.constant dense<0.000000e+00> : vector<128x32xf32>
    %dot_general3A_1737 = tpu.matmul %get3A_1735, %broadcast_in_dim3A_16, %dot_general3A_1736 {dimension_numbers = #tpu.dot_dimension_numbers<[1], [0], [0], [1], [0, 0, 1, 1], [], []>, transpose_lhs_hint = false} : vector<128x1xf32>, vector<1x32xf32>, vector<128x32xf32> -> vector<128x32xf32>
    %eq3A_1738 = vector.broadcast %convert_element_type3A_15 : vector<1x32xf32> to vector<128x32xf32>
    %eq3A_1739 = arith.cmpf oeq, %dot_general3A_1737, %eq3A_1738 : vector<128x32xf32>
    %convert_element_type3A_1740 = arith.extui %eq3A_1739 : vector<128x32xi1> to vector<128x32xi32>
    %convert_element_type3A_1741 = arith.sitofp %convert_element_type3A_1740 : vector<128x32xi32> to vector<128x32xf32>
    %dot_general3A_1742 = arith.constant dense<0.000000e+00> : vector<128x64xf32>
    %dot_general3A_1743 = tpu.matmul %convert_element_type3A_1741, %add3A_9, %dot_general3A_1742 {dimension_numbers = #tpu.dot_dimension_numbers<[1], [0], [0], [1], [0, 0, 1, 1], [], []>, transpose_lhs_hint = false} : vector<128x32xf32>, vector<32x64xf32>, vector<128x64xf32> -> vector<128x64xf32>
    %swap3A_1744 = arith.constant 101 : index
    %swap3A_1745 = arith.constant 0 : index
    %swap3A_1746 = arith.constant 0 : index
    %swap3A_1747 = vector.load %arg5[%swap3A_1744, %swap3A_1745, %swap3A_1746] : memref<200x128x64xf32, #tpu.memory_space<vmem>>, vector<1x128x64xf32>
    %swap3A_1748 = vector.shape_cast %swap3A_1747 : vector<1x128x64xf32> to vector<128x64xf32>
    %swap3A_1749 = vector.shape_cast %dot_general3A_1743 : vector<128x64xf32> to vector<1x128x64xf32>
    tpu.vector_store %arg5[%swap3A_1744, %swap3A_1745, %swap3A_1746], %swap3A_1749 {strides = array<i32>} : memref<200x128x64xf32, #tpu.memory_space<vmem>>, vector<1x128x64xf32>,
    %get3A_1750 = arith.constant 0 : index
    %get3A_1751 = arith.constant 102 : index
    %get3A_1752 = vector.load %arg6[%get3A_1750, %get3A_1751] : memref<128x200xf32, #tpu.memory_space<vmem>>, vector<128x1xf32>
    %dot_general3A_1753 = arith.constant dense<0.000000e+00> : vector<128x32xf32>
    %dot_general3A_1754 = tpu.matmul %get3A_1752, %broadcast_in_dim3A_16, %dot_general3A_1753 {dimension_numbers = #tpu.dot_dimension_numbers<[1], [0], [0], [1], [0, 0, 1, 1], [], []>, transpose_lhs_hint = false} : vector<128x1xf32>, vector<1x32xf32>, vector<128x32xf32> -> vector<128x32xf32>
    %eq3A_1755 = vector.broadcast %convert_element_type3A_15 : vector<1x32xf32> to vector<128x32xf32>
    %eq3A_1756 = arith.cmpf oeq, %dot_general3A_1754, %eq3A_1755 : vector<128x32xf32>
    %convert_element_type3A_1757 = arith.extui %eq3A_1756 : vector<128x32xi1> to vector<128x32xi32>
    %convert_element_type3A_1758 = arith.sitofp %convert_element_type3A_1757 : vector<128x32xi32> to vector<128x32xf32>
    %dot_general3A_1759 = arith.constant dense<0.000000e+00> : vector<128x64xf32>
    %dot_general3A_1760 = tpu.matmul %convert_element_type3A_1758, %add3A_9, %dot_general3A_1759 {dimension_numbers = #tpu.dot_dimension_numbers<[1], [0], [0], [1], [0, 0, 1, 1], [], []>, transpose_lhs_hint = false} : vector<128x32xf32>, vector<32x64xf32>, vector<128x64xf32> -> vector<128x64xf32>
    %swap3A_1761 = arith.constant 102 : index
    %swap3A_1762 = arith.constant 0 : index
    %swap3A_1763 = arith.constant 0 : index
    %swap3A_1764 = vector.load %arg5[%swap3A_1761, %swap3A_1762, %swap3A_1763] : memref<200x128x64xf32, #tpu.memory_space<vmem>>, vector<1x128x64xf32>
    %swap3A_1765 = vector.shape_cast %swap3A_1764 : vector<1x128x64xf32> to vector<128x64xf32>
    %swap3A_1766 = vector.shape_cast %dot_general3A_1760 : vector<128x64xf32> to vector<1x128x64xf32>
    tpu.vector_store %arg5[%swap3A_1761, %swap3A_1762, %swap3A_1763], %swap3A_1766 {strides = array<i32>} : memref<200x128x64xf32, #tpu.memory_space<vmem>>, vector<1x128x64xf32>,
    %get3A_1767 = arith.constant 0 : index
    %get3A_1768 = arith.constant 103 : index
    %get3A_1769 = vector.load %arg6[%get3A_1767, %get3A_1768] : memref<128x200xf32, #tpu.memory_space<vmem>>, vector<128x1xf32>
    %dot_general3A_1770 = arith.constant dense<0.000000e+00> : vector<128x32xf32>
    %dot_general3A_1771 = tpu.matmul %get3A_1769, %broadcast_in_dim3A_16, %dot_general3A_1770 {dimension_numbers = #tpu.dot_dimension_numbers<[1], [0], [0], [1], [0, 0, 1, 1], [], []>, transpose_lhs_hint = false} : vector<128x1xf32>, vector<1x32xf32>, vector<128x32xf32> -> vector<128x32xf32>
    %eq3A_1772 = vector.broadcast %convert_element_type3A_15 : vector<1x32xf32> to vector<128x32xf32>
    %eq3A_1773 = arith.cmpf oeq, %dot_general3A_1771, %eq3A_1772 : vector<128x32xf32>
    %convert_element_type3A_1774 = arith.extui %eq3A_1773 : vector<128x32xi1> to vector<128x32xi32>
    %convert_element_type3A_1775 = arith.sitofp %convert_element_type3A_1774 : vector<128x32xi32> to vector<128x32xf32>
    %dot_general3A_1776 = arith.constant dense<0.000000e+00> : vector<128x64xf32>
    %dot_general3A_1777 = tpu.matmul %convert_element_type3A_1775, %add3A_9, %dot_general3A_1776 {dimension_numbers = #tpu.dot_dimension_numbers<[1], [0], [0], [1], [0, 0, 1, 1], [], []>, transpose_lhs_hint = false} : vector<128x32xf32>, vector<32x64xf32>, vector<128x64xf32> -> vector<128x64xf32>
    %swap3A_1778 = arith.constant 103 : index
    %swap3A_1779 = arith.constant 0 : index
    %swap3A_1780 = arith.constant 0 : index
    %swap3A_1781 = vector.load %arg5[%swap3A_1778, %swap3A_1779, %swap3A_1780] : memref<200x128x64xf32, #tpu.memory_space<vmem>>, vector<1x128x64xf32>
    %swap3A_1782 = vector.shape_cast %swap3A_1781 : vector<1x128x64xf32> to vector<128x64xf32>
    %swap3A_1783 = vector.shape_cast %dot_general3A_1777 : vector<128x64xf32> to vector<1x128x64xf32>
    tpu.vector_store %arg5[%swap3A_1778, %swap3A_1779, %swap3A_1780], %swap3A_1783 {strides = array<i32>} : memref<200x128x64xf32, #tpu.memory_space<vmem>>, vector<1x128x64xf32>,
    %get3A_1784 = arith.constant 0 : index
    %get3A_1785 = arith.constant 104 : index
    %get3A_1786 = vector.load %arg6[%get3A_1784, %get3A_1785] : memref<128x200xf32, #tpu.memory_space<vmem>>, vector<128x1xf32>
    %dot_general3A_1787 = arith.constant dense<0.000000e+00> : vector<128x32xf32>
    %dot_general3A_1788 = tpu.matmul %get3A_1786, %broadcast_in_dim3A_16, %dot_general3A_1787 {dimension_numbers = #tpu.dot_dimension_numbers<[1], [0], [0], [1], [0, 0, 1, 1], [], []>, transpose_lhs_hint = false} : vector<128x1xf32>, vector<1x32xf32>, vector<128x32xf32> -> vector<128x32xf32>
    %eq3A_1789 = vector.broadcast %convert_element_type3A_15 : vector<1x32xf32> to vector<128x32xf32>
    %eq3A_1790 = arith.cmpf oeq, %dot_general3A_1788, %eq3A_1789 : vector<128x32xf32>
    %convert_element_type3A_1791 = arith.extui %eq3A_1790 : vector<128x32xi1> to vector<128x32xi32>
    %convert_element_type3A_1792 = arith.sitofp %convert_element_type3A_1791 : vector<128x32xi32> to vector<128x32xf32>
    %dot_general3A_1793 = arith.constant dense<0.000000e+00> : vector<128x64xf32>
    %dot_general3A_1794 = tpu.matmul %convert_element_type3A_1792, %add3A_9, %dot_general3A_1793 {dimension_numbers = #tpu.dot_dimension_numbers<[1], [0], [0], [1], [0, 0, 1, 1], [], []>, transpose_lhs_hint = false} : vector<128x32xf32>, vector<32x64xf32>, vector<128x64xf32> -> vector<128x64xf32>
    %swap3A_1795 = arith.constant 104 : index
    %swap3A_1796 = arith.constant 0 : index
    %swap3A_1797 = arith.constant 0 : index
    %swap3A_1798 = vector.load %arg5[%swap3A_1795, %swap3A_1796, %swap3A_1797] : memref<200x128x64xf32, #tpu.memory_space<vmem>>, vector<1x128x64xf32>
    %swap3A_1799 = vector.shape_cast %swap3A_1798 : vector<1x128x64xf32> to vector<128x64xf32>
    %swap3A_1800 = vector.shape_cast %dot_general3A_1794 : vector<128x64xf32> to vector<1x128x64xf32>
    tpu.vector_store %arg5[%swap3A_1795, %swap3A_1796, %swap3A_1797], %swap3A_1800 {strides = array<i32>} : memref<200x128x64xf32, #tpu.memory_space<vmem>>, vector<1x128x64xf32>,
    %get3A_1801 = arith.constant 0 : index
    %get3A_1802 = arith.constant 105 : index
    %get3A_1803 = vector.load %arg6[%get3A_1801, %get3A_1802] : memref<128x200xf32, #tpu.memory_space<vmem>>, vector<128x1xf32>
    %dot_general3A_1804 = arith.constant dense<0.000000e+00> : vector<128x32xf32>
    %dot_general3A_1805 = tpu.matmul %get3A_1803, %broadcast_in_dim3A_16, %dot_general3A_1804 {dimension_numbers = #tpu.dot_dimension_numbers<[1], [0], [0], [1], [0, 0, 1, 1], [], []>, transpose_lhs_hint = false} : vector<128x1xf32>, vector<1x32xf32>, vector<128x32xf32> -> vector<128x32xf32>
    %eq3A_1806 = vector.broadcast %convert_element_type3A_15 : vector<1x32xf32> to vector<128x32xf32>
    %eq3A_1807 = arith.cmpf oeq, %dot_general3A_1805, %eq3A_1806 : vector<128x32xf32>
    %convert_element_type3A_1808 = arith.extui %eq3A_1807 : vector<128x32xi1> to vector<128x32xi32>
    %convert_element_type3A_1809 = arith.sitofp %convert_element_type3A_1808 : vector<128x32xi32> to vector<128x32xf32>
    %dot_general3A_1810 = arith.constant dense<0.000000e+00> : vector<128x64xf32>
    %dot_general3A_1811 = tpu.matmul %convert_element_type3A_1809, %add3A_9, %dot_general3A_1810 {dimension_numbers = #tpu.dot_dimension_numbers<[1], [0], [0], [1], [0, 0, 1, 1], [], []>, transpose_lhs_hint = false} : vector<128x32xf32>, vector<32x64xf32>, vector<128x64xf32> -> vector<128x64xf32>
    %swap3A_1812 = arith.constant 105 : index
    %swap3A_1813 = arith.constant 0 : index
    %swap3A_1814 = arith.constant 0 : index
    %swap3A_1815 = vector.load %arg5[%swap3A_1812, %swap3A_1813, %swap3A_1814] : memref<200x128x64xf32, #tpu.memory_space<vmem>>, vector<1x128x64xf32>
    %swap3A_1816 = vector.shape_cast %swap3A_1815 : vector<1x128x64xf32> to vector<128x64xf32>
    %swap3A_1817 = vector.shape_cast %dot_general3A_1811 : vector<128x64xf32> to vector<1x128x64xf32>
    tpu.vector_store %arg5[%swap3A_1812, %swap3A_1813, %swap3A_1814], %swap3A_1817 {strides = array<i32>} : memref<200x128x64xf32, #tpu.memory_space<vmem>>, vector<1x128x64xf32>,
    %get3A_1818 = arith.constant 0 : index
    %get3A_1819 = arith.constant 106 : index
    %get3A_1820 = vector.load %arg6[%get3A_1818, %get3A_1819] : memref<128x200xf32, #tpu.memory_space<vmem>>, vector<128x1xf32>
    %dot_general3A_1821 = arith.constant dense<0.000000e+00> : vector<128x32xf32>
    %dot_general3A_1822 = tpu.matmul %get3A_1820, %broadcast_in_dim3A_16, %dot_general3A_1821 {dimension_numbers = #tpu.dot_dimension_numbers<[1], [0], [0], [1], [0, 0, 1, 1], [], []>, transpose_lhs_hint = false} : vector<128x1xf32>, vector<1x32xf32>, vector<128x32xf32> -> vector<128x32xf32>
    %eq3A_1823 = vector.broadcast %convert_element_type3A_15 : vector<1x32xf32> to vector<128x32xf32>
    %eq3A_1824 = arith.cmpf oeq, %dot_general3A_1822, %eq3A_1823 : vector<128x32xf32>
    %convert_element_type3A_1825 = arith.extui %eq3A_1824 : vector<128x32xi1> to vector<128x32xi32>
    %convert_element_type3A_1826 = arith.sitofp %convert_element_type3A_1825 : vector<128x32xi32> to vector<128x32xf32>
    %dot_general3A_1827 = arith.constant dense<0.000000e+00> : vector<128x64xf32>
    %dot_general3A_1828 = tpu.matmul %convert_element_type3A_1826, %add3A_9, %dot_general3A_1827 {dimension_numbers = #tpu.dot_dimension_numbers<[1], [0], [0], [1], [0, 0, 1, 1], [], []>, transpose_lhs_hint = false} : vector<128x32xf32>, vector<32x64xf32>, vector<128x64xf32> -> vector<128x64xf32>
    %swap3A_1829 = arith.constant 106 : index
    %swap3A_1830 = arith.constant 0 : index
    %swap3A_1831 = arith.constant 0 : index
    %swap3A_1832 = vector.load %arg5[%swap3A_1829, %swap3A_1830, %swap3A_1831] : memref<200x128x64xf32, #tpu.memory_space<vmem>>, vector<1x128x64xf32>
    %swap3A_1833 = vector.shape_cast %swap3A_1832 : vector<1x128x64xf32> to vector<128x64xf32>
    %swap3A_1834 = vector.shape_cast %dot_general3A_1828 : vector<128x64xf32> to vector<1x128x64xf32>
    tpu.vector_store %arg5[%swap3A_1829, %swap3A_1830, %swap3A_1831], %swap3A_1834 {strides = array<i32>} : memref<200x128x64xf32, #tpu.memory_space<vmem>>, vector<1x128x64xf32>,
    %get3A_1835 = arith.constant 0 : index
    %get3A_1836 = arith.constant 107 : index
    %get3A_1837 = vector.load %arg6[%get3A_1835, %get3A_1836] : memref<128x200xf32, #tpu.memory_space<vmem>>, vector<128x1xf32>
    %dot_general3A_1838 = arith.constant dense<0.000000e+00> : vector<128x32xf32>
    %dot_general3A_1839 = tpu.matmul %get3A_1837, %broadcast_in_dim3A_16, %dot_general3A_1838 {dimension_numbers = #tpu.dot_dimension_numbers<[1], [0], [0], [1], [0, 0, 1, 1], [], []>, transpose_lhs_hint = false} : vector<128x1xf32>, vector<1x32xf32>, vector<128x32xf32> -> vector<128x32xf32>
    %eq3A_1840 = vector.broadcast %convert_element_type3A_15 : vector<1x32xf32> to vector<128x32xf32>
    %eq3A_1841 = arith.cmpf oeq, %dot_general3A_1839, %eq3A_1840 : vector<128x32xf32>
    %convert_element_type3A_1842 = arith.extui %eq3A_1841 : vector<128x32xi1> to vector<128x32xi32>
    %convert_element_type3A_1843 = arith.sitofp %convert_element_type3A_1842 : vector<128x32xi32> to vector<128x32xf32>
    %dot_general3A_1844 = arith.constant dense<0.000000e+00> : vector<128x64xf32>
    %dot_general3A_1845 = tpu.matmul %convert_element_type3A_1843, %add3A_9, %dot_general3A_1844 {dimension_numbers = #tpu.dot_dimension_numbers<[1], [0], [0], [1], [0, 0, 1, 1], [], []>, transpose_lhs_hint = false} : vector<128x32xf32>, vector<32x64xf32>, vector<128x64xf32> -> vector<128x64xf32>
    %swap3A_1846 = arith.constant 107 : index
    %swap3A_1847 = arith.constant 0 : index
    %swap3A_1848 = arith.constant 0 : index
    %swap3A_1849 = vector.load %arg5[%swap3A_1846, %swap3A_1847, %swap3A_1848] : memref<200x128x64xf32, #tpu.memory_space<vmem>>, vector<1x128x64xf32>
    %swap3A_1850 = vector.shape_cast %swap3A_1849 : vector<1x128x64xf32> to vector<128x64xf32>
    %swap3A_1851 = vector.shape_cast %dot_general3A_1845 : vector<128x64xf32> to vector<1x128x64xf32>
    tpu.vector_store %arg5[%swap3A_1846, %swap3A_1847, %swap3A_1848], %swap3A_1851 {strides = array<i32>} : memref<200x128x64xf32, #tpu.memory_space<vmem>>, vector<1x128x64xf32>,
    %get3A_1852 = arith.constant 0 : index
    %get3A_1853 = arith.constant 108 : index
    %get3A_1854 = vector.load %arg6[%get3A_1852, %get3A_1853] : memref<128x200xf32, #tpu.memory_space<vmem>>, vector<128x1xf32>
    %dot_general3A_1855 = arith.constant dense<0.000000e+00> : vector<128x32xf32>
    %dot_general3A_1856 = tpu.matmul %get3A_1854, %broadcast_in_dim3A_16, %dot_general3A_1855 {dimension_numbers = #tpu.dot_dimension_numbers<[1], [0], [0], [1], [0, 0, 1, 1], [], []>, transpose_lhs_hint = false} : vector<128x1xf32>, vector<1x32xf32>, vector<128x32xf32> -> vector<128x32xf32>
    %eq3A_1857 = vector.broadcast %convert_element_type3A_15 : vector<1x32xf32> to vector<128x32xf32>
    %eq3A_1858 = arith.cmpf oeq, %dot_general3A_1856, %eq3A_1857 : vector<128x32xf32>
    %convert_element_type3A_1859 = arith.extui %eq3A_1858 : vector<128x32xi1> to vector<128x32xi32>
    %convert_element_type3A_1860 = arith.sitofp %convert_element_type3A_1859 : vector<128x32xi32> to vector<128x32xf32>
    %dot_general3A_1861 = arith.constant dense<0.000000e+00> : vector<128x64xf32>
    %dot_general3A_1862 = tpu.matmul %convert_element_type3A_1860, %add3A_9, %dot_general3A_1861 {dimension_numbers = #tpu.dot_dimension_numbers<[1], [0], [0], [1], [0, 0, 1, 1], [], []>, transpose_lhs_hint = false} : vector<128x32xf32>, vector<32x64xf32>, vector<128x64xf32> -> vector<128x64xf32>
    %swap3A_1863 = arith.constant 108 : index
    %swap3A_1864 = arith.constant 0 : index
    %swap3A_1865 = arith.constant 0 : index
    %swap3A_1866 = vector.load %arg5[%swap3A_1863, %swap3A_1864, %swap3A_1865] : memref<200x128x64xf32, #tpu.memory_space<vmem>>, vector<1x128x64xf32>
    %swap3A_1867 = vector.shape_cast %swap3A_1866 : vector<1x128x64xf32> to vector<128x64xf32>
    %swap3A_1868 = vector.shape_cast %dot_general3A_1862 : vector<128x64xf32> to vector<1x128x64xf32>
    tpu.vector_store %arg5[%swap3A_1863, %swap3A_1864, %swap3A_1865], %swap3A_1868 {strides = array<i32>} : memref<200x128x64xf32, #tpu.memory_space<vmem>>, vector<1x128x64xf32>,
    %get3A_1869 = arith.constant 0 : index
    %get3A_1870 = arith.constant 109 : index
    %get3A_1871 = vector.load %arg6[%get3A_1869, %get3A_1870] : memref<128x200xf32, #tpu.memory_space<vmem>>, vector<128x1xf32>
    %dot_general3A_1872 = arith.constant dense<0.000000e+00> : vector<128x32xf32>
    %dot_general3A_1873 = tpu.matmul %get3A_1871, %broadcast_in_dim3A_16, %dot_general3A_1872 {dimension_numbers = #tpu.dot_dimension_numbers<[1], [0], [0], [1], [0, 0, 1, 1], [], []>, transpose_lhs_hint = false} : vector<128x1xf32>, vector<1x32xf32>, vector<128x32xf32> -> vector<128x32xf32>
    %eq3A_1874 = vector.broadcast %convert_element_type3A_15 : vector<1x32xf32> to vector<128x32xf32>
    %eq3A_1875 = arith.cmpf oeq, %dot_general3A_1873, %eq3A_1874 : vector<128x32xf32>
    %convert_element_type3A_1876 = arith.extui %eq3A_1875 : vector<128x32xi1> to vector<128x32xi32>
    %convert_element_type3A_1877 = arith.sitofp %convert_element_type3A_1876 : vector<128x32xi32> to vector<128x32xf32>
    %dot_general3A_1878 = arith.constant dense<0.000000e+00> : vector<128x64xf32>
    %dot_general3A_1879 = tpu.matmul %convert_element_type3A_1877, %add3A_9, %dot_general3A_1878 {dimension_numbers = #tpu.dot_dimension_numbers<[1], [0], [0], [1], [0, 0, 1, 1], [], []>, transpose_lhs_hint = false} : vector<128x32xf32>, vector<32x64xf32>, vector<128x64xf32> -> vector<128x64xf32>
    %swap3A_1880 = arith.constant 109 : index
    %swap3A_1881 = arith.constant 0 : index
    %swap3A_1882 = arith.constant 0 : index
    %swap3A_1883 = vector.load %arg5[%swap3A_1880, %swap3A_1881, %swap3A_1882] : memref<200x128x64xf32, #tpu.memory_space<vmem>>, vector<1x128x64xf32>
    %swap3A_1884 = vector.shape_cast %swap3A_1883 : vector<1x128x64xf32> to vector<128x64xf32>
    %swap3A_1885 = vector.shape_cast %dot_general3A_1879 : vector<128x64xf32> to vector<1x128x64xf32>
    tpu.vector_store %arg5[%swap3A_1880, %swap3A_1881, %swap3A_1882], %swap3A_1885 {strides = array<i32>} : memref<200x128x64xf32, #tpu.memory_space<vmem>>, vector<1x128x64xf32>,
    %get3A_1886 = arith.constant 0 : index
    %get3A_1887 = arith.constant 110 : index
    %get3A_1888 = vector.load %arg6[%get3A_1886, %get3A_1887] : memref<128x200xf32, #tpu.memory_space<vmem>>, vector<128x1xf32>
    %dot_general3A_1889 = arith.constant dense<0.000000e+00> : vector<128x32xf32>
    %dot_general3A_1890 = tpu.matmul %get3A_1888, %broadcast_in_dim3A_16, %dot_general3A_1889 {dimension_numbers = #tpu.dot_dimension_numbers<[1], [0], [0], [1], [0, 0, 1, 1], [], []>, transpose_lhs_hint = false} : vector<128x1xf32>, vector<1x32xf32>, vector<128x32xf32> -> vector<128x32xf32>
    %eq3A_1891 = vector.broadcast %convert_element_type3A_15 : vector<1x32xf32> to vector<128x32xf32>
    %eq3A_1892 = arith.cmpf oeq, %dot_general3A_1890, %eq3A_1891 : vector<128x32xf32>
    %convert_element_type3A_1893 = arith.extui %eq3A_1892 : vector<128x32xi1> to vector<128x32xi32>
    %convert_element_type3A_1894 = arith.sitofp %convert_element_type3A_1893 : vector<128x32xi32> to vector<128x32xf32>
    %dot_general3A_1895 = arith.constant dense<0.000000e+00> : vector<128x64xf32>
    %dot_general3A_1896 = tpu.matmul %convert_element_type3A_1894, %add3A_9, %dot_general3A_1895 {dimension_numbers = #tpu.dot_dimension_numbers<[1], [0], [0], [1], [0, 0, 1, 1], [], []>, transpose_lhs_hint = false} : vector<128x32xf32>, vector<32x64xf32>, vector<128x64xf32> -> vector<128x64xf32>
    %swap3A_1897 = arith.constant 110 : index
    %swap3A_1898 = arith.constant 0 : index
    %swap3A_1899 = arith.constant 0 : index
    %swap3A_1900 = vector.load %arg5[%swap3A_1897, %swap3A_1898, %swap3A_1899] : memref<200x128x64xf32, #tpu.memory_space<vmem>>, vector<1x128x64xf32>
    %swap3A_1901 = vector.shape_cast %swap3A_1900 : vector<1x128x64xf32> to vector<128x64xf32>
    %swap3A_1902 = vector.shape_cast %dot_general3A_1896 : vector<128x64xf32> to vector<1x128x64xf32>
    tpu.vector_store %arg5[%swap3A_1897, %swap3A_1898, %swap3A_1899], %swap3A_1902 {strides = array<i32>} : memref<200x128x64xf32, #tpu.memory_space<vmem>>, vector<1x128x64xf32>,
    %get3A_1903 = arith.constant 0 : index
    %get3A_1904 = arith.constant 111 : index
    %get3A_1905 = vector.load %arg6[%get3A_1903, %get3A_1904] : memref<128x200xf32, #tpu.memory_space<vmem>>, vector<128x1xf32>
    %dot_general3A_1906 = arith.constant dense<0.000000e+00> : vector<128x32xf32>
    %dot_general3A_1907 = tpu.matmul %get3A_1905, %broadcast_in_dim3A_16, %dot_general3A_1906 {dimension_numbers = #tpu.dot_dimension_numbers<[1], [0], [0], [1], [0, 0, 1, 1], [], []>, transpose_lhs_hint = false} : vector<128x1xf32>, vector<1x32xf32>, vector<128x32xf32> -> vector<128x32xf32>
    %eq3A_1908 = vector.broadcast %convert_element_type3A_15 : vector<1x32xf32> to vector<128x32xf32>
    %eq3A_1909 = arith.cmpf oeq, %dot_general3A_1907, %eq3A_1908 : vector<128x32xf32>
    %convert_element_type3A_1910 = arith.extui %eq3A_1909 : vector<128x32xi1> to vector<128x32xi32>
    %convert_element_type3A_1911 = arith.sitofp %convert_element_type3A_1910 : vector<128x32xi32> to vector<128x32xf32>
    %dot_general3A_1912 = arith.constant dense<0.000000e+00> : vector<128x64xf32>
    %dot_general3A_1913 = tpu.matmul %convert_element_type3A_1911, %add3A_9, %dot_general3A_1912 {dimension_numbers = #tpu.dot_dimension_numbers<[1], [0], [0], [1], [0, 0, 1, 1], [], []>, transpose_lhs_hint = false} : vector<128x32xf32>, vector<32x64xf32>, vector<128x64xf32> -> vector<128x64xf32>
    %swap3A_1914 = arith.constant 111 : index
    %swap3A_1915 = arith.constant 0 : index
    %swap3A_1916 = arith.constant 0 : index
    %swap3A_1917 = vector.load %arg5[%swap3A_1914, %swap3A_1915, %swap3A_1916] : memref<200x128x64xf32, #tpu.memory_space<vmem>>, vector<1x128x64xf32>
    %swap3A_1918 = vector.shape_cast %swap3A_1917 : vector<1x128x64xf32> to vector<128x64xf32>
    %swap3A_1919 = vector.shape_cast %dot_general3A_1913 : vector<128x64xf32> to vector<1x128x64xf32>
    tpu.vector_store %arg5[%swap3A_1914, %swap3A_1915, %swap3A_1916], %swap3A_1919 {strides = array<i32>} : memref<200x128x64xf32, #tpu.memory_space<vmem>>, vector<1x128x64xf32>,
    %get3A_1920 = arith.constant 0 : index
    %get3A_1921 = arith.constant 112 : index
    %get3A_1922 = vector.load %arg6[%get3A_1920, %get3A_1921] : memref<128x200xf32, #tpu.memory_space<vmem>>, vector<128x1xf32>
    %dot_general3A_1923 = arith.constant dense<0.000000e+00> : vector<128x32xf32>
    %dot_general3A_1924 = tpu.matmul %get3A_1922, %broadcast_in_dim3A_16, %dot_general3A_1923 {dimension_numbers = #tpu.dot_dimension_numbers<[1], [0], [0], [1], [0, 0, 1, 1], [], []>, transpose_lhs_hint = false} : vector<128x1xf32>, vector<1x32xf32>, vector<128x32xf32> -> vector<128x32xf32>
    %eq3A_1925 = vector.broadcast %convert_element_type3A_15 : vector<1x32xf32> to vector<128x32xf32>
    %eq3A_1926 = arith.cmpf oeq, %dot_general3A_1924, %eq3A_1925 : vector<128x32xf32>
    %convert_element_type3A_1927 = arith.extui %eq3A_1926 : vector<128x32xi1> to vector<128x32xi32>
    %convert_element_type3A_1928 = arith.sitofp %convert_element_type3A_1927 : vector<128x32xi32> to vector<128x32xf32>
    %dot_general3A_1929 = arith.constant dense<0.000000e+00> : vector<128x64xf32>
    %dot_general3A_1930 = tpu.matmul %convert_element_type3A_1928, %add3A_9, %dot_general3A_1929 {dimension_numbers = #tpu.dot_dimension_numbers<[1], [0], [0], [1], [0, 0, 1, 1], [], []>, transpose_lhs_hint = false} : vector<128x32xf32>, vector<32x64xf32>, vector<128x64xf32> -> vector<128x64xf32>
    %swap3A_1931 = arith.constant 112 : index
    %swap3A_1932 = arith.constant 0 : index
    %swap3A_1933 = arith.constant 0 : index
    %swap3A_1934 = vector.load %arg5[%swap3A_1931, %swap3A_1932, %swap3A_1933] : memref<200x128x64xf32, #tpu.memory_space<vmem>>, vector<1x128x64xf32>
    %swap3A_1935 = vector.shape_cast %swap3A_1934 : vector<1x128x64xf32> to vector<128x64xf32>
    %swap3A_1936 = vector.shape_cast %dot_general3A_1930 : vector<128x64xf32> to vector<1x128x64xf32>
    tpu.vector_store %arg5[%swap3A_1931, %swap3A_1932, %swap3A_1933], %swap3A_1936 {strides = array<i32>} : memref<200x128x64xf32, #tpu.memory_space<vmem>>, vector<1x128x64xf32>,
    %get3A_1937 = arith.constant 0 : index
    %get3A_1938 = arith.constant 113 : index
    %get3A_1939 = vector.load %arg6[%get3A_1937, %get3A_1938] : memref<128x200xf32, #tpu.memory_space<vmem>>, vector<128x1xf32>
    %dot_general3A_1940 = arith.constant dense<0.000000e+00> : vector<128x32xf32>
    %dot_general3A_1941 = tpu.matmul %get3A_1939, %broadcast_in_dim3A_16, %dot_general3A_1940 {dimension_numbers = #tpu.dot_dimension_numbers<[1], [0], [0], [1], [0, 0, 1, 1], [], []>, transpose_lhs_hint = false} : vector<128x1xf32>, vector<1x32xf32>, vector<128x32xf32> -> vector<128x32xf32>
    %eq3A_1942 = vector.broadcast %convert_element_type3A_15 : vector<1x32xf32> to vector<128x32xf32>
    %eq3A_1943 = arith.cmpf oeq, %dot_general3A_1941, %eq3A_1942 : vector<128x32xf32>
    %convert_element_type3A_1944 = arith.extui %eq3A_1943 : vector<128x32xi1> to vector<128x32xi32>
    %convert_element_type3A_1945 = arith.sitofp %convert_element_type3A_1944 : vector<128x32xi32> to vector<128x32xf32>
    %dot_general3A_1946 = arith.constant dense<0.000000e+00> : vector<128x64xf32>
    %dot_general3A_1947 = tpu.matmul %convert_element_type3A_1945, %add3A_9, %dot_general3A_1946 {dimension_numbers = #tpu.dot_dimension_numbers<[1], [0], [0], [1], [0, 0, 1, 1], [], []>, transpose_lhs_hint = false} : vector<128x32xf32>, vector<32x64xf32>, vector<128x64xf32> -> vector<128x64xf32>
    %swap3A_1948 = arith.constant 113 : index
    %swap3A_1949 = arith.constant 0 : index
    %swap3A_1950 = arith.constant 0 : index
    %swap3A_1951 = vector.load %arg5[%swap3A_1948, %swap3A_1949, %swap3A_1950] : memref<200x128x64xf32, #tpu.memory_space<vmem>>, vector<1x128x64xf32>
    %swap3A_1952 = vector.shape_cast %swap3A_1951 : vector<1x128x64xf32> to vector<128x64xf32>
    %swap3A_1953 = vector.shape_cast %dot_general3A_1947 : vector<128x64xf32> to vector<1x128x64xf32>
    tpu.vector_store %arg5[%swap3A_1948, %swap3A_1949, %swap3A_1950], %swap3A_1953 {strides = array<i32>} : memref<200x128x64xf32, #tpu.memory_space<vmem>>, vector<1x128x64xf32>,
    %get3A_1954 = arith.constant 0 : index
    %get3A_1955 = arith.constant 114 : index
    %get3A_1956 = vector.load %arg6[%get3A_1954, %get3A_1955] : memref<128x200xf32, #tpu.memory_space<vmem>>, vector<128x1xf32>
    %dot_general3A_1957 = arith.constant dense<0.000000e+00> : vector<128x32xf32>
    %dot_general3A_1958 = tpu.matmul %get3A_1956, %broadcast_in_dim3A_16, %dot_general3A_1957 {dimension_numbers = #tpu.dot_dimension_numbers<[1], [0], [0], [1], [0, 0, 1, 1], [], []>, transpose_lhs_hint = false} : vector<128x1xf32>, vector<1x32xf32>, vector<128x32xf32> -> vector<128x32xf32>
    %eq3A_1959 = vector.broadcast %convert_element_type3A_15 : vector<1x32xf32> to vector<128x32xf32>
    %eq3A_1960 = arith.cmpf oeq, %dot_general3A_1958, %eq3A_1959 : vector<128x32xf32>
    %convert_element_type3A_1961 = arith.extui %eq3A_1960 : vector<128x32xi1> to vector<128x32xi32>
    %convert_element_type3A_1962 = arith.sitofp %convert_element_type3A_1961 : vector<128x32xi32> to vector<128x32xf32>
    %dot_general3A_1963 = arith.constant dense<0.000000e+00> : vector<128x64xf32>
    %dot_general3A_1964 = tpu.matmul %convert_element_type3A_1962, %add3A_9, %dot_general3A_1963 {dimension_numbers = #tpu.dot_dimension_numbers<[1], [0], [0], [1], [0, 0, 1, 1], [], []>, transpose_lhs_hint = false} : vector<128x32xf32>, vector<32x64xf32>, vector<128x64xf32> -> vector<128x64xf32>
    %swap3A_1965 = arith.constant 114 : index
    %swap3A_1966 = arith.constant 0 : index
    %swap3A_1967 = arith.constant 0 : index
    %swap3A_1968 = vector.load %arg5[%swap3A_1965, %swap3A_1966, %swap3A_1967] : memref<200x128x64xf32, #tpu.memory_space<vmem>>, vector<1x128x64xf32>
    %swap3A_1969 = vector.shape_cast %swap3A_1968 : vector<1x128x64xf32> to vector<128x64xf32>
    %swap3A_1970 = vector.shape_cast %dot_general3A_1964 : vector<128x64xf32> to vector<1x128x64xf32>
    tpu.vector_store %arg5[%swap3A_1965, %swap3A_1966, %swap3A_1967], %swap3A_1970 {strides = array<i32>} : memref<200x128x64xf32, #tpu.memory_space<vmem>>, vector<1x128x64xf32>,
    %get3A_1971 = arith.constant 0 : index
    %get3A_1972 = arith.constant 115 : index
    %get3A_1973 = vector.load %arg6[%get3A_1971, %get3A_1972] : memref<128x200xf32, #tpu.memory_space<vmem>>, vector<128x1xf32>
    %dot_general3A_1974 = arith.constant dense<0.000000e+00> : vector<128x32xf32>
    %dot_general3A_1975 = tpu.matmul %get3A_1973, %broadcast_in_dim3A_16, %dot_general3A_1974 {dimension_numbers = #tpu.dot_dimension_numbers<[1], [0], [0], [1], [0, 0, 1, 1], [], []>, transpose_lhs_hint = false} : vector<128x1xf32>, vector<1x32xf32>, vector<128x32xf32> -> vector<128x32xf32>
    %eq3A_1976 = vector.broadcast %convert_element_type3A_15 : vector<1x32xf32> to vector<128x32xf32>
    %eq3A_1977 = arith.cmpf oeq, %dot_general3A_1975, %eq3A_1976 : vector<128x32xf32>
    %convert_element_type3A_1978 = arith.extui %eq3A_1977 : vector<128x32xi1> to vector<128x32xi32>
    %convert_element_type3A_1979 = arith.sitofp %convert_element_type3A_1978 : vector<128x32xi32> to vector<128x32xf32>
    %dot_general3A_1980 = arith.constant dense<0.000000e+00> : vector<128x64xf32>
    %dot_general3A_1981 = tpu.matmul %convert_element_type3A_1979, %add3A_9, %dot_general3A_1980 {dimension_numbers = #tpu.dot_dimension_numbers<[1], [0], [0], [1], [0, 0, 1, 1], [], []>, transpose_lhs_hint = false} : vector<128x32xf32>, vector<32x64xf32>, vector<128x64xf32> -> vector<128x64xf32>
    %swap3A_1982 = arith.constant 115 : index
    %swap3A_1983 = arith.constant 0 : index
    %swap3A_1984 = arith.constant 0 : index
    %swap3A_1985 = vector.load %arg5[%swap3A_1982, %swap3A_1983, %swap3A_1984] : memref<200x128x64xf32, #tpu.memory_space<vmem>>, vector<1x128x64xf32>
    %swap3A_1986 = vector.shape_cast %swap3A_1985 : vector<1x128x64xf32> to vector<128x64xf32>
    %swap3A_1987 = vector.shape_cast %dot_general3A_1981 : vector<128x64xf32> to vector<1x128x64xf32>
    tpu.vector_store %arg5[%swap3A_1982, %swap3A_1983, %swap3A_1984], %swap3A_1987 {strides = array<i32>} : memref<200x128x64xf32, #tpu.memory_space<vmem>>, vector<1x128x64xf32>,
    %get3A_1988 = arith.constant 0 : index
    %get3A_1989 = arith.constant 116 : index
    %get3A_1990 = vector.load %arg6[%get3A_1988, %get3A_1989] : memref<128x200xf32, #tpu.memory_space<vmem>>, vector<128x1xf32>
    %dot_general3A_1991 = arith.constant dense<0.000000e+00> : vector<128x32xf32>
    %dot_general3A_1992 = tpu.matmul %get3A_1990, %broadcast_in_dim3A_16, %dot_general3A_1991 {dimension_numbers = #tpu.dot_dimension_numbers<[1], [0], [0], [1], [0, 0, 1, 1], [], []>, transpose_lhs_hint = false} : vector<128x1xf32>, vector<1x32xf32>, vector<128x32xf32> -> vector<128x32xf32>
    %eq3A_1993 = vector.broadcast %convert_element_type3A_15 : vector<1x32xf32> to vector<128x32xf32>
    %eq3A_1994 = arith.cmpf oeq, %dot_general3A_1992, %eq3A_1993 : vector<128x32xf32>
    %convert_element_type3A_1995 = arith.extui %eq3A_1994 : vector<128x32xi1> to vector<128x32xi32>
    %convert_element_type3A_1996 = arith.sitofp %convert_element_type3A_1995 : vector<128x32xi32> to vector<128x32xf32>
    %dot_general3A_1997 = arith.constant dense<0.000000e+00> : vector<128x64xf32>
    %dot_general3A_1998 = tpu.matmul %convert_element_type3A_1996, %add3A_9, %dot_general3A_1997 {dimension_numbers = #tpu.dot_dimension_numbers<[1], [0], [0], [1], [0, 0, 1, 1], [], []>, transpose_lhs_hint = false} : vector<128x32xf32>, vector<32x64xf32>, vector<128x64xf32> -> vector<128x64xf32>
    %swap3A_1999 = arith.constant 116 : index
    %swap3A_2000 = arith.constant 0 : index
    %swap3A_2001 = arith.constant 0 : index
    %swap3A_2002 = vector.load %arg5[%swap3A_1999, %swap3A_2000, %swap3A_2001] : memref<200x128x64xf32, #tpu.memory_space<vmem>>, vector<1x128x64xf32>
    %swap3A_2003 = vector.shape_cast %swap3A_2002 : vector<1x128x64xf32> to vector<128x64xf32>
    %swap3A_2004 = vector.shape_cast %dot_general3A_1998 : vector<128x64xf32> to vector<1x128x64xf32>
    tpu.vector_store %arg5[%swap3A_1999, %swap3A_2000, %swap3A_2001], %swap3A_2004 {strides = array<i32>} : memref<200x128x64xf32, #tpu.memory_space<vmem>>, vector<1x128x64xf32>,
    %get3A_2005 = arith.constant 0 : index
    %get3A_2006 = arith.constant 117 : index
    %get3A_2007 = vector.load %arg6[%get3A_2005, %get3A_2006] : memref<128x200xf32, #tpu.memory_space<vmem>>, vector<128x1xf32>
    %dot_general3A_2008 = arith.constant dense<0.000000e+00> : vector<128x32xf32>
    %dot_general3A_2009 = tpu.matmul %get3A_2007, %broadcast_in_dim3A_16, %dot_general3A_2008 {dimension_numbers = #tpu.dot_dimension_numbers<[1], [0], [0], [1], [0, 0, 1, 1], [], []>, transpose_lhs_hint = false} : vector<128x1xf32>, vector<1x32xf32>, vector<128x32xf32> -> vector<128x32xf32>
    %eq3A_2010 = vector.broadcast %convert_element_type3A_15 : vector<1x32xf32> to vector<128x32xf32>
    %eq3A_2011 = arith.cmpf oeq, %dot_general3A_2009, %eq3A_2010 : vector<128x32xf32>
    %convert_element_type3A_2012 = arith.extui %eq3A_2011 : vector<128x32xi1> to vector<128x32xi32>
    %convert_element_type3A_2013 = arith.sitofp %convert_element_type3A_2012 : vector<128x32xi32> to vector<128x32xf32>
    %dot_general3A_2014 = arith.constant dense<0.000000e+00> : vector<128x64xf32>
    %dot_general3A_2015 = tpu.matmul %convert_element_type3A_2013, %add3A_9, %dot_general3A_2014 {dimension_numbers = #tpu.dot_dimension_numbers<[1], [0], [0], [1], [0, 0, 1, 1], [], []>, transpose_lhs_hint = false} : vector<128x32xf32>, vector<32x64xf32>, vector<128x64xf32> -> vector<128x64xf32>
    %swap3A_2016 = arith.constant 117 : index
    %swap3A_2017 = arith.constant 0 : index
    %swap3A_2018 = arith.constant 0 : index
    %swap3A_2019 = vector.load %arg5[%swap3A_2016, %swap3A_2017, %swap3A_2018] : memref<200x128x64xf32, #tpu.memory_space<vmem>>, vector<1x128x64xf32>
    %swap3A_2020 = vector.shape_cast %swap3A_2019 : vector<1x128x64xf32> to vector<128x64xf32>
    %swap3A_2021 = vector.shape_cast %dot_general3A_2015 : vector<128x64xf32> to vector<1x128x64xf32>
    tpu.vector_store %arg5[%swap3A_2016, %swap3A_2017, %swap3A_2018], %swap3A_2021 {strides = array<i32>} : memref<200x128x64xf32, #tpu.memory_space<vmem>>, vector<1x128x64xf32>,
    %get3A_2022 = arith.constant 0 : index
    %get3A_2023 = arith.constant 118 : index
    %get3A_2024 = vector.load %arg6[%get3A_2022, %get3A_2023] : memref<128x200xf32, #tpu.memory_space<vmem>>, vector<128x1xf32>
    %dot_general3A_2025 = arith.constant dense<0.000000e+00> : vector<128x32xf32>
    %dot_general3A_2026 = tpu.matmul %get3A_2024, %broadcast_in_dim3A_16, %dot_general3A_2025 {dimension_numbers = #tpu.dot_dimension_numbers<[1], [0], [0], [1], [0, 0, 1, 1], [], []>, transpose_lhs_hint = false} : vector<128x1xf32>, vector<1x32xf32>, vector<128x32xf32> -> vector<128x32xf32>
    %eq3A_2027 = vector.broadcast %convert_element_type3A_15 : vector<1x32xf32> to vector<128x32xf32>
    %eq3A_2028 = arith.cmpf oeq, %dot_general3A_2026, %eq3A_2027 : vector<128x32xf32>
    %convert_element_type3A_2029 = arith.extui %eq3A_2028 : vector<128x32xi1> to vector<128x32xi32>
    %convert_element_type3A_2030 = arith.sitofp %convert_element_type3A_2029 : vector<128x32xi32> to vector<128x32xf32>
    %dot_general3A_2031 = arith.constant dense<0.000000e+00> : vector<128x64xf32>
    %dot_general3A_2032 = tpu.matmul %convert_element_type3A_2030, %add3A_9, %dot_general3A_2031 {dimension_numbers = #tpu.dot_dimension_numbers<[1], [0], [0], [1], [0, 0, 1, 1], [], []>, transpose_lhs_hint = false} : vector<128x32xf32>, vector<32x64xf32>, vector<128x64xf32> -> vector<128x64xf32>
    %swap3A_2033 = arith.constant 118 : index
    %swap3A_2034 = arith.constant 0 : index
    %swap3A_2035 = arith.constant 0 : index
    %swap3A_2036 = vector.load %arg5[%swap3A_2033, %swap3A_2034, %swap3A_2035] : memref<200x128x64xf32, #tpu.memory_space<vmem>>, vector<1x128x64xf32>
    %swap3A_2037 = vector.shape_cast %swap3A_2036 : vector<1x128x64xf32> to vector<128x64xf32>
    %swap3A_2038 = vector.shape_cast %dot_general3A_2032 : vector<128x64xf32> to vector<1x128x64xf32>
    tpu.vector_store %arg5[%swap3A_2033, %swap3A_2034, %swap3A_2035], %swap3A_2038 {strides = array<i32>} : memref<200x128x64xf32, #tpu.memory_space<vmem>>, vector<1x128x64xf32>,
    %get3A_2039 = arith.constant 0 : index
    %get3A_2040 = arith.constant 119 : index
    %get3A_2041 = vector.load %arg6[%get3A_2039, %get3A_2040] : memref<128x200xf32, #tpu.memory_space<vmem>>, vector<128x1xf32>
    %dot_general3A_2042 = arith.constant dense<0.000000e+00> : vector<128x32xf32>
    %dot_general3A_2043 = tpu.matmul %get3A_2041, %broadcast_in_dim3A_16, %dot_general3A_2042 {dimension_numbers = #tpu.dot_dimension_numbers<[1], [0], [0], [1], [0, 0, 1, 1], [], []>, transpose_lhs_hint = false} : vector<128x1xf32>, vector<1x32xf32>, vector<128x32xf32> -> vector<128x32xf32>
    %eq3A_2044 = vector.broadcast %convert_element_type3A_15 : vector<1x32xf32> to vector<128x32xf32>
    %eq3A_2045 = arith.cmpf oeq, %dot_general3A_2043, %eq3A_2044 : vector<128x32xf32>
    %convert_element_type3A_2046 = arith.extui %eq3A_2045 : vector<128x32xi1> to vector<128x32xi32>
    %convert_element_type3A_2047 = arith.sitofp %convert_element_type3A_2046 : vector<128x32xi32> to vector<128x32xf32>
    %dot_general3A_2048 = arith.constant dense<0.000000e+00> : vector<128x64xf32>
    %dot_general3A_2049 = tpu.matmul %convert_element_type3A_2047, %add3A_9, %dot_general3A_2048 {dimension_numbers = #tpu.dot_dimension_numbers<[1], [0], [0], [1], [0, 0, 1, 1], [], []>, transpose_lhs_hint = false} : vector<128x32xf32>, vector<32x64xf32>, vector<128x64xf32> -> vector<128x64xf32>
    %swap3A_2050 = arith.constant 119 : index
    %swap3A_2051 = arith.constant 0 : index
    %swap3A_2052 = arith.constant 0 : index
    %swap3A_2053 = vector.load %arg5[%swap3A_2050, %swap3A_2051, %swap3A_2052] : memref<200x128x64xf32, #tpu.memory_space<vmem>>, vector<1x128x64xf32>
    %swap3A_2054 = vector.shape_cast %swap3A_2053 : vector<1x128x64xf32> to vector<128x64xf32>
    %swap3A_2055 = vector.shape_cast %dot_general3A_2049 : vector<128x64xf32> to vector<1x128x64xf32>
    tpu.vector_store %arg5[%swap3A_2050, %swap3A_2051, %swap3A_2052], %swap3A_2055 {strides = array<i32>} : memref<200x128x64xf32, #tpu.memory_space<vmem>>, vector<1x128x64xf32>,
    %get3A_2056 = arith.constant 0 : index
    %get3A_2057 = arith.constant 120 : index
    %get3A_2058 = vector.load %arg6[%get3A_2056, %get3A_2057] : memref<128x200xf32, #tpu.memory_space<vmem>>, vector<128x1xf32>
    %dot_general3A_2059 = arith.constant dense<0.000000e+00> : vector<128x32xf32>
    %dot_general3A_2060 = tpu.matmul %get3A_2058, %broadcast_in_dim3A_16, %dot_general3A_2059 {dimension_numbers = #tpu.dot_dimension_numbers<[1], [0], [0], [1], [0, 0, 1, 1], [], []>, transpose_lhs_hint = false} : vector<128x1xf32>, vector<1x32xf32>, vector<128x32xf32> -> vector<128x32xf32>
    %eq3A_2061 = vector.broadcast %convert_element_type3A_15 : vector<1x32xf32> to vector<128x32xf32>
    %eq3A_2062 = arith.cmpf oeq, %dot_general3A_2060, %eq3A_2061 : vector<128x32xf32>
    %convert_element_type3A_2063 = arith.extui %eq3A_2062 : vector<128x32xi1> to vector<128x32xi32>
    %convert_element_type3A_2064 = arith.sitofp %convert_element_type3A_2063 : vector<128x32xi32> to vector<128x32xf32>
    %dot_general3A_2065 = arith.constant dense<0.000000e+00> : vector<128x64xf32>
    %dot_general3A_2066 = tpu.matmul %convert_element_type3A_2064, %add3A_9, %dot_general3A_2065 {dimension_numbers = #tpu.dot_dimension_numbers<[1], [0], [0], [1], [0, 0, 1, 1], [], []>, transpose_lhs_hint = false} : vector<128x32xf32>, vector<32x64xf32>, vector<128x64xf32> -> vector<128x64xf32>
    %swap3A_2067 = arith.constant 120 : index
    %swap3A_2068 = arith.constant 0 : index
    %swap3A_2069 = arith.constant 0 : index
    %swap3A_2070 = vector.load %arg5[%swap3A_2067, %swap3A_2068, %swap3A_2069] : memref<200x128x64xf32, #tpu.memory_space<vmem>>, vector<1x128x64xf32>
    %swap3A_2071 = vector.shape_cast %swap3A_2070 : vector<1x128x64xf32> to vector<128x64xf32>
    %swap3A_2072 = vector.shape_cast %dot_general3A_2066 : vector<128x64xf32> to vector<1x128x64xf32>
    tpu.vector_store %arg5[%swap3A_2067, %swap3A_2068, %swap3A_2069], %swap3A_2072 {strides = array<i32>} : memref<200x128x64xf32, #tpu.memory_space<vmem>>, vector<1x128x64xf32>,
    %get3A_2073 = arith.constant 0 : index
    %get3A_2074 = arith.constant 121 : index
    %get3A_2075 = vector.load %arg6[%get3A_2073, %get3A_2074] : memref<128x200xf32, #tpu.memory_space<vmem>>, vector<128x1xf32>
    %dot_general3A_2076 = arith.constant dense<0.000000e+00> : vector<128x32xf32>
    %dot_general3A_2077 = tpu.matmul %get3A_2075, %broadcast_in_dim3A_16, %dot_general3A_2076 {dimension_numbers = #tpu.dot_dimension_numbers<[1], [0], [0], [1], [0, 0, 1, 1], [], []>, transpose_lhs_hint = false} : vector<128x1xf32>, vector<1x32xf32>, vector<128x32xf32> -> vector<128x32xf32>
    %eq3A_2078 = vector.broadcast %convert_element_type3A_15 : vector<1x32xf32> to vector<128x32xf32>
    %eq3A_2079 = arith.cmpf oeq, %dot_general3A_2077, %eq3A_2078 : vector<128x32xf32>
    %convert_element_type3A_2080 = arith.extui %eq3A_2079 : vector<128x32xi1> to vector<128x32xi32>
    %convert_element_type3A_2081 = arith.sitofp %convert_element_type3A_2080 : vector<128x32xi32> to vector<128x32xf32>
    %dot_general3A_2082 = arith.constant dense<0.000000e+00> : vector<128x64xf32>
    %dot_general3A_2083 = tpu.matmul %convert_element_type3A_2081, %add3A_9, %dot_general3A_2082 {dimension_numbers = #tpu.dot_dimension_numbers<[1], [0], [0], [1], [0, 0, 1, 1], [], []>, transpose_lhs_hint = false} : vector<128x32xf32>, vector<32x64xf32>, vector<128x64xf32> -> vector<128x64xf32>
    %swap3A_2084 = arith.constant 121 : index
    %swap3A_2085 = arith.constant 0 : index
    %swap3A_2086 = arith.constant 0 : index
    %swap3A_2087 = vector.load %arg5[%swap3A_2084, %swap3A_2085, %swap3A_2086] : memref<200x128x64xf32, #tpu.memory_space<vmem>>, vector<1x128x64xf32>
    %swap3A_2088 = vector.shape_cast %swap3A_2087 : vector<1x128x64xf32> to vector<128x64xf32>
    %swap3A_2089 = vector.shape_cast %dot_general3A_2083 : vector<128x64xf32> to vector<1x128x64xf32>
    tpu.vector_store %arg5[%swap3A_2084, %swap3A_2085, %swap3A_2086], %swap3A_2089 {strides = array<i32>} : memref<200x128x64xf32, #tpu.memory_space<vmem>>, vector<1x128x64xf32>,
    %get3A_2090 = arith.constant 0 : index
    %get3A_2091 = arith.constant 122 : index
    %get3A_2092 = vector.load %arg6[%get3A_2090, %get3A_2091] : memref<128x200xf32, #tpu.memory_space<vmem>>, vector<128x1xf32>
    %dot_general3A_2093 = arith.constant dense<0.000000e+00> : vector<128x32xf32>
    %dot_general3A_2094 = tpu.matmul %get3A_2092, %broadcast_in_dim3A_16, %dot_general3A_2093 {dimension_numbers = #tpu.dot_dimension_numbers<[1], [0], [0], [1], [0, 0, 1, 1], [], []>, transpose_lhs_hint = false} : vector<128x1xf32>, vector<1x32xf32>, vector<128x32xf32> -> vector<128x32xf32>
    %eq3A_2095 = vector.broadcast %convert_element_type3A_15 : vector<1x32xf32> to vector<128x32xf32>
    %eq3A_2096 = arith.cmpf oeq, %dot_general3A_2094, %eq3A_2095 : vector<128x32xf32>
    %convert_element_type3A_2097 = arith.extui %eq3A_2096 : vector<128x32xi1> to vector<128x32xi32>
    %convert_element_type3A_2098 = arith.sitofp %convert_element_type3A_2097 : vector<128x32xi32> to vector<128x32xf32>
    %dot_general3A_2099 = arith.constant dense<0.000000e+00> : vector<128x64xf32>
    %dot_general3A_2100 = tpu.matmul %convert_element_type3A_2098, %add3A_9, %dot_general3A_2099 {dimension_numbers = #tpu.dot_dimension_numbers<[1], [0], [0], [1], [0, 0, 1, 1], [], []>, transpose_lhs_hint = false} : vector<128x32xf32>, vector<32x64xf32>, vector<128x64xf32> -> vector<128x64xf32>
    %swap3A_2101 = arith.constant 122 : index
    %swap3A_2102 = arith.constant 0 : index
    %swap3A_2103 = arith.constant 0 : index
    %swap3A_2104 = vector.load %arg5[%swap3A_2101, %swap3A_2102, %swap3A_2103] : memref<200x128x64xf32, #tpu.memory_space<vmem>>, vector<1x128x64xf32>
    %swap3A_2105 = vector.shape_cast %swap3A_2104 : vector<1x128x64xf32> to vector<128x64xf32>
    %swap3A_2106 = vector.shape_cast %dot_general3A_2100 : vector<128x64xf32> to vector<1x128x64xf32>
    tpu.vector_store %arg5[%swap3A_2101, %swap3A_2102, %swap3A_2103], %swap3A_2106 {strides = array<i32>} : memref<200x128x64xf32, #tpu.memory_space<vmem>>, vector<1x128x64xf32>,
    %get3A_2107 = arith.constant 0 : index
    %get3A_2108 = arith.constant 123 : index
    %get3A_2109 = vector.load %arg6[%get3A_2107, %get3A_2108] : memref<128x200xf32, #tpu.memory_space<vmem>>, vector<128x1xf32>
    %dot_general3A_2110 = arith.constant dense<0.000000e+00> : vector<128x32xf32>
    %dot_general3A_2111 = tpu.matmul %get3A_2109, %broadcast_in_dim3A_16, %dot_general3A_2110 {dimension_numbers = #tpu.dot_dimension_numbers<[1], [0], [0], [1], [0, 0, 1, 1], [], []>, transpose_lhs_hint = false} : vector<128x1xf32>, vector<1x32xf32>, vector<128x32xf32> -> vector<128x32xf32>
    %eq3A_2112 = vector.broadcast %convert_element_type3A_15 : vector<1x32xf32> to vector<128x32xf32>
    %eq3A_2113 = arith.cmpf oeq, %dot_general3A_2111, %eq3A_2112 : vector<128x32xf32>
    %convert_element_type3A_2114 = arith.extui %eq3A_2113 : vector<128x32xi1> to vector<128x32xi32>
    %convert_element_type3A_2115 = arith.sitofp %convert_element_type3A_2114 : vector<128x32xi32> to vector<128x32xf32>
    %dot_general3A_2116 = arith.constant dense<0.000000e+00> : vector<128x64xf32>
    %dot_general3A_2117 = tpu.matmul %convert_element_type3A_2115, %add3A_9, %dot_general3A_2116 {dimension_numbers = #tpu.dot_dimension_numbers<[1], [0], [0], [1], [0, 0, 1, 1], [], []>, transpose_lhs_hint = false} : vector<128x32xf32>, vector<32x64xf32>, vector<128x64xf32> -> vector<128x64xf32>
    %swap3A_2118 = arith.constant 123 : index
    %swap3A_2119 = arith.constant 0 : index
    %swap3A_2120 = arith.constant 0 : index
    %swap3A_2121 = vector.load %arg5[%swap3A_2118, %swap3A_2119, %swap3A_2120] : memref<200x128x64xf32, #tpu.memory_space<vmem>>, vector<1x128x64xf32>
    %swap3A_2122 = vector.shape_cast %swap3A_2121 : vector<1x128x64xf32> to vector<128x64xf32>
    %swap3A_2123 = vector.shape_cast %dot_general3A_2117 : vector<128x64xf32> to vector<1x128x64xf32>
    tpu.vector_store %arg5[%swap3A_2118, %swap3A_2119, %swap3A_2120], %swap3A_2123 {strides = array<i32>} : memref<200x128x64xf32, #tpu.memory_space<vmem>>, vector<1x128x64xf32>,
    %get3A_2124 = arith.constant 0 : index
    %get3A_2125 = arith.constant 124 : index
    %get3A_2126 = vector.load %arg6[%get3A_2124, %get3A_2125] : memref<128x200xf32, #tpu.memory_space<vmem>>, vector<128x1xf32>
    %dot_general3A_2127 = arith.constant dense<0.000000e+00> : vector<128x32xf32>
    %dot_general3A_2128 = tpu.matmul %get3A_2126, %broadcast_in_dim3A_16, %dot_general3A_2127 {dimension_numbers = #tpu.dot_dimension_numbers<[1], [0], [0], [1], [0, 0, 1, 1], [], []>, transpose_lhs_hint = false} : vector<128x1xf32>, vector<1x32xf32>, vector<128x32xf32> -> vector<128x32xf32>
    %eq3A_2129 = vector.broadcast %convert_element_type3A_15 : vector<1x32xf32> to vector<128x32xf32>
    %eq3A_2130 = arith.cmpf oeq, %dot_general3A_2128, %eq3A_2129 : vector<128x32xf32>
    %convert_element_type3A_2131 = arith.extui %eq3A_2130 : vector<128x32xi1> to vector<128x32xi32>
    %convert_element_type3A_2132 = arith.sitofp %convert_element_type3A_2131 : vector<128x32xi32> to vector<128x32xf32>
    %dot_general3A_2133 = arith.constant dense<0.000000e+00> : vector<128x64xf32>
    %dot_general3A_2134 = tpu.matmul %convert_element_type3A_2132, %add3A_9, %dot_general3A_2133 {dimension_numbers = #tpu.dot_dimension_numbers<[1], [0], [0], [1], [0, 0, 1, 1], [], []>, transpose_lhs_hint = false} : vector<128x32xf32>, vector<32x64xf32>, vector<128x64xf32> -> vector<128x64xf32>
    %swap3A_2135 = arith.constant 124 : index
    %swap3A_2136 = arith.constant 0 : index
    %swap3A_2137 = arith.constant 0 : index
    %swap3A_2138 = vector.load %arg5[%swap3A_2135, %swap3A_2136, %swap3A_2137] : memref<200x128x64xf32, #tpu.memory_space<vmem>>, vector<1x128x64xf32>
    %swap3A_2139 = vector.shape_cast %swap3A_2138 : vector<1x128x64xf32> to vector<128x64xf32>
    %swap3A_2140 = vector.shape_cast %dot_general3A_2134 : vector<128x64xf32> to vector<1x128x64xf32>
    tpu.vector_store %arg5[%swap3A_2135, %swap3A_2136, %swap3A_2137], %swap3A_2140 {strides = array<i32>} : memref<200x128x64xf32, #tpu.memory_space<vmem>>, vector<1x128x64xf32>,
    %get3A_2141 = arith.constant 0 : index
    %get3A_2142 = arith.constant 125 : index
    %get3A_2143 = vector.load %arg6[%get3A_2141, %get3A_2142] : memref<128x200xf32, #tpu.memory_space<vmem>>, vector<128x1xf32>
    %dot_general3A_2144 = arith.constant dense<0.000000e+00> : vector<128x32xf32>
    %dot_general3A_2145 = tpu.matmul %get3A_2143, %broadcast_in_dim3A_16, %dot_general3A_2144 {dimension_numbers = #tpu.dot_dimension_numbers<[1], [0], [0], [1], [0, 0, 1, 1], [], []>, transpose_lhs_hint = false} : vector<128x1xf32>, vector<1x32xf32>, vector<128x32xf32> -> vector<128x32xf32>
    %eq3A_2146 = vector.broadcast %convert_element_type3A_15 : vector<1x32xf32> to vector<128x32xf32>
    %eq3A_2147 = arith.cmpf oeq, %dot_general3A_2145, %eq3A_2146 : vector<128x32xf32>
    %convert_element_type3A_2148 = arith.extui %eq3A_2147 : vector<128x32xi1> to vector<128x32xi32>
    %convert_element_type3A_2149 = arith.sitofp %convert_element_type3A_2148 : vector<128x32xi32> to vector<128x32xf32>
    %dot_general3A_2150 = arith.constant dense<0.000000e+00> : vector<128x64xf32>
    %dot_general3A_2151 = tpu.matmul %convert_element_type3A_2149, %add3A_9, %dot_general3A_2150 {dimension_numbers = #tpu.dot_dimension_numbers<[1], [0], [0], [1], [0, 0, 1, 1], [], []>, transpose_lhs_hint = false} : vector<128x32xf32>, vector<32x64xf32>, vector<128x64xf32> -> vector<128x64xf32>
    %swap3A_2152 = arith.constant 125 : index
    %swap3A_2153 = arith.constant 0 : index
    %swap3A_2154 = arith.constant 0 : index
    %swap3A_2155 = vector.load %arg5[%swap3A_2152, %swap3A_2153, %swap3A_2154] : memref<200x128x64xf32, #tpu.memory_space<vmem>>, vector<1x128x64xf32>
    %swap3A_2156 = vector.shape_cast %swap3A_2155 : vector<1x128x64xf32> to vector<128x64xf32>
    %swap3A_2157 = vector.shape_cast %dot_general3A_2151 : vector<128x64xf32> to vector<1x128x64xf32>
    tpu.vector_store %arg5[%swap3A_2152, %swap3A_2153, %swap3A_2154], %swap3A_2157 {strides = array<i32>} : memref<200x128x64xf32, #tpu.memory_space<vmem>>, vector<1x128x64xf32>,
    %get3A_2158 = arith.constant 0 : index
    %get3A_2159 = arith.constant 126 : index
    %get3A_2160 = vector.load %arg6[%get3A_2158, %get3A_2159] : memref<128x200xf32, #tpu.memory_space<vmem>>, vector<128x1xf32>
    %dot_general3A_2161 = arith.constant dense<0.000000e+00> : vector<128x32xf32>
    %dot_general3A_2162 = tpu.matmul %get3A_2160, %broadcast_in_dim3A_16, %dot_general3A_2161 {dimension_numbers = #tpu.dot_dimension_numbers<[1], [0], [0], [1], [0, 0, 1, 1], [], []>, transpose_lhs_hint = false} : vector<128x1xf32>, vector<1x32xf32>, vector<128x32xf32> -> vector<128x32xf32>
    %eq3A_2163 = vector.broadcast %convert_element_type3A_15 : vector<1x32xf32> to vector<128x32xf32>
    %eq3A_2164 = arith.cmpf oeq, %dot_general3A_2162, %eq3A_2163 : vector<128x32xf32>
    %convert_element_type3A_2165 = arith.extui %eq3A_2164 : vector<128x32xi1> to vector<128x32xi32>
    %convert_element_type3A_2166 = arith.sitofp %convert_element_type3A_2165 : vector<128x32xi32> to vector<128x32xf32>
    %dot_general3A_2167 = arith.constant dense<0.000000e+00> : vector<128x64xf32>
    %dot_general3A_2168 = tpu.matmul %convert_element_type3A_2166, %add3A_9, %dot_general3A_2167 {dimension_numbers = #tpu.dot_dimension_numbers<[1], [0], [0], [1], [0, 0, 1, 1], [], []>, transpose_lhs_hint = false} : vector<128x32xf32>, vector<32x64xf32>, vector<128x64xf32> -> vector<128x64xf32>
    %swap3A_2169 = arith.constant 126 : index
    %swap3A_2170 = arith.constant 0 : index
    %swap3A_2171 = arith.constant 0 : index
    %swap3A_2172 = vector.load %arg5[%swap3A_2169, %swap3A_2170, %swap3A_2171] : memref<200x128x64xf32, #tpu.memory_space<vmem>>, vector<1x128x64xf32>
    %swap3A_2173 = vector.shape_cast %swap3A_2172 : vector<1x128x64xf32> to vector<128x64xf32>
    %swap3A_2174 = vector.shape_cast %dot_general3A_2168 : vector<128x64xf32> to vector<1x128x64xf32>
    tpu.vector_store %arg5[%swap3A_2169, %swap3A_2170, %swap3A_2171], %swap3A_2174 {strides = array<i32>} : memref<200x128x64xf32, #tpu.memory_space<vmem>>, vector<1x128x64xf32>,
    %get3A_2175 = arith.constant 0 : index
    %get3A_2176 = arith.constant 127 : index
    %get3A_2177 = vector.load %arg6[%get3A_2175, %get3A_2176] : memref<128x200xf32, #tpu.memory_space<vmem>>, vector<128x1xf32>
    %dot_general3A_2178 = arith.constant dense<0.000000e+00> : vector<128x32xf32>
    %dot_general3A_2179 = tpu.matmul %get3A_2177, %broadcast_in_dim3A_16, %dot_general3A_2178 {dimension_numbers = #tpu.dot_dimension_numbers<[1], [0], [0], [1], [0, 0, 1, 1], [], []>, transpose_lhs_hint = false} : vector<128x1xf32>, vector<1x32xf32>, vector<128x32xf32> -> vector<128x32xf32>
    %eq3A_2180 = vector.broadcast %convert_element_type3A_15 : vector<1x32xf32> to vector<128x32xf32>
    %eq3A_2181 = arith.cmpf oeq, %dot_general3A_2179, %eq3A_2180 : vector<128x32xf32>
    %convert_element_type3A_2182 = arith.extui %eq3A_2181 : vector<128x32xi1> to vector<128x32xi32>
    %convert_element_type3A_2183 = arith.sitofp %convert_element_type3A_2182 : vector<128x32xi32> to vector<128x32xf32>
    %dot_general3A_2184 = arith.constant dense<0.000000e+00> : vector<128x64xf32>
    %dot_general3A_2185 = tpu.matmul %convert_element_type3A_2183, %add3A_9, %dot_general3A_2184 {dimension_numbers = #tpu.dot_dimension_numbers<[1], [0], [0], [1], [0, 0, 1, 1], [], []>, transpose_lhs_hint = false} : vector<128x32xf32>, vector<32x64xf32>, vector<128x64xf32> -> vector<128x64xf32>
    %swap3A_2186 = arith.constant 127 : index
    %swap3A_2187 = arith.constant 0 : index
    %swap3A_2188 = arith.constant 0 : index
    %swap3A_2189 = vector.load %arg5[%swap3A_2186, %swap3A_2187, %swap3A_2188] : memref<200x128x64xf32, #tpu.memory_space<vmem>>, vector<1x128x64xf32>
    %swap3A_2190 = vector.shape_cast %swap3A_2189 : vector<1x128x64xf32> to vector<128x64xf32>
    %swap3A_2191 = vector.shape_cast %dot_general3A_2185 : vector<128x64xf32> to vector<1x128x64xf32>
    tpu.vector_store %arg5[%swap3A_2186, %swap3A_2187, %swap3A_2188], %swap3A_2191 {strides = array<i32>} : memref<200x128x64xf32, #tpu.memory_space<vmem>>, vector<1x128x64xf32>,
    %get3A_2192 = arith.constant 0 : index
    %get3A_2193 = arith.constant 128 : index
    %get3A_2194 = vector.load %arg6[%get3A_2192, %get3A_2193] : memref<128x200xf32, #tpu.memory_space<vmem>>, vector<128x1xf32>
    %dot_general3A_2195 = arith.constant dense<0.000000e+00> : vector<128x32xf32>
    %dot_general3A_2196 = tpu.matmul %get3A_2194, %broadcast_in_dim3A_16, %dot_general3A_2195 {dimension_numbers = #tpu.dot_dimension_numbers<[1], [0], [0], [1], [0, 0, 1, 1], [], []>, transpose_lhs_hint = false} : vector<128x1xf32>, vector<1x32xf32>, vector<128x32xf32> -> vector<128x32xf32>
    %eq3A_2197 = vector.broadcast %convert_element_type3A_15 : vector<1x32xf32> to vector<128x32xf32>
    %eq3A_2198 = arith.cmpf oeq, %dot_general3A_2196, %eq3A_2197 : vector<128x32xf32>
    %convert_element_type3A_2199 = arith.extui %eq3A_2198 : vector<128x32xi1> to vector<128x32xi32>
    %convert_element_type3A_2200 = arith.sitofp %convert_element_type3A_2199 : vector<128x32xi32> to vector<128x32xf32>
    %dot_general3A_2201 = arith.constant dense<0.000000e+00> : vector<128x64xf32>
    %dot_general3A_2202 = tpu.matmul %convert_element_type3A_2200, %add3A_9, %dot_general3A_2201 {dimension_numbers = #tpu.dot_dimension_numbers<[1], [0], [0], [1], [0, 0, 1, 1], [], []>, transpose_lhs_hint = false} : vector<128x32xf32>, vector<32x64xf32>, vector<128x64xf32> -> vector<128x64xf32>
    %swap3A_2203 = arith.constant 128 : index
    %swap3A_2204 = arith.constant 0 : index
    %swap3A_2205 = arith.constant 0 : index
    %swap3A_2206 = vector.load %arg5[%swap3A_2203, %swap3A_2204, %swap3A_2205] : memref<200x128x64xf32, #tpu.memory_space<vmem>>, vector<1x128x64xf32>
    %swap3A_2207 = vector.shape_cast %swap3A_2206 : vector<1x128x64xf32> to vector<128x64xf32>
    %swap3A_2208 = vector.shape_cast %dot_general3A_2202 : vector<128x64xf32> to vector<1x128x64xf32>
    tpu.vector_store %arg5[%swap3A_2203, %swap3A_2204, %swap3A_2205], %swap3A_2208 {strides = array<i32>} : memref<200x128x64xf32, #tpu.memory_space<vmem>>, vector<1x128x64xf32>,
    %get3A_2209 = arith.constant 0 : index
    %get3A_2210 = arith.constant 129 : index
    %get3A_2211 = vector.load %arg6[%get3A_2209, %get3A_2210] : memref<128x200xf32, #tpu.memory_space<vmem>>, vector<128x1xf32>
    %dot_general3A_2212 = arith.constant dense<0.000000e+00> : vector<128x32xf32>
    %dot_general3A_2213 = tpu.matmul %get3A_2211, %broadcast_in_dim3A_16, %dot_general3A_2212 {dimension_numbers = #tpu.dot_dimension_numbers<[1], [0], [0], [1], [0, 0, 1, 1], [], []>, transpose_lhs_hint = false} : vector<128x1xf32>, vector<1x32xf32>, vector<128x32xf32> -> vector<128x32xf32>
    %eq3A_2214 = vector.broadcast %convert_element_type3A_15 : vector<1x32xf32> to vector<128x32xf32>
    %eq3A_2215 = arith.cmpf oeq, %dot_general3A_2213, %eq3A_2214 : vector<128x32xf32>
    %convert_element_type3A_2216 = arith.extui %eq3A_2215 : vector<128x32xi1> to vector<128x32xi32>
    %convert_element_type3A_2217 = arith.sitofp %convert_element_type3A_2216 : vector<128x32xi32> to vector<128x32xf32>
    %dot_general3A_2218 = arith.constant dense<0.000000e+00> : vector<128x64xf32>
    %dot_general3A_2219 = tpu.matmul %convert_element_type3A_2217, %add3A_9, %dot_general3A_2218 {dimension_numbers = #tpu.dot_dimension_numbers<[1], [0], [0], [1], [0, 0, 1, 1], [], []>, transpose_lhs_hint = false} : vector<128x32xf32>, vector<32x64xf32>, vector<128x64xf32> -> vector<128x64xf32>
    %swap3A_2220 = arith.constant 129 : index
    %swap3A_2221 = arith.constant 0 : index
    %swap3A_2222 = arith.constant 0 : index
    %swap3A_2223 = vector.load %arg5[%swap3A_2220, %swap3A_2221, %swap3A_2222] : memref<200x128x64xf32, #tpu.memory_space<vmem>>, vector<1x128x64xf32>
    %swap3A_2224 = vector.shape_cast %swap3A_2223 : vector<1x128x64xf32> to vector<128x64xf32>
    %swap3A_2225 = vector.shape_cast %dot_general3A_2219 : vector<128x64xf32> to vector<1x128x64xf32>
    tpu.vector_store %arg5[%swap3A_2220, %swap3A_2221, %swap3A_2222], %swap3A_2225 {strides = array<i32>} : memref<200x128x64xf32, #tpu.memory_space<vmem>>, vector<1x128x64xf32>,
    %get3A_2226 = arith.constant 0 : index
    %get3A_2227 = arith.constant 130 : index
    %get3A_2228 = vector.load %arg6[%get3A_2226, %get3A_2227] : memref<128x200xf32, #tpu.memory_space<vmem>>, vector<128x1xf32>
    %dot_general3A_2229 = arith.constant dense<0.000000e+00> : vector<128x32xf32>
    %dot_general3A_2230 = tpu.matmul %get3A_2228, %broadcast_in_dim3A_16, %dot_general3A_2229 {dimension_numbers = #tpu.dot_dimension_numbers<[1], [0], [0], [1], [0, 0, 1, 1], [], []>, transpose_lhs_hint = false} : vector<128x1xf32>, vector<1x32xf32>, vector<128x32xf32> -> vector<128x32xf32>
    %eq3A_2231 = vector.broadcast %convert_element_type3A_15 : vector<1x32xf32> to vector<128x32xf32>
    %eq3A_2232 = arith.cmpf oeq, %dot_general3A_2230, %eq3A_2231 : vector<128x32xf32>
    %convert_element_type3A_2233 = arith.extui %eq3A_2232 : vector<128x32xi1> to vector<128x32xi32>
    %convert_element_type3A_2234 = arith.sitofp %convert_element_type3A_2233 : vector<128x32xi32> to vector<128x32xf32>
    %dot_general3A_2235 = arith.constant dense<0.000000e+00> : vector<128x64xf32>
    %dot_general3A_2236 = tpu.matmul %convert_element_type3A_2234, %add3A_9, %dot_general3A_2235 {dimension_numbers = #tpu.dot_dimension_numbers<[1], [0], [0], [1], [0, 0, 1, 1], [], []>, transpose_lhs_hint = false} : vector<128x32xf32>, vector<32x64xf32>, vector<128x64xf32> -> vector<128x64xf32>
    %swap3A_2237 = arith.constant 130 : index
    %swap3A_2238 = arith.constant 0 : index
    %swap3A_2239 = arith.constant 0 : index
    %swap3A_2240 = vector.load %arg5[%swap3A_2237, %swap3A_2238, %swap3A_2239] : memref<200x128x64xf32, #tpu.memory_space<vmem>>, vector<1x128x64xf32>
    %swap3A_2241 = vector.shape_cast %swap3A_2240 : vector<1x128x64xf32> to vector<128x64xf32>
    %swap3A_2242 = vector.shape_cast %dot_general3A_2236 : vector<128x64xf32> to vector<1x128x64xf32>
    tpu.vector_store %arg5[%swap3A_2237, %swap3A_2238, %swap3A_2239], %swap3A_2242 {strides = array<i32>} : memref<200x128x64xf32, #tpu.memory_space<vmem>>, vector<1x128x64xf32>,
    %get3A_2243 = arith.constant 0 : index
    %get3A_2244 = arith.constant 131 : index
    %get3A_2245 = vector.load %arg6[%get3A_2243, %get3A_2244] : memref<128x200xf32, #tpu.memory_space<vmem>>, vector<128x1xf32>
    %dot_general3A_2246 = arith.constant dense<0.000000e+00> : vector<128x32xf32>
    %dot_general3A_2247 = tpu.matmul %get3A_2245, %broadcast_in_dim3A_16, %dot_general3A_2246 {dimension_numbers = #tpu.dot_dimension_numbers<[1], [0], [0], [1], [0, 0, 1, 1], [], []>, transpose_lhs_hint = false} : vector<128x1xf32>, vector<1x32xf32>, vector<128x32xf32> -> vector<128x32xf32>
    %eq3A_2248 = vector.broadcast %convert_element_type3A_15 : vector<1x32xf32> to vector<128x32xf32>
    %eq3A_2249 = arith.cmpf oeq, %dot_general3A_2247, %eq3A_2248 : vector<128x32xf32>
    %convert_element_type3A_2250 = arith.extui %eq3A_2249 : vector<128x32xi1> to vector<128x32xi32>
    %convert_element_type3A_2251 = arith.sitofp %convert_element_type3A_2250 : vector<128x32xi32> to vector<128x32xf32>
    %dot_general3A_2252 = arith.constant dense<0.000000e+00> : vector<128x64xf32>
    %dot_general3A_2253 = tpu.matmul %convert_element_type3A_2251, %add3A_9, %dot_general3A_2252 {dimension_numbers = #tpu.dot_dimension_numbers<[1], [0], [0], [1], [0, 0, 1, 1], [], []>, transpose_lhs_hint = false} : vector<128x32xf32>, vector<32x64xf32>, vector<128x64xf32> -> vector<128x64xf32>
    %swap3A_2254 = arith.constant 131 : index
    %swap3A_2255 = arith.constant 0 : index
    %swap3A_2256 = arith.constant 0 : index
    %swap3A_2257 = vector.load %arg5[%swap3A_2254, %swap3A_2255, %swap3A_2256] : memref<200x128x64xf32, #tpu.memory_space<vmem>>, vector<1x128x64xf32>
    %swap3A_2258 = vector.shape_cast %swap3A_2257 : vector<1x128x64xf32> to vector<128x64xf32>
    %swap3A_2259 = vector.shape_cast %dot_general3A_2253 : vector<128x64xf32> to vector<1x128x64xf32>
    tpu.vector_store %arg5[%swap3A_2254, %swap3A_2255, %swap3A_2256], %swap3A_2259 {strides = array<i32>} : memref<200x128x64xf32, #tpu.memory_space<vmem>>, vector<1x128x64xf32>,
    %get3A_2260 = arith.constant 0 : index
    %get3A_2261 = arith.constant 132 : index
    %get3A_2262 = vector.load %arg6[%get3A_2260, %get3A_2261] : memref<128x200xf32, #tpu.memory_space<vmem>>, vector<128x1xf32>
    %dot_general3A_2263 = arith.constant dense<0.000000e+00> : vector<128x32xf32>
    %dot_general3A_2264 = tpu.matmul %get3A_2262, %broadcast_in_dim3A_16, %dot_general3A_2263 {dimension_numbers = #tpu.dot_dimension_numbers<[1], [0], [0], [1], [0, 0, 1, 1], [], []>, transpose_lhs_hint = false} : vector<128x1xf32>, vector<1x32xf32>, vector<128x32xf32> -> vector<128x32xf32>
    %eq3A_2265 = vector.broadcast %convert_element_type3A_15 : vector<1x32xf32> to vector<128x32xf32>
    %eq3A_2266 = arith.cmpf oeq, %dot_general3A_2264, %eq3A_2265 : vector<128x32xf32>
    %convert_element_type3A_2267 = arith.extui %eq3A_2266 : vector<128x32xi1> to vector<128x32xi32>
    %convert_element_type3A_2268 = arith.sitofp %convert_element_type3A_2267 : vector<128x32xi32> to vector<128x32xf32>
    %dot_general3A_2269 = arith.constant dense<0.000000e+00> : vector<128x64xf32>
    %dot_general3A_2270 = tpu.matmul %convert_element_type3A_2268, %add3A_9, %dot_general3A_2269 {dimension_numbers = #tpu.dot_dimension_numbers<[1], [0], [0], [1], [0, 0, 1, 1], [], []>, transpose_lhs_hint = false} : vector<128x32xf32>, vector<32x64xf32>, vector<128x64xf32> -> vector<128x64xf32>
    %swap3A_2271 = arith.constant 132 : index
    %swap3A_2272 = arith.constant 0 : index
    %swap3A_2273 = arith.constant 0 : index
    %swap3A_2274 = vector.load %arg5[%swap3A_2271, %swap3A_2272, %swap3A_2273] : memref<200x128x64xf32, #tpu.memory_space<vmem>>, vector<1x128x64xf32>
    %swap3A_2275 = vector.shape_cast %swap3A_2274 : vector<1x128x64xf32> to vector<128x64xf32>
    %swap3A_2276 = vector.shape_cast %dot_general3A_2270 : vector<128x64xf32> to vector<1x128x64xf32>
    tpu.vector_store %arg5[%swap3A_2271, %swap3A_2272, %swap3A_2273], %swap3A_2276 {strides = array<i32>} : memref<200x128x64xf32, #tpu.memory_space<vmem>>, vector<1x128x64xf32>,
    %get3A_2277 = arith.constant 0 : index
    %get3A_2278 = arith.constant 133 : index
    %get3A_2279 = vector.load %arg6[%get3A_2277, %get3A_2278] : memref<128x200xf32, #tpu.memory_space<vmem>>, vector<128x1xf32>
    %dot_general3A_2280 = arith.constant dense<0.000000e+00> : vector<128x32xf32>
    %dot_general3A_2281 = tpu.matmul %get3A_2279, %broadcast_in_dim3A_16, %dot_general3A_2280 {dimension_numbers = #tpu.dot_dimension_numbers<[1], [0], [0], [1], [0, 0, 1, 1], [], []>, transpose_lhs_hint = false} : vector<128x1xf32>, vector<1x32xf32>, vector<128x32xf32> -> vector<128x32xf32>
    %eq3A_2282 = vector.broadcast %convert_element_type3A_15 : vector<1x32xf32> to vector<128x32xf32>
    %eq3A_2283 = arith.cmpf oeq, %dot_general3A_2281, %eq3A_2282 : vector<128x32xf32>
    %convert_element_type3A_2284 = arith.extui %eq3A_2283 : vector<128x32xi1> to vector<128x32xi32>
    %convert_element_type3A_2285 = arith.sitofp %convert_element_type3A_2284 : vector<128x32xi32> to vector<128x32xf32>
    %dot_general3A_2286 = arith.constant dense<0.000000e+00> : vector<128x64xf32>
    %dot_general3A_2287 = tpu.matmul %convert_element_type3A_2285, %add3A_9, %dot_general3A_2286 {dimension_numbers = #tpu.dot_dimension_numbers<[1], [0], [0], [1], [0, 0, 1, 1], [], []>, transpose_lhs_hint = false} : vector<128x32xf32>, vector<32x64xf32>, vector<128x64xf32> -> vector<128x64xf32>
    %swap3A_2288 = arith.constant 133 : index
    %swap3A_2289 = arith.constant 0 : index
    %swap3A_2290 = arith.constant 0 : index
    %swap3A_2291 = vector.load %arg5[%swap3A_2288, %swap3A_2289, %swap3A_2290] : memref<200x128x64xf32, #tpu.memory_space<vmem>>, vector<1x128x64xf32>
    %swap3A_2292 = vector.shape_cast %swap3A_2291 : vector<1x128x64xf32> to vector<128x64xf32>
    %swap3A_2293 = vector.shape_cast %dot_general3A_2287 : vector<128x64xf32> to vector<1x128x64xf32>
    tpu.vector_store %arg5[%swap3A_2288, %swap3A_2289, %swap3A_2290], %swap3A_2293 {strides = array<i32>} : memref<200x128x64xf32, #tpu.memory_space<vmem>>, vector<1x128x64xf32>,
    %get3A_2294 = arith.constant 0 : index
    %get3A_2295 = arith.constant 134 : index
    %get3A_2296 = vector.load %arg6[%get3A_2294, %get3A_2295] : memref<128x200xf32, #tpu.memory_space<vmem>>, vector<128x1xf32>
    %dot_general3A_2297 = arith.constant dense<0.000000e+00> : vector<128x32xf32>
    %dot_general3A_2298 = tpu.matmul %get3A_2296, %broadcast_in_dim3A_16, %dot_general3A_2297 {dimension_numbers = #tpu.dot_dimension_numbers<[1], [0], [0], [1], [0, 0, 1, 1], [], []>, transpose_lhs_hint = false} : vector<128x1xf32>, vector<1x32xf32>, vector<128x32xf32> -> vector<128x32xf32>
    %eq3A_2299 = vector.broadcast %convert_element_type3A_15 : vector<1x32xf32> to vector<128x32xf32>
    %eq3A_2300 = arith.cmpf oeq, %dot_general3A_2298, %eq3A_2299 : vector<128x32xf32>
    %convert_element_type3A_2301 = arith.extui %eq3A_2300 : vector<128x32xi1> to vector<128x32xi32>
    %convert_element_type3A_2302 = arith.sitofp %convert_element_type3A_2301 : vector<128x32xi32> to vector<128x32xf32>
    %dot_general3A_2303 = arith.constant dense<0.000000e+00> : vector<128x64xf32>
    %dot_general3A_2304 = tpu.matmul %convert_element_type3A_2302, %add3A_9, %dot_general3A_2303 {dimension_numbers = #tpu.dot_dimension_numbers<[1], [0], [0], [1], [0, 0, 1, 1], [], []>, transpose_lhs_hint = false} : vector<128x32xf32>, vector<32x64xf32>, vector<128x64xf32> -> vector<128x64xf32>
    %swap3A_2305 = arith.constant 134 : index
    %swap3A_2306 = arith.constant 0 : index
    %swap3A_2307 = arith.constant 0 : index
    %swap3A_2308 = vector.load %arg5[%swap3A_2305, %swap3A_2306, %swap3A_2307] : memref<200x128x64xf32, #tpu.memory_space<vmem>>, vector<1x128x64xf32>
    %swap3A_2309 = vector.shape_cast %swap3A_2308 : vector<1x128x64xf32> to vector<128x64xf32>
    %swap3A_2310 = vector.shape_cast %dot_general3A_2304 : vector<128x64xf32> to vector<1x128x64xf32>
    tpu.vector_store %arg5[%swap3A_2305, %swap3A_2306, %swap3A_2307], %swap3A_2310 {strides = array<i32>} : memref<200x128x64xf32, #tpu.memory_space<vmem>>, vector<1x128x64xf32>,
    %get3A_2311 = arith.constant 0 : index
    %get3A_2312 = arith.constant 135 : index
    %get3A_2313 = vector.load %arg6[%get3A_2311, %get3A_2312] : memref<128x200xf32, #tpu.memory_space<vmem>>, vector<128x1xf32>
    %dot_general3A_2314 = arith.constant dense<0.000000e+00> : vector<128x32xf32>
    %dot_general3A_2315 = tpu.matmul %get3A_2313, %broadcast_in_dim3A_16, %dot_general3A_2314 {dimension_numbers = #tpu.dot_dimension_numbers<[1], [0], [0], [1], [0, 0, 1, 1], [], []>, transpose_lhs_hint = false} : vector<128x1xf32>, vector<1x32xf32>, vector<128x32xf32> -> vector<128x32xf32>
    %eq3A_2316 = vector.broadcast %convert_element_type3A_15 : vector<1x32xf32> to vector<128x32xf32>
    %eq3A_2317 = arith.cmpf oeq, %dot_general3A_2315, %eq3A_2316 : vector<128x32xf32>
    %convert_element_type3A_2318 = arith.extui %eq3A_2317 : vector<128x32xi1> to vector<128x32xi32>
    %convert_element_type3A_2319 = arith.sitofp %convert_element_type3A_2318 : vector<128x32xi32> to vector<128x32xf32>
    %dot_general3A_2320 = arith.constant dense<0.000000e+00> : vector<128x64xf32>
    %dot_general3A_2321 = tpu.matmul %convert_element_type3A_2319, %add3A_9, %dot_general3A_2320 {dimension_numbers = #tpu.dot_dimension_numbers<[1], [0], [0], [1], [0, 0, 1, 1], [], []>, transpose_lhs_hint = false} : vector<128x32xf32>, vector<32x64xf32>, vector<128x64xf32> -> vector<128x64xf32>
    %swap3A_2322 = arith.constant 135 : index
    %swap3A_2323 = arith.constant 0 : index
    %swap3A_2324 = arith.constant 0 : index
    %swap3A_2325 = vector.load %arg5[%swap3A_2322, %swap3A_2323, %swap3A_2324] : memref<200x128x64xf32, #tpu.memory_space<vmem>>, vector<1x128x64xf32>
    %swap3A_2326 = vector.shape_cast %swap3A_2325 : vector<1x128x64xf32> to vector<128x64xf32>
    %swap3A_2327 = vector.shape_cast %dot_general3A_2321 : vector<128x64xf32> to vector<1x128x64xf32>
    tpu.vector_store %arg5[%swap3A_2322, %swap3A_2323, %swap3A_2324], %swap3A_2327 {strides = array<i32>} : memref<200x128x64xf32, #tpu.memory_space<vmem>>, vector<1x128x64xf32>,
    %get3A_2328 = arith.constant 0 : index
    %get3A_2329 = arith.constant 136 : index
    %get3A_2330 = vector.load %arg6[%get3A_2328, %get3A_2329] : memref<128x200xf32, #tpu.memory_space<vmem>>, vector<128x1xf32>
    %dot_general3A_2331 = arith.constant dense<0.000000e+00> : vector<128x32xf32>
    %dot_general3A_2332 = tpu.matmul %get3A_2330, %broadcast_in_dim3A_16, %dot_general3A_2331 {dimension_numbers = #tpu.dot_dimension_numbers<[1], [0], [0], [1], [0, 0, 1, 1], [], []>, transpose_lhs_hint = false} : vector<128x1xf32>, vector<1x32xf32>, vector<128x32xf32> -> vector<128x32xf32>
    %eq3A_2333 = vector.broadcast %convert_element_type3A_15 : vector<1x32xf32> to vector<128x32xf32>
    %eq3A_2334 = arith.cmpf oeq, %dot_general3A_2332, %eq3A_2333 : vector<128x32xf32>
    %convert_element_type3A_2335 = arith.extui %eq3A_2334 : vector<128x32xi1> to vector<128x32xi32>
    %convert_element_type3A_2336 = arith.sitofp %convert_element_type3A_2335 : vector<128x32xi32> to vector<128x32xf32>
    %dot_general3A_2337 = arith.constant dense<0.000000e+00> : vector<128x64xf32>
    %dot_general3A_2338 = tpu.matmul %convert_element_type3A_2336, %add3A_9, %dot_general3A_2337 {dimension_numbers = #tpu.dot_dimension_numbers<[1], [0], [0], [1], [0, 0, 1, 1], [], []>, transpose_lhs_hint = false} : vector<128x32xf32>, vector<32x64xf32>, vector<128x64xf32> -> vector<128x64xf32>
    %swap3A_2339 = arith.constant 136 : index
    %swap3A_2340 = arith.constant 0 : index
    %swap3A_2341 = arith.constant 0 : index
    %swap3A_2342 = vector.load %arg5[%swap3A_2339, %swap3A_2340, %swap3A_2341] : memref<200x128x64xf32, #tpu.memory_space<vmem>>, vector<1x128x64xf32>
    %swap3A_2343 = vector.shape_cast %swap3A_2342 : vector<1x128x64xf32> to vector<128x64xf32>
    %swap3A_2344 = vector.shape_cast %dot_general3A_2338 : vector<128x64xf32> to vector<1x128x64xf32>
    tpu.vector_store %arg5[%swap3A_2339, %swap3A_2340, %swap3A_2341], %swap3A_2344 {strides = array<i32>} : memref<200x128x64xf32, #tpu.memory_space<vmem>>, vector<1x128x64xf32>,
    %get3A_2345 = arith.constant 0 : index
    %get3A_2346 = arith.constant 137 : index
    %get3A_2347 = vector.load %arg6[%get3A_2345, %get3A_2346] : memref<128x200xf32, #tpu.memory_space<vmem>>, vector<128x1xf32>
    %dot_general3A_2348 = arith.constant dense<0.000000e+00> : vector<128x32xf32>
    %dot_general3A_2349 = tpu.matmul %get3A_2347, %broadcast_in_dim3A_16, %dot_general3A_2348 {dimension_numbers = #tpu.dot_dimension_numbers<[1], [0], [0], [1], [0, 0, 1, 1], [], []>, transpose_lhs_hint = false} : vector<128x1xf32>, vector<1x32xf32>, vector<128x32xf32> -> vector<128x32xf32>
    %eq3A_2350 = vector.broadcast %convert_element_type3A_15 : vector<1x32xf32> to vector<128x32xf32>
    %eq3A_2351 = arith.cmpf oeq, %dot_general3A_2349, %eq3A_2350 : vector<128x32xf32>
    %convert_element_type3A_2352 = arith.extui %eq3A_2351 : vector<128x32xi1> to vector<128x32xi32>
    %convert_element_type3A_2353 = arith.sitofp %convert_element_type3A_2352 : vector<128x32xi32> to vector<128x32xf32>
    %dot_general3A_2354 = arith.constant dense<0.000000e+00> : vector<128x64xf32>
    %dot_general3A_2355 = tpu.matmul %convert_element_type3A_2353, %add3A_9, %dot_general3A_2354 {dimension_numbers = #tpu.dot_dimension_numbers<[1], [0], [0], [1], [0, 0, 1, 1], [], []>, transpose_lhs_hint = false} : vector<128x32xf32>, vector<32x64xf32>, vector<128x64xf32> -> vector<128x64xf32>
    %swap3A_2356 = arith.constant 137 : index
    %swap3A_2357 = arith.constant 0 : index
    %swap3A_2358 = arith.constant 0 : index
    %swap3A_2359 = vector.load %arg5[%swap3A_2356, %swap3A_2357, %swap3A_2358] : memref<200x128x64xf32, #tpu.memory_space<vmem>>, vector<1x128x64xf32>
    %swap3A_2360 = vector.shape_cast %swap3A_2359 : vector<1x128x64xf32> to vector<128x64xf32>
    %swap3A_2361 = vector.shape_cast %dot_general3A_2355 : vector<128x64xf32> to vector<1x128x64xf32>
    tpu.vector_store %arg5[%swap3A_2356, %swap3A_2357, %swap3A_2358], %swap3A_2361 {strides = array<i32>} : memref<200x128x64xf32, #tpu.memory_space<vmem>>, vector<1x128x64xf32>,
    %get3A_2362 = arith.constant 0 : index
    %get3A_2363 = arith.constant 138 : index
    %get3A_2364 = vector.load %arg6[%get3A_2362, %get3A_2363] : memref<128x200xf32, #tpu.memory_space<vmem>>, vector<128x1xf32>
    %dot_general3A_2365 = arith.constant dense<0.000000e+00> : vector<128x32xf32>
    %dot_general3A_2366 = tpu.matmul %get3A_2364, %broadcast_in_dim3A_16, %dot_general3A_2365 {dimension_numbers = #tpu.dot_dimension_numbers<[1], [0], [0], [1], [0, 0, 1, 1], [], []>, transpose_lhs_hint = false} : vector<128x1xf32>, vector<1x32xf32>, vector<128x32xf32> -> vector<128x32xf32>
    %eq3A_2367 = vector.broadcast %convert_element_type3A_15 : vector<1x32xf32> to vector<128x32xf32>
    %eq3A_2368 = arith.cmpf oeq, %dot_general3A_2366, %eq3A_2367 : vector<128x32xf32>
    %convert_element_type3A_2369 = arith.extui %eq3A_2368 : vector<128x32xi1> to vector<128x32xi32>
    %convert_element_type3A_2370 = arith.sitofp %convert_element_type3A_2369 : vector<128x32xi32> to vector<128x32xf32>
    %dot_general3A_2371 = arith.constant dense<0.000000e+00> : vector<128x64xf32>
    %dot_general3A_2372 = tpu.matmul %convert_element_type3A_2370, %add3A_9, %dot_general3A_2371 {dimension_numbers = #tpu.dot_dimension_numbers<[1], [0], [0], [1], [0, 0, 1, 1], [], []>, transpose_lhs_hint = false} : vector<128x32xf32>, vector<32x64xf32>, vector<128x64xf32> -> vector<128x64xf32>
    %swap3A_2373 = arith.constant 138 : index
    %swap3A_2374 = arith.constant 0 : index
    %swap3A_2375 = arith.constant 0 : index
    %swap3A_2376 = vector.load %arg5[%swap3A_2373, %swap3A_2374, %swap3A_2375] : memref<200x128x64xf32, #tpu.memory_space<vmem>>, vector<1x128x64xf32>
    %swap3A_2377 = vector.shape_cast %swap3A_2376 : vector<1x128x64xf32> to vector<128x64xf32>
    %swap3A_2378 = vector.shape_cast %dot_general3A_2372 : vector<128x64xf32> to vector<1x128x64xf32>
    tpu.vector_store %arg5[%swap3A_2373, %swap3A_2374, %swap3A_2375], %swap3A_2378 {strides = array<i32>} : memref<200x128x64xf32, #tpu.memory_space<vmem>>, vector<1x128x64xf32>,
    %get3A_2379 = arith.constant 0 : index
    %get3A_2380 = arith.constant 139 : index
    %get3A_2381 = vector.load %arg6[%get3A_2379, %get3A_2380] : memref<128x200xf32, #tpu.memory_space<vmem>>, vector<128x1xf32>
    %dot_general3A_2382 = arith.constant dense<0.000000e+00> : vector<128x32xf32>
    %dot_general3A_2383 = tpu.matmul %get3A_2381, %broadcast_in_dim3A_16, %dot_general3A_2382 {dimension_numbers = #tpu.dot_dimension_numbers<[1], [0], [0], [1], [0, 0, 1, 1], [], []>, transpose_lhs_hint = false} : vector<128x1xf32>, vector<1x32xf32>, vector<128x32xf32> -> vector<128x32xf32>
    %eq3A_2384 = vector.broadcast %convert_element_type3A_15 : vector<1x32xf32> to vector<128x32xf32>
    %eq3A_2385 = arith.cmpf oeq, %dot_general3A_2383, %eq3A_2384 : vector<128x32xf32>
    %convert_element_type3A_2386 = arith.extui %eq3A_2385 : vector<128x32xi1> to vector<128x32xi32>
    %convert_element_type3A_2387 = arith.sitofp %convert_element_type3A_2386 : vector<128x32xi32> to vector<128x32xf32>
    %dot_general3A_2388 = arith.constant dense<0.000000e+00> : vector<128x64xf32>
    %dot_general3A_2389 = tpu.matmul %convert_element_type3A_2387, %add3A_9, %dot_general3A_2388 {dimension_numbers = #tpu.dot_dimension_numbers<[1], [0], [0], [1], [0, 0, 1, 1], [], []>, transpose_lhs_hint = false} : vector<128x32xf32>, vector<32x64xf32>, vector<128x64xf32> -> vector<128x64xf32>
    %swap3A_2390 = arith.constant 139 : index
    %swap3A_2391 = arith.constant 0 : index
    %swap3A_2392 = arith.constant 0 : index
    %swap3A_2393 = vector.load %arg5[%swap3A_2390, %swap3A_2391, %swap3A_2392] : memref<200x128x64xf32, #tpu.memory_space<vmem>>, vector<1x128x64xf32>
    %swap3A_2394 = vector.shape_cast %swap3A_2393 : vector<1x128x64xf32> to vector<128x64xf32>
    %swap3A_2395 = vector.shape_cast %dot_general3A_2389 : vector<128x64xf32> to vector<1x128x64xf32>
    tpu.vector_store %arg5[%swap3A_2390, %swap3A_2391, %swap3A_2392], %swap3A_2395 {strides = array<i32>} : memref<200x128x64xf32, #tpu.memory_space<vmem>>, vector<1x128x64xf32>,
    %get3A_2396 = arith.constant 0 : index
    %get3A_2397 = arith.constant 140 : index
    %get3A_2398 = vector.load %arg6[%get3A_2396, %get3A_2397] : memref<128x200xf32, #tpu.memory_space<vmem>>, vector<128x1xf32>
    %dot_general3A_2399 = arith.constant dense<0.000000e+00> : vector<128x32xf32>
    %dot_general3A_2400 = tpu.matmul %get3A_2398, %broadcast_in_dim3A_16, %dot_general3A_2399 {dimension_numbers = #tpu.dot_dimension_numbers<[1], [0], [0], [1], [0, 0, 1, 1], [], []>, transpose_lhs_hint = false} : vector<128x1xf32>, vector<1x32xf32>, vector<128x32xf32> -> vector<128x32xf32>
    %eq3A_2401 = vector.broadcast %convert_element_type3A_15 : vector<1x32xf32> to vector<128x32xf32>
    %eq3A_2402 = arith.cmpf oeq, %dot_general3A_2400, %eq3A_2401 : vector<128x32xf32>
    %convert_element_type3A_2403 = arith.extui %eq3A_2402 : vector<128x32xi1> to vector<128x32xi32>
    %convert_element_type3A_2404 = arith.sitofp %convert_element_type3A_2403 : vector<128x32xi32> to vector<128x32xf32>
    %dot_general3A_2405 = arith.constant dense<0.000000e+00> : vector<128x64xf32>
    %dot_general3A_2406 = tpu.matmul %convert_element_type3A_2404, %add3A_9, %dot_general3A_2405 {dimension_numbers = #tpu.dot_dimension_numbers<[1], [0], [0], [1], [0, 0, 1, 1], [], []>, transpose_lhs_hint = false} : vector<128x32xf32>, vector<32x64xf32>, vector<128x64xf32> -> vector<128x64xf32>
    %swap3A_2407 = arith.constant 140 : index
    %swap3A_2408 = arith.constant 0 : index
    %swap3A_2409 = arith.constant 0 : index
    %swap3A_2410 = vector.load %arg5[%swap3A_2407, %swap3A_2408, %swap3A_2409] : memref<200x128x64xf32, #tpu.memory_space<vmem>>, vector<1x128x64xf32>
    %swap3A_2411 = vector.shape_cast %swap3A_2410 : vector<1x128x64xf32> to vector<128x64xf32>
    %swap3A_2412 = vector.shape_cast %dot_general3A_2406 : vector<128x64xf32> to vector<1x128x64xf32>
    tpu.vector_store %arg5[%swap3A_2407, %swap3A_2408, %swap3A_2409], %swap3A_2412 {strides = array<i32>} : memref<200x128x64xf32, #tpu.memory_space<vmem>>, vector<1x128x64xf32>,
    %get3A_2413 = arith.constant 0 : index
    %get3A_2414 = arith.constant 141 : index
    %get3A_2415 = vector.load %arg6[%get3A_2413, %get3A_2414] : memref<128x200xf32, #tpu.memory_space<vmem>>, vector<128x1xf32>
    %dot_general3A_2416 = arith.constant dense<0.000000e+00> : vector<128x32xf32>
    %dot_general3A_2417 = tpu.matmul %get3A_2415, %broadcast_in_dim3A_16, %dot_general3A_2416 {dimension_numbers = #tpu.dot_dimension_numbers<[1], [0], [0], [1], [0, 0, 1, 1], [], []>, transpose_lhs_hint = false} : vector<128x1xf32>, vector<1x32xf32>, vector<128x32xf32> -> vector<128x32xf32>
    %eq3A_2418 = vector.broadcast %convert_element_type3A_15 : vector<1x32xf32> to vector<128x32xf32>
    %eq3A_2419 = arith.cmpf oeq, %dot_general3A_2417, %eq3A_2418 : vector<128x32xf32>
    %convert_element_type3A_2420 = arith.extui %eq3A_2419 : vector<128x32xi1> to vector<128x32xi32>
    %convert_element_type3A_2421 = arith.sitofp %convert_element_type3A_2420 : vector<128x32xi32> to vector<128x32xf32>
    %dot_general3A_2422 = arith.constant dense<0.000000e+00> : vector<128x64xf32>
    %dot_general3A_2423 = tpu.matmul %convert_element_type3A_2421, %add3A_9, %dot_general3A_2422 {dimension_numbers = #tpu.dot_dimension_numbers<[1], [0], [0], [1], [0, 0, 1, 1], [], []>, transpose_lhs_hint = false} : vector<128x32xf32>, vector<32x64xf32>, vector<128x64xf32> -> vector<128x64xf32>
    %swap3A_2424 = arith.constant 141 : index
    %swap3A_2425 = arith.constant 0 : index
    %swap3A_2426 = arith.constant 0 : index
    %swap3A_2427 = vector.load %arg5[%swap3A_2424, %swap3A_2425, %swap3A_2426] : memref<200x128x64xf32, #tpu.memory_space<vmem>>, vector<1x128x64xf32>
    %swap3A_2428 = vector.shape_cast %swap3A_2427 : vector<1x128x64xf32> to vector<128x64xf32>
    %swap3A_2429 = vector.shape_cast %dot_general3A_2423 : vector<128x64xf32> to vector<1x128x64xf32>
    tpu.vector_store %arg5[%swap3A_2424, %swap3A_2425, %swap3A_2426], %swap3A_2429 {strides = array<i32>} : memref<200x128x64xf32, #tpu.memory_space<vmem>>, vector<1x128x64xf32>,
    %get3A_2430 = arith.constant 0 : index
    %get3A_2431 = arith.constant 142 : index
    %get3A_2432 = vector.load %arg6[%get3A_2430, %get3A_2431] : memref<128x200xf32, #tpu.memory_space<vmem>>, vector<128x1xf32>
    %dot_general3A_2433 = arith.constant dense<0.000000e+00> : vector<128x32xf32>
    %dot_general3A_2434 = tpu.matmul %get3A_2432, %broadcast_in_dim3A_16, %dot_general3A_2433 {dimension_numbers = #tpu.dot_dimension_numbers<[1], [0], [0], [1], [0, 0, 1, 1], [], []>, transpose_lhs_hint = false} : vector<128x1xf32>, vector<1x32xf32>, vector<128x32xf32> -> vector<128x32xf32>
    %eq3A_2435 = vector.broadcast %convert_element_type3A_15 : vector<1x32xf32> to vector<128x32xf32>
    %eq3A_2436 = arith.cmpf oeq, %dot_general3A_2434, %eq3A_2435 : vector<128x32xf32>
    %convert_element_type3A_2437 = arith.extui %eq3A_2436 : vector<128x32xi1> to vector<128x32xi32>
    %convert_element_type3A_2438 = arith.sitofp %convert_element_type3A_2437 : vector<128x32xi32> to vector<128x32xf32>
    %dot_general3A_2439 = arith.constant dense<0.000000e+00> : vector<128x64xf32>
    %dot_general3A_2440 = tpu.matmul %convert_element_type3A_2438, %add3A_9, %dot_general3A_2439 {dimension_numbers = #tpu.dot_dimension_numbers<[1], [0], [0], [1], [0, 0, 1, 1], [], []>, transpose_lhs_hint = false} : vector<128x32xf32>, vector<32x64xf32>, vector<128x64xf32> -> vector<128x64xf32>
    %swap3A_2441 = arith.constant 142 : index
    %swap3A_2442 = arith.constant 0 : index
    %swap3A_2443 = arith.constant 0 : index
    %swap3A_2444 = vector.load %arg5[%swap3A_2441, %swap3A_2442, %swap3A_2443] : memref<200x128x64xf32, #tpu.memory_space<vmem>>, vector<1x128x64xf32>
    %swap3A_2445 = vector.shape_cast %swap3A_2444 : vector<1x128x64xf32> to vector<128x64xf32>
    %swap3A_2446 = vector.shape_cast %dot_general3A_2440 : vector<128x64xf32> to vector<1x128x64xf32>
    tpu.vector_store %arg5[%swap3A_2441, %swap3A_2442, %swap3A_2443], %swap3A_2446 {strides = array<i32>} : memref<200x128x64xf32, #tpu.memory_space<vmem>>, vector<1x128x64xf32>,
    %get3A_2447 = arith.constant 0 : index
    %get3A_2448 = arith.constant 143 : index
    %get3A_2449 = vector.load %arg6[%get3A_2447, %get3A_2448] : memref<128x200xf32, #tpu.memory_space<vmem>>, vector<128x1xf32>
    %dot_general3A_2450 = arith.constant dense<0.000000e+00> : vector<128x32xf32>
    %dot_general3A_2451 = tpu.matmul %get3A_2449, %broadcast_in_dim3A_16, %dot_general3A_2450 {dimension_numbers = #tpu.dot_dimension_numbers<[1], [0], [0], [1], [0, 0, 1, 1], [], []>, transpose_lhs_hint = false} : vector<128x1xf32>, vector<1x32xf32>, vector<128x32xf32> -> vector<128x32xf32>
    %eq3A_2452 = vector.broadcast %convert_element_type3A_15 : vector<1x32xf32> to vector<128x32xf32>
    %eq3A_2453 = arith.cmpf oeq, %dot_general3A_2451, %eq3A_2452 : vector<128x32xf32>
    %convert_element_type3A_2454 = arith.extui %eq3A_2453 : vector<128x32xi1> to vector<128x32xi32>
    %convert_element_type3A_2455 = arith.sitofp %convert_element_type3A_2454 : vector<128x32xi32> to vector<128x32xf32>
    %dot_general3A_2456 = arith.constant dense<0.000000e+00> : vector<128x64xf32>
    %dot_general3A_2457 = tpu.matmul %convert_element_type3A_2455, %add3A_9, %dot_general3A_2456 {dimension_numbers = #tpu.dot_dimension_numbers<[1], [0], [0], [1], [0, 0, 1, 1], [], []>, transpose_lhs_hint = false} : vector<128x32xf32>, vector<32x64xf32>, vector<128x64xf32> -> vector<128x64xf32>
    %swap3A_2458 = arith.constant 143 : index
    %swap3A_2459 = arith.constant 0 : index
    %swap3A_2460 = arith.constant 0 : index
    %swap3A_2461 = vector.load %arg5[%swap3A_2458, %swap3A_2459, %swap3A_2460] : memref<200x128x64xf32, #tpu.memory_space<vmem>>, vector<1x128x64xf32>
    %swap3A_2462 = vector.shape_cast %swap3A_2461 : vector<1x128x64xf32> to vector<128x64xf32>
    %swap3A_2463 = vector.shape_cast %dot_general3A_2457 : vector<128x64xf32> to vector<1x128x64xf32>
    tpu.vector_store %arg5[%swap3A_2458, %swap3A_2459, %swap3A_2460], %swap3A_2463 {strides = array<i32>} : memref<200x128x64xf32, #tpu.memory_space<vmem>>, vector<1x128x64xf32>,
    %get3A_2464 = arith.constant 0 : index
    %get3A_2465 = arith.constant 144 : index
    %get3A_2466 = vector.load %arg6[%get3A_2464, %get3A_2465] : memref<128x200xf32, #tpu.memory_space<vmem>>, vector<128x1xf32>
    %dot_general3A_2467 = arith.constant dense<0.000000e+00> : vector<128x32xf32>
    %dot_general3A_2468 = tpu.matmul %get3A_2466, %broadcast_in_dim3A_16, %dot_general3A_2467 {dimension_numbers = #tpu.dot_dimension_numbers<[1], [0], [0], [1], [0, 0, 1, 1], [], []>, transpose_lhs_hint = false} : vector<128x1xf32>, vector<1x32xf32>, vector<128x32xf32> -> vector<128x32xf32>
    %eq3A_2469 = vector.broadcast %convert_element_type3A_15 : vector<1x32xf32> to vector<128x32xf32>
    %eq3A_2470 = arith.cmpf oeq, %dot_general3A_2468, %eq3A_2469 : vector<128x32xf32>
    %convert_element_type3A_2471 = arith.extui %eq3A_2470 : vector<128x32xi1> to vector<128x32xi32>
    %convert_element_type3A_2472 = arith.sitofp %convert_element_type3A_2471 : vector<128x32xi32> to vector<128x32xf32>
    %dot_general3A_2473 = arith.constant dense<0.000000e+00> : vector<128x64xf32>
    %dot_general3A_2474 = tpu.matmul %convert_element_type3A_2472, %add3A_9, %dot_general3A_2473 {dimension_numbers = #tpu.dot_dimension_numbers<[1], [0], [0], [1], [0, 0, 1, 1], [], []>, transpose_lhs_hint = false} : vector<128x32xf32>, vector<32x64xf32>, vector<128x64xf32> -> vector<128x64xf32>
    %swap3A_2475 = arith.constant 144 : index
    %swap3A_2476 = arith.constant 0 : index
    %swap3A_2477 = arith.constant 0 : index
    %swap3A_2478 = vector.load %arg5[%swap3A_2475, %swap3A_2476, %swap3A_2477] : memref<200x128x64xf32, #tpu.memory_space<vmem>>, vector<1x128x64xf32>
    %swap3A_2479 = vector.shape_cast %swap3A_2478 : vector<1x128x64xf32> to vector<128x64xf32>
    %swap3A_2480 = vector.shape_cast %dot_general3A_2474 : vector<128x64xf32> to vector<1x128x64xf32>
    tpu.vector_store %arg5[%swap3A_2475, %swap3A_2476, %swap3A_2477], %swap3A_2480 {strides = array<i32>} : memref<200x128x64xf32, #tpu.memory_space<vmem>>, vector<1x128x64xf32>,
    %get3A_2481 = arith.constant 0 : index
    %get3A_2482 = arith.constant 145 : index
    %get3A_2483 = vector.load %arg6[%get3A_2481, %get3A_2482] : memref<128x200xf32, #tpu.memory_space<vmem>>, vector<128x1xf32>
    %dot_general3A_2484 = arith.constant dense<0.000000e+00> : vector<128x32xf32>
    %dot_general3A_2485 = tpu.matmul %get3A_2483, %broadcast_in_dim3A_16, %dot_general3A_2484 {dimension_numbers = #tpu.dot_dimension_numbers<[1], [0], [0], [1], [0, 0, 1, 1], [], []>, transpose_lhs_hint = false} : vector<128x1xf32>, vector<1x32xf32>, vector<128x32xf32> -> vector<128x32xf32>
    %eq3A_2486 = vector.broadcast %convert_element_type3A_15 : vector<1x32xf32> to vector<128x32xf32>
    %eq3A_2487 = arith.cmpf oeq, %dot_general3A_2485, %eq3A_2486 : vector<128x32xf32>
    %convert_element_type3A_2488 = arith.extui %eq3A_2487 : vector<128x32xi1> to vector<128x32xi32>
    %convert_element_type3A_2489 = arith.sitofp %convert_element_type3A_2488 : vector<128x32xi32> to vector<128x32xf32>
    %dot_general3A_2490 = arith.constant dense<0.000000e+00> : vector<128x64xf32>
    %dot_general3A_2491 = tpu.matmul %convert_element_type3A_2489, %add3A_9, %dot_general3A_2490 {dimension_numbers = #tpu.dot_dimension_numbers<[1], [0], [0], [1], [0, 0, 1, 1], [], []>, transpose_lhs_hint = false} : vector<128x32xf32>, vector<32x64xf32>, vector<128x64xf32> -> vector<128x64xf32>
    %swap3A_2492 = arith.constant 145 : index
    %swap3A_2493 = arith.constant 0 : index
    %swap3A_2494 = arith.constant 0 : index
    %swap3A_2495 = vector.load %arg5[%swap3A_2492, %swap3A_2493, %swap3A_2494] : memref<200x128x64xf32, #tpu.memory_space<vmem>>, vector<1x128x64xf32>
    %swap3A_2496 = vector.shape_cast %swap3A_2495 : vector<1x128x64xf32> to vector<128x64xf32>
    %swap3A_2497 = vector.shape_cast %dot_general3A_2491 : vector<128x64xf32> to vector<1x128x64xf32>
    tpu.vector_store %arg5[%swap3A_2492, %swap3A_2493, %swap3A_2494], %swap3A_2497 {strides = array<i32>} : memref<200x128x64xf32, #tpu.memory_space<vmem>>, vector<1x128x64xf32>,
    %get3A_2498 = arith.constant 0 : index
    %get3A_2499 = arith.constant 146 : index
    %get3A_2500 = vector.load %arg6[%get3A_2498, %get3A_2499] : memref<128x200xf32, #tpu.memory_space<vmem>>, vector<128x1xf32>
    %dot_general3A_2501 = arith.constant dense<0.000000e+00> : vector<128x32xf32>
    %dot_general3A_2502 = tpu.matmul %get3A_2500, %broadcast_in_dim3A_16, %dot_general3A_2501 {dimension_numbers = #tpu.dot_dimension_numbers<[1], [0], [0], [1], [0, 0, 1, 1], [], []>, transpose_lhs_hint = false} : vector<128x1xf32>, vector<1x32xf32>, vector<128x32xf32> -> vector<128x32xf32>
    %eq3A_2503 = vector.broadcast %convert_element_type3A_15 : vector<1x32xf32> to vector<128x32xf32>
    %eq3A_2504 = arith.cmpf oeq, %dot_general3A_2502, %eq3A_2503 : vector<128x32xf32>
    %convert_element_type3A_2505 = arith.extui %eq3A_2504 : vector<128x32xi1> to vector<128x32xi32>
    %convert_element_type3A_2506 = arith.sitofp %convert_element_type3A_2505 : vector<128x32xi32> to vector<128x32xf32>
    %dot_general3A_2507 = arith.constant dense<0.000000e+00> : vector<128x64xf32>
    %dot_general3A_2508 = tpu.matmul %convert_element_type3A_2506, %add3A_9, %dot_general3A_2507 {dimension_numbers = #tpu.dot_dimension_numbers<[1], [0], [0], [1], [0, 0, 1, 1], [], []>, transpose_lhs_hint = false} : vector<128x32xf32>, vector<32x64xf32>, vector<128x64xf32> -> vector<128x64xf32>
    %swap3A_2509 = arith.constant 146 : index
    %swap3A_2510 = arith.constant 0 : index
    %swap3A_2511 = arith.constant 0 : index
    %swap3A_2512 = vector.load %arg5[%swap3A_2509, %swap3A_2510, %swap3A_2511] : memref<200x128x64xf32, #tpu.memory_space<vmem>>, vector<1x128x64xf32>
    %swap3A_2513 = vector.shape_cast %swap3A_2512 : vector<1x128x64xf32> to vector<128x64xf32>
    %swap3A_2514 = vector.shape_cast %dot_general3A_2508 : vector<128x64xf32> to vector<1x128x64xf32>
    tpu.vector_store %arg5[%swap3A_2509, %swap3A_2510, %swap3A_2511], %swap3A_2514 {strides = array<i32>} : memref<200x128x64xf32, #tpu.memory_space<vmem>>, vector<1x128x64xf32>,
    %get3A_2515 = arith.constant 0 : index
    %get3A_2516 = arith.constant 147 : index
    %get3A_2517 = vector.load %arg6[%get3A_2515, %get3A_2516] : memref<128x200xf32, #tpu.memory_space<vmem>>, vector<128x1xf32>
    %dot_general3A_2518 = arith.constant dense<0.000000e+00> : vector<128x32xf32>
    %dot_general3A_2519 = tpu.matmul %get3A_2517, %broadcast_in_dim3A_16, %dot_general3A_2518 {dimension_numbers = #tpu.dot_dimension_numbers<[1], [0], [0], [1], [0, 0, 1, 1], [], []>, transpose_lhs_hint = false} : vector<128x1xf32>, vector<1x32xf32>, vector<128x32xf32> -> vector<128x32xf32>
    %eq3A_2520 = vector.broadcast %convert_element_type3A_15 : vector<1x32xf32> to vector<128x32xf32>
    %eq3A_2521 = arith.cmpf oeq, %dot_general3A_2519, %eq3A_2520 : vector<128x32xf32>
    %convert_element_type3A_2522 = arith.extui %eq3A_2521 : vector<128x32xi1> to vector<128x32xi32>
    %convert_element_type3A_2523 = arith.sitofp %convert_element_type3A_2522 : vector<128x32xi32> to vector<128x32xf32>
    %dot_general3A_2524 = arith.constant dense<0.000000e+00> : vector<128x64xf32>
    %dot_general3A_2525 = tpu.matmul %convert_element_type3A_2523, %add3A_9, %dot_general3A_2524 {dimension_numbers = #tpu.dot_dimension_numbers<[1], [0], [0], [1], [0, 0, 1, 1], [], []>, transpose_lhs_hint = false} : vector<128x32xf32>, vector<32x64xf32>, vector<128x64xf32> -> vector<128x64xf32>
    %swap3A_2526 = arith.constant 147 : index
    %swap3A_2527 = arith.constant 0 : index
    %swap3A_2528 = arith.constant 0 : index
    %swap3A_2529 = vector.load %arg5[%swap3A_2526, %swap3A_2527, %swap3A_2528] : memref<200x128x64xf32, #tpu.memory_space<vmem>>, vector<1x128x64xf32>
    %swap3A_2530 = vector.shape_cast %swap3A_2529 : vector<1x128x64xf32> to vector<128x64xf32>
    %swap3A_2531 = vector.shape_cast %dot_general3A_2525 : vector<128x64xf32> to vector<1x128x64xf32>
    tpu.vector_store %arg5[%swap3A_2526, %swap3A_2527, %swap3A_2528], %swap3A_2531 {strides = array<i32>} : memref<200x128x64xf32, #tpu.memory_space<vmem>>, vector<1x128x64xf32>,
    %get3A_2532 = arith.constant 0 : index
    %get3A_2533 = arith.constant 148 : index
    %get3A_2534 = vector.load %arg6[%get3A_2532, %get3A_2533] : memref<128x200xf32, #tpu.memory_space<vmem>>, vector<128x1xf32>
    %dot_general3A_2535 = arith.constant dense<0.000000e+00> : vector<128x32xf32>
    %dot_general3A_2536 = tpu.matmul %get3A_2534, %broadcast_in_dim3A_16, %dot_general3A_2535 {dimension_numbers = #tpu.dot_dimension_numbers<[1], [0], [0], [1], [0, 0, 1, 1], [], []>, transpose_lhs_hint = false} : vector<128x1xf32>, vector<1x32xf32>, vector<128x32xf32> -> vector<128x32xf32>
    %eq3A_2537 = vector.broadcast %convert_element_type3A_15 : vector<1x32xf32> to vector<128x32xf32>
    %eq3A_2538 = arith.cmpf oeq, %dot_general3A_2536, %eq3A_2537 : vector<128x32xf32>
    %convert_element_type3A_2539 = arith.extui %eq3A_2538 : vector<128x32xi1> to vector<128x32xi32>
    %convert_element_type3A_2540 = arith.sitofp %convert_element_type3A_2539 : vector<128x32xi32> to vector<128x32xf32>
    %dot_general3A_2541 = arith.constant dense<0.000000e+00> : vector<128x64xf32>
    %dot_general3A_2542 = tpu.matmul %convert_element_type3A_2540, %add3A_9, %dot_general3A_2541 {dimension_numbers = #tpu.dot_dimension_numbers<[1], [0], [0], [1], [0, 0, 1, 1], [], []>, transpose_lhs_hint = false} : vector<128x32xf32>, vector<32x64xf32>, vector<128x64xf32> -> vector<128x64xf32>
    %swap3A_2543 = arith.constant 148 : index
    %swap3A_2544 = arith.constant 0 : index
    %swap3A_2545 = arith.constant 0 : index
    %swap3A_2546 = vector.load %arg5[%swap3A_2543, %swap3A_2544, %swap3A_2545] : memref<200x128x64xf32, #tpu.memory_space<vmem>>, vector<1x128x64xf32>
    %swap3A_2547 = vector.shape_cast %swap3A_2546 : vector<1x128x64xf32> to vector<128x64xf32>
    %swap3A_2548 = vector.shape_cast %dot_general3A_2542 : vector<128x64xf32> to vector<1x128x64xf32>
    tpu.vector_store %arg5[%swap3A_2543, %swap3A_2544, %swap3A_2545], %swap3A_2548 {strides = array<i32>} : memref<200x128x64xf32, #tpu.memory_space<vmem>>, vector<1x128x64xf32>,
    %get3A_2549 = arith.constant 0 : index
    %get3A_2550 = arith.constant 149 : index
    %get3A_2551 = vector.load %arg6[%get3A_2549, %get3A_2550] : memref<128x200xf32, #tpu.memory_space<vmem>>, vector<128x1xf32>
    %dot_general3A_2552 = arith.constant dense<0.000000e+00> : vector<128x32xf32>
    %dot_general3A_2553 = tpu.matmul %get3A_2551, %broadcast_in_dim3A_16, %dot_general3A_2552 {dimension_numbers = #tpu.dot_dimension_numbers<[1], [0], [0], [1], [0, 0, 1, 1], [], []>, transpose_lhs_hint = false} : vector<128x1xf32>, vector<1x32xf32>, vector<128x32xf32> -> vector<128x32xf32>
    %eq3A_2554 = vector.broadcast %convert_element_type3A_15 : vector<1x32xf32> to vector<128x32xf32>
    %eq3A_2555 = arith.cmpf oeq, %dot_general3A_2553, %eq3A_2554 : vector<128x32xf32>
    %convert_element_type3A_2556 = arith.extui %eq3A_2555 : vector<128x32xi1> to vector<128x32xi32>
    %convert_element_type3A_2557 = arith.sitofp %convert_element_type3A_2556 : vector<128x32xi32> to vector<128x32xf32>
    %dot_general3A_2558 = arith.constant dense<0.000000e+00> : vector<128x64xf32>
    %dot_general3A_2559 = tpu.matmul %convert_element_type3A_2557, %add3A_9, %dot_general3A_2558 {dimension_numbers = #tpu.dot_dimension_numbers<[1], [0], [0], [1], [0, 0, 1, 1], [], []>, transpose_lhs_hint = false} : vector<128x32xf32>, vector<32x64xf32>, vector<128x64xf32> -> vector<128x64xf32>
    %swap3A_2560 = arith.constant 149 : index
    %swap3A_2561 = arith.constant 0 : index
    %swap3A_2562 = arith.constant 0 : index
    %swap3A_2563 = vector.load %arg5[%swap3A_2560, %swap3A_2561, %swap3A_2562] : memref<200x128x64xf32, #tpu.memory_space<vmem>>, vector<1x128x64xf32>
    %swap3A_2564 = vector.shape_cast %swap3A_2563 : vector<1x128x64xf32> to vector<128x64xf32>
    %swap3A_2565 = vector.shape_cast %dot_general3A_2559 : vector<128x64xf32> to vector<1x128x64xf32>
    tpu.vector_store %arg5[%swap3A_2560, %swap3A_2561, %swap3A_2562], %swap3A_2565 {strides = array<i32>} : memref<200x128x64xf32, #tpu.memory_space<vmem>>, vector<1x128x64xf32>,
    %get3A_2566 = arith.constant 0 : index
    %get3A_2567 = arith.constant 150 : index
    %get3A_2568 = vector.load %arg6[%get3A_2566, %get3A_2567] : memref<128x200xf32, #tpu.memory_space<vmem>>, vector<128x1xf32>
    %dot_general3A_2569 = arith.constant dense<0.000000e+00> : vector<128x32xf32>
    %dot_general3A_2570 = tpu.matmul %get3A_2568, %broadcast_in_dim3A_16, %dot_general3A_2569 {dimension_numbers = #tpu.dot_dimension_numbers<[1], [0], [0], [1], [0, 0, 1, 1], [], []>, transpose_lhs_hint = false} : vector<128x1xf32>, vector<1x32xf32>, vector<128x32xf32> -> vector<128x32xf32>
    %eq3A_2571 = vector.broadcast %convert_element_type3A_15 : vector<1x32xf32> to vector<128x32xf32>
    %eq3A_2572 = arith.cmpf oeq, %dot_general3A_2570, %eq3A_2571 : vector<128x32xf32>
    %convert_element_type3A_2573 = arith.extui %eq3A_2572 : vector<128x32xi1> to vector<128x32xi32>
    %convert_element_type3A_2574 = arith.sitofp %convert_element_type3A_2573 : vector<128x32xi32> to vector<128x32xf32>
    %dot_general3A_2575 = arith.constant dense<0.000000e+00> : vector<128x64xf32>
    %dot_general3A_2576 = tpu.matmul %convert_element_type3A_2574, %add3A_9, %dot_general3A_2575 {dimension_numbers = #tpu.dot_dimension_numbers<[1], [0], [0], [1], [0, 0, 1, 1], [], []>, transpose_lhs_hint = false} : vector<128x32xf32>, vector<32x64xf32>, vector<128x64xf32> -> vector<128x64xf32>
    %swap3A_2577 = arith.constant 150 : index
    %swap3A_2578 = arith.constant 0 : index
    %swap3A_2579 = arith.constant 0 : index
    %swap3A_2580 = vector.load %arg5[%swap3A_2577, %swap3A_2578, %swap3A_2579] : memref<200x128x64xf32, #tpu.memory_space<vmem>>, vector<1x128x64xf32>
    %swap3A_2581 = vector.shape_cast %swap3A_2580 : vector<1x128x64xf32> to vector<128x64xf32>
    %swap3A_2582 = vector.shape_cast %dot_general3A_2576 : vector<128x64xf32> to vector<1x128x64xf32>
    tpu.vector_store %arg5[%swap3A_2577, %swap3A_2578, %swap3A_2579], %swap3A_2582 {strides = array<i32>} : memref<200x128x64xf32, #tpu.memory_space<vmem>>, vector<1x128x64xf32>,
    %get3A_2583 = arith.constant 0 : index
    %get3A_2584 = arith.constant 151 : index
    %get3A_2585 = vector.load %arg6[%get3A_2583, %get3A_2584] : memref<128x200xf32, #tpu.memory_space<vmem>>, vector<128x1xf32>
    %dot_general3A_2586 = arith.constant dense<0.000000e+00> : vector<128x32xf32>
    %dot_general3A_2587 = tpu.matmul %get3A_2585, %broadcast_in_dim3A_16, %dot_general3A_2586 {dimension_numbers = #tpu.dot_dimension_numbers<[1], [0], [0], [1], [0, 0, 1, 1], [], []>, transpose_lhs_hint = false} : vector<128x1xf32>, vector<1x32xf32>, vector<128x32xf32> -> vector<128x32xf32>
    %eq3A_2588 = vector.broadcast %convert_element_type3A_15 : vector<1x32xf32> to vector<128x32xf32>
    %eq3A_2589 = arith.cmpf oeq, %dot_general3A_2587, %eq3A_2588 : vector<128x32xf32>
    %convert_element_type3A_2590 = arith.extui %eq3A_2589 : vector<128x32xi1> to vector<128x32xi32>
    %convert_element_type3A_2591 = arith.sitofp %convert_element_type3A_2590 : vector<128x32xi32> to vector<128x32xf32>
    %dot_general3A_2592 = arith.constant dense<0.000000e+00> : vector<128x64xf32>
    %dot_general3A_2593 = tpu.matmul %convert_element_type3A_2591, %add3A_9, %dot_general3A_2592 {dimension_numbers = #tpu.dot_dimension_numbers<[1], [0], [0], [1], [0, 0, 1, 1], [], []>, transpose_lhs_hint = false} : vector<128x32xf32>, vector<32x64xf32>, vector<128x64xf32> -> vector<128x64xf32>
    %swap3A_2594 = arith.constant 151 : index
    %swap3A_2595 = arith.constant 0 : index
    %swap3A_2596 = arith.constant 0 : index
    %swap3A_2597 = vector.load %arg5[%swap3A_2594, %swap3A_2595, %swap3A_2596] : memref<200x128x64xf32, #tpu.memory_space<vmem>>, vector<1x128x64xf32>
    %swap3A_2598 = vector.shape_cast %swap3A_2597 : vector<1x128x64xf32> to vector<128x64xf32>
    %swap3A_2599 = vector.shape_cast %dot_general3A_2593 : vector<128x64xf32> to vector<1x128x64xf32>
    tpu.vector_store %arg5[%swap3A_2594, %swap3A_2595, %swap3A_2596], %swap3A_2599 {strides = array<i32>} : memref<200x128x64xf32, #tpu.memory_space<vmem>>, vector<1x128x64xf32>,
    %get3A_2600 = arith.constant 0 : index
    %get3A_2601 = arith.constant 152 : index
    %get3A_2602 = vector.load %arg6[%get3A_2600, %get3A_2601] : memref<128x200xf32, #tpu.memory_space<vmem>>, vector<128x1xf32>
    %dot_general3A_2603 = arith.constant dense<0.000000e+00> : vector<128x32xf32>
    %dot_general3A_2604 = tpu.matmul %get3A_2602, %broadcast_in_dim3A_16, %dot_general3A_2603 {dimension_numbers = #tpu.dot_dimension_numbers<[1], [0], [0], [1], [0, 0, 1, 1], [], []>, transpose_lhs_hint = false} : vector<128x1xf32>, vector<1x32xf32>, vector<128x32xf32> -> vector<128x32xf32>
    %eq3A_2605 = vector.broadcast %convert_element_type3A_15 : vector<1x32xf32> to vector<128x32xf32>
    %eq3A_2606 = arith.cmpf oeq, %dot_general3A_2604, %eq3A_2605 : vector<128x32xf32>
    %convert_element_type3A_2607 = arith.extui %eq3A_2606 : vector<128x32xi1> to vector<128x32xi32>
    %convert_element_type3A_2608 = arith.sitofp %convert_element_type3A_2607 : vector<128x32xi32> to vector<128x32xf32>
    %dot_general3A_2609 = arith.constant dense<0.000000e+00> : vector<128x64xf32>
    %dot_general3A_2610 = tpu.matmul %convert_element_type3A_2608, %add3A_9, %dot_general3A_2609 {dimension_numbers = #tpu.dot_dimension_numbers<[1], [0], [0], [1], [0, 0, 1, 1], [], []>, transpose_lhs_hint = false} : vector<128x32xf32>, vector<32x64xf32>, vector<128x64xf32> -> vector<128x64xf32>
    %swap3A_2611 = arith.constant 152 : index
    %swap3A_2612 = arith.constant 0 : index
    %swap3A_2613 = arith.constant 0 : index
    %swap3A_2614 = vector.load %arg5[%swap3A_2611, %swap3A_2612, %swap3A_2613] : memref<200x128x64xf32, #tpu.memory_space<vmem>>, vector<1x128x64xf32>
    %swap3A_2615 = vector.shape_cast %swap3A_2614 : vector<1x128x64xf32> to vector<128x64xf32>
    %swap3A_2616 = vector.shape_cast %dot_general3A_2610 : vector<128x64xf32> to vector<1x128x64xf32>
    tpu.vector_store %arg5[%swap3A_2611, %swap3A_2612, %swap3A_2613], %swap3A_2616 {strides = array<i32>} : memref<200x128x64xf32, #tpu.memory_space<vmem>>, vector<1x128x64xf32>,
    %get3A_2617 = arith.constant 0 : index
    %get3A_2618 = arith.constant 153 : index
    %get3A_2619 = vector.load %arg6[%get3A_2617, %get3A_2618] : memref<128x200xf32, #tpu.memory_space<vmem>>, vector<128x1xf32>
    %dot_general3A_2620 = arith.constant dense<0.000000e+00> : vector<128x32xf32>
    %dot_general3A_2621 = tpu.matmul %get3A_2619, %broadcast_in_dim3A_16, %dot_general3A_2620 {dimension_numbers = #tpu.dot_dimension_numbers<[1], [0], [0], [1], [0, 0, 1, 1], [], []>, transpose_lhs_hint = false} : vector<128x1xf32>, vector<1x32xf32>, vector<128x32xf32> -> vector<128x32xf32>
    %eq3A_2622 = vector.broadcast %convert_element_type3A_15 : vector<1x32xf32> to vector<128x32xf32>
    %eq3A_2623 = arith.cmpf oeq, %dot_general3A_2621, %eq3A_2622 : vector<128x32xf32>
    %convert_element_type3A_2624 = arith.extui %eq3A_2623 : vector<128x32xi1> to vector<128x32xi32>
    %convert_element_type3A_2625 = arith.sitofp %convert_element_type3A_2624 : vector<128x32xi32> to vector<128x32xf32>
    %dot_general3A_2626 = arith.constant dense<0.000000e+00> : vector<128x64xf32>
    %dot_general3A_2627 = tpu.matmul %convert_element_type3A_2625, %add3A_9, %dot_general3A_2626 {dimension_numbers = #tpu.dot_dimension_numbers<[1], [0], [0], [1], [0, 0, 1, 1], [], []>, transpose_lhs_hint = false} : vector<128x32xf32>, vector<32x64xf32>, vector<128x64xf32> -> vector<128x64xf32>
    %swap3A_2628 = arith.constant 153 : index
    %swap3A_2629 = arith.constant 0 : index
    %swap3A_2630 = arith.constant 0 : index
    %swap3A_2631 = vector.load %arg5[%swap3A_2628, %swap3A_2629, %swap3A_2630] : memref<200x128x64xf32, #tpu.memory_space<vmem>>, vector<1x128x64xf32>
    %swap3A_2632 = vector.shape_cast %swap3A_2631 : vector<1x128x64xf32> to vector<128x64xf32>
    %swap3A_2633 = vector.shape_cast %dot_general3A_2627 : vector<128x64xf32> to vector<1x128x64xf32>
    tpu.vector_store %arg5[%swap3A_2628, %swap3A_2629, %swap3A_2630], %swap3A_2633 {strides = array<i32>} : memref<200x128x64xf32, #tpu.memory_space<vmem>>, vector<1x128x64xf32>,
    %get3A_2634 = arith.constant 0 : index
    %get3A_2635 = arith.constant 154 : index
    %get3A_2636 = vector.load %arg6[%get3A_2634, %get3A_2635] : memref<128x200xf32, #tpu.memory_space<vmem>>, vector<128x1xf32>
    %dot_general3A_2637 = arith.constant dense<0.000000e+00> : vector<128x32xf32>
    %dot_general3A_2638 = tpu.matmul %get3A_2636, %broadcast_in_dim3A_16, %dot_general3A_2637 {dimension_numbers = #tpu.dot_dimension_numbers<[1], [0], [0], [1], [0, 0, 1, 1], [], []>, transpose_lhs_hint = false} : vector<128x1xf32>, vector<1x32xf32>, vector<128x32xf32> -> vector<128x32xf32>
    %eq3A_2639 = vector.broadcast %convert_element_type3A_15 : vector<1x32xf32> to vector<128x32xf32>
    %eq3A_2640 = arith.cmpf oeq, %dot_general3A_2638, %eq3A_2639 : vector<128x32xf32>
    %convert_element_type3A_2641 = arith.extui %eq3A_2640 : vector<128x32xi1> to vector<128x32xi32>
    %convert_element_type3A_2642 = arith.sitofp %convert_element_type3A_2641 : vector<128x32xi32> to vector<128x32xf32>
    %dot_general3A_2643 = arith.constant dense<0.000000e+00> : vector<128x64xf32>
    %dot_general3A_2644 = tpu.matmul %convert_element_type3A_2642, %add3A_9, %dot_general3A_2643 {dimension_numbers = #tpu.dot_dimension_numbers<[1], [0], [0], [1], [0, 0, 1, 1], [], []>, transpose_lhs_hint = false} : vector<128x32xf32>, vector<32x64xf32>, vector<128x64xf32> -> vector<128x64xf32>
    %swap3A_2645 = arith.constant 154 : index
    %swap3A_2646 = arith.constant 0 : index
    %swap3A_2647 = arith.constant 0 : index
    %swap3A_2648 = vector.load %arg5[%swap3A_2645, %swap3A_2646, %swap3A_2647] : memref<200x128x64xf32, #tpu.memory_space<vmem>>, vector<1x128x64xf32>
    %swap3A_2649 = vector.shape_cast %swap3A_2648 : vector<1x128x64xf32> to vector<128x64xf32>
    %swap3A_2650 = vector.shape_cast %dot_general3A_2644 : vector<128x64xf32> to vector<1x128x64xf32>
    tpu.vector_store %arg5[%swap3A_2645, %swap3A_2646, %swap3A_2647], %swap3A_2650 {strides = array<i32>} : memref<200x128x64xf32, #tpu.memory_space<vmem>>, vector<1x128x64xf32>,
    %get3A_2651 = arith.constant 0 : index
    %get3A_2652 = arith.constant 155 : index
    %get3A_2653 = vector.load %arg6[%get3A_2651, %get3A_2652] : memref<128x200xf32, #tpu.memory_space<vmem>>, vector<128x1xf32>
    %dot_general3A_2654 = arith.constant dense<0.000000e+00> : vector<128x32xf32>
    %dot_general3A_2655 = tpu.matmul %get3A_2653, %broadcast_in_dim3A_16, %dot_general3A_2654 {dimension_numbers = #tpu.dot_dimension_numbers<[1], [0], [0], [1], [0, 0, 1, 1], [], []>, transpose_lhs_hint = false} : vector<128x1xf32>, vector<1x32xf32>, vector<128x32xf32> -> vector<128x32xf32>
    %eq3A_2656 = vector.broadcast %convert_element_type3A_15 : vector<1x32xf32> to vector<128x32xf32>
    %eq3A_2657 = arith.cmpf oeq, %dot_general3A_2655, %eq3A_2656 : vector<128x32xf32>
    %convert_element_type3A_2658 = arith.extui %eq3A_2657 : vector<128x32xi1> to vector<128x32xi32>
    %convert_element_type3A_2659 = arith.sitofp %convert_element_type3A_2658 : vector<128x32xi32> to vector<128x32xf32>
    %dot_general3A_2660 = arith.constant dense<0.000000e+00> : vector<128x64xf32>
    %dot_general3A_2661 = tpu.matmul %convert_element_type3A_2659, %add3A_9, %dot_general3A_2660 {dimension_numbers = #tpu.dot_dimension_numbers<[1], [0], [0], [1], [0, 0, 1, 1], [], []>, transpose_lhs_hint = false} : vector<128x32xf32>, vector<32x64xf32>, vector<128x64xf32> -> vector<128x64xf32>
    %swap3A_2662 = arith.constant 155 : index
    %swap3A_2663 = arith.constant 0 : index
    %swap3A_2664 = arith.constant 0 : index
    %swap3A_2665 = vector.load %arg5[%swap3A_2662, %swap3A_2663, %swap3A_2664] : memref<200x128x64xf32, #tpu.memory_space<vmem>>, vector<1x128x64xf32>
    %swap3A_2666 = vector.shape_cast %swap3A_2665 : vector<1x128x64xf32> to vector<128x64xf32>
    %swap3A_2667 = vector.shape_cast %dot_general3A_2661 : vector<128x64xf32> to vector<1x128x64xf32>
    tpu.vector_store %arg5[%swap3A_2662, %swap3A_2663, %swap3A_2664], %swap3A_2667 {strides = array<i32>} : memref<200x128x64xf32, #tpu.memory_space<vmem>>, vector<1x128x64xf32>,
    %get3A_2668 = arith.constant 0 : index
    %get3A_2669 = arith.constant 156 : index
    %get3A_2670 = vector.load %arg6[%get3A_2668, %get3A_2669] : memref<128x200xf32, #tpu.memory_space<vmem>>, vector<128x1xf32>
    %dot_general3A_2671 = arith.constant dense<0.000000e+00> : vector<128x32xf32>
    %dot_general3A_2672 = tpu.matmul %get3A_2670, %broadcast_in_dim3A_16, %dot_general3A_2671 {dimension_numbers = #tpu.dot_dimension_numbers<[1], [0], [0], [1], [0, 0, 1, 1], [], []>, transpose_lhs_hint = false} : vector<128x1xf32>, vector<1x32xf32>, vector<128x32xf32> -> vector<128x32xf32>
    %eq3A_2673 = vector.broadcast %convert_element_type3A_15 : vector<1x32xf32> to vector<128x32xf32>
    %eq3A_2674 = arith.cmpf oeq, %dot_general3A_2672, %eq3A_2673 : vector<128x32xf32>
    %convert_element_type3A_2675 = arith.extui %eq3A_2674 : vector<128x32xi1> to vector<128x32xi32>
    %convert_element_type3A_2676 = arith.sitofp %convert_element_type3A_2675 : vector<128x32xi32> to vector<128x32xf32>
    %dot_general3A_2677 = arith.constant dense<0.000000e+00> : vector<128x64xf32>
    %dot_general3A_2678 = tpu.matmul %convert_element_type3A_2676, %add3A_9, %dot_general3A_2677 {dimension_numbers = #tpu.dot_dimension_numbers<[1], [0], [0], [1], [0, 0, 1, 1], [], []>, transpose_lhs_hint = false} : vector<128x32xf32>, vector<32x64xf32>, vector<128x64xf32> -> vector<128x64xf32>
    %swap3A_2679 = arith.constant 156 : index
    %swap3A_2680 = arith.constant 0 : index
    %swap3A_2681 = arith.constant 0 : index
    %swap3A_2682 = vector.load %arg5[%swap3A_2679, %swap3A_2680, %swap3A_2681] : memref<200x128x64xf32, #tpu.memory_space<vmem>>, vector<1x128x64xf32>
    %swap3A_2683 = vector.shape_cast %swap3A_2682 : vector<1x128x64xf32> to vector<128x64xf32>
    %swap3A_2684 = vector.shape_cast %dot_general3A_2678 : vector<128x64xf32> to vector<1x128x64xf32>
    tpu.vector_store %arg5[%swap3A_2679, %swap3A_2680, %swap3A_2681], %swap3A_2684 {strides = array<i32>} : memref<200x128x64xf32, #tpu.memory_space<vmem>>, vector<1x128x64xf32>,
    %get3A_2685 = arith.constant 0 : index
    %get3A_2686 = arith.constant 157 : index
    %get3A_2687 = vector.load %arg6[%get3A_2685, %get3A_2686] : memref<128x200xf32, #tpu.memory_space<vmem>>, vector<128x1xf32>
    %dot_general3A_2688 = arith.constant dense<0.000000e+00> : vector<128x32xf32>
    %dot_general3A_2689 = tpu.matmul %get3A_2687, %broadcast_in_dim3A_16, %dot_general3A_2688 {dimension_numbers = #tpu.dot_dimension_numbers<[1], [0], [0], [1], [0, 0, 1, 1], [], []>, transpose_lhs_hint = false} : vector<128x1xf32>, vector<1x32xf32>, vector<128x32xf32> -> vector<128x32xf32>
    %eq3A_2690 = vector.broadcast %convert_element_type3A_15 : vector<1x32xf32> to vector<128x32xf32>
    %eq3A_2691 = arith.cmpf oeq, %dot_general3A_2689, %eq3A_2690 : vector<128x32xf32>
    %convert_element_type3A_2692 = arith.extui %eq3A_2691 : vector<128x32xi1> to vector<128x32xi32>
    %convert_element_type3A_2693 = arith.sitofp %convert_element_type3A_2692 : vector<128x32xi32> to vector<128x32xf32>
    %dot_general3A_2694 = arith.constant dense<0.000000e+00> : vector<128x64xf32>
    %dot_general3A_2695 = tpu.matmul %convert_element_type3A_2693, %add3A_9, %dot_general3A_2694 {dimension_numbers = #tpu.dot_dimension_numbers<[1], [0], [0], [1], [0, 0, 1, 1], [], []>, transpose_lhs_hint = false} : vector<128x32xf32>, vector<32x64xf32>, vector<128x64xf32> -> vector<128x64xf32>
    %swap3A_2696 = arith.constant 157 : index
    %swap3A_2697 = arith.constant 0 : index
    %swap3A_2698 = arith.constant 0 : index
    %swap3A_2699 = vector.load %arg5[%swap3A_2696, %swap3A_2697, %swap3A_2698] : memref<200x128x64xf32, #tpu.memory_space<vmem>>, vector<1x128x64xf32>
    %swap3A_2700 = vector.shape_cast %swap3A_2699 : vector<1x128x64xf32> to vector<128x64xf32>
    %swap3A_2701 = vector.shape_cast %dot_general3A_2695 : vector<128x64xf32> to vector<1x128x64xf32>
    tpu.vector_store %arg5[%swap3A_2696, %swap3A_2697, %swap3A_2698], %swap3A_2701 {strides = array<i32>} : memref<200x128x64xf32, #tpu.memory_space<vmem>>, vector<1x128x64xf32>,
    %get3A_2702 = arith.constant 0 : index
    %get3A_2703 = arith.constant 158 : index
    %get3A_2704 = vector.load %arg6[%get3A_2702, %get3A_2703] : memref<128x200xf32, #tpu.memory_space<vmem>>, vector<128x1xf32>
    %dot_general3A_2705 = arith.constant dense<0.000000e+00> : vector<128x32xf32>
    %dot_general3A_2706 = tpu.matmul %get3A_2704, %broadcast_in_dim3A_16, %dot_general3A_2705 {dimension_numbers = #tpu.dot_dimension_numbers<[1], [0], [0], [1], [0, 0, 1, 1], [], []>, transpose_lhs_hint = false} : vector<128x1xf32>, vector<1x32xf32>, vector<128x32xf32> -> vector<128x32xf32>
    %eq3A_2707 = vector.broadcast %convert_element_type3A_15 : vector<1x32xf32> to vector<128x32xf32>
    %eq3A_2708 = arith.cmpf oeq, %dot_general3A_2706, %eq3A_2707 : vector<128x32xf32>
    %convert_element_type3A_2709 = arith.extui %eq3A_2708 : vector<128x32xi1> to vector<128x32xi32>
    %convert_element_type3A_2710 = arith.sitofp %convert_element_type3A_2709 : vector<128x32xi32> to vector<128x32xf32>
    %dot_general3A_2711 = arith.constant dense<0.000000e+00> : vector<128x64xf32>
    %dot_general3A_2712 = tpu.matmul %convert_element_type3A_2710, %add3A_9, %dot_general3A_2711 {dimension_numbers = #tpu.dot_dimension_numbers<[1], [0], [0], [1], [0, 0, 1, 1], [], []>, transpose_lhs_hint = false} : vector<128x32xf32>, vector<32x64xf32>, vector<128x64xf32> -> vector<128x64xf32>
    %swap3A_2713 = arith.constant 158 : index
    %swap3A_2714 = arith.constant 0 : index
    %swap3A_2715 = arith.constant 0 : index
    %swap3A_2716 = vector.load %arg5[%swap3A_2713, %swap3A_2714, %swap3A_2715] : memref<200x128x64xf32, #tpu.memory_space<vmem>>, vector<1x128x64xf32>
    %swap3A_2717 = vector.shape_cast %swap3A_2716 : vector<1x128x64xf32> to vector<128x64xf32>
    %swap3A_2718 = vector.shape_cast %dot_general3A_2712 : vector<128x64xf32> to vector<1x128x64xf32>
    tpu.vector_store %arg5[%swap3A_2713, %swap3A_2714, %swap3A_2715], %swap3A_2718 {strides = array<i32>} : memref<200x128x64xf32, #tpu.memory_space<vmem>>, vector<1x128x64xf32>,
    %get3A_2719 = arith.constant 0 : index
    %get3A_2720 = arith.constant 159 : index
    %get3A_2721 = vector.load %arg6[%get3A_2719, %get3A_2720] : memref<128x200xf32, #tpu.memory_space<vmem>>, vector<128x1xf32>
    %dot_general3A_2722 = arith.constant dense<0.000000e+00> : vector<128x32xf32>
    %dot_general3A_2723 = tpu.matmul %get3A_2721, %broadcast_in_dim3A_16, %dot_general3A_2722 {dimension_numbers = #tpu.dot_dimension_numbers<[1], [0], [0], [1], [0, 0, 1, 1], [], []>, transpose_lhs_hint = false} : vector<128x1xf32>, vector<1x32xf32>, vector<128x32xf32> -> vector<128x32xf32>
    %eq3A_2724 = vector.broadcast %convert_element_type3A_15 : vector<1x32xf32> to vector<128x32xf32>
    %eq3A_2725 = arith.cmpf oeq, %dot_general3A_2723, %eq3A_2724 : vector<128x32xf32>
    %convert_element_type3A_2726 = arith.extui %eq3A_2725 : vector<128x32xi1> to vector<128x32xi32>
    %convert_element_type3A_2727 = arith.sitofp %convert_element_type3A_2726 : vector<128x32xi32> to vector<128x32xf32>
    %dot_general3A_2728 = arith.constant dense<0.000000e+00> : vector<128x64xf32>
    %dot_general3A_2729 = tpu.matmul %convert_element_type3A_2727, %add3A_9, %dot_general3A_2728 {dimension_numbers = #tpu.dot_dimension_numbers<[1], [0], [0], [1], [0, 0, 1, 1], [], []>, transpose_lhs_hint = false} : vector<128x32xf32>, vector<32x64xf32>, vector<128x64xf32> -> vector<128x64xf32>
    %swap3A_2730 = arith.constant 159 : index
    %swap3A_2731 = arith.constant 0 : index
    %swap3A_2732 = arith.constant 0 : index
    %swap3A_2733 = vector.load %arg5[%swap3A_2730, %swap3A_2731, %swap3A_2732] : memref<200x128x64xf32, #tpu.memory_space<vmem>>, vector<1x128x64xf32>
    %swap3A_2734 = vector.shape_cast %swap3A_2733 : vector<1x128x64xf32> to vector<128x64xf32>
    %swap3A_2735 = vector.shape_cast %dot_general3A_2729 : vector<128x64xf32> to vector<1x128x64xf32>
    tpu.vector_store %arg5[%swap3A_2730, %swap3A_2731, %swap3A_2732], %swap3A_2735 {strides = array<i32>} : memref<200x128x64xf32, #tpu.memory_space<vmem>>, vector<1x128x64xf32>,
    %get3A_2736 = arith.constant 0 : index
    %get3A_2737 = arith.constant 160 : index
    %get3A_2738 = vector.load %arg6[%get3A_2736, %get3A_2737] : memref<128x200xf32, #tpu.memory_space<vmem>>, vector<128x1xf32>
    %dot_general3A_2739 = arith.constant dense<0.000000e+00> : vector<128x32xf32>
    %dot_general3A_2740 = tpu.matmul %get3A_2738, %broadcast_in_dim3A_16, %dot_general3A_2739 {dimension_numbers = #tpu.dot_dimension_numbers<[1], [0], [0], [1], [0, 0, 1, 1], [], []>, transpose_lhs_hint = false} : vector<128x1xf32>, vector<1x32xf32>, vector<128x32xf32> -> vector<128x32xf32>
    %eq3A_2741 = vector.broadcast %convert_element_type3A_15 : vector<1x32xf32> to vector<128x32xf32>
    %eq3A_2742 = arith.cmpf oeq, %dot_general3A_2740, %eq3A_2741 : vector<128x32xf32>
    %convert_element_type3A_2743 = arith.extui %eq3A_2742 : vector<128x32xi1> to vector<128x32xi32>
    %convert_element_type3A_2744 = arith.sitofp %convert_element_type3A_2743 : vector<128x32xi32> to vector<128x32xf32>
    %dot_general3A_2745 = arith.constant dense<0.000000e+00> : vector<128x64xf32>
    %dot_general3A_2746 = tpu.matmul %convert_element_type3A_2744, %add3A_9, %dot_general3A_2745 {dimension_numbers = #tpu.dot_dimension_numbers<[1], [0], [0], [1], [0, 0, 1, 1], [], []>, transpose_lhs_hint = false} : vector<128x32xf32>, vector<32x64xf32>, vector<128x64xf32> -> vector<128x64xf32>
    %swap3A_2747 = arith.constant 160 : index
    %swap3A_2748 = arith.constant 0 : index
    %swap3A_2749 = arith.constant 0 : index
    %swap3A_2750 = vector.load %arg5[%swap3A_2747, %swap3A_2748, %swap3A_2749] : memref<200x128x64xf32, #tpu.memory_space<vmem>>, vector<1x128x64xf32>
    %swap3A_2751 = vector.shape_cast %swap3A_2750 : vector<1x128x64xf32> to vector<128x64xf32>
    %swap3A_2752 = vector.shape_cast %dot_general3A_2746 : vector<128x64xf32> to vector<1x128x64xf32>
    tpu.vector_store %arg5[%swap3A_2747, %swap3A_2748, %swap3A_2749], %swap3A_2752 {strides = array<i32>} : memref<200x128x64xf32, #tpu.memory_space<vmem>>, vector<1x128x64xf32>,
    %get3A_2753 = arith.constant 0 : index
    %get3A_2754 = arith.constant 161 : index
    %get3A_2755 = vector.load %arg6[%get3A_2753, %get3A_2754] : memref<128x200xf32, #tpu.memory_space<vmem>>, vector<128x1xf32>
    %dot_general3A_2756 = arith.constant dense<0.000000e+00> : vector<128x32xf32>
    %dot_general3A_2757 = tpu.matmul %get3A_2755, %broadcast_in_dim3A_16, %dot_general3A_2756 {dimension_numbers = #tpu.dot_dimension_numbers<[1], [0], [0], [1], [0, 0, 1, 1], [], []>, transpose_lhs_hint = false} : vector<128x1xf32>, vector<1x32xf32>, vector<128x32xf32> -> vector<128x32xf32>
    %eq3A_2758 = vector.broadcast %convert_element_type3A_15 : vector<1x32xf32> to vector<128x32xf32>
    %eq3A_2759 = arith.cmpf oeq, %dot_general3A_2757, %eq3A_2758 : vector<128x32xf32>
    %convert_element_type3A_2760 = arith.extui %eq3A_2759 : vector<128x32xi1> to vector<128x32xi32>
    %convert_element_type3A_2761 = arith.sitofp %convert_element_type3A_2760 : vector<128x32xi32> to vector<128x32xf32>
    %dot_general3A_2762 = arith.constant dense<0.000000e+00> : vector<128x64xf32>
    %dot_general3A_2763 = tpu.matmul %convert_element_type3A_2761, %add3A_9, %dot_general3A_2762 {dimension_numbers = #tpu.dot_dimension_numbers<[1], [0], [0], [1], [0, 0, 1, 1], [], []>, transpose_lhs_hint = false} : vector<128x32xf32>, vector<32x64xf32>, vector<128x64xf32> -> vector<128x64xf32>
    %swap3A_2764 = arith.constant 161 : index
    %swap3A_2765 = arith.constant 0 : index
    %swap3A_2766 = arith.constant 0 : index
    %swap3A_2767 = vector.load %arg5[%swap3A_2764, %swap3A_2765, %swap3A_2766] : memref<200x128x64xf32, #tpu.memory_space<vmem>>, vector<1x128x64xf32>
    %swap3A_2768 = vector.shape_cast %swap3A_2767 : vector<1x128x64xf32> to vector<128x64xf32>
    %swap3A_2769 = vector.shape_cast %dot_general3A_2763 : vector<128x64xf32> to vector<1x128x64xf32>
    tpu.vector_store %arg5[%swap3A_2764, %swap3A_2765, %swap3A_2766], %swap3A_2769 {strides = array<i32>} : memref<200x128x64xf32, #tpu.memory_space<vmem>>, vector<1x128x64xf32>,
    %get3A_2770 = arith.constant 0 : index
    %get3A_2771 = arith.constant 162 : index
    %get3A_2772 = vector.load %arg6[%get3A_2770, %get3A_2771] : memref<128x200xf32, #tpu.memory_space<vmem>>, vector<128x1xf32>
    %dot_general3A_2773 = arith.constant dense<0.000000e+00> : vector<128x32xf32>
    %dot_general3A_2774 = tpu.matmul %get3A_2772, %broadcast_in_dim3A_16, %dot_general3A_2773 {dimension_numbers = #tpu.dot_dimension_numbers<[1], [0], [0], [1], [0, 0, 1, 1], [], []>, transpose_lhs_hint = false} : vector<128x1xf32>, vector<1x32xf32>, vector<128x32xf32> -> vector<128x32xf32>
    %eq3A_2775 = vector.broadcast %convert_element_type3A_15 : vector<1x32xf32> to vector<128x32xf32>
    %eq3A_2776 = arith.cmpf oeq, %dot_general3A_2774, %eq3A_2775 : vector<128x32xf32>
    %convert_element_type3A_2777 = arith.extui %eq3A_2776 : vector<128x32xi1> to vector<128x32xi32>
    %convert_element_type3A_2778 = arith.sitofp %convert_element_type3A_2777 : vector<128x32xi32> to vector<128x32xf32>
    %dot_general3A_2779 = arith.constant dense<0.000000e+00> : vector<128x64xf32>
    %dot_general3A_2780 = tpu.matmul %convert_element_type3A_2778, %add3A_9, %dot_general3A_2779 {dimension_numbers = #tpu.dot_dimension_numbers<[1], [0], [0], [1], [0, 0, 1, 1], [], []>, transpose_lhs_hint = false} : vector<128x32xf32>, vector<32x64xf32>, vector<128x64xf32> -> vector<128x64xf32>
    %swap3A_2781 = arith.constant 162 : index
    %swap3A_2782 = arith.constant 0 : index
    %swap3A_2783 = arith.constant 0 : index
    %swap3A_2784 = vector.load %arg5[%swap3A_2781, %swap3A_2782, %swap3A_2783] : memref<200x128x64xf32, #tpu.memory_space<vmem>>, vector<1x128x64xf32>
    %swap3A_2785 = vector.shape_cast %swap3A_2784 : vector<1x128x64xf32> to vector<128x64xf32>
    %swap3A_2786 = vector.shape_cast %dot_general3A_2780 : vector<128x64xf32> to vector<1x128x64xf32>
    tpu.vector_store %arg5[%swap3A_2781, %swap3A_2782, %swap3A_2783], %swap3A_2786 {strides = array<i32>} : memref<200x128x64xf32, #tpu.memory_space<vmem>>, vector<1x128x64xf32>,
    %get3A_2787 = arith.constant 0 : index
    %get3A_2788 = arith.constant 163 : index
    %get3A_2789 = vector.load %arg6[%get3A_2787, %get3A_2788] : memref<128x200xf32, #tpu.memory_space<vmem>>, vector<128x1xf32>
    %dot_general3A_2790 = arith.constant dense<0.000000e+00> : vector<128x32xf32>
    %dot_general3A_2791 = tpu.matmul %get3A_2789, %broadcast_in_dim3A_16, %dot_general3A_2790 {dimension_numbers = #tpu.dot_dimension_numbers<[1], [0], [0], [1], [0, 0, 1, 1], [], []>, transpose_lhs_hint = false} : vector<128x1xf32>, vector<1x32xf32>, vector<128x32xf32> -> vector<128x32xf32>
    %eq3A_2792 = vector.broadcast %convert_element_type3A_15 : vector<1x32xf32> to vector<128x32xf32>
    %eq3A_2793 = arith.cmpf oeq, %dot_general3A_2791, %eq3A_2792 : vector<128x32xf32>
    %convert_element_type3A_2794 = arith.extui %eq3A_2793 : vector<128x32xi1> to vector<128x32xi32>
    %convert_element_type3A_2795 = arith.sitofp %convert_element_type3A_2794 : vector<128x32xi32> to vector<128x32xf32>
    %dot_general3A_2796 = arith.constant dense<0.000000e+00> : vector<128x64xf32>
    %dot_general3A_2797 = tpu.matmul %convert_element_type3A_2795, %add3A_9, %dot_general3A_2796 {dimension_numbers = #tpu.dot_dimension_numbers<[1], [0], [0], [1], [0, 0, 1, 1], [], []>, transpose_lhs_hint = false} : vector<128x32xf32>, vector<32x64xf32>, vector<128x64xf32> -> vector<128x64xf32>
    %swap3A_2798 = arith.constant 163 : index
    %swap3A_2799 = arith.constant 0 : index
    %swap3A_2800 = arith.constant 0 : index
    %swap3A_2801 = vector.load %arg5[%swap3A_2798, %swap3A_2799, %swap3A_2800] : memref<200x128x64xf32, #tpu.memory_space<vmem>>, vector<1x128x64xf32>
    %swap3A_2802 = vector.shape_cast %swap3A_2801 : vector<1x128x64xf32> to vector<128x64xf32>
    %swap3A_2803 = vector.shape_cast %dot_general3A_2797 : vector<128x64xf32> to vector<1x128x64xf32>
    tpu.vector_store %arg5[%swap3A_2798, %swap3A_2799, %swap3A_2800], %swap3A_2803 {strides = array<i32>} : memref<200x128x64xf32, #tpu.memory_space<vmem>>, vector<1x128x64xf32>,
    %get3A_2804 = arith.constant 0 : index
    %get3A_2805 = arith.constant 164 : index
    %get3A_2806 = vector.load %arg6[%get3A_2804, %get3A_2805] : memref<128x200xf32, #tpu.memory_space<vmem>>, vector<128x1xf32>
    %dot_general3A_2807 = arith.constant dense<0.000000e+00> : vector<128x32xf32>
    %dot_general3A_2808 = tpu.matmul %get3A_2806, %broadcast_in_dim3A_16, %dot_general3A_2807 {dimension_numbers = #tpu.dot_dimension_numbers<[1], [0], [0], [1], [0, 0, 1, 1], [], []>, transpose_lhs_hint = false} : vector<128x1xf32>, vector<1x32xf32>, vector<128x32xf32> -> vector<128x32xf32>
    %eq3A_2809 = vector.broadcast %convert_element_type3A_15 : vector<1x32xf32> to vector<128x32xf32>
    %eq3A_2810 = arith.cmpf oeq, %dot_general3A_2808, %eq3A_2809 : vector<128x32xf32>
    %convert_element_type3A_2811 = arith.extui %eq3A_2810 : vector<128x32xi1> to vector<128x32xi32>
    %convert_element_type3A_2812 = arith.sitofp %convert_element_type3A_2811 : vector<128x32xi32> to vector<128x32xf32>
    %dot_general3A_2813 = arith.constant dense<0.000000e+00> : vector<128x64xf32>
    %dot_general3A_2814 = tpu.matmul %convert_element_type3A_2812, %add3A_9, %dot_general3A_2813 {dimension_numbers = #tpu.dot_dimension_numbers<[1], [0], [0], [1], [0, 0, 1, 1], [], []>, transpose_lhs_hint = false} : vector<128x32xf32>, vector<32x64xf32>, vector<128x64xf32> -> vector<128x64xf32>
    %swap3A_2815 = arith.constant 164 : index
    %swap3A_2816 = arith.constant 0 : index
    %swap3A_2817 = arith.constant 0 : index
    %swap3A_2818 = vector.load %arg5[%swap3A_2815, %swap3A_2816, %swap3A_2817] : memref<200x128x64xf32, #tpu.memory_space<vmem>>, vector<1x128x64xf32>
    %swap3A_2819 = vector.shape_cast %swap3A_2818 : vector<1x128x64xf32> to vector<128x64xf32>
    %swap3A_2820 = vector.shape_cast %dot_general3A_2814 : vector<128x64xf32> to vector<1x128x64xf32>
    tpu.vector_store %arg5[%swap3A_2815, %swap3A_2816, %swap3A_2817], %swap3A_2820 {strides = array<i32>} : memref<200x128x64xf32, #tpu.memory_space<vmem>>, vector<1x128x64xf32>,
    %get3A_2821 = arith.constant 0 : index
    %get3A_2822 = arith.constant 165 : index
    %get3A_2823 = vector.load %arg6[%get3A_2821, %get3A_2822] : memref<128x200xf32, #tpu.memory_space<vmem>>, vector<128x1xf32>
    %dot_general3A_2824 = arith.constant dense<0.000000e+00> : vector<128x32xf32>
    %dot_general3A_2825 = tpu.matmul %get3A_2823, %broadcast_in_dim3A_16, %dot_general3A_2824 {dimension_numbers = #tpu.dot_dimension_numbers<[1], [0], [0], [1], [0, 0, 1, 1], [], []>, transpose_lhs_hint = false} : vector<128x1xf32>, vector<1x32xf32>, vector<128x32xf32> -> vector<128x32xf32>
    %eq3A_2826 = vector.broadcast %convert_element_type3A_15 : vector<1x32xf32> to vector<128x32xf32>
    %eq3A_2827 = arith.cmpf oeq, %dot_general3A_2825, %eq3A_2826 : vector<128x32xf32>
    %convert_element_type3A_2828 = arith.extui %eq3A_2827 : vector<128x32xi1> to vector<128x32xi32>
    %convert_element_type3A_2829 = arith.sitofp %convert_element_type3A_2828 : vector<128x32xi32> to vector<128x32xf32>
    %dot_general3A_2830 = arith.constant dense<0.000000e+00> : vector<128x64xf32>
    %dot_general3A_2831 = tpu.matmul %convert_element_type3A_2829, %add3A_9, %dot_general3A_2830 {dimension_numbers = #tpu.dot_dimension_numbers<[1], [0], [0], [1], [0, 0, 1, 1], [], []>, transpose_lhs_hint = false} : vector<128x32xf32>, vector<32x64xf32>, vector<128x64xf32> -> vector<128x64xf32>
    %swap3A_2832 = arith.constant 165 : index
    %swap3A_2833 = arith.constant 0 : index
    %swap3A_2834 = arith.constant 0 : index
    %swap3A_2835 = vector.load %arg5[%swap3A_2832, %swap3A_2833, %swap3A_2834] : memref<200x128x64xf32, #tpu.memory_space<vmem>>, vector<1x128x64xf32>
    %swap3A_2836 = vector.shape_cast %swap3A_2835 : vector<1x128x64xf32> to vector<128x64xf32>
    %swap3A_2837 = vector.shape_cast %dot_general3A_2831 : vector<128x64xf32> to vector<1x128x64xf32>
    tpu.vector_store %arg5[%swap3A_2832, %swap3A_2833, %swap3A_2834], %swap3A_2837 {strides = array<i32>} : memref<200x128x64xf32, #tpu.memory_space<vmem>>, vector<1x128x64xf32>,
    %get3A_2838 = arith.constant 0 : index
    %get3A_2839 = arith.constant 166 : index
    %get3A_2840 = vector.load %arg6[%get3A_2838, %get3A_2839] : memref<128x200xf32, #tpu.memory_space<vmem>>, vector<128x1xf32>
    %dot_general3A_2841 = arith.constant dense<0.000000e+00> : vector<128x32xf32>
    %dot_general3A_2842 = tpu.matmul %get3A_2840, %broadcast_in_dim3A_16, %dot_general3A_2841 {dimension_numbers = #tpu.dot_dimension_numbers<[1], [0], [0], [1], [0, 0, 1, 1], [], []>, transpose_lhs_hint = false} : vector<128x1xf32>, vector<1x32xf32>, vector<128x32xf32> -> vector<128x32xf32>
    %eq3A_2843 = vector.broadcast %convert_element_type3A_15 : vector<1x32xf32> to vector<128x32xf32>
    %eq3A_2844 = arith.cmpf oeq, %dot_general3A_2842, %eq3A_2843 : vector<128x32xf32>
    %convert_element_type3A_2845 = arith.extui %eq3A_2844 : vector<128x32xi1> to vector<128x32xi32>
    %convert_element_type3A_2846 = arith.sitofp %convert_element_type3A_2845 : vector<128x32xi32> to vector<128x32xf32>
    %dot_general3A_2847 = arith.constant dense<0.000000e+00> : vector<128x64xf32>
    %dot_general3A_2848 = tpu.matmul %convert_element_type3A_2846, %add3A_9, %dot_general3A_2847 {dimension_numbers = #tpu.dot_dimension_numbers<[1], [0], [0], [1], [0, 0, 1, 1], [], []>, transpose_lhs_hint = false} : vector<128x32xf32>, vector<32x64xf32>, vector<128x64xf32> -> vector<128x64xf32>
    %swap3A_2849 = arith.constant 166 : index
    %swap3A_2850 = arith.constant 0 : index
    %swap3A_2851 = arith.constant 0 : index
    %swap3A_2852 = vector.load %arg5[%swap3A_2849, %swap3A_2850, %swap3A_2851] : memref<200x128x64xf32, #tpu.memory_space<vmem>>, vector<1x128x64xf32>
    %swap3A_2853 = vector.shape_cast %swap3A_2852 : vector<1x128x64xf32> to vector<128x64xf32>
    %swap3A_2854 = vector.shape_cast %dot_general3A_2848 : vector<128x64xf32> to vector<1x128x64xf32>
    tpu.vector_store %arg5[%swap3A_2849, %swap3A_2850, %swap3A_2851], %swap3A_2854 {strides = array<i32>} : memref<200x128x64xf32, #tpu.memory_space<vmem>>, vector<1x128x64xf32>,
    %get3A_2855 = arith.constant 0 : index
    %get3A_2856 = arith.constant 167 : index
    %get3A_2857 = vector.load %arg6[%get3A_2855, %get3A_2856] : memref<128x200xf32, #tpu.memory_space<vmem>>, vector<128x1xf32>
    %dot_general3A_2858 = arith.constant dense<0.000000e+00> : vector<128x32xf32>
    %dot_general3A_2859 = tpu.matmul %get3A_2857, %broadcast_in_dim3A_16, %dot_general3A_2858 {dimension_numbers = #tpu.dot_dimension_numbers<[1], [0], [0], [1], [0, 0, 1, 1], [], []>, transpose_lhs_hint = false} : vector<128x1xf32>, vector<1x32xf32>, vector<128x32xf32> -> vector<128x32xf32>
    %eq3A_2860 = vector.broadcast %convert_element_type3A_15 : vector<1x32xf32> to vector<128x32xf32>
    %eq3A_2861 = arith.cmpf oeq, %dot_general3A_2859, %eq3A_2860 : vector<128x32xf32>
    %convert_element_type3A_2862 = arith.extui %eq3A_2861 : vector<128x32xi1> to vector<128x32xi32>
    %convert_element_type3A_2863 = arith.sitofp %convert_element_type3A_2862 : vector<128x32xi32> to vector<128x32xf32>
    %dot_general3A_2864 = arith.constant dense<0.000000e+00> : vector<128x64xf32>
    %dot_general3A_2865 = tpu.matmul %convert_element_type3A_2863, %add3A_9, %dot_general3A_2864 {dimension_numbers = #tpu.dot_dimension_numbers<[1], [0], [0], [1], [0, 0, 1, 1], [], []>, transpose_lhs_hint = false} : vector<128x32xf32>, vector<32x64xf32>, vector<128x64xf32> -> vector<128x64xf32>
    %swap3A_2866 = arith.constant 167 : index
    %swap3A_2867 = arith.constant 0 : index
    %swap3A_2868 = arith.constant 0 : index
    %swap3A_2869 = vector.load %arg5[%swap3A_2866, %swap3A_2867, %swap3A_2868] : memref<200x128x64xf32, #tpu.memory_space<vmem>>, vector<1x128x64xf32>
    %swap3A_2870 = vector.shape_cast %swap3A_2869 : vector<1x128x64xf32> to vector<128x64xf32>
    %swap3A_2871 = vector.shape_cast %dot_general3A_2865 : vector<128x64xf32> to vector<1x128x64xf32>
    tpu.vector_store %arg5[%swap3A_2866, %swap3A_2867, %swap3A_2868], %swap3A_2871 {strides = array<i32>} : memref<200x128x64xf32, #tpu.memory_space<vmem>>, vector<1x128x64xf32>,
    %get3A_2872 = arith.constant 0 : index
    %get3A_2873 = arith.constant 168 : index
    %get3A_2874 = vector.load %arg6[%get3A_2872, %get3A_2873] : memref<128x200xf32, #tpu.memory_space<vmem>>, vector<128x1xf32>
    %dot_general3A_2875 = arith.constant dense<0.000000e+00> : vector<128x32xf32>
    %dot_general3A_2876 = tpu.matmul %get3A_2874, %broadcast_in_dim3A_16, %dot_general3A_2875 {dimension_numbers = #tpu.dot_dimension_numbers<[1], [0], [0], [1], [0, 0, 1, 1], [], []>, transpose_lhs_hint = false} : vector<128x1xf32>, vector<1x32xf32>, vector<128x32xf32> -> vector<128x32xf32>
    %eq3A_2877 = vector.broadcast %convert_element_type3A_15 : vector<1x32xf32> to vector<128x32xf32>
    %eq3A_2878 = arith.cmpf oeq, %dot_general3A_2876, %eq3A_2877 : vector<128x32xf32>
    %convert_element_type3A_2879 = arith.extui %eq3A_2878 : vector<128x32xi1> to vector<128x32xi32>
    %convert_element_type3A_2880 = arith.sitofp %convert_element_type3A_2879 : vector<128x32xi32> to vector<128x32xf32>
    %dot_general3A_2881 = arith.constant dense<0.000000e+00> : vector<128x64xf32>
    %dot_general3A_2882 = tpu.matmul %convert_element_type3A_2880, %add3A_9, %dot_general3A_2881 {dimension_numbers = #tpu.dot_dimension_numbers<[1], [0], [0], [1], [0, 0, 1, 1], [], []>, transpose_lhs_hint = false} : vector<128x32xf32>, vector<32x64xf32>, vector<128x64xf32> -> vector<128x64xf32>
    %swap3A_2883 = arith.constant 168 : index
    %swap3A_2884 = arith.constant 0 : index
    %swap3A_2885 = arith.constant 0 : index
    %swap3A_2886 = vector.load %arg5[%swap3A_2883, %swap3A_2884, %swap3A_2885] : memref<200x128x64xf32, #tpu.memory_space<vmem>>, vector<1x128x64xf32>
    %swap3A_2887 = vector.shape_cast %swap3A_2886 : vector<1x128x64xf32> to vector<128x64xf32>
    %swap3A_2888 = vector.shape_cast %dot_general3A_2882 : vector<128x64xf32> to vector<1x128x64xf32>
    tpu.vector_store %arg5[%swap3A_2883, %swap3A_2884, %swap3A_2885], %swap3A_2888 {strides = array<i32>} : memref<200x128x64xf32, #tpu.memory_space<vmem>>, vector<1x128x64xf32>,
    %get3A_2889 = arith.constant 0 : index
    %get3A_2890 = arith.constant 169 : index
    %get3A_2891 = vector.load %arg6[%get3A_2889, %get3A_2890] : memref<128x200xf32, #tpu.memory_space<vmem>>, vector<128x1xf32>
    %dot_general3A_2892 = arith.constant dense<0.000000e+00> : vector<128x32xf32>
    %dot_general3A_2893 = tpu.matmul %get3A_2891, %broadcast_in_dim3A_16, %dot_general3A_2892 {dimension_numbers = #tpu.dot_dimension_numbers<[1], [0], [0], [1], [0, 0, 1, 1], [], []>, transpose_lhs_hint = false} : vector<128x1xf32>, vector<1x32xf32>, vector<128x32xf32> -> vector<128x32xf32>
    %eq3A_2894 = vector.broadcast %convert_element_type3A_15 : vector<1x32xf32> to vector<128x32xf32>
    %eq3A_2895 = arith.cmpf oeq, %dot_general3A_2893, %eq3A_2894 : vector<128x32xf32>
    %convert_element_type3A_2896 = arith.extui %eq3A_2895 : vector<128x32xi1> to vector<128x32xi32>
    %convert_element_type3A_2897 = arith.sitofp %convert_element_type3A_2896 : vector<128x32xi32> to vector<128x32xf32>
    %dot_general3A_2898 = arith.constant dense<0.000000e+00> : vector<128x64xf32>
    %dot_general3A_2899 = tpu.matmul %convert_element_type3A_2897, %add3A_9, %dot_general3A_2898 {dimension_numbers = #tpu.dot_dimension_numbers<[1], [0], [0], [1], [0, 0, 1, 1], [], []>, transpose_lhs_hint = false} : vector<128x32xf32>, vector<32x64xf32>, vector<128x64xf32> -> vector<128x64xf32>
    %swap3A_2900 = arith.constant 169 : index
    %swap3A_2901 = arith.constant 0 : index
    %swap3A_2902 = arith.constant 0 : index
    %swap3A_2903 = vector.load %arg5[%swap3A_2900, %swap3A_2901, %swap3A_2902] : memref<200x128x64xf32, #tpu.memory_space<vmem>>, vector<1x128x64xf32>
    %swap3A_2904 = vector.shape_cast %swap3A_2903 : vector<1x128x64xf32> to vector<128x64xf32>
    %swap3A_2905 = vector.shape_cast %dot_general3A_2899 : vector<128x64xf32> to vector<1x128x64xf32>
    tpu.vector_store %arg5[%swap3A_2900, %swap3A_2901, %swap3A_2902], %swap3A_2905 {strides = array<i32>} : memref<200x128x64xf32, #tpu.memory_space<vmem>>, vector<1x128x64xf32>,
    %get3A_2906 = arith.constant 0 : index
    %get3A_2907 = arith.constant 170 : index
    %get3A_2908 = vector.load %arg6[%get3A_2906, %get3A_2907] : memref<128x200xf32, #tpu.memory_space<vmem>>, vector<128x1xf32>
    %dot_general3A_2909 = arith.constant dense<0.000000e+00> : vector<128x32xf32>
    %dot_general3A_2910 = tpu.matmul %get3A_2908, %broadcast_in_dim3A_16, %dot_general3A_2909 {dimension_numbers = #tpu.dot_dimension_numbers<[1], [0], [0], [1], [0, 0, 1, 1], [], []>, transpose_lhs_hint = false} : vector<128x1xf32>, vector<1x32xf32>, vector<128x32xf32> -> vector<128x32xf32>
    %eq3A_2911 = vector.broadcast %convert_element_type3A_15 : vector<1x32xf32> to vector<128x32xf32>
    %eq3A_2912 = arith.cmpf oeq, %dot_general3A_2910, %eq3A_2911 : vector<128x32xf32>
    %convert_element_type3A_2913 = arith.extui %eq3A_2912 : vector<128x32xi1> to vector<128x32xi32>
    %convert_element_type3A_2914 = arith.sitofp %convert_element_type3A_2913 : vector<128x32xi32> to vector<128x32xf32>
    %dot_general3A_2915 = arith.constant dense<0.000000e+00> : vector<128x64xf32>
    %dot_general3A_2916 = tpu.matmul %convert_element_type3A_2914, %add3A_9, %dot_general3A_2915 {dimension_numbers = #tpu.dot_dimension_numbers<[1], [0], [0], [1], [0, 0, 1, 1], [], []>, transpose_lhs_hint = false} : vector<128x32xf32>, vector<32x64xf32>, vector<128x64xf32> -> vector<128x64xf32>
    %swap3A_2917 = arith.constant 170 : index
    %swap3A_2918 = arith.constant 0 : index
    %swap3A_2919 = arith.constant 0 : index
    %swap3A_2920 = vector.load %arg5[%swap3A_2917, %swap3A_2918, %swap3A_2919] : memref<200x128x64xf32, #tpu.memory_space<vmem>>, vector<1x128x64xf32>
    %swap3A_2921 = vector.shape_cast %swap3A_2920 : vector<1x128x64xf32> to vector<128x64xf32>
    %swap3A_2922 = vector.shape_cast %dot_general3A_2916 : vector<128x64xf32> to vector<1x128x64xf32>
    tpu.vector_store %arg5[%swap3A_2917, %swap3A_2918, %swap3A_2919], %swap3A_2922 {strides = array<i32>} : memref<200x128x64xf32, #tpu.memory_space<vmem>>, vector<1x128x64xf32>,
    %get3A_2923 = arith.constant 0 : index
    %get3A_2924 = arith.constant 171 : index
    %get3A_2925 = vector.load %arg6[%get3A_2923, %get3A_2924] : memref<128x200xf32, #tpu.memory_space<vmem>>, vector<128x1xf32>
    %dot_general3A_2926 = arith.constant dense<0.000000e+00> : vector<128x32xf32>
    %dot_general3A_2927 = tpu.matmul %get3A_2925, %broadcast_in_dim3A_16, %dot_general3A_2926 {dimension_numbers = #tpu.dot_dimension_numbers<[1], [0], [0], [1], [0, 0, 1, 1], [], []>, transpose_lhs_hint = false} : vector<128x1xf32>, vector<1x32xf32>, vector<128x32xf32> -> vector<128x32xf32>
    %eq3A_2928 = vector.broadcast %convert_element_type3A_15 : vector<1x32xf32> to vector<128x32xf32>
    %eq3A_2929 = arith.cmpf oeq, %dot_general3A_2927, %eq3A_2928 : vector<128x32xf32>
    %convert_element_type3A_2930 = arith.extui %eq3A_2929 : vector<128x32xi1> to vector<128x32xi32>
    %convert_element_type3A_2931 = arith.sitofp %convert_element_type3A_2930 : vector<128x32xi32> to vector<128x32xf32>
    %dot_general3A_2932 = arith.constant dense<0.000000e+00> : vector<128x64xf32>
    %dot_general3A_2933 = tpu.matmul %convert_element_type3A_2931, %add3A_9, %dot_general3A_2932 {dimension_numbers = #tpu.dot_dimension_numbers<[1], [0], [0], [1], [0, 0, 1, 1], [], []>, transpose_lhs_hint = false} : vector<128x32xf32>, vector<32x64xf32>, vector<128x64xf32> -> vector<128x64xf32>
    %swap3A_2934 = arith.constant 171 : index
    %swap3A_2935 = arith.constant 0 : index
    %swap3A_2936 = arith.constant 0 : index
    %swap3A_2937 = vector.load %arg5[%swap3A_2934, %swap3A_2935, %swap3A_2936] : memref<200x128x64xf32, #tpu.memory_space<vmem>>, vector<1x128x64xf32>
    %swap3A_2938 = vector.shape_cast %swap3A_2937 : vector<1x128x64xf32> to vector<128x64xf32>
    %swap3A_2939 = vector.shape_cast %dot_general3A_2933 : vector<128x64xf32> to vector<1x128x64xf32>
    tpu.vector_store %arg5[%swap3A_2934, %swap3A_2935, %swap3A_2936], %swap3A_2939 {strides = array<i32>} : memref<200x128x64xf32, #tpu.memory_space<vmem>>, vector<1x128x64xf32>,
    %get3A_2940 = arith.constant 0 : index
    %get3A_2941 = arith.constant 172 : index
    %get3A_2942 = vector.load %arg6[%get3A_2940, %get3A_2941] : memref<128x200xf32, #tpu.memory_space<vmem>>, vector<128x1xf32>
    %dot_general3A_2943 = arith.constant dense<0.000000e+00> : vector<128x32xf32>
    %dot_general3A_2944 = tpu.matmul %get3A_2942, %broadcast_in_dim3A_16, %dot_general3A_2943 {dimension_numbers = #tpu.dot_dimension_numbers<[1], [0], [0], [1], [0, 0, 1, 1], [], []>, transpose_lhs_hint = false} : vector<128x1xf32>, vector<1x32xf32>, vector<128x32xf32> -> vector<128x32xf32>
    %eq3A_2945 = vector.broadcast %convert_element_type3A_15 : vector<1x32xf32> to vector<128x32xf32>
    %eq3A_2946 = arith.cmpf oeq, %dot_general3A_2944, %eq3A_2945 : vector<128x32xf32>
    %convert_element_type3A_2947 = arith.extui %eq3A_2946 : vector<128x32xi1> to vector<128x32xi32>
    %convert_element_type3A_2948 = arith.sitofp %convert_element_type3A_2947 : vector<128x32xi32> to vector<128x32xf32>
    %dot_general3A_2949 = arith.constant dense<0.000000e+00> : vector<128x64xf32>
    %dot_general3A_2950 = tpu.matmul %convert_element_type3A_2948, %add3A_9, %dot_general3A_2949 {dimension_numbers = #tpu.dot_dimension_numbers<[1], [0], [0], [1], [0, 0, 1, 1], [], []>, transpose_lhs_hint = false} : vector<128x32xf32>, vector<32x64xf32>, vector<128x64xf32> -> vector<128x64xf32>
    %swap3A_2951 = arith.constant 172 : index
    %swap3A_2952 = arith.constant 0 : index
    %swap3A_2953 = arith.constant 0 : index
    %swap3A_2954 = vector.load %arg5[%swap3A_2951, %swap3A_2952, %swap3A_2953] : memref<200x128x64xf32, #tpu.memory_space<vmem>>, vector<1x128x64xf32>
    %swap3A_2955 = vector.shape_cast %swap3A_2954 : vector<1x128x64xf32> to vector<128x64xf32>
    %swap3A_2956 = vector.shape_cast %dot_general3A_2950 : vector<128x64xf32> to vector<1x128x64xf32>
    tpu.vector_store %arg5[%swap3A_2951, %swap3A_2952, %swap3A_2953], %swap3A_2956 {strides = array<i32>} : memref<200x128x64xf32, #tpu.memory_space<vmem>>, vector<1x128x64xf32>,
    %get3A_2957 = arith.constant 0 : index
    %get3A_2958 = arith.constant 173 : index
    %get3A_2959 = vector.load %arg6[%get3A_2957, %get3A_2958] : memref<128x200xf32, #tpu.memory_space<vmem>>, vector<128x1xf32>
    %dot_general3A_2960 = arith.constant dense<0.000000e+00> : vector<128x32xf32>
    %dot_general3A_2961 = tpu.matmul %get3A_2959, %broadcast_in_dim3A_16, %dot_general3A_2960 {dimension_numbers = #tpu.dot_dimension_numbers<[1], [0], [0], [1], [0, 0, 1, 1], [], []>, transpose_lhs_hint = false} : vector<128x1xf32>, vector<1x32xf32>, vector<128x32xf32> -> vector<128x32xf32>
    %eq3A_2962 = vector.broadcast %convert_element_type3A_15 : vector<1x32xf32> to vector<128x32xf32>
    %eq3A_2963 = arith.cmpf oeq, %dot_general3A_2961, %eq3A_2962 : vector<128x32xf32>
    %convert_element_type3A_2964 = arith.extui %eq3A_2963 : vector<128x32xi1> to vector<128x32xi32>
    %convert_element_type3A_2965 = arith.sitofp %convert_element_type3A_2964 : vector<128x32xi32> to vector<128x32xf32>
    %dot_general3A_2966 = arith.constant dense<0.000000e+00> : vector<128x64xf32>
    %dot_general3A_2967 = tpu.matmul %convert_element_type3A_2965, %add3A_9, %dot_general3A_2966 {dimension_numbers = #tpu.dot_dimension_numbers<[1], [0], [0], [1], [0, 0, 1, 1], [], []>, transpose_lhs_hint = false} : vector<128x32xf32>, vector<32x64xf32>, vector<128x64xf32> -> vector<128x64xf32>
    %swap3A_2968 = arith.constant 173 : index
    %swap3A_2969 = arith.constant 0 : index
    %swap3A_2970 = arith.constant 0 : index
    %swap3A_2971 = vector.load %arg5[%swap3A_2968, %swap3A_2969, %swap3A_2970] : memref<200x128x64xf32, #tpu.memory_space<vmem>>, vector<1x128x64xf32>
    %swap3A_2972 = vector.shape_cast %swap3A_2971 : vector<1x128x64xf32> to vector<128x64xf32>
    %swap3A_2973 = vector.shape_cast %dot_general3A_2967 : vector<128x64xf32> to vector<1x128x64xf32>
    tpu.vector_store %arg5[%swap3A_2968, %swap3A_2969, %swap3A_2970], %swap3A_2973 {strides = array<i32>} : memref<200x128x64xf32, #tpu.memory_space<vmem>>, vector<1x128x64xf32>,
    %get3A_2974 = arith.constant 0 : index
    %get3A_2975 = arith.constant 174 : index
    %get3A_2976 = vector.load %arg6[%get3A_2974, %get3A_2975] : memref<128x200xf32, #tpu.memory_space<vmem>>, vector<128x1xf32>
    %dot_general3A_2977 = arith.constant dense<0.000000e+00> : vector<128x32xf32>
    %dot_general3A_2978 = tpu.matmul %get3A_2976, %broadcast_in_dim3A_16, %dot_general3A_2977 {dimension_numbers = #tpu.dot_dimension_numbers<[1], [0], [0], [1], [0, 0, 1, 1], [], []>, transpose_lhs_hint = false} : vector<128x1xf32>, vector<1x32xf32>, vector<128x32xf32> -> vector<128x32xf32>
    %eq3A_2979 = vector.broadcast %convert_element_type3A_15 : vector<1x32xf32> to vector<128x32xf32>
    %eq3A_2980 = arith.cmpf oeq, %dot_general3A_2978, %eq3A_2979 : vector<128x32xf32>
    %convert_element_type3A_2981 = arith.extui %eq3A_2980 : vector<128x32xi1> to vector<128x32xi32>
    %convert_element_type3A_2982 = arith.sitofp %convert_element_type3A_2981 : vector<128x32xi32> to vector<128x32xf32>
    %dot_general3A_2983 = arith.constant dense<0.000000e+00> : vector<128x64xf32>
    %dot_general3A_2984 = tpu.matmul %convert_element_type3A_2982, %add3A_9, %dot_general3A_2983 {dimension_numbers = #tpu.dot_dimension_numbers<[1], [0], [0], [1], [0, 0, 1, 1], [], []>, transpose_lhs_hint = false} : vector<128x32xf32>, vector<32x64xf32>, vector<128x64xf32> -> vector<128x64xf32>
    %swap3A_2985 = arith.constant 174 : index
    %swap3A_2986 = arith.constant 0 : index
    %swap3A_2987 = arith.constant 0 : index
    %swap3A_2988 = vector.load %arg5[%swap3A_2985, %swap3A_2986, %swap3A_2987] : memref<200x128x64xf32, #tpu.memory_space<vmem>>, vector<1x128x64xf32>
    %swap3A_2989 = vector.shape_cast %swap3A_2988 : vector<1x128x64xf32> to vector<128x64xf32>
    %swap3A_2990 = vector.shape_cast %dot_general3A_2984 : vector<128x64xf32> to vector<1x128x64xf32>
    tpu.vector_store %arg5[%swap3A_2985, %swap3A_2986, %swap3A_2987], %swap3A_2990 {strides = array<i32>} : memref<200x128x64xf32, #tpu.memory_space<vmem>>, vector<1x128x64xf32>,
    %get3A_2991 = arith.constant 0 : index
    %get3A_2992 = arith.constant 175 : index
    %get3A_2993 = vector.load %arg6[%get3A_2991, %get3A_2992] : memref<128x200xf32, #tpu.memory_space<vmem>>, vector<128x1xf32>
    %dot_general3A_2994 = arith.constant dense<0.000000e+00> : vector<128x32xf32>
    %dot_general3A_2995 = tpu.matmul %get3A_2993, %broadcast_in_dim3A_16, %dot_general3A_2994 {dimension_numbers = #tpu.dot_dimension_numbers<[1], [0], [0], [1], [0, 0, 1, 1], [], []>, transpose_lhs_hint = false} : vector<128x1xf32>, vector<1x32xf32>, vector<128x32xf32> -> vector<128x32xf32>
    %eq3A_2996 = vector.broadcast %convert_element_type3A_15 : vector<1x32xf32> to vector<128x32xf32>
    %eq3A_2997 = arith.cmpf oeq, %dot_general3A_2995, %eq3A_2996 : vector<128x32xf32>
    %convert_element_type3A_2998 = arith.extui %eq3A_2997 : vector<128x32xi1> to vector<128x32xi32>
    %convert_element_type3A_2999 = arith.sitofp %convert_element_type3A_2998 : vector<128x32xi32> to vector<128x32xf32>
    %dot_general3A_3000 = arith.constant dense<0.000000e+00> : vector<128x64xf32>
    %dot_general3A_3001 = tpu.matmul %convert_element_type3A_2999, %add3A_9, %dot_general3A_3000 {dimension_numbers = #tpu.dot_dimension_numbers<[1], [0], [0], [1], [0, 0, 1, 1], [], []>, transpose_lhs_hint = false} : vector<128x32xf32>, vector<32x64xf32>, vector<128x64xf32> -> vector<128x64xf32>
    %swap3A_3002 = arith.constant 175 : index
    %swap3A_3003 = arith.constant 0 : index
    %swap3A_3004 = arith.constant 0 : index
    %swap3A_3005 = vector.load %arg5[%swap3A_3002, %swap3A_3003, %swap3A_3004] : memref<200x128x64xf32, #tpu.memory_space<vmem>>, vector<1x128x64xf32>
    %swap3A_3006 = vector.shape_cast %swap3A_3005 : vector<1x128x64xf32> to vector<128x64xf32>
    %swap3A_3007 = vector.shape_cast %dot_general3A_3001 : vector<128x64xf32> to vector<1x128x64xf32>
    tpu.vector_store %arg5[%swap3A_3002, %swap3A_3003, %swap3A_3004], %swap3A_3007 {strides = array<i32>} : memref<200x128x64xf32, #tpu.memory_space<vmem>>, vector<1x128x64xf32>,
    %get3A_3008 = arith.constant 0 : index
    %get3A_3009 = arith.constant 176 : index
    %get3A_3010 = vector.load %arg6[%get3A_3008, %get3A_3009] : memref<128x200xf32, #tpu.memory_space<vmem>>, vector<128x1xf32>
    %dot_general3A_3011 = arith.constant dense<0.000000e+00> : vector<128x32xf32>
    %dot_general3A_3012 = tpu.matmul %get3A_3010, %broadcast_in_dim3A_16, %dot_general3A_3011 {dimension_numbers = #tpu.dot_dimension_numbers<[1], [0], [0], [1], [0, 0, 1, 1], [], []>, transpose_lhs_hint = false} : vector<128x1xf32>, vector<1x32xf32>, vector<128x32xf32> -> vector<128x32xf32>
    %eq3A_3013 = vector.broadcast %convert_element_type3A_15 : vector<1x32xf32> to vector<128x32xf32>
    %eq3A_3014 = arith.cmpf oeq, %dot_general3A_3012, %eq3A_3013 : vector<128x32xf32>
    %convert_element_type3A_3015 = arith.extui %eq3A_3014 : vector<128x32xi1> to vector<128x32xi32>
    %convert_element_type3A_3016 = arith.sitofp %convert_element_type3A_3015 : vector<128x32xi32> to vector<128x32xf32>
    %dot_general3A_3017 = arith.constant dense<0.000000e+00> : vector<128x64xf32>
    %dot_general3A_3018 = tpu.matmul %convert_element_type3A_3016, %add3A_9, %dot_general3A_3017 {dimension_numbers = #tpu.dot_dimension_numbers<[1], [0], [0], [1], [0, 0, 1, 1], [], []>, transpose_lhs_hint = false} : vector<128x32xf32>, vector<32x64xf32>, vector<128x64xf32> -> vector<128x64xf32>
    %swap3A_3019 = arith.constant 176 : index
    %swap3A_3020 = arith.constant 0 : index
    %swap3A_3021 = arith.constant 0 : index
    %swap3A_3022 = vector.load %arg5[%swap3A_3019, %swap3A_3020, %swap3A_3021] : memref<200x128x64xf32, #tpu.memory_space<vmem>>, vector<1x128x64xf32>
    %swap3A_3023 = vector.shape_cast %swap3A_3022 : vector<1x128x64xf32> to vector<128x64xf32>
    %swap3A_3024 = vector.shape_cast %dot_general3A_3018 : vector<128x64xf32> to vector<1x128x64xf32>
    tpu.vector_store %arg5[%swap3A_3019, %swap3A_3020, %swap3A_3021], %swap3A_3024 {strides = array<i32>} : memref<200x128x64xf32, #tpu.memory_space<vmem>>, vector<1x128x64xf32>,
    %get3A_3025 = arith.constant 0 : index
    %get3A_3026 = arith.constant 177 : index
    %get3A_3027 = vector.load %arg6[%get3A_3025, %get3A_3026] : memref<128x200xf32, #tpu.memory_space<vmem>>, vector<128x1xf32>
    %dot_general3A_3028 = arith.constant dense<0.000000e+00> : vector<128x32xf32>
    %dot_general3A_3029 = tpu.matmul %get3A_3027, %broadcast_in_dim3A_16, %dot_general3A_3028 {dimension_numbers = #tpu.dot_dimension_numbers<[1], [0], [0], [1], [0, 0, 1, 1], [], []>, transpose_lhs_hint = false} : vector<128x1xf32>, vector<1x32xf32>, vector<128x32xf32> -> vector<128x32xf32>
    %eq3A_3030 = vector.broadcast %convert_element_type3A_15 : vector<1x32xf32> to vector<128x32xf32>
    %eq3A_3031 = arith.cmpf oeq, %dot_general3A_3029, %eq3A_3030 : vector<128x32xf32>
    %convert_element_type3A_3032 = arith.extui %eq3A_3031 : vector<128x32xi1> to vector<128x32xi32>
    %convert_element_type3A_3033 = arith.sitofp %convert_element_type3A_3032 : vector<128x32xi32> to vector<128x32xf32>
    %dot_general3A_3034 = arith.constant dense<0.000000e+00> : vector<128x64xf32>
    %dot_general3A_3035 = tpu.matmul %convert_element_type3A_3033, %add3A_9, %dot_general3A_3034 {dimension_numbers = #tpu.dot_dimension_numbers<[1], [0], [0], [1], [0, 0, 1, 1], [], []>, transpose_lhs_hint = false} : vector<128x32xf32>, vector<32x64xf32>, vector<128x64xf32> -> vector<128x64xf32>
    %swap3A_3036 = arith.constant 177 : index
    %swap3A_3037 = arith.constant 0 : index
    %swap3A_3038 = arith.constant 0 : index
    %swap3A_3039 = vector.load %arg5[%swap3A_3036, %swap3A_3037, %swap3A_3038] : memref<200x128x64xf32, #tpu.memory_space<vmem>>, vector<1x128x64xf32>
    %swap3A_3040 = vector.shape_cast %swap3A_3039 : vector<1x128x64xf32> to vector<128x64xf32>
    %swap3A_3041 = vector.shape_cast %dot_general3A_3035 : vector<128x64xf32> to vector<1x128x64xf32>
    tpu.vector_store %arg5[%swap3A_3036, %swap3A_3037, %swap3A_3038], %swap3A_3041 {strides = array<i32>} : memref<200x128x64xf32, #tpu.memory_space<vmem>>, vector<1x128x64xf32>,
    %get3A_3042 = arith.constant 0 : index
    %get3A_3043 = arith.constant 178 : index
    %get3A_3044 = vector.load %arg6[%get3A_3042, %get3A_3043] : memref<128x200xf32, #tpu.memory_space<vmem>>, vector<128x1xf32>
    %dot_general3A_3045 = arith.constant dense<0.000000e+00> : vector<128x32xf32>
    %dot_general3A_3046 = tpu.matmul %get3A_3044, %broadcast_in_dim3A_16, %dot_general3A_3045 {dimension_numbers = #tpu.dot_dimension_numbers<[1], [0], [0], [1], [0, 0, 1, 1], [], []>, transpose_lhs_hint = false} : vector<128x1xf32>, vector<1x32xf32>, vector<128x32xf32> -> vector<128x32xf32>
    %eq3A_3047 = vector.broadcast %convert_element_type3A_15 : vector<1x32xf32> to vector<128x32xf32>
    %eq3A_3048 = arith.cmpf oeq, %dot_general3A_3046, %eq3A_3047 : vector<128x32xf32>
    %convert_element_type3A_3049 = arith.extui %eq3A_3048 : vector<128x32xi1> to vector<128x32xi32>
    %convert_element_type3A_3050 = arith.sitofp %convert_element_type3A_3049 : vector<128x32xi32> to vector<128x32xf32>
    %dot_general3A_3051 = arith.constant dense<0.000000e+00> : vector<128x64xf32>
    %dot_general3A_3052 = tpu.matmul %convert_element_type3A_3050, %add3A_9, %dot_general3A_3051 {dimension_numbers = #tpu.dot_dimension_numbers<[1], [0], [0], [1], [0, 0, 1, 1], [], []>, transpose_lhs_hint = false} : vector<128x32xf32>, vector<32x64xf32>, vector<128x64xf32> -> vector<128x64xf32>
    %swap3A_3053 = arith.constant 178 : index
    %swap3A_3054 = arith.constant 0 : index
    %swap3A_3055 = arith.constant 0 : index
    %swap3A_3056 = vector.load %arg5[%swap3A_3053, %swap3A_3054, %swap3A_3055] : memref<200x128x64xf32, #tpu.memory_space<vmem>>, vector<1x128x64xf32>
    %swap3A_3057 = vector.shape_cast %swap3A_3056 : vector<1x128x64xf32> to vector<128x64xf32>
    %swap3A_3058 = vector.shape_cast %dot_general3A_3052 : vector<128x64xf32> to vector<1x128x64xf32>
    tpu.vector_store %arg5[%swap3A_3053, %swap3A_3054, %swap3A_3055], %swap3A_3058 {strides = array<i32>} : memref<200x128x64xf32, #tpu.memory_space<vmem>>, vector<1x128x64xf32>,
    %get3A_3059 = arith.constant 0 : index
    %get3A_3060 = arith.constant 179 : index
    %get3A_3061 = vector.load %arg6[%get3A_3059, %get3A_3060] : memref<128x200xf32, #tpu.memory_space<vmem>>, vector<128x1xf32>
    %dot_general3A_3062 = arith.constant dense<0.000000e+00> : vector<128x32xf32>
    %dot_general3A_3063 = tpu.matmul %get3A_3061, %broadcast_in_dim3A_16, %dot_general3A_3062 {dimension_numbers = #tpu.dot_dimension_numbers<[1], [0], [0], [1], [0, 0, 1, 1], [], []>, transpose_lhs_hint = false} : vector<128x1xf32>, vector<1x32xf32>, vector<128x32xf32> -> vector<128x32xf32>
    %eq3A_3064 = vector.broadcast %convert_element_type3A_15 : vector<1x32xf32> to vector<128x32xf32>
    %eq3A_3065 = arith.cmpf oeq, %dot_general3A_3063, %eq3A_3064 : vector<128x32xf32>
    %convert_element_type3A_3066 = arith.extui %eq3A_3065 : vector<128x32xi1> to vector<128x32xi32>
    %convert_element_type3A_3067 = arith.sitofp %convert_element_type3A_3066 : vector<128x32xi32> to vector<128x32xf32>
    %dot_general3A_3068 = arith.constant dense<0.000000e+00> : vector<128x64xf32>
    %dot_general3A_3069 = tpu.matmul %convert_element_type3A_3067, %add3A_9, %dot_general3A_3068 {dimension_numbers = #tpu.dot_dimension_numbers<[1], [0], [0], [1], [0, 0, 1, 1], [], []>, transpose_lhs_hint = false} : vector<128x32xf32>, vector<32x64xf32>, vector<128x64xf32> -> vector<128x64xf32>
    %swap3A_3070 = arith.constant 179 : index
    %swap3A_3071 = arith.constant 0 : index
    %swap3A_3072 = arith.constant 0 : index
    %swap3A_3073 = vector.load %arg5[%swap3A_3070, %swap3A_3071, %swap3A_3072] : memref<200x128x64xf32, #tpu.memory_space<vmem>>, vector<1x128x64xf32>
    %swap3A_3074 = vector.shape_cast %swap3A_3073 : vector<1x128x64xf32> to vector<128x64xf32>
    %swap3A_3075 = vector.shape_cast %dot_general3A_3069 : vector<128x64xf32> to vector<1x128x64xf32>
    tpu.vector_store %arg5[%swap3A_3070, %swap3A_3071, %swap3A_3072], %swap3A_3075 {strides = array<i32>} : memref<200x128x64xf32, #tpu.memory_space<vmem>>, vector<1x128x64xf32>,
    %get3A_3076 = arith.constant 0 : index
    %get3A_3077 = arith.constant 180 : index
    %get3A_3078 = vector.load %arg6[%get3A_3076, %get3A_3077] : memref<128x200xf32, #tpu.memory_space<vmem>>, vector<128x1xf32>
    %dot_general3A_3079 = arith.constant dense<0.000000e+00> : vector<128x32xf32>
    %dot_general3A_3080 = tpu.matmul %get3A_3078, %broadcast_in_dim3A_16, %dot_general3A_3079 {dimension_numbers = #tpu.dot_dimension_numbers<[1], [0], [0], [1], [0, 0, 1, 1], [], []>, transpose_lhs_hint = false} : vector<128x1xf32>, vector<1x32xf32>, vector<128x32xf32> -> vector<128x32xf32>
    %eq3A_3081 = vector.broadcast %convert_element_type3A_15 : vector<1x32xf32> to vector<128x32xf32>
    %eq3A_3082 = arith.cmpf oeq, %dot_general3A_3080, %eq3A_3081 : vector<128x32xf32>
    %convert_element_type3A_3083 = arith.extui %eq3A_3082 : vector<128x32xi1> to vector<128x32xi32>
    %convert_element_type3A_3084 = arith.sitofp %convert_element_type3A_3083 : vector<128x32xi32> to vector<128x32xf32>
    %dot_general3A_3085 = arith.constant dense<0.000000e+00> : vector<128x64xf32>
    %dot_general3A_3086 = tpu.matmul %convert_element_type3A_3084, %add3A_9, %dot_general3A_3085 {dimension_numbers = #tpu.dot_dimension_numbers<[1], [0], [0], [1], [0, 0, 1, 1], [], []>, transpose_lhs_hint = false} : vector<128x32xf32>, vector<32x64xf32>, vector<128x64xf32> -> vector<128x64xf32>
    %swap3A_3087 = arith.constant 180 : index
    %swap3A_3088 = arith.constant 0 : index
    %swap3A_3089 = arith.constant 0 : index
    %swap3A_3090 = vector.load %arg5[%swap3A_3087, %swap3A_3088, %swap3A_3089] : memref<200x128x64xf32, #tpu.memory_space<vmem>>, vector<1x128x64xf32>
    %swap3A_3091 = vector.shape_cast %swap3A_3090 : vector<1x128x64xf32> to vector<128x64xf32>
    %swap3A_3092 = vector.shape_cast %dot_general3A_3086 : vector<128x64xf32> to vector<1x128x64xf32>
    tpu.vector_store %arg5[%swap3A_3087, %swap3A_3088, %swap3A_3089], %swap3A_3092 {strides = array<i32>} : memref<200x128x64xf32, #tpu.memory_space<vmem>>, vector<1x128x64xf32>,
    %get3A_3093 = arith.constant 0 : index
    %get3A_3094 = arith.constant 181 : index
    %get3A_3095 = vector.load %arg6[%get3A_3093, %get3A_3094] : memref<128x200xf32, #tpu.memory_space<vmem>>, vector<128x1xf32>
    %dot_general3A_3096 = arith.constant dense<0.000000e+00> : vector<128x32xf32>
    %dot_general3A_3097 = tpu.matmul %get3A_3095, %broadcast_in_dim3A_16, %dot_general3A_3096 {dimension_numbers = #tpu.dot_dimension_numbers<[1], [0], [0], [1], [0, 0, 1, 1], [], []>, transpose_lhs_hint = false} : vector<128x1xf32>, vector<1x32xf32>, vector<128x32xf32> -> vector<128x32xf32>
    %eq3A_3098 = vector.broadcast %convert_element_type3A_15 : vector<1x32xf32> to vector<128x32xf32>
    %eq3A_3099 = arith.cmpf oeq, %dot_general3A_3097, %eq3A_3098 : vector<128x32xf32>
    %convert_element_type3A_3100 = arith.extui %eq3A_3099 : vector<128x32xi1> to vector<128x32xi32>
    %convert_element_type3A_3101 = arith.sitofp %convert_element_type3A_3100 : vector<128x32xi32> to vector<128x32xf32>
    %dot_general3A_3102 = arith.constant dense<0.000000e+00> : vector<128x64xf32>
    %dot_general3A_3103 = tpu.matmul %convert_element_type3A_3101, %add3A_9, %dot_general3A_3102 {dimension_numbers = #tpu.dot_dimension_numbers<[1], [0], [0], [1], [0, 0, 1, 1], [], []>, transpose_lhs_hint = false} : vector<128x32xf32>, vector<32x64xf32>, vector<128x64xf32> -> vector<128x64xf32>
    %swap3A_3104 = arith.constant 181 : index
    %swap3A_3105 = arith.constant 0 : index
    %swap3A_3106 = arith.constant 0 : index
    %swap3A_3107 = vector.load %arg5[%swap3A_3104, %swap3A_3105, %swap3A_3106] : memref<200x128x64xf32, #tpu.memory_space<vmem>>, vector<1x128x64xf32>
    %swap3A_3108 = vector.shape_cast %swap3A_3107 : vector<1x128x64xf32> to vector<128x64xf32>
    %swap3A_3109 = vector.shape_cast %dot_general3A_3103 : vector<128x64xf32> to vector<1x128x64xf32>
    tpu.vector_store %arg5[%swap3A_3104, %swap3A_3105, %swap3A_3106], %swap3A_3109 {strides = array<i32>} : memref<200x128x64xf32, #tpu.memory_space<vmem>>, vector<1x128x64xf32>,
    %get3A_3110 = arith.constant 0 : index
    %get3A_3111 = arith.constant 182 : index
    %get3A_3112 = vector.load %arg6[%get3A_3110, %get3A_3111] : memref<128x200xf32, #tpu.memory_space<vmem>>, vector<128x1xf32>
    %dot_general3A_3113 = arith.constant dense<0.000000e+00> : vector<128x32xf32>
    %dot_general3A_3114 = tpu.matmul %get3A_3112, %broadcast_in_dim3A_16, %dot_general3A_3113 {dimension_numbers = #tpu.dot_dimension_numbers<[1], [0], [0], [1], [0, 0, 1, 1], [], []>, transpose_lhs_hint = false} : vector<128x1xf32>, vector<1x32xf32>, vector<128x32xf32> -> vector<128x32xf32>
    %eq3A_3115 = vector.broadcast %convert_element_type3A_15 : vector<1x32xf32> to vector<128x32xf32>
    %eq3A_3116 = arith.cmpf oeq, %dot_general3A_3114, %eq3A_3115 : vector<128x32xf32>
    %convert_element_type3A_3117 = arith.extui %eq3A_3116 : vector<128x32xi1> to vector<128x32xi32>
    %convert_element_type3A_3118 = arith.sitofp %convert_element_type3A_3117 : vector<128x32xi32> to vector<128x32xf32>
    %dot_general3A_3119 = arith.constant dense<0.000000e+00> : vector<128x64xf32>
    %dot_general3A_3120 = tpu.matmul %convert_element_type3A_3118, %add3A_9, %dot_general3A_3119 {dimension_numbers = #tpu.dot_dimension_numbers<[1], [0], [0], [1], [0, 0, 1, 1], [], []>, transpose_lhs_hint = false} : vector<128x32xf32>, vector<32x64xf32>, vector<128x64xf32> -> vector<128x64xf32>
    %swap3A_3121 = arith.constant 182 : index
    %swap3A_3122 = arith.constant 0 : index
    %swap3A_3123 = arith.constant 0 : index
    %swap3A_3124 = vector.load %arg5[%swap3A_3121, %swap3A_3122, %swap3A_3123] : memref<200x128x64xf32, #tpu.memory_space<vmem>>, vector<1x128x64xf32>
    %swap3A_3125 = vector.shape_cast %swap3A_3124 : vector<1x128x64xf32> to vector<128x64xf32>
    %swap3A_3126 = vector.shape_cast %dot_general3A_3120 : vector<128x64xf32> to vector<1x128x64xf32>
    tpu.vector_store %arg5[%swap3A_3121, %swap3A_3122, %swap3A_3123], %swap3A_3126 {strides = array<i32>} : memref<200x128x64xf32, #tpu.memory_space<vmem>>, vector<1x128x64xf32>,
    %get3A_3127 = arith.constant 0 : index
    %get3A_3128 = arith.constant 183 : index
    %get3A_3129 = vector.load %arg6[%get3A_3127, %get3A_3128] : memref<128x200xf32, #tpu.memory_space<vmem>>, vector<128x1xf32>
    %dot_general3A_3130 = arith.constant dense<0.000000e+00> : vector<128x32xf32>
    %dot_general3A_3131 = tpu.matmul %get3A_3129, %broadcast_in_dim3A_16, %dot_general3A_3130 {dimension_numbers = #tpu.dot_dimension_numbers<[1], [0], [0], [1], [0, 0, 1, 1], [], []>, transpose_lhs_hint = false} : vector<128x1xf32>, vector<1x32xf32>, vector<128x32xf32> -> vector<128x32xf32>
    %eq3A_3132 = vector.broadcast %convert_element_type3A_15 : vector<1x32xf32> to vector<128x32xf32>
    %eq3A_3133 = arith.cmpf oeq, %dot_general3A_3131, %eq3A_3132 : vector<128x32xf32>
    %convert_element_type3A_3134 = arith.extui %eq3A_3133 : vector<128x32xi1> to vector<128x32xi32>
    %convert_element_type3A_3135 = arith.sitofp %convert_element_type3A_3134 : vector<128x32xi32> to vector<128x32xf32>
    %dot_general3A_3136 = arith.constant dense<0.000000e+00> : vector<128x64xf32>
    %dot_general3A_3137 = tpu.matmul %convert_element_type3A_3135, %add3A_9, %dot_general3A_3136 {dimension_numbers = #tpu.dot_dimension_numbers<[1], [0], [0], [1], [0, 0, 1, 1], [], []>, transpose_lhs_hint = false} : vector<128x32xf32>, vector<32x64xf32>, vector<128x64xf32> -> vector<128x64xf32>
    %swap3A_3138 = arith.constant 183 : index
    %swap3A_3139 = arith.constant 0 : index
    %swap3A_3140 = arith.constant 0 : index
    %swap3A_3141 = vector.load %arg5[%swap3A_3138, %swap3A_3139, %swap3A_3140] : memref<200x128x64xf32, #tpu.memory_space<vmem>>, vector<1x128x64xf32>
    %swap3A_3142 = vector.shape_cast %swap3A_3141 : vector<1x128x64xf32> to vector<128x64xf32>
    %swap3A_3143 = vector.shape_cast %dot_general3A_3137 : vector<128x64xf32> to vector<1x128x64xf32>
    tpu.vector_store %arg5[%swap3A_3138, %swap3A_3139, %swap3A_3140], %swap3A_3143 {strides = array<i32>} : memref<200x128x64xf32, #tpu.memory_space<vmem>>, vector<1x128x64xf32>,
    %get3A_3144 = arith.constant 0 : index
    %get3A_3145 = arith.constant 184 : index
    %get3A_3146 = vector.load %arg6[%get3A_3144, %get3A_3145] : memref<128x200xf32, #tpu.memory_space<vmem>>, vector<128x1xf32>
    %dot_general3A_3147 = arith.constant dense<0.000000e+00> : vector<128x32xf32>
    %dot_general3A_3148 = tpu.matmul %get3A_3146, %broadcast_in_dim3A_16, %dot_general3A_3147 {dimension_numbers = #tpu.dot_dimension_numbers<[1], [0], [0], [1], [0, 0, 1, 1], [], []>, transpose_lhs_hint = false} : vector<128x1xf32>, vector<1x32xf32>, vector<128x32xf32> -> vector<128x32xf32>
    %eq3A_3149 = vector.broadcast %convert_element_type3A_15 : vector<1x32xf32> to vector<128x32xf32>
    %eq3A_3150 = arith.cmpf oeq, %dot_general3A_3148, %eq3A_3149 : vector<128x32xf32>
    %convert_element_type3A_3151 = arith.extui %eq3A_3150 : vector<128x32xi1> to vector<128x32xi32>
    %convert_element_type3A_3152 = arith.sitofp %convert_element_type3A_3151 : vector<128x32xi32> to vector<128x32xf32>
    %dot_general3A_3153 = arith.constant dense<0.000000e+00> : vector<128x64xf32>
    %dot_general3A_3154 = tpu.matmul %convert_element_type3A_3152, %add3A_9, %dot_general3A_3153 {dimension_numbers = #tpu.dot_dimension_numbers<[1], [0], [0], [1], [0, 0, 1, 1], [], []>, transpose_lhs_hint = false} : vector<128x32xf32>, vector<32x64xf32>, vector<128x64xf32> -> vector<128x64xf32>
    %swap3A_3155 = arith.constant 184 : index
    %swap3A_3156 = arith.constant 0 : index
    %swap3A_3157 = arith.constant 0 : index
    %swap3A_3158 = vector.load %arg5[%swap3A_3155, %swap3A_3156, %swap3A_3157] : memref<200x128x64xf32, #tpu.memory_space<vmem>>, vector<1x128x64xf32>
    %swap3A_3159 = vector.shape_cast %swap3A_3158 : vector<1x128x64xf32> to vector<128x64xf32>
    %swap3A_3160 = vector.shape_cast %dot_general3A_3154 : vector<128x64xf32> to vector<1x128x64xf32>
    tpu.vector_store %arg5[%swap3A_3155, %swap3A_3156, %swap3A_3157], %swap3A_3160 {strides = array<i32>} : memref<200x128x64xf32, #tpu.memory_space<vmem>>, vector<1x128x64xf32>,
    %get3A_3161 = arith.constant 0 : index
    %get3A_3162 = arith.constant 185 : index
    %get3A_3163 = vector.load %arg6[%get3A_3161, %get3A_3162] : memref<128x200xf32, #tpu.memory_space<vmem>>, vector<128x1xf32>
    %dot_general3A_3164 = arith.constant dense<0.000000e+00> : vector<128x32xf32>
    %dot_general3A_3165 = tpu.matmul %get3A_3163, %broadcast_in_dim3A_16, %dot_general3A_3164 {dimension_numbers = #tpu.dot_dimension_numbers<[1], [0], [0], [1], [0, 0, 1, 1], [], []>, transpose_lhs_hint = false} : vector<128x1xf32>, vector<1x32xf32>, vector<128x32xf32> -> vector<128x32xf32>
    %eq3A_3166 = vector.broadcast %convert_element_type3A_15 : vector<1x32xf32> to vector<128x32xf32>
    %eq3A_3167 = arith.cmpf oeq, %dot_general3A_3165, %eq3A_3166 : vector<128x32xf32>
    %convert_element_type3A_3168 = arith.extui %eq3A_3167 : vector<128x32xi1> to vector<128x32xi32>
    %convert_element_type3A_3169 = arith.sitofp %convert_element_type3A_3168 : vector<128x32xi32> to vector<128x32xf32>
    %dot_general3A_3170 = arith.constant dense<0.000000e+00> : vector<128x64xf32>
    %dot_general3A_3171 = tpu.matmul %convert_element_type3A_3169, %add3A_9, %dot_general3A_3170 {dimension_numbers = #tpu.dot_dimension_numbers<[1], [0], [0], [1], [0, 0, 1, 1], [], []>, transpose_lhs_hint = false} : vector<128x32xf32>, vector<32x64xf32>, vector<128x64xf32> -> vector<128x64xf32>
    %swap3A_3172 = arith.constant 185 : index
    %swap3A_3173 = arith.constant 0 : index
    %swap3A_3174 = arith.constant 0 : index
    %swap3A_3175 = vector.load %arg5[%swap3A_3172, %swap3A_3173, %swap3A_3174] : memref<200x128x64xf32, #tpu.memory_space<vmem>>, vector<1x128x64xf32>
    %swap3A_3176 = vector.shape_cast %swap3A_3175 : vector<1x128x64xf32> to vector<128x64xf32>
    %swap3A_3177 = vector.shape_cast %dot_general3A_3171 : vector<128x64xf32> to vector<1x128x64xf32>
    tpu.vector_store %arg5[%swap3A_3172, %swap3A_3173, %swap3A_3174], %swap3A_3177 {strides = array<i32>} : memref<200x128x64xf32, #tpu.memory_space<vmem>>, vector<1x128x64xf32>,
    %get3A_3178 = arith.constant 0 : index
    %get3A_3179 = arith.constant 186 : index
    %get3A_3180 = vector.load %arg6[%get3A_3178, %get3A_3179] : memref<128x200xf32, #tpu.memory_space<vmem>>, vector<128x1xf32>
    %dot_general3A_3181 = arith.constant dense<0.000000e+00> : vector<128x32xf32>
    %dot_general3A_3182 = tpu.matmul %get3A_3180, %broadcast_in_dim3A_16, %dot_general3A_3181 {dimension_numbers = #tpu.dot_dimension_numbers<[1], [0], [0], [1], [0, 0, 1, 1], [], []>, transpose_lhs_hint = false} : vector<128x1xf32>, vector<1x32xf32>, vector<128x32xf32> -> vector<128x32xf32>
    %eq3A_3183 = vector.broadcast %convert_element_type3A_15 : vector<1x32xf32> to vector<128x32xf32>
    %eq3A_3184 = arith.cmpf oeq, %dot_general3A_3182, %eq3A_3183 : vector<128x32xf32>
    %convert_element_type3A_3185 = arith.extui %eq3A_3184 : vector<128x32xi1> to vector<128x32xi32>
    %convert_element_type3A_3186 = arith.sitofp %convert_element_type3A_3185 : vector<128x32xi32> to vector<128x32xf32>
    %dot_general3A_3187 = arith.constant dense<0.000000e+00> : vector<128x64xf32>
    %dot_general3A_3188 = tpu.matmul %convert_element_type3A_3186, %add3A_9, %dot_general3A_3187 {dimension_numbers = #tpu.dot_dimension_numbers<[1], [0], [0], [1], [0, 0, 1, 1], [], []>, transpose_lhs_hint = false} : vector<128x32xf32>, vector<32x64xf32>, vector<128x64xf32> -> vector<128x64xf32>
    %swap3A_3189 = arith.constant 186 : index
    %swap3A_3190 = arith.constant 0 : index
    %swap3A_3191 = arith.constant 0 : index
    %swap3A_3192 = vector.load %arg5[%swap3A_3189, %swap3A_3190, %swap3A_3191] : memref<200x128x64xf32, #tpu.memory_space<vmem>>, vector<1x128x64xf32>
    %swap3A_3193 = vector.shape_cast %swap3A_3192 : vector<1x128x64xf32> to vector<128x64xf32>
    %swap3A_3194 = vector.shape_cast %dot_general3A_3188 : vector<128x64xf32> to vector<1x128x64xf32>
    tpu.vector_store %arg5[%swap3A_3189, %swap3A_3190, %swap3A_3191], %swap3A_3194 {strides = array<i32>} : memref<200x128x64xf32, #tpu.memory_space<vmem>>, vector<1x128x64xf32>,
    %get3A_3195 = arith.constant 0 : index
    %get3A_3196 = arith.constant 187 : index
    %get3A_3197 = vector.load %arg6[%get3A_3195, %get3A_3196] : memref<128x200xf32, #tpu.memory_space<vmem>>, vector<128x1xf32>
    %dot_general3A_3198 = arith.constant dense<0.000000e+00> : vector<128x32xf32>
    %dot_general3A_3199 = tpu.matmul %get3A_3197, %broadcast_in_dim3A_16, %dot_general3A_3198 {dimension_numbers = #tpu.dot_dimension_numbers<[1], [0], [0], [1], [0, 0, 1, 1], [], []>, transpose_lhs_hint = false} : vector<128x1xf32>, vector<1x32xf32>, vector<128x32xf32> -> vector<128x32xf32>
    %eq3A_3200 = vector.broadcast %convert_element_type3A_15 : vector<1x32xf32> to vector<128x32xf32>
    %eq3A_3201 = arith.cmpf oeq, %dot_general3A_3199, %eq3A_3200 : vector<128x32xf32>
    %convert_element_type3A_3202 = arith.extui %eq3A_3201 : vector<128x32xi1> to vector<128x32xi32>
    %convert_element_type3A_3203 = arith.sitofp %convert_element_type3A_3202 : vector<128x32xi32> to vector<128x32xf32>
    %dot_general3A_3204 = arith.constant dense<0.000000e+00> : vector<128x64xf32>
    %dot_general3A_3205 = tpu.matmul %convert_element_type3A_3203, %add3A_9, %dot_general3A_3204 {dimension_numbers = #tpu.dot_dimension_numbers<[1], [0], [0], [1], [0, 0, 1, 1], [], []>, transpose_lhs_hint = false} : vector<128x32xf32>, vector<32x64xf32>, vector<128x64xf32> -> vector<128x64xf32>
    %swap3A_3206 = arith.constant 187 : index
    %swap3A_3207 = arith.constant 0 : index
    %swap3A_3208 = arith.constant 0 : index
    %swap3A_3209 = vector.load %arg5[%swap3A_3206, %swap3A_3207, %swap3A_3208] : memref<200x128x64xf32, #tpu.memory_space<vmem>>, vector<1x128x64xf32>
    %swap3A_3210 = vector.shape_cast %swap3A_3209 : vector<1x128x64xf32> to vector<128x64xf32>
    %swap3A_3211 = vector.shape_cast %dot_general3A_3205 : vector<128x64xf32> to vector<1x128x64xf32>
    tpu.vector_store %arg5[%swap3A_3206, %swap3A_3207, %swap3A_3208], %swap3A_3211 {strides = array<i32>} : memref<200x128x64xf32, #tpu.memory_space<vmem>>, vector<1x128x64xf32>,
    %get3A_3212 = arith.constant 0 : index
    %get3A_3213 = arith.constant 188 : index
    %get3A_3214 = vector.load %arg6[%get3A_3212, %get3A_3213] : memref<128x200xf32, #tpu.memory_space<vmem>>, vector<128x1xf32>
    %dot_general3A_3215 = arith.constant dense<0.000000e+00> : vector<128x32xf32>
    %dot_general3A_3216 = tpu.matmul %get3A_3214, %broadcast_in_dim3A_16, %dot_general3A_3215 {dimension_numbers = #tpu.dot_dimension_numbers<[1], [0], [0], [1], [0, 0, 1, 1], [], []>, transpose_lhs_hint = false} : vector<128x1xf32>, vector<1x32xf32>, vector<128x32xf32> -> vector<128x32xf32>
    %eq3A_3217 = vector.broadcast %convert_element_type3A_15 : vector<1x32xf32> to vector<128x32xf32>
    %eq3A_3218 = arith.cmpf oeq, %dot_general3A_3216, %eq3A_3217 : vector<128x32xf32>
    %convert_element_type3A_3219 = arith.extui %eq3A_3218 : vector<128x32xi1> to vector<128x32xi32>
    %convert_element_type3A_3220 = arith.sitofp %convert_element_type3A_3219 : vector<128x32xi32> to vector<128x32xf32>
    %dot_general3A_3221 = arith.constant dense<0.000000e+00> : vector<128x64xf32>
    %dot_general3A_3222 = tpu.matmul %convert_element_type3A_3220, %add3A_9, %dot_general3A_3221 {dimension_numbers = #tpu.dot_dimension_numbers<[1], [0], [0], [1], [0, 0, 1, 1], [], []>, transpose_lhs_hint = false} : vector<128x32xf32>, vector<32x64xf32>, vector<128x64xf32> -> vector<128x64xf32>
    %swap3A_3223 = arith.constant 188 : index
    %swap3A_3224 = arith.constant 0 : index
    %swap3A_3225 = arith.constant 0 : index
    %swap3A_3226 = vector.load %arg5[%swap3A_3223, %swap3A_3224, %swap3A_3225] : memref<200x128x64xf32, #tpu.memory_space<vmem>>, vector<1x128x64xf32>
    %swap3A_3227 = vector.shape_cast %swap3A_3226 : vector<1x128x64xf32> to vector<128x64xf32>
    %swap3A_3228 = vector.shape_cast %dot_general3A_3222 : vector<128x64xf32> to vector<1x128x64xf32>
    tpu.vector_store %arg5[%swap3A_3223, %swap3A_3224, %swap3A_3225], %swap3A_3228 {strides = array<i32>} : memref<200x128x64xf32, #tpu.memory_space<vmem>>, vector<1x128x64xf32>,
    %get3A_3229 = arith.constant 0 : index
    %get3A_3230 = arith.constant 189 : index
    %get3A_3231 = vector.load %arg6[%get3A_3229, %get3A_3230] : memref<128x200xf32, #tpu.memory_space<vmem>>, vector<128x1xf32>
    %dot_general3A_3232 = arith.constant dense<0.000000e+00> : vector<128x32xf32>
    %dot_general3A_3233 = tpu.matmul %get3A_3231, %broadcast_in_dim3A_16, %dot_general3A_3232 {dimension_numbers = #tpu.dot_dimension_numbers<[1], [0], [0], [1], [0, 0, 1, 1], [], []>, transpose_lhs_hint = false} : vector<128x1xf32>, vector<1x32xf32>, vector<128x32xf32> -> vector<128x32xf32>
    %eq3A_3234 = vector.broadcast %convert_element_type3A_15 : vector<1x32xf32> to vector<128x32xf32>
    %eq3A_3235 = arith.cmpf oeq, %dot_general3A_3233, %eq3A_3234 : vector<128x32xf32>
    %convert_element_type3A_3236 = arith.extui %eq3A_3235 : vector<128x32xi1> to vector<128x32xi32>
    %convert_element_type3A_3237 = arith.sitofp %convert_element_type3A_3236 : vector<128x32xi32> to vector<128x32xf32>
    %dot_general3A_3238 = arith.constant dense<0.000000e+00> : vector<128x64xf32>
    %dot_general3A_3239 = tpu.matmul %convert_element_type3A_3237, %add3A_9, %dot_general3A_3238 {dimension_numbers = #tpu.dot_dimension_numbers<[1], [0], [0], [1], [0, 0, 1, 1], [], []>, transpose_lhs_hint = false} : vector<128x32xf32>, vector<32x64xf32>, vector<128x64xf32> -> vector<128x64xf32>
    %swap3A_3240 = arith.constant 189 : index
    %swap3A_3241 = arith.constant 0 : index
    %swap3A_3242 = arith.constant 0 : index
    %swap3A_3243 = vector.load %arg5[%swap3A_3240, %swap3A_3241, %swap3A_3242] : memref<200x128x64xf32, #tpu.memory_space<vmem>>, vector<1x128x64xf32>
    %swap3A_3244 = vector.shape_cast %swap3A_3243 : vector<1x128x64xf32> to vector<128x64xf32>
    %swap3A_3245 = vector.shape_cast %dot_general3A_3239 : vector<128x64xf32> to vector<1x128x64xf32>
    tpu.vector_store %arg5[%swap3A_3240, %swap3A_3241, %swap3A_3242], %swap3A_3245 {strides = array<i32>} : memref<200x128x64xf32, #tpu.memory_space<vmem>>, vector<1x128x64xf32>,
    %get3A_3246 = arith.constant 0 : index
    %get3A_3247 = arith.constant 190 : index
    %get3A_3248 = vector.load %arg6[%get3A_3246, %get3A_3247] : memref<128x200xf32, #tpu.memory_space<vmem>>, vector<128x1xf32>
    %dot_general3A_3249 = arith.constant dense<0.000000e+00> : vector<128x32xf32>
    %dot_general3A_3250 = tpu.matmul %get3A_3248, %broadcast_in_dim3A_16, %dot_general3A_3249 {dimension_numbers = #tpu.dot_dimension_numbers<[1], [0], [0], [1], [0, 0, 1, 1], [], []>, transpose_lhs_hint = false} : vector<128x1xf32>, vector<1x32xf32>, vector<128x32xf32> -> vector<128x32xf32>
    %eq3A_3251 = vector.broadcast %convert_element_type3A_15 : vector<1x32xf32> to vector<128x32xf32>
    %eq3A_3252 = arith.cmpf oeq, %dot_general3A_3250, %eq3A_3251 : vector<128x32xf32>
    %convert_element_type3A_3253 = arith.extui %eq3A_3252 : vector<128x32xi1> to vector<128x32xi32>
    %convert_element_type3A_3254 = arith.sitofp %convert_element_type3A_3253 : vector<128x32xi32> to vector<128x32xf32>
    %dot_general3A_3255 = arith.constant dense<0.000000e+00> : vector<128x64xf32>
    %dot_general3A_3256 = tpu.matmul %convert_element_type3A_3254, %add3A_9, %dot_general3A_3255 {dimension_numbers = #tpu.dot_dimension_numbers<[1], [0], [0], [1], [0, 0, 1, 1], [], []>, transpose_lhs_hint = false} : vector<128x32xf32>, vector<32x64xf32>, vector<128x64xf32> -> vector<128x64xf32>
    %swap3A_3257 = arith.constant 190 : index
    %swap3A_3258 = arith.constant 0 : index
    %swap3A_3259 = arith.constant 0 : index
    %swap3A_3260 = vector.load %arg5[%swap3A_3257, %swap3A_3258, %swap3A_3259] : memref<200x128x64xf32, #tpu.memory_space<vmem>>, vector<1x128x64xf32>
    %swap3A_3261 = vector.shape_cast %swap3A_3260 : vector<1x128x64xf32> to vector<128x64xf32>
    %swap3A_3262 = vector.shape_cast %dot_general3A_3256 : vector<128x64xf32> to vector<1x128x64xf32>
    tpu.vector_store %arg5[%swap3A_3257, %swap3A_3258, %swap3A_3259], %swap3A_3262 {strides = array<i32>} : memref<200x128x64xf32, #tpu.memory_space<vmem>>, vector<1x128x64xf32>,
    %get3A_3263 = arith.constant 0 : index
    %get3A_3264 = arith.constant 191 : index
    %get3A_3265 = vector.load %arg6[%get3A_3263, %get3A_3264] : memref<128x200xf32, #tpu.memory_space<vmem>>, vector<128x1xf32>
    %dot_general3A_3266 = arith.constant dense<0.000000e+00> : vector<128x32xf32>
    %dot_general3A_3267 = tpu.matmul %get3A_3265, %broadcast_in_dim3A_16, %dot_general3A_3266 {dimension_numbers = #tpu.dot_dimension_numbers<[1], [0], [0], [1], [0, 0, 1, 1], [], []>, transpose_lhs_hint = false} : vector<128x1xf32>, vector<1x32xf32>, vector<128x32xf32> -> vector<128x32xf32>
    %eq3A_3268 = vector.broadcast %convert_element_type3A_15 : vector<1x32xf32> to vector<128x32xf32>
    %eq3A_3269 = arith.cmpf oeq, %dot_general3A_3267, %eq3A_3268 : vector<128x32xf32>
    %convert_element_type3A_3270 = arith.extui %eq3A_3269 : vector<128x32xi1> to vector<128x32xi32>
    %convert_element_type3A_3271 = arith.sitofp %convert_element_type3A_3270 : vector<128x32xi32> to vector<128x32xf32>
    %dot_general3A_3272 = arith.constant dense<0.000000e+00> : vector<128x64xf32>
    %dot_general3A_3273 = tpu.matmul %convert_element_type3A_3271, %add3A_9, %dot_general3A_3272 {dimension_numbers = #tpu.dot_dimension_numbers<[1], [0], [0], [1], [0, 0, 1, 1], [], []>, transpose_lhs_hint = false} : vector<128x32xf32>, vector<32x64xf32>, vector<128x64xf32> -> vector<128x64xf32>
    %swap3A_3274 = arith.constant 191 : index
    %swap3A_3275 = arith.constant 0 : index
    %swap3A_3276 = arith.constant 0 : index
    %swap3A_3277 = vector.load %arg5[%swap3A_3274, %swap3A_3275, %swap3A_3276] : memref<200x128x64xf32, #tpu.memory_space<vmem>>, vector<1x128x64xf32>
    %swap3A_3278 = vector.shape_cast %swap3A_3277 : vector<1x128x64xf32> to vector<128x64xf32>
    %swap3A_3279 = vector.shape_cast %dot_general3A_3273 : vector<128x64xf32> to vector<1x128x64xf32>
    tpu.vector_store %arg5[%swap3A_3274, %swap3A_3275, %swap3A_3276], %swap3A_3279 {strides = array<i32>} : memref<200x128x64xf32, #tpu.memory_space<vmem>>, vector<1x128x64xf32>,
    %get3A_3280 = arith.constant 0 : index
    %get3A_3281 = arith.constant 192 : index
    %get3A_3282 = vector.load %arg6[%get3A_3280, %get3A_3281] : memref<128x200xf32, #tpu.memory_space<vmem>>, vector<128x1xf32>
    %dot_general3A_3283 = arith.constant dense<0.000000e+00> : vector<128x32xf32>
    %dot_general3A_3284 = tpu.matmul %get3A_3282, %broadcast_in_dim3A_16, %dot_general3A_3283 {dimension_numbers = #tpu.dot_dimension_numbers<[1], [0], [0], [1], [0, 0, 1, 1], [], []>, transpose_lhs_hint = false} : vector<128x1xf32>, vector<1x32xf32>, vector<128x32xf32> -> vector<128x32xf32>
    %eq3A_3285 = vector.broadcast %convert_element_type3A_15 : vector<1x32xf32> to vector<128x32xf32>
    %eq3A_3286 = arith.cmpf oeq, %dot_general3A_3284, %eq3A_3285 : vector<128x32xf32>
    %convert_element_type3A_3287 = arith.extui %eq3A_3286 : vector<128x32xi1> to vector<128x32xi32>
    %convert_element_type3A_3288 = arith.sitofp %convert_element_type3A_3287 : vector<128x32xi32> to vector<128x32xf32>
    %dot_general3A_3289 = arith.constant dense<0.000000e+00> : vector<128x64xf32>
    %dot_general3A_3290 = tpu.matmul %convert_element_type3A_3288, %add3A_9, %dot_general3A_3289 {dimension_numbers = #tpu.dot_dimension_numbers<[1], [0], [0], [1], [0, 0, 1, 1], [], []>, transpose_lhs_hint = false} : vector<128x32xf32>, vector<32x64xf32>, vector<128x64xf32> -> vector<128x64xf32>
    %swap3A_3291 = arith.constant 192 : index
    %swap3A_3292 = arith.constant 0 : index
    %swap3A_3293 = arith.constant 0 : index
    %swap3A_3294 = vector.load %arg5[%swap3A_3291, %swap3A_3292, %swap3A_3293] : memref<200x128x64xf32, #tpu.memory_space<vmem>>, vector<1x128x64xf32>
    %swap3A_3295 = vector.shape_cast %swap3A_3294 : vector<1x128x64xf32> to vector<128x64xf32>
    %swap3A_3296 = vector.shape_cast %dot_general3A_3290 : vector<128x64xf32> to vector<1x128x64xf32>
    tpu.vector_store %arg5[%swap3A_3291, %swap3A_3292, %swap3A_3293], %swap3A_3296 {strides = array<i32>} : memref<200x128x64xf32, #tpu.memory_space<vmem>>, vector<1x128x64xf32>,
    %get3A_3297 = arith.constant 0 : index
    %get3A_3298 = arith.constant 193 : index
    %get3A_3299 = vector.load %arg6[%get3A_3297, %get3A_3298] : memref<128x200xf32, #tpu.memory_space<vmem>>, vector<128x1xf32>
    %dot_general3A_3300 = arith.constant dense<0.000000e+00> : vector<128x32xf32>
    %dot_general3A_3301 = tpu.matmul %get3A_3299, %broadcast_in_dim3A_16, %dot_general3A_3300 {dimension_numbers = #tpu.dot_dimension_numbers<[1], [0], [0], [1], [0, 0, 1, 1], [], []>, transpose_lhs_hint = false} : vector<128x1xf32>, vector<1x32xf32>, vector<128x32xf32> -> vector<128x32xf32>
    %eq3A_3302 = vector.broadcast %convert_element_type3A_15 : vector<1x32xf32> to vector<128x32xf32>
    %eq3A_3303 = arith.cmpf oeq, %dot_general3A_3301, %eq3A_3302 : vector<128x32xf32>
    %convert_element_type3A_3304 = arith.extui %eq3A_3303 : vector<128x32xi1> to vector<128x32xi32>
    %convert_element_type3A_3305 = arith.sitofp %convert_element_type3A_3304 : vector<128x32xi32> to vector<128x32xf32>
    %dot_general3A_3306 = arith.constant dense<0.000000e+00> : vector<128x64xf32>
    %dot_general3A_3307 = tpu.matmul %convert_element_type3A_3305, %add3A_9, %dot_general3A_3306 {dimension_numbers = #tpu.dot_dimension_numbers<[1], [0], [0], [1], [0, 0, 1, 1], [], []>, transpose_lhs_hint = false} : vector<128x32xf32>, vector<32x64xf32>, vector<128x64xf32> -> vector<128x64xf32>
    %swap3A_3308 = arith.constant 193 : index
    %swap3A_3309 = arith.constant 0 : index
    %swap3A_3310 = arith.constant 0 : index
    %swap3A_3311 = vector.load %arg5[%swap3A_3308, %swap3A_3309, %swap3A_3310] : memref<200x128x64xf32, #tpu.memory_space<vmem>>, vector<1x128x64xf32>
    %swap3A_3312 = vector.shape_cast %swap3A_3311 : vector<1x128x64xf32> to vector<128x64xf32>
    %swap3A_3313 = vector.shape_cast %dot_general3A_3307 : vector<128x64xf32> to vector<1x128x64xf32>
    tpu.vector_store %arg5[%swap3A_3308, %swap3A_3309, %swap3A_3310], %swap3A_3313 {strides = array<i32>} : memref<200x128x64xf32, #tpu.memory_space<vmem>>, vector<1x128x64xf32>,
    %get3A_3314 = arith.constant 0 : index
    %get3A_3315 = arith.constant 194 : index
    %get3A_3316 = vector.load %arg6[%get3A_3314, %get3A_3315] : memref<128x200xf32, #tpu.memory_space<vmem>>, vector<128x1xf32>
    %dot_general3A_3317 = arith.constant dense<0.000000e+00> : vector<128x32xf32>
    %dot_general3A_3318 = tpu.matmul %get3A_3316, %broadcast_in_dim3A_16, %dot_general3A_3317 {dimension_numbers = #tpu.dot_dimension_numbers<[1], [0], [0], [1], [0, 0, 1, 1], [], []>, transpose_lhs_hint = false} : vector<128x1xf32>, vector<1x32xf32>, vector<128x32xf32> -> vector<128x32xf32>
    %eq3A_3319 = vector.broadcast %convert_element_type3A_15 : vector<1x32xf32> to vector<128x32xf32>
    %eq3A_3320 = arith.cmpf oeq, %dot_general3A_3318, %eq3A_3319 : vector<128x32xf32>
    %convert_element_type3A_3321 = arith.extui %eq3A_3320 : vector<128x32xi1> to vector<128x32xi32>
    %convert_element_type3A_3322 = arith.sitofp %convert_element_type3A_3321 : vector<128x32xi32> to vector<128x32xf32>
    %dot_general3A_3323 = arith.constant dense<0.000000e+00> : vector<128x64xf32>
    %dot_general3A_3324 = tpu.matmul %convert_element_type3A_3322, %add3A_9, %dot_general3A_3323 {dimension_numbers = #tpu.dot_dimension_numbers<[1], [0], [0], [1], [0, 0, 1, 1], [], []>, transpose_lhs_hint = false} : vector<128x32xf32>, vector<32x64xf32>, vector<128x64xf32> -> vector<128x64xf32>
    %swap3A_3325 = arith.constant 194 : index
    %swap3A_3326 = arith.constant 0 : index
    %swap3A_3327 = arith.constant 0 : index
    %swap3A_3328 = vector.load %arg5[%swap3A_3325, %swap3A_3326, %swap3A_3327] : memref<200x128x64xf32, #tpu.memory_space<vmem>>, vector<1x128x64xf32>
    %swap3A_3329 = vector.shape_cast %swap3A_3328 : vector<1x128x64xf32> to vector<128x64xf32>
    %swap3A_3330 = vector.shape_cast %dot_general3A_3324 : vector<128x64xf32> to vector<1x128x64xf32>
    tpu.vector_store %arg5[%swap3A_3325, %swap3A_3326, %swap3A_3327], %swap3A_3330 {strides = array<i32>} : memref<200x128x64xf32, #tpu.memory_space<vmem>>, vector<1x128x64xf32>,
    %get3A_3331 = arith.constant 0 : index
    %get3A_3332 = arith.constant 195 : index
    %get3A_3333 = vector.load %arg6[%get3A_3331, %get3A_3332] : memref<128x200xf32, #tpu.memory_space<vmem>>, vector<128x1xf32>
    %dot_general3A_3334 = arith.constant dense<0.000000e+00> : vector<128x32xf32>
    %dot_general3A_3335 = tpu.matmul %get3A_3333, %broadcast_in_dim3A_16, %dot_general3A_3334 {dimension_numbers = #tpu.dot_dimension_numbers<[1], [0], [0], [1], [0, 0, 1, 1], [], []>, transpose_lhs_hint = false} : vector<128x1xf32>, vector<1x32xf32>, vector<128x32xf32> -> vector<128x32xf32>
    %eq3A_3336 = vector.broadcast %convert_element_type3A_15 : vector<1x32xf32> to vector<128x32xf32>
    %eq3A_3337 = arith.cmpf oeq, %dot_general3A_3335, %eq3A_3336 : vector<128x32xf32>
    %convert_element_type3A_3338 = arith.extui %eq3A_3337 : vector<128x32xi1> to vector<128x32xi32>
    %convert_element_type3A_3339 = arith.sitofp %convert_element_type3A_3338 : vector<128x32xi32> to vector<128x32xf32>
    %dot_general3A_3340 = arith.constant dense<0.000000e+00> : vector<128x64xf32>
    %dot_general3A_3341 = tpu.matmul %convert_element_type3A_3339, %add3A_9, %dot_general3A_3340 {dimension_numbers = #tpu.dot_dimension_numbers<[1], [0], [0], [1], [0, 0, 1, 1], [], []>, transpose_lhs_hint = false} : vector<128x32xf32>, vector<32x64xf32>, vector<128x64xf32> -> vector<128x64xf32>
    %swap3A_3342 = arith.constant 195 : index
    %swap3A_3343 = arith.constant 0 : index
    %swap3A_3344 = arith.constant 0 : index
    %swap3A_3345 = vector.load %arg5[%swap3A_3342, %swap3A_3343, %swap3A_3344] : memref<200x128x64xf32, #tpu.memory_space<vmem>>, vector<1x128x64xf32>
    %swap3A_3346 = vector.shape_cast %swap3A_3345 : vector<1x128x64xf32> to vector<128x64xf32>
    %swap3A_3347 = vector.shape_cast %dot_general3A_3341 : vector<128x64xf32> to vector<1x128x64xf32>
    tpu.vector_store %arg5[%swap3A_3342, %swap3A_3343, %swap3A_3344], %swap3A_3347 {strides = array<i32>} : memref<200x128x64xf32, #tpu.memory_space<vmem>>, vector<1x128x64xf32>,
    %get3A_3348 = arith.constant 0 : index
    %get3A_3349 = arith.constant 196 : index
    %get3A_3350 = vector.load %arg6[%get3A_3348, %get3A_3349] : memref<128x200xf32, #tpu.memory_space<vmem>>, vector<128x1xf32>
    %dot_general3A_3351 = arith.constant dense<0.000000e+00> : vector<128x32xf32>
    %dot_general3A_3352 = tpu.matmul %get3A_3350, %broadcast_in_dim3A_16, %dot_general3A_3351 {dimension_numbers = #tpu.dot_dimension_numbers<[1], [0], [0], [1], [0, 0, 1, 1], [], []>, transpose_lhs_hint = false} : vector<128x1xf32>, vector<1x32xf32>, vector<128x32xf32> -> vector<128x32xf32>
    %eq3A_3353 = vector.broadcast %convert_element_type3A_15 : vector<1x32xf32> to vector<128x32xf32>
    %eq3A_3354 = arith.cmpf oeq, %dot_general3A_3352, %eq3A_3353 : vector<128x32xf32>
    %convert_element_type3A_3355 = arith.extui %eq3A_3354 : vector<128x32xi1> to vector<128x32xi32>
    %convert_element_type3A_3356 = arith.sitofp %convert_element_type3A_3355 : vector<128x32xi32> to vector<128x32xf32>
    %dot_general3A_3357 = arith.constant dense<0.000000e+00> : vector<128x64xf32>
    %dot_general3A_3358 = tpu.matmul %convert_element_type3A_3356, %add3A_9, %dot_general3A_3357 {dimension_numbers = #tpu.dot_dimension_numbers<[1], [0], [0], [1], [0, 0, 1, 1], [], []>, transpose_lhs_hint = false} : vector<128x32xf32>, vector<32x64xf32>, vector<128x64xf32> -> vector<128x64xf32>
    %swap3A_3359 = arith.constant 196 : index
    %swap3A_3360 = arith.constant 0 : index
    %swap3A_3361 = arith.constant 0 : index
    %swap3A_3362 = vector.load %arg5[%swap3A_3359, %swap3A_3360, %swap3A_3361] : memref<200x128x64xf32, #tpu.memory_space<vmem>>, vector<1x128x64xf32>
    %swap3A_3363 = vector.shape_cast %swap3A_3362 : vector<1x128x64xf32> to vector<128x64xf32>
    %swap3A_3364 = vector.shape_cast %dot_general3A_3358 : vector<128x64xf32> to vector<1x128x64xf32>
    tpu.vector_store %arg5[%swap3A_3359, %swap3A_3360, %swap3A_3361], %swap3A_3364 {strides = array<i32>} : memref<200x128x64xf32, #tpu.memory_space<vmem>>, vector<1x128x64xf32>,
    %get3A_3365 = arith.constant 0 : index
    %get3A_3366 = arith.constant 197 : index
    %get3A_3367 = vector.load %arg6[%get3A_3365, %get3A_3366] : memref<128x200xf32, #tpu.memory_space<vmem>>, vector<128x1xf32>
    %dot_general3A_3368 = arith.constant dense<0.000000e+00> : vector<128x32xf32>
    %dot_general3A_3369 = tpu.matmul %get3A_3367, %broadcast_in_dim3A_16, %dot_general3A_3368 {dimension_numbers = #tpu.dot_dimension_numbers<[1], [0], [0], [1], [0, 0, 1, 1], [], []>, transpose_lhs_hint = false} : vector<128x1xf32>, vector<1x32xf32>, vector<128x32xf32> -> vector<128x32xf32>
    %eq3A_3370 = vector.broadcast %convert_element_type3A_15 : vector<1x32xf32> to vector<128x32xf32>
    %eq3A_3371 = arith.cmpf oeq, %dot_general3A_3369, %eq3A_3370 : vector<128x32xf32>
    %convert_element_type3A_3372 = arith.extui %eq3A_3371 : vector<128x32xi1> to vector<128x32xi32>
    %convert_element_type3A_3373 = arith.sitofp %convert_element_type3A_3372 : vector<128x32xi32> to vector<128x32xf32>
    %dot_general3A_3374 = arith.constant dense<0.000000e+00> : vector<128x64xf32>
    %dot_general3A_3375 = tpu.matmul %convert_element_type3A_3373, %add3A_9, %dot_general3A_3374 {dimension_numbers = #tpu.dot_dimension_numbers<[1], [0], [0], [1], [0, 0, 1, 1], [], []>, transpose_lhs_hint = false} : vector<128x32xf32>, vector<32x64xf32>, vector<128x64xf32> -> vector<128x64xf32>
    %swap3A_3376 = arith.constant 197 : index
    %swap3A_3377 = arith.constant 0 : index
    %swap3A_3378 = arith.constant 0 : index
    %swap3A_3379 = vector.load %arg5[%swap3A_3376, %swap3A_3377, %swap3A_3378] : memref<200x128x64xf32, #tpu.memory_space<vmem>>, vector<1x128x64xf32>
    %swap3A_3380 = vector.shape_cast %swap3A_3379 : vector<1x128x64xf32> to vector<128x64xf32>
    %swap3A_3381 = vector.shape_cast %dot_general3A_3375 : vector<128x64xf32> to vector<1x128x64xf32>
    tpu.vector_store %arg5[%swap3A_3376, %swap3A_3377, %swap3A_3378], %swap3A_3381 {strides = array<i32>} : memref<200x128x64xf32, #tpu.memory_space<vmem>>, vector<1x128x64xf32>,
    %get3A_3382 = arith.constant 0 : index
    %get3A_3383 = arith.constant 198 : index
    %get3A_3384 = vector.load %arg6[%get3A_3382, %get3A_3383] : memref<128x200xf32, #tpu.memory_space<vmem>>, vector<128x1xf32>
    %dot_general3A_3385 = arith.constant dense<0.000000e+00> : vector<128x32xf32>
    %dot_general3A_3386 = tpu.matmul %get3A_3384, %broadcast_in_dim3A_16, %dot_general3A_3385 {dimension_numbers = #tpu.dot_dimension_numbers<[1], [0], [0], [1], [0, 0, 1, 1], [], []>, transpose_lhs_hint = false} : vector<128x1xf32>, vector<1x32xf32>, vector<128x32xf32> -> vector<128x32xf32>
    %eq3A_3387 = vector.broadcast %convert_element_type3A_15 : vector<1x32xf32> to vector<128x32xf32>
    %eq3A_3388 = arith.cmpf oeq, %dot_general3A_3386, %eq3A_3387 : vector<128x32xf32>
    %convert_element_type3A_3389 = arith.extui %eq3A_3388 : vector<128x32xi1> to vector<128x32xi32>
    %convert_element_type3A_3390 = arith.sitofp %convert_element_type3A_3389 : vector<128x32xi32> to vector<128x32xf32>
    %dot_general3A_3391 = arith.constant dense<0.000000e+00> : vector<128x64xf32>
    %dot_general3A_3392 = tpu.matmul %convert_element_type3A_3390, %add3A_9, %dot_general3A_3391 {dimension_numbers = #tpu.dot_dimension_numbers<[1], [0], [0], [1], [0, 0, 1, 1], [], []>, transpose_lhs_hint = false} : vector<128x32xf32>, vector<32x64xf32>, vector<128x64xf32> -> vector<128x64xf32>
    %swap3A_3393 = arith.constant 198 : index
    %swap3A_3394 = arith.constant 0 : index
    %swap3A_3395 = arith.constant 0 : index
    %swap3A_3396 = vector.load %arg5[%swap3A_3393, %swap3A_3394, %swap3A_3395] : memref<200x128x64xf32, #tpu.memory_space<vmem>>, vector<1x128x64xf32>
    %swap3A_3397 = vector.shape_cast %swap3A_3396 : vector<1x128x64xf32> to vector<128x64xf32>
    %swap3A_3398 = vector.shape_cast %dot_general3A_3392 : vector<128x64xf32> to vector<1x128x64xf32>
    tpu.vector_store %arg5[%swap3A_3393, %swap3A_3394, %swap3A_3395], %swap3A_3398 {strides = array<i32>} : memref<200x128x64xf32, #tpu.memory_space<vmem>>, vector<1x128x64xf32>,
    %get3A_3399 = arith.constant 0 : index
    %get3A_3400 = arith.constant 199 : index
    %get3A_3401 = vector.load %arg6[%get3A_3399, %get3A_3400] : memref<128x200xf32, #tpu.memory_space<vmem>>, vector<128x1xf32>
    %dot_general3A_3402 = arith.constant dense<0.000000e+00> : vector<128x32xf32>
    %dot_general3A_3403 = tpu.matmul %get3A_3401, %broadcast_in_dim3A_16, %dot_general3A_3402 {dimension_numbers = #tpu.dot_dimension_numbers<[1], [0], [0], [1], [0, 0, 1, 1], [], []>, transpose_lhs_hint = false} : vector<128x1xf32>, vector<1x32xf32>, vector<128x32xf32> -> vector<128x32xf32>
    %eq3A_3404 = vector.broadcast %convert_element_type3A_15 : vector<1x32xf32> to vector<128x32xf32>
    %eq3A_3405 = arith.cmpf oeq, %dot_general3A_3403, %eq3A_3404 : vector<128x32xf32>
    %convert_element_type3A_3406 = arith.extui %eq3A_3405 : vector<128x32xi1> to vector<128x32xi32>
    %convert_element_type3A_3407 = arith.sitofp %convert_element_type3A_3406 : vector<128x32xi32> to vector<128x32xf32>
    %dot_general3A_3408 = arith.constant dense<0.000000e+00> : vector<128x64xf32>
    %dot_general3A_3409 = tpu.matmul %convert_element_type3A_3407, %add3A_9, %dot_general3A_3408 {dimension_numbers = #tpu.dot_dimension_numbers<[1], [0], [0], [1], [0, 0, 1, 1], [], []>, transpose_lhs_hint = false} : vector<128x32xf32>, vector<32x64xf32>, vector<128x64xf32> -> vector<128x64xf32>
    %swap3A_3410 = arith.constant 199 : index
    %swap3A_3411 = arith.constant 0 : index
    %swap3A_3412 = arith.constant 0 : index
    %swap3A_3413 = vector.load %arg5[%swap3A_3410, %swap3A_3411, %swap3A_3412] : memref<200x128x64xf32, #tpu.memory_space<vmem>>, vector<1x128x64xf32>
    %swap3A_3414 = vector.shape_cast %swap3A_3413 : vector<1x128x64xf32> to vector<128x64xf32>
    %swap3A_3415 = vector.shape_cast %dot_general3A_3409 : vector<128x64xf32> to vector<1x128x64xf32>
    tpu.vector_store %arg5[%swap3A_3410, %swap3A_3411, %swap3A_3412], %swap3A_3415 {strides = array<i32>} : memref<200x128x64xf32, #tpu.memory_space<vmem>>, vector<1x128x64xf32>,
    return
  }
  func.func @transform_0(%arg0: i32) -> (i32, i32) {
    %c0_i32 = arith.constant 0 : i32
    %c0_i32_0 = arith.constant 0 : i32
    return %arg0, %c0_i32 : i32, i32
  }
  func.func @transform_1(%arg0: i32) -> (i32, i32) {
    %c0_i32 = arith.constant 0 : i32
    %c0_i32_0 = arith.constant 0 : i32
    %c0_i32_1 = arith.constant 0 : i32
    return %c0_i32, %c0_i32_0 : i32, i32
  }
  func.func @transform_2(%arg0: i32) -> (i32, i32) {
    %c0_i32 = arith.constant 0 : i32
    %c0_i32_0 = arith.constant 0 : i32
    %c0_i32_1 = arith.constant 0 : i32
    return %c0_i32, %c0_i32_0 : i32, i32
  }
  func.func @transform_3(%arg0: i32) -> (i32, i32) {
    %c0_i32 = arith.constant 0 : i32
    %c0_i32_0 = arith.constant 0 : i32
    %c0_i32_1 = arith.constant 0 : i32
    return %c0_i32, %c0_i32_0 : i32, i32
  }
  func.func @transform_4(%arg0: i32) -> (i32, i32, i32) {
    %c0_i32 = arith.constant 0 : i32
    %c0_i32_0 = arith.constant 0 : i32
    %c0_i32_1 = arith.constant 0 : i32
    return %arg0, %c0_i32, %c0_i32_0 : i32, i32, i32
  }
}

</mosaic_0001>

<sc_bundles>
// kernel: sparse-core-data-format-call.cloned.1.call-start
scs
called_computation_lowered:
.L_overlay_start_0:
0x0: {  	s2 =	sld [smem:$0x3FD9]  }
0x1: {  	s3 =	sld [smem:$0x3FFE];
	_ =	sdelay $0x1  }
0x2: {  	s1 =	srdreg.scid  }
0x3: {  	s0 =	sand.u32 $0x1, s1  }
0x4: {  	s18 =	sshll.u32 s0, $0xA;
	s2 =	sadd.s32 s3, s2  }
0x5: {  	s2 =	sadd.s32 s2, s18  }
0x6: {  	[smem:$0x3FC4] =	sst s2  }
0x7: {  	_ = 	snop  }
0x8: {  	s2 =	sld [smem:$0x3FD0];
	(tm) =	ssettm $0x1  }
0x9: {  	s19 =	sld [smem:$0x3FFB];
	_ =	sdelay $0x3  }
0xa: {  	_ =	strace s19  }
0xb: {  	s3 =	sld [smem:$0x3FFC];
	_ =	sdelay $0x3  }
0xc: {  	_ =	strace s3  }
0xd: {  	s3 =	sld [smem:$0x3FFD];
	_ =	sdelay $0x3  }
0xe: {  	_ =	strace s3  }
0xf: {  	_ =	strace $0x8FFFFFFF  }
0x10: {  	s20 =	sld [smem:$0x3FDB];
	_ =	sdelay $0x1  }
0x11: {  	s4 =	simm.s32 $_scs_section_size  }
0x12: {  	s5 =	simm.s32 $_size__tile_overlayer_lowered;
	s6 =	simm.s32 $_tile_overlayer_lowered  }
0x13: {  	s23 =	simm.s32 $0x1BFF;
	s22 =	sshll.u32 s6, $0x1;
	s3 =	sadd.s32 s4, s20  }
0x14: {  	s7 =	simm.s32 $0x0;
	s21 =	sshll.u32 s5, $0x1;
	s5 =	sadd.s32 s22, s3  }
0x15: {  	[timem:s7], [sflag:s23] =	dma.local [hbm:s5], s21  }
0x16: {  	_ =	swait.ge [sflag:s23], s21  }
0x17: {  	s4 =	ssub.s32 $0x0, s21;
	[sflag:s23] =	ssyncset.done $0x0  }
0x18: {  	[sflag:s23] =	ssyncadd.s32 s4;
	_ =	sdelay $0x1  }
0x19: {  	s24 =	simm.s32 $0x1B8B  }
0x1a: {  	_ =	swait.ge [sflag:s24], $0x1  }
0x1b: {  	[sflag:s24] =	ssyncset.done $0x0  }
0x1c: {  	s26 =	simm.s32 $0x1B8E;
	s25 =	sld [smem:$0x3FFE];
	[sflag:s24] =	ssyncadd.s32 $0xFFFFFFFF  }
0x1d: {  	s27 =	simm.s32 $execute0_lowered;
	[smem:$0x3FD2] =	sst s26  }
0x1e: {  	s5 =	sshll.u32 s27, $0x1;
	_ =	strace $0x80000046;
	[dreg:$0x1] =	wrdreg $0xFFFFFFFF  }
0x1f: {  	s28 =	simm.s32 $_size_execute0_lowered;
	s3 =	sadd.s32 s3, s5;
	[dreg:$0x0] =	wrdreg $0x0  }
0x20: {  	s5 =	sshll.u32 s28, $0x1;
	[dreg:$0x2] =	wrdreg s3  }
0x21: {  	[dreg:$0x3] =	wrdreg s5  }
0x22: {  	[dreg:$0x4] =	wrdreg $0xC0  }
0x23: {  	_ =	task [dreg:s7], $0x5FFFF  }
0x24: {  	[dreg:$0x1] =	wrdreg $0xFFFFFFFF  }
0x25: {  	[dreg:$0x0] =	wrdreg $0x60  }
0x26: {  	[dreg:$0x2] =	wrdreg s25  }
0x27: {  	[dreg:$0x3] =	wrdreg s2  }
0x28: {  	[dreg:$0x4] =	wrdreg $0x9  }
0x29: {  	_ =	task.clear_ibuf [dreg:s7], $0x5FFFF;
	_ =	strace $0x90000046  }
0x2a: {  	s29 =	simm.s32 $0x9;
	_ =	strace $0x80000048  }
0x2b: {  	_ =	swait.ge [sflag:s29], $0x1  }
0x2c: {  	[sflag:s29] =	ssyncadd.s32 $0xFFFFFFFF  }
0x2d: {  	_ =	strace $0x90000048  }
0x2e: {  	_ =	sfence  }
0x2f: {  	s30 =	sld [smem:$0x0];
	_ =	sdelay $0x2  }
0x30: {  	s31 =	sshll.u32 s1, $0xD;
	s1 =	sshrl.u32 s1, $0x2  }
0x31: {  	s3 =	sand.u32 $0x4000, s31;
	s1 =	sadd.s32 s1, s30  }
0x32: {  	s0 =	sor.u32 s3, s0;
	s1 =	sshll.u32 s1, $0x11  }
0x33: {  	s0 =	sor.u32 s1, s0  }
0x34: {  	s0 =	sadd.s32 $0x8F2B, s0  }
0x35: {  	[sflag:s0] =	ssyncadd.remote.s32 $0x1  }
0x36: {  	_ =	sfence.sel $0xFFFF  }
0x37: {  	[dreg:$0x0] =	wrdreg $0xFFFFFFFF;
	(pc) =	sbr.abs _section_cstart, $3  }
0x38: {  	[dreg:$0x1] =	wrdreg $0xFFFFFFFF  }
0x39: {  	_ =	task.clear_ibuf [dreg:s7], $0x2FFFF;
	_ =	strace $0x9FFFFFFF  }
0x3a: {  	(tm) =	ssettm $0x7FFFFFFF  }
0x3b: {  	_ =	shalt  }
tec
execute0_lowered:
.L_overlay_start_1:
0x0: {  	(tag) =	ssettag $0x1  }
0x1: {  	s0 =	srdreg.scid  }
0x2: {  	s1 =	sshll.u32 s0, $0x4  }
0x3: {  	s0 =	stileid.u32;
	s1 =	sand.u32 $0x10, s1  }
0x4: {  	s1 =	sor.u32 s0, s1  }
0x5: {  	s6 =	rddreg [dreg:$0x0];
	s4 =	simm.s32 $0x1;
	s2 =	sshll.u32 s1, $0x7  }
0x6: {  	s7 =	simm.s32 $0x2;
	s12 =	simm.s32 $0x0;
	s1 =	ssub.s32 $0x1000, s2  }
0x7: {  	s8 =	simm.s32 $0x8000;
	s13 =	simm.s32 $0x0;
	s3 =	sand.u32 $0xF80, s1  }
0x8: {  	s9 =	simm.s32 $0x0;
	s5 =	sshrl.u32 s1, $0xC;
	p0 =	sne.s32 s3, $0x0  }
.Ltmp0:
0x9: {  	s1 =	rddreg [dreg:$0x2];
	s4 =	simm.s32 @!p0 $0x0;
	(pc) =	sbr.rel .LBB1_1-.Ltmp0, $4  }
0xa: {  	s11 =	simm.s32 $0x0;
	s3 =	rddreg [dreg:$0x1];
	s5 =	sadd.s32 s4, s5  }
0xb: {  	_ =	strace $0x80000047;
	s4 =	simm.s32 $0x1;
	s5 =	smul.u32 $0xC8, s5  }
0xc: {  	s6 =	sadd.s32 $0x800, s6;
	s10 =	smov.u32 s2;
	[sflag:s4] =	ssyncpa.u1 $0x0  }
0xd: {  	p0 =	por $0x0, $0x0;
	[sflag:s7] =	ssyncpa.u1 $0x0;
	s7 =	sor.u32 $0x1, s5  }
.LBB1_4:
0xe: {  	s16 =	sshll.u32 s13, $0x3;
	s17 =	sand.u32 $0x78, s13  }
0xf: {  	s30 =	sand.u32 $0x7E00, s13;
	s12 =	sshll.u32 s12, $0xF;
	s16 =	sand.u32 $0xC00, s16  }
0x10: {  	[tilespmem:s15+$0x810 ss:$0x81] =	vst.msk $0xffff, v2;
	s31 =	sand.u32 $0x7, s13;
	s16 =	sor.u32 s17, s16;
	s17 =	sadd.s32 s3, s30  }
0x11: {  	[tilespmem:s15+$0x1020 ss:$0x81] =	vst.msk $0xffff, v0;
	s13 =	sshll.u32 s31, $0x12;
	s12 =	sadd.s32 s12, s17;
	s16 =	sshrl.u32 s16, $0x3  }
0x12: {  	[tilespmem:s15+$0x0 ss:$0x81] =	vst.msk $0xffff, v1;
	s13 =	sor.u32 $0x400, s13;
	s12 =	sadd.s32 s16, s12  }
0x13: {  	[hbm4b:s12+s13] =	stream.strided.scatter [tilespmem:s14], [sflag:$0x2], $0x2000, s8, s13, $0x20;
	[tilespmem:$0x8080] =	vst v63  }
.LBB1_5:
0x14: {  	s14 =	sadd.s32 $0x1, s9  }
0x15: {  	s12 =	sadd.s32 $0x1000, s10;
	s16 =	smov.u32 s10;
	p2 =	sgt.s32 s14, $0xC7  }
0x16: {  	s16 =	smov.u32 @p2 s12  }
0x17: {  	s14 =	simm.s32 @p2 $0x0;
	p2 =	sgt.s32 s16, $0xFFF  }
0x18: {  	s16 =	smov.u32 @p2 s2;
	p2 =	sne.s32 s11, s7  }
.Ltmp1:
0x19: {  	p1 =	slt.u32 s11, $0x2;
	(pc) =	sbr.rel @!p2 .LBB1_6-.Ltmp1, $4  }
0x1a: {  	s15 =	simm.s32 @!p1 $0x2  }
0x1b: {  	s13 =	smov.u32 s10;
	p0 =	por !p0, !p0;
	_ =	swait.ge @!p1 [sflag:s15], $0x2000  }
0x1c: {  	s12 =	smov.u32 s9;
	[sflag:s15] =	ssyncset.done @!p1 $0x0;
	s9 =	smov.u32 s14  }
0x1d: {  	s11 =	sadd.s32 $0x1, s11;
	[sflag:s15] =	ssyncadd.s32 @!p1 $0xFFFFE000;
	s10 =	smov.u32 s16  }
.LBB1_1:
0x1e: {  	p1 =	sge.u32 s11, s5  }
0x1f: {  	s14 =	sand.u32 @!p1 $0x1FFFFFF, s9  }
0x20: {  	s15 =	smulhi.u32 @!p1 $0x147AE15, s14;
	_ =	sdelay $0x1  }
0x21: {  	s15 =	smul.u32 @!p1 $0xC8, s15  }
0x22: {  	s16 =	sxor.u32 @!p1 $0xFFFFFFFF, s11;
	s17 =	smul.u32 @!p1 $0xC80, s10  }
0x23: {  	s31 =	sadd.s32 $0xFFFFFFFF, s11;
	s16 =	sshll.u32 @!p1 s16, $0xD;
	s14 =	ssub.s32 @!p1 s14, s15  }
0x24: {  	s15 =	sand.u32 @!p1 $0x2000, s16;
	s16 =	sadd.s32 @!p1 s6, s17;
	s14 =	sshll.u32 @!p1 s14, $0x4  }
0x25: {  	s17 =	simm.s32 @!p1 $0x6400;
	s14 =	sadd.s32 @!p1 s14, s16;
	s16 =	simm.s32 @!p1 $0x40  }
0x26: {  	[tilespmem:s15], [sflag:$0x1] =	stream.strided.gather @!p1 [hbm4b:s14+s16], $0x2000, s17, s16, $0x38;
	[tilespmem:$0x8080] =	vst v63  }
0x27: {  	p1 =	sge.u32 s31, s5  }
.Ltmp2:
0x28: {  	_ = 	snop;
	(pc) =	sbr.rel @p1 .LBB1_5-.Ltmp2, $1  }
0x29: {  	_ =	sdelay $0x3  }
0x2a: {  	s14 =	simm.s32 $0x1  }
0x2b: {  	_ =	swait.ge [sflag:s4], $0x2000;
	s14 =	simm.s32 @!p0 $0x0  }
0x2c: {  	[sflag:s4] =	ssyncset.done $0x0;
	s15 =	sshll.u32 s14, $0xD  }
0x2d: {  	[sflag:s4] =	ssyncadd.s32 $0xFFFFE000;
	s18 =	sor.u32 $0x20, s15  }
0x2e: {  	s14 =	smul.u32 $0x8100, s14;
	v3 =	vld [tilespmem:s18+$0x10]  }
0x2f: {  	s30 =	sand.u32 $0x1, s11;
	v2 =	vld [tilespmem:s18+$0xFFFFFFF0]  }
0x30: {  	s15 =	smul.u32 $0x8100, s30;
	s14 =	sshrl.u32 s14, $0x2;
	v0 =	vld [tilespmem:s18+$0x0]  }
0x31: {  	v1 =	vld [tilespmem:s18+$0xFFFFFFE0];
	s16 =	sor.u32 $0x4000, s14  }
0x32: {  	s31 =	sshrl.u32 s15, $0x2;
	s15 =	sadd.s32 $0x0, s16  }
0x33: {  	s17 =	simm.s32 $0x4;
	s18 =	sadd.s32 $0x40, s18;
	s14 =	sor.u32 $0x4000, s31;
	[tilespmem:s15+$0x1830 ss:$0x81] =	vst.msk $0xffff, v3  }
.LBB1_3:
0x34: {  	v3 =	vld [tilespmem:s18+$0x10];
	p1 =	sne.s32 s17, $0x1FC;
	[tilespmem:s15+$0x810 ss:$0x81] =	vst.msk $0xffff, v2;
	s19 =	smov.u32 s17;
	s17 =	sadd.s32 $0x4, s17  }
.Ltmp3:
0x35: {  	v2 =	vld [tilespmem:s18+$0xFFFFFFF0];
	[tilespmem:s15+$0x1020 ss:$0x81] =	vst.msk $0xffff, v0;
	(pc) =	sbr.rel @p1 .LBB1_3-.Ltmp3, $4  }
0x36: {  	v0 =	vld [tilespmem:s18+$0x0];
	[tilespmem:s15+$0x0 ss:$0x81] =	vst.msk $0xffff, v1  }
0x37: {  	s15 =	sshra.s32 s19, $0x2;
	v1 =	vld [tilespmem:s18+$0xFFFFFFE0]  }
0x38: {  	s15 =	sadd.s32 s15, s16  }
0x39: {  	s18 =	sadd.s32 $0x40, s18;
	[tilespmem:s15+$0x1830 ss:$0x81] =	vst.msk $0xffff, v3  }
.Ltmp4:
0x3a: {  	_ = 	snop;
	(pc) =	sbr.rel .LBB1_4-.Ltmp4, $1  }
0x3b: {  	_ =	sdelay $0x3  }
.LBB1_6:
0x3c: {  	_ =	sfence.sel $0x180000  }
0x3d: {  	s2 =	simm.s32 $0x1;
	[bflag:$0x0] =	sbarrier.arrive $0xFFFF  }
0x3e: {  	s31 =	simm.s32 $0x2;
	[sflag:s2] =	ssyncpa.u1 $0x1  }
0x3f: {  	[sflag:s31] =	ssyncpa.u1 $0x1  }
0x40: {  	p0 =	sne.s32 s0, $0x0;
	_ =	strace $0x90000047  }
0x41: {  	s0 =	sadd.s32 @!p0 $0x100000, s1;
	[bflag:$0x2] =	sbarrier.arrive $0xFFFF  }
0x42: {  	[sflag:s0] =	ssyncadd.tile.s32 @!p0 $0x1;
	_ =	shalt  }
.Lfunc_end1:
_tile_overlayer_lowered:
.L_overlay_start_2:
0x43: {  	(tag) =	ssettag $0x2  }
0x44: {  	s0 =	rddreg [dreg:$0x0];
	s2 =	stileid.u32  }
0x45: {  	s1 =	rddreg [dreg:$0x1];
	p0 =	sne.s32 s2, $0x0  }
0x46: {  	s3 =	rddreg [dreg:$0x2];
	[bflag:$0x3] =	sbarrier.arrive $0xFFFF;
	s2 =	simm.s32 @!p0 $0x1C01  }
0x47: {  	[timem:s3], [sflag:s2] =	dma.local @!p0 [hbm:s0], s1  }
0x48: {  	s0 =	simm.s32 @!p0 $0x1  }
0x49: {  	_ =	swait.ge @!p0 [sflag:s0], s1  }
0x4a: {  	s1 =	ssub.s32 @!p0 $0x0, s1;
	[sflag:s0] =	ssyncset.done @!p0 $0x0  }
0x4b: {  	[sflag:s0] =	ssyncadd.s32 @!p0 s1  }
0x4c: {  	[bflag:$0x3] =	sbarrier.arrive $0xFFFF  }
0x4d: {  	_ =	shalt  }

</sc_bundles>
